<compile_context>
chip_gen: v7x
topology: tpu7x:2x2x1
jax: 0.10.2.dev20260603
libtpu: 0.0.44.dev20260713+nightly
codegen_flags: <defaults>
</compile_context>

<pallas_src>
import functools

import jax
import jax.numpy as jnp
from jax import lax
from jax.experimental import pallas as pl
from jax.experimental.pallas import tpu as pltpu
from jax.experimental.pallas import tpu_sc as plsc

NC = 2
NS = 16
L = 16
NW = NC * NS

N0 = 4096
N1 = 50
D = 128
B = N0 * N1
NB = B // NW
S = 8
C = S * N1
NCHUNK = NB // C
CV = C // L
N1P = 56


def _onehot_body(idx_hbm, zeros_hbm, out_hbm, idx_v, buf0, buf1, sem0, sem1):
    wid = lax.axis_index("s") * NC + lax.axis_index("c")
    base = wid * NB

    pltpu.sync_copy(idx_hbm.at[pl.ds(base, NB)], idx_v)
    pltpu.sync_copy(zeros_hbm, buf0)
    pltpu.sync_copy(zeros_hbm, buf1)

    iota = lax.iota(jnp.int32, L)
    ones = jnp.ones((L,), jnp.float32)
    zeros = jnp.zeros((L,), jnp.float32)
    bufs = (buf0, buf1)
    sems = (sem0, sem1)

    def scatter(buf, chunk, vals):
        off = chunk * C

        def body(j, carry):
            r = j * L + iota
            cols = idx_v[pl.ds(off + j * L, L)]
            plsc.store_scatter(buf, [r // N1, r % N1, cols], vals)
            return carry

        lax.fori_loop(0, CV, body, 0)

    handles = [None, None]
    for k in range(NCHUNK):
        b = k % 2
        if handles[b] is not None:
            handles[b].wait()
            scatter(bufs[b], k - 2, zeros)
        scatter(bufs[b], k, ones)
        i0 = wid * (NCHUNK * S) + k * S
        handles[b] = pltpu.async_copy(
            bufs[b].at[:, pl.ds(0, N1), :], out_hbm.at[pl.ds(i0, S)], sems[b]
        )
    handles[0].wait()
    handles[1].wait()


_onehot_call = pl.kernel(
    _onehot_body,
    out_type=jax.ShapeDtypeStruct((N0, N1, D), jnp.float32),
    mesh=plsc.VectorSubcoreMesh(
        core_axis_name="c", subcore_axis_name="s", num_cores=NC, num_subcores=NS
    ),
    scratch_types=[
        pltpu.VMEM((NB,), jnp.int32),
        pltpu.VMEM((S, N1P, D), jnp.float32),
        pltpu.VMEM((S, N1P, D), jnp.float32),
        pltpu.SemaphoreType.DMA,
        pltpu.SemaphoreType.DMA,
    ],
    compiler_params=pltpu.CompilerParams(needs_layout_passes=False),
)


@jax.jit
def kernel(inputs, onehot_table):
    del onehot_table
    idx = inputs.reshape(-1).astype(jnp.int32)
    zeros = jnp.zeros((S, N1P, D), jnp.float32)
    return _onehot_call(idx, zeros)

# --- scband reference (transcript-rebuilt; emitter-appended) ---
"""Pipeline reference for scband-one-hot-encoding-layer-68169720922552 (READ-ONLY COPY).

The authoritative reference and input builder live on the scoring server;
editing this copy changes nothing except your own understanding.
"""

import jax, jax.numpy as jnp
import numpy as np

ENCODING_WIDTH = 128

def setup_inputs(seed: int = 0) -> dict:
    key = jax.random.key(seed)
    k1, _ = jax.random.split(key)
    # string events have already been mapped to integer indices (the result of
    # the StaticVocabularyTable lookup); values in [0, encoding_width).
    inputs = jax.random.randint(k1, (4096, 50), 0, ENCODING_WIDTH, dtype=jnp.int64)
    # the one-hot operation is equivalent to gathering rows of an identity
    # matrix: one_hot(i, d) == eye(d)[i]. Materialize it as a float table.
    onehot_table = jnp.eye(ENCODING_WIDTH, dtype=jnp.float32)
    return {"inputs": inputs, "onehot_table": onehot_table}

def reference(inputs, onehot_table):
    # events_to_index_.lookup(inputs) -> inputs already hold indices here.
    # tf.one_hot(indices, depth=encoding_width) as a memory-bound row gather.
    encoded_inputs = jnp.take(onehot_table, inputs, axis=0)
    return encoded_inputs

if __name__ == "__main__":
    import jax
    _d = setup_inputs()
    print(jax.jit(kernel)(*tuple(_d.values())))

</pallas_src>

<mosaic_0001>
#map = affine_map<(d0, d1) -> (0)>
#map1 = affine_map<(d0, d1) -> (0, 0, 0)>
module attributes {stable_mosaic.version = 14 : i64} {
  func.func @_onehot_body(%arg0: i32, %arg1: i32, %arg2: memref<204800xi32, #tpu.memory_space<hbm>>, %arg3: memref<8x56x128xf32, #tpu.memory_space<hbm>>, %arg4: memref<4096x50x128xf32, #tpu.memory_space<hbm>>, %arg5: memref<6400xi32, #tpu.memory_space<vmem>>, %arg6: memref<8x56x128xf32, #tpu.memory_space<vmem>>, %arg7: memref<8x56x128xf32, #tpu.memory_space<vmem>>, %arg8: memref<!tpu.dma_semaphore, #tpu.memory_space<semaphore_mem>>, %arg9: memref<!tpu.dma_semaphore, #tpu.memory_space<semaphore_mem>>) attributes {dimension_semantics = [#tpu.dimension_semantics<core_parallel>, #tpu.dimension_semantics<subcore_parallel>], iteration_bounds = array<i64: 2, 16>, scalar_prefetch = 0 : i64, scratch_operands = 5 : i64, tpu.core_type = #tpu.core_type<sc_vector_subcore>, window_params = [{transform_indices = #map}, {transform_indices = #map1}, {transform_indices = #map1}]} {
    %mul3A = arith.constant 2 : i32
    %mul3A_0 = arith.muli %arg1, %mul3A : i32
    %add3A = arith.addi %mul3A_0, %arg0 : i32
    %mul3A_1 = arith.constant 6400 : i32
    %mul3A_2 = arith.muli %add3A, %mul3A_1 : i32
    "tpu.region"() ({
      %run_scoped3A = tpu.sem_alloc : memref<!tpu.dma_semaphore, #tpu.memory_space<semaphore_mem>>
      %dma_start3A_695 = tpu.memref_slice %arg2[%mul3A_2] : memref<204800xi32, #tpu.memory_space<hbm>> -> memref<6400xi32, #tpu.memory_space<hbm>>
      %dma_start3A_696 = tpu.memref_slice %arg2[%mul3A_2] : memref<204800xi32, #tpu.memory_space<hbm>> -> memref<6400xi32, #tpu.memory_space<hbm>>
      tpu.enqueue_dma source(%dma_start3A_696 : memref<6400xi32, #tpu.memory_space<hbm>>) target(%arg5 : memref<6400xi32, #tpu.memory_space<vmem>>) target_semaphore(%run_scoped3A : memref<!tpu.dma_semaphore, #tpu.memory_space<semaphore_mem>>)
      %dma_wait3A_697 = tpu.memref_slice %arg2[%mul3A_2] : memref<204800xi32, #tpu.memory_space<hbm>> -> memref<6400xi32, #tpu.memory_space<hbm>>
      %dma_wait3A_698 = tpu.memref_slice %arg2[%mul3A_2] : memref<204800xi32, #tpu.memory_space<hbm>> -> memref<6400xi32, #tpu.memory_space<hbm>>
      tpu.wait_dma2 semaphore(%run_scoped3A : memref<!tpu.dma_semaphore, #tpu.memory_space<semaphore_mem>>) src(%dma_wait3A_698 : memref<6400xi32, #tpu.memory_space<hbm>>) dst(%arg5 : memref<6400xi32, #tpu.memory_space<vmem>>)
      tpu.yield
    }) : () -> ()
    "tpu.region"() ({
      %run_scoped3A = tpu.sem_alloc : memref<!tpu.dma_semaphore, #tpu.memory_space<semaphore_mem>>
      tpu.enqueue_dma source(%arg3 : memref<8x56x128xf32, #tpu.memory_space<hbm>>) target(%arg6 : memref<8x56x128xf32, #tpu.memory_space<vmem>>) target_semaphore(%run_scoped3A : memref<!tpu.dma_semaphore, #tpu.memory_space<semaphore_mem>>)
      tpu.wait_dma2 semaphore(%run_scoped3A : memref<!tpu.dma_semaphore, #tpu.memory_space<semaphore_mem>>) src(%arg3 : memref<8x56x128xf32, #tpu.memory_space<hbm>>) dst(%arg6 : memref<8x56x128xf32, #tpu.memory_space<vmem>>)
      tpu.yield
    }) : () -> ()
    "tpu.region"() ({
      %run_scoped3A = tpu.sem_alloc : memref<!tpu.dma_semaphore, #tpu.memory_space<semaphore_mem>>
      tpu.enqueue_dma source(%arg3 : memref<8x56x128xf32, #tpu.memory_space<hbm>>) target(%arg7 : memref<8x56x128xf32, #tpu.memory_space<vmem>>) target_semaphore(%run_scoped3A : memref<!tpu.dma_semaphore, #tpu.memory_space<semaphore_mem>>)
      tpu.wait_dma2 semaphore(%run_scoped3A : memref<!tpu.dma_semaphore, #tpu.memory_space<semaphore_mem>>) src(%arg3 : memref<8x56x128xf32, #tpu.memory_space<hbm>>) dst(%arg7 : memref<8x56x128xf32, #tpu.memory_space<vmem>>)
      tpu.yield
    }) : () -> ()
    %iota3A = tpu.iota {dimensions = array<i32: 0>} : vector<16xi32>
    %broadcast_in_dim3A = arith.constant 1.000000e+00 : f32
    %broadcast_in_dim3A_3 = vector.broadcast %broadcast_in_dim3A : f32 to vector<16xf32>
    %broadcast_in_dim3A_4 = arith.constant 0.000000e+00 : f32
    %broadcast_in_dim3A_5 = vector.broadcast %broadcast_in_dim3A_4 : f32 to vector<16xf32>
    %scan3A = arith.constant 0 : i32
    %scan3A_6 = arith.constant 0 : i32
    %scan3A_7 = arith.constant 25 : i32
    %scan3A_8 = arith.addi %scan3A_6, %scan3A_7 : i32
    %scan3A_9 = arith.constant 1 : i32
    scf.for %scan3A_695 = %scan3A_6 to %scan3A_8 step %scan3A_9  : i32 {
      %mul3A_696 = arith.constant 16 : i32
      %mul3A_697 = arith.muli %scan3A_695, %mul3A_696 : i32
      %add3A_698 = vector.broadcast %mul3A_697 : i32 to vector<16xi32>
      %add3A_699 = arith.addi %add3A_698, %iota3A : vector<16xi32>
      %mul3A_700 = arith.constant 16 : i32
      %mul3A_701 = arith.muli %scan3A_695, %mul3A_700 : i32
      %add3A_702 = arith.constant 0 : i32
      %add3A_703 = arith.addi %add3A_702, %mul3A_701 : i32
      %get3A = arith.index_cast %add3A_703 : i32 to index
      %get3A_704 = tpu.vector_load %arg5[%get3A] {strides = array<i32>} : memref<6400xi32, #tpu.memory_space<vmem>>, vector<16xi32>,
      %jit3A = arith.constant 50 : i32
      %div3A = vector.broadcast %jit3A : i32 to vector<16xi32>
      %div3A_705 = arith.divsi %add3A_699, %div3A : vector<16xi32>
      %sign3A = arith.constant 0 : i32
      %sign3A_706 = vector.broadcast %sign3A : i32 to vector<16xi32>
      %sign3A_707 = arith.cmpi sgt, %add3A_699, %sign3A_706 : vector<16xi32>
      %sign3A_708 = arith.extui %sign3A_707 : vector<16xi1> to vector<16xi32>
      %sign3A_709 = arith.constant 0 : i32
      %sign3A_710 = vector.broadcast %sign3A_709 : i32 to vector<16xi32>
      %sign3A_711 = arith.cmpi slt, %add3A_699, %sign3A_710 : vector<16xi32>
      %sign3A_712 = arith.extui %sign3A_711 : vector<16xi1> to vector<16xi32>
      %sign3A_713 = arith.subi %sign3A_708, %sign3A_712 : vector<16xi32>
      %sign3A_714 = arith.constant 0 : i32
      %sign3A_715 = arith.cmpi sgt, %jit3A, %sign3A_714 : i32
      %sign3A_716 = arith.extui %sign3A_715 : i1 to i32
      %sign3A_717 = arith.constant 0 : i32
      %sign3A_718 = arith.cmpi slt, %jit3A, %sign3A_717 : i32
      %sign3A_719 = arith.extui %sign3A_718 : i1 to i32
      %sign3A_720 = arith.subi %sign3A_716, %sign3A_719 : i32
      %ne3A = vector.broadcast %sign3A_720 : i32 to vector<16xi32>
      %ne3A_721 = arith.cmpi ne, %sign3A_713, %ne3A : vector<16xi32>
      %rem3A = vector.broadcast %jit3A : i32 to vector<16xi32>
      %rem3A_722 = arith.remsi %add3A_699, %rem3A : vector<16xi32>
      %ne3A_723 = arith.constant 0 : i32
      %ne3A_724 = vector.broadcast %ne3A_723 : i32 to vector<16xi32>
      %ne3A_725 = arith.cmpi ne, %rem3A_722, %ne3A_724 : vector<16xi32>
      %and3A = arith.andi %ne3A_721, %ne3A_725 : vector<16xi1>
      %sub3A = arith.constant 1 : i32
      %sub3A_726 = vector.broadcast %sub3A : i32 to vector<16xi32>
      %sub3A_727 = arith.subi %div3A_705, %sub3A_726 : vector<16xi32>
      %select_n3A = arith.select %and3A, %sub3A_727, %div3A_705 : vector<16xi1>, vector<16xi32>
      %jit3A_728 = arith.constant 50 : i32
      %eq3A = arith.constant 0 : i32
      %eq3A_729 = arith.cmpi eq, %jit3A_728, %eq3A : i32
      %jit3A_730 = arith.constant 1 : i32
      %select_n3A_731 = arith.select %eq3A_729, %jit3A_730, %jit3A_728 : i32
      %rem3A_732 = vector.broadcast %select_n3A_731 : i32 to vector<16xi32>
      %rem3A_733 = arith.remsi %add3A_699, %rem3A_732 : vector<16xi32>
      %ne3A_734 = arith.constant 0 : i32
      %ne3A_735 = vector.broadcast %ne3A_734 : i32 to vector<16xi32>
      %ne3A_736 = arith.cmpi ne, %rem3A_733, %ne3A_735 : vector<16xi32>
      %lt3A = arith.constant 0 : i32
      %lt3A_737 = vector.broadcast %lt3A : i32 to vector<16xi32>
      %lt3A_738 = arith.cmpi slt, %rem3A_733, %lt3A_737 : vector<16xi32>
      %lt3A_739 = arith.constant 0 : i32
      %lt3A_740 = arith.cmpi slt, %select_n3A_731, %lt3A_739 : i32
      %ne3A_741 = vector.broadcast %lt3A_740 : i1 to vector<16xi1>
      %ne3A_742 = vector.broadcast %ne3A_741 : vector<16xi1> to vector<16xi1>
      %ne3A_743 = arith.xori %lt3A_738, %ne3A_742 : vector<16xi1>
      %and3A_744 = arith.andi %ne3A_743, %ne3A_736 : vector<16xi1>
      %add3A_745 = vector.broadcast %select_n3A_731 : i32 to vector<16xi32>
      %add3A_746 = arith.addi %rem3A_733, %add3A_745 : vector<16xi32>
      %select_n3A_747 = arith.select %and3A_744, %add3A_746, %rem3A_733 : vector<16xi1>, vector<16xi32>
      tpu.vector_store_idx %arg6[%select_n3A, %select_n3A_747, %get3A_704], %broadcast_in_dim3A_3 : memref<8x56x128xf32, #tpu.memory_space<vmem>>[vector<16xi32>, vector<16xi32>, vector<16xi32>], vector<16xf32>,
    }
    %scan3A_10 = arith.constant 25 : i32
    %mul3A_11 = arith.constant 128 : i32
    %mul3A_12 = arith.muli %add3A, %mul3A_11 : i32
    %add3A_13 = arith.constant 0 : i32
    %add3A_14 = arith.addi %mul3A_12, %add3A_13 : i32
    %dma_start3A = arith.constant 0 : i32
    %dma_start3A_15 = arith.constant 0 : i32
    %dma_start3A_16 = arith.constant 0 : i32
    %dma_start3A_17 = tpu.memref_slice %arg6[%dma_start3A, %dma_start3A_15, %dma_start3A_16] : memref<8x56x128xf32, #tpu.memory_space<vmem>> -> memref<8x50x128xf32, #tpu.memory_space<vmem>>
    %dma_start3A_18 = arith.constant 0 : i32
    %dma_start3A_19 = arith.constant 0 : i32
    %dma_start3A_20 = tpu.memref_slice %arg4[%add3A_14, %dma_start3A_18, %dma_start3A_19] : memref<4096x50x128xf32, #tpu.memory_space<hbm>> -> memref<8x50x128xf32, #tpu.memory_space<hbm>>
    %dma_start3A_21 = arith.constant 0 : i32
    %dma_start3A_22 = arith.constant 0 : i32
    %dma_start3A_23 = tpu.memref_slice %arg4[%add3A_14, %dma_start3A_21, %dma_start3A_22] : memref<4096x50x128xf32, #tpu.memory_space<hbm>> -> memref<8x50x128xf32, #tpu.memory_space<hbm>>
    %dma_start3A_24 = arith.constant 0 : i32
    %dma_start3A_25 = arith.constant 0 : i32
    %dma_start3A_26 = arith.constant 0 : i32
    %dma_start3A_27 = tpu.memref_slice %arg6[%dma_start3A_24, %dma_start3A_25, %dma_start3A_26] : memref<8x56x128xf32, #tpu.memory_space<vmem>> -> memref<8x50x128xf32, #tpu.memory_space<vmem>>
    tpu.enqueue_dma source(%dma_start3A_27 : memref<8x50x128xf32, #tpu.memory_space<vmem>>) target(%dma_start3A_23 : memref<8x50x128xf32, #tpu.memory_space<hbm>>) target_semaphore(%arg8 : memref<!tpu.dma_semaphore, #tpu.memory_space<semaphore_mem>>)
    %scan3A_28 = arith.constant 0 : i32
    %scan3A_29 = arith.constant 0 : i32
    %scan3A_30 = arith.constant 25 : i32
    %scan3A_31 = arith.addi %scan3A_29, %scan3A_30 : i32
    %scan3A_32 = arith.constant 1 : i32
    scf.for %scan3A_695 = %scan3A_29 to %scan3A_31 step %scan3A_32  : i32 {
      %mul3A_696 = arith.constant 16 : i32
      %mul3A_697 = arith.muli %scan3A_695, %mul3A_696 : i32
      %add3A_698 = vector.broadcast %mul3A_697 : i32 to vector<16xi32>
      %add3A_699 = arith.addi %add3A_698, %iota3A : vector<16xi32>
      %mul3A_700 = arith.constant 16 : i32
      %mul3A_701 = arith.muli %scan3A_695, %mul3A_700 : i32
      %add3A_702 = arith.constant 400 : i32
      %add3A_703 = arith.addi %add3A_702, %mul3A_701 : i32
      %get3A = arith.index_cast %add3A_703 : i32 to index
      %get3A_704 = tpu.vector_load %arg5[%get3A] {strides = array<i32>} : memref<6400xi32, #tpu.memory_space<vmem>>, vector<16xi32>,
      %jit3A = arith.constant 50 : i32
      %div3A = vector.broadcast %jit3A : i32 to vector<16xi32>
      %div3A_705 = arith.divsi %add3A_699, %div3A : vector<16xi32>
      %sign3A = arith.constant 0 : i32
      %sign3A_706 = vector.broadcast %sign3A : i32 to vector<16xi32>
      %sign3A_707 = arith.cmpi sgt, %add3A_699, %sign3A_706 : vector<16xi32>
      %sign3A_708 = arith.extui %sign3A_707 : vector<16xi1> to vector<16xi32>
      %sign3A_709 = arith.constant 0 : i32
      %sign3A_710 = vector.broadcast %sign3A_709 : i32 to vector<16xi32>
      %sign3A_711 = arith.cmpi slt, %add3A_699, %sign3A_710 : vector<16xi32>
      %sign3A_712 = arith.extui %sign3A_711 : vector<16xi1> to vector<16xi32>
      %sign3A_713 = arith.subi %sign3A_708, %sign3A_712 : vector<16xi32>
      %sign3A_714 = arith.constant 0 : i32
      %sign3A_715 = arith.cmpi sgt, %jit3A, %sign3A_714 : i32
      %sign3A_716 = arith.extui %sign3A_715 : i1 to i32
      %sign3A_717 = arith.constant 0 : i32
      %sign3A_718 = arith.cmpi slt, %jit3A, %sign3A_717 : i32
      %sign3A_719 = arith.extui %sign3A_718 : i1 to i32
      %sign3A_720 = arith.subi %sign3A_716, %sign3A_719 : i32
      %ne3A = vector.broadcast %sign3A_720 : i32 to vector<16xi32>
      %ne3A_721 = arith.cmpi ne, %sign3A_713, %ne3A : vector<16xi32>
      %rem3A = vector.broadcast %jit3A : i32 to vector<16xi32>
      %rem3A_722 = arith.remsi %add3A_699, %rem3A : vector<16xi32>
      %ne3A_723 = arith.constant 0 : i32
      %ne3A_724 = vector.broadcast %ne3A_723 : i32 to vector<16xi32>
      %ne3A_725 = arith.cmpi ne, %rem3A_722, %ne3A_724 : vector<16xi32>
      %and3A = arith.andi %ne3A_721, %ne3A_725 : vector<16xi1>
      %sub3A = arith.constant 1 : i32
      %sub3A_726 = vector.broadcast %sub3A : i32 to vector<16xi32>
      %sub3A_727 = arith.subi %div3A_705, %sub3A_726 : vector<16xi32>
      %select_n3A = arith.select %and3A, %sub3A_727, %div3A_705 : vector<16xi1>, vector<16xi32>
      %jit3A_728 = arith.constant 50 : i32
      %eq3A = arith.constant 0 : i32
      %eq3A_729 = arith.cmpi eq, %jit3A_728, %eq3A : i32
      %jit3A_730 = arith.constant 1 : i32
      %select_n3A_731 = arith.select %eq3A_729, %jit3A_730, %jit3A_728 : i32
      %rem3A_732 = vector.broadcast %select_n3A_731 : i32 to vector<16xi32>
      %rem3A_733 = arith.remsi %add3A_699, %rem3A_732 : vector<16xi32>
      %ne3A_734 = arith.constant 0 : i32
      %ne3A_735 = vector.broadcast %ne3A_734 : i32 to vector<16xi32>
      %ne3A_736 = arith.cmpi ne, %rem3A_733, %ne3A_735 : vector<16xi32>
      %lt3A = arith.constant 0 : i32
      %lt3A_737 = vector.broadcast %lt3A : i32 to vector<16xi32>
      %lt3A_738 = arith.cmpi slt, %rem3A_733, %lt3A_737 : vector<16xi32>
      %lt3A_739 = arith.constant 0 : i32
      %lt3A_740 = arith.cmpi slt, %select_n3A_731, %lt3A_739 : i32
      %ne3A_741 = vector.broadcast %lt3A_740 : i1 to vector<16xi1>
      %ne3A_742 = vector.broadcast %ne3A_741 : vector<16xi1> to vector<16xi1>
      %ne3A_743 = arith.xori %lt3A_738, %ne3A_742 : vector<16xi1>
      %and3A_744 = arith.andi %ne3A_743, %ne3A_736 : vector<16xi1>
      %add3A_745 = vector.broadcast %select_n3A_731 : i32 to vector<16xi32>
      %add3A_746 = arith.addi %rem3A_733, %add3A_745 : vector<16xi32>
      %select_n3A_747 = arith.select %and3A_744, %add3A_746, %rem3A_733 : vector<16xi1>, vector<16xi32>
      tpu.vector_store_idx %arg7[%select_n3A, %select_n3A_747, %get3A_704], %broadcast_in_dim3A_3 : memref<8x56x128xf32, #tpu.memory_space<vmem>>[vector<16xi32>, vector<16xi32>, vector<16xi32>], vector<16xf32>,
    }
    %scan3A_33 = arith.constant 25 : i32
    %mul3A_34 = arith.constant 128 : i32
    %mul3A_35 = arith.muli %add3A, %mul3A_34 : i32
    %add3A_36 = arith.constant 8 : i32
    %add3A_37 = arith.addi %mul3A_35, %add3A_36 : i32
    %dma_start3A_38 = arith.constant 0 : i32
    %dma_start3A_39 = arith.constant 0 : i32
    %dma_start3A_40 = arith.constant 0 : i32
    %dma_start3A_41 = tpu.memref_slice %arg7[%dma_start3A_38, %dma_start3A_39, %dma_start3A_40] : memref<8x56x128xf32, #tpu.memory_space<vmem>> -> memref<8x50x128xf32, #tpu.memory_space<vmem>>
    %dma_start3A_42 = arith.constant 0 : i32
    %dma_start3A_43 = arith.constant 0 : i32
    %dma_start3A_44 = tpu.memref_slice %arg4[%add3A_37, %dma_start3A_42, %dma_start3A_43] : memref<4096x50x128xf32, #tpu.memory_space<hbm>> -> memref<8x50x128xf32, #tpu.memory_space<hbm>>
    %dma_start3A_45 = arith.constant 0 : i32
    %dma_start3A_46 = arith.constant 0 : i32
    %dma_start3A_47 = tpu.memref_slice %arg4[%add3A_37, %dma_start3A_45, %dma_start3A_46] : memref<4096x50x128xf32, #tpu.memory_space<hbm>> -> memref<8x50x128xf32, #tpu.memory_space<hbm>>
    %dma_start3A_48 = arith.constant 0 : i32
    %dma_start3A_49 = arith.constant 0 : i32
    %dma_start3A_50 = arith.constant 0 : i32
    %dma_start3A_51 = tpu.memref_slice %arg7[%dma_start3A_48, %dma_start3A_49, %dma_start3A_50] : memref<8x56x128xf32, #tpu.memory_space<vmem>> -> memref<8x50x128xf32, #tpu.memory_space<vmem>>
    tpu.enqueue_dma source(%dma_start3A_51 : memref<8x50x128xf32, #tpu.memory_space<vmem>>) target(%dma_start3A_47 : memref<8x50x128xf32, #tpu.memory_space<hbm>>) target_semaphore(%arg9 : memref<!tpu.dma_semaphore, #tpu.memory_space<semaphore_mem>>)
    %dma_wait3A = arith.constant 0 : i32
    %dma_wait3A_52 = arith.constant 0 : i32
    %dma_wait3A_53 = arith.constant 0 : i32
    %dma_wait3A_54 = tpu.memref_slice %arg6[%dma_wait3A, %dma_wait3A_52, %dma_wait3A_53] : memref<8x56x128xf32, #tpu.memory_space<vmem>> -> memref<8x50x128xf32, #tpu.memory_space<vmem>>
    %dma_wait3A_55 = arith.constant 0 : i32
    %dma_wait3A_56 = arith.constant 0 : i32
    %dma_wait3A_57 = tpu.memref_slice %arg4[%add3A_14, %dma_wait3A_55, %dma_wait3A_56] : memref<4096x50x128xf32, #tpu.memory_space<hbm>> -> memref<8x50x128xf32, #tpu.memory_space<hbm>>
    %dma_wait3A_58 = arith.constant 0 : i32
    %dma_wait3A_59 = arith.constant 0 : i32
    %dma_wait3A_60 = tpu.memref_slice %arg4[%add3A_14, %dma_wait3A_58, %dma_wait3A_59] : memref<4096x50x128xf32, #tpu.memory_space<hbm>> -> memref<8x50x128xf32, #tpu.memory_space<hbm>>
    %dma_wait3A_61 = arith.constant 0 : i32
    %dma_wait3A_62 = arith.constant 0 : i32
    %dma_wait3A_63 = arith.constant 0 : i32
    %dma_wait3A_64 = tpu.memref_slice %arg6[%dma_wait3A_61, %dma_wait3A_62, %dma_wait3A_63] : memref<8x56x128xf32, #tpu.memory_space<vmem>> -> memref<8x50x128xf32, #tpu.memory_space<vmem>>
    tpu.wait_dma2 semaphore(%arg8 : memref<!tpu.dma_semaphore, #tpu.memory_space<semaphore_mem>>) src(%dma_wait3A_64 : memref<8x50x128xf32, #tpu.memory_space<vmem>>) dst(%dma_wait3A_60 : memref<8x50x128xf32, #tpu.memory_space<hbm>>)
    %scan3A_65 = arith.constant 0 : i32
    %scan3A_66 = arith.constant 0 : i32
    %scan3A_67 = arith.constant 25 : i32
    %scan3A_68 = arith.addi %scan3A_66, %scan3A_67 : i32
    %scan3A_69 = arith.constant 1 : i32
    scf.for %scan3A_695 = %scan3A_66 to %scan3A_68 step %scan3A_69  : i32 {
      %mul3A_696 = arith.constant 16 : i32
      %mul3A_697 = arith.muli %scan3A_695, %mul3A_696 : i32
      %add3A_698 = vector.broadcast %mul3A_697 : i32 to vector<16xi32>
      %add3A_699 = arith.addi %add3A_698, %iota3A : vector<16xi32>
      %mul3A_700 = arith.constant 16 : i32
      %mul3A_701 = arith.muli %scan3A_695, %mul3A_700 : i32
      %add3A_702 = arith.constant 0 : i32
      %add3A_703 = arith.addi %add3A_702, %mul3A_701 : i32
      %get3A = arith.index_cast %add3A_703 : i32 to index
      %get3A_704 = tpu.vector_load %arg5[%get3A] {strides = array<i32>} : memref<6400xi32, #tpu.memory_space<vmem>>, vector<16xi32>,
      %jit3A = arith.constant 50 : i32
      %div3A = vector.broadcast %jit3A : i32 to vector<16xi32>
      %div3A_705 = arith.divsi %add3A_699, %div3A : vector<16xi32>
      %sign3A = arith.constant 0 : i32
      %sign3A_706 = vector.broadcast %sign3A : i32 to vector<16xi32>
      %sign3A_707 = arith.cmpi sgt, %add3A_699, %sign3A_706 : vector<16xi32>
      %sign3A_708 = arith.extui %sign3A_707 : vector<16xi1> to vector<16xi32>
      %sign3A_709 = arith.constant 0 : i32
      %sign3A_710 = vector.broadcast %sign3A_709 : i32 to vector<16xi32>
      %sign3A_711 = arith.cmpi slt, %add3A_699, %sign3A_710 : vector<16xi32>
      %sign3A_712 = arith.extui %sign3A_711 : vector<16xi1> to vector<16xi32>
      %sign3A_713 = arith.subi %sign3A_708, %sign3A_712 : vector<16xi32>
      %sign3A_714 = arith.constant 0 : i32
      %sign3A_715 = arith.cmpi sgt, %jit3A, %sign3A_714 : i32
      %sign3A_716 = arith.extui %sign3A_715 : i1 to i32
      %sign3A_717 = arith.constant 0 : i32
      %sign3A_718 = arith.cmpi slt, %jit3A, %sign3A_717 : i32
      %sign3A_719 = arith.extui %sign3A_718 : i1 to i32
      %sign3A_720 = arith.subi %sign3A_716, %sign3A_719 : i32
      %ne3A = vector.broadcast %sign3A_720 : i32 to vector<16xi32>
      %ne3A_721 = arith.cmpi ne, %sign3A_713, %ne3A : vector<16xi32>
      %rem3A = vector.broadcast %jit3A : i32 to vector<16xi32>
      %rem3A_722 = arith.remsi %add3A_699, %rem3A : vector<16xi32>
      %ne3A_723 = arith.constant 0 : i32
      %ne3A_724 = vector.broadcast %ne3A_723 : i32 to vector<16xi32>
      %ne3A_725 = arith.cmpi ne, %rem3A_722, %ne3A_724 : vector<16xi32>
      %and3A = arith.andi %ne3A_721, %ne3A_725 : vector<16xi1>
      %sub3A = arith.constant 1 : i32
      %sub3A_726 = vector.broadcast %sub3A : i32 to vector<16xi32>
      %sub3A_727 = arith.subi %div3A_705, %sub3A_726 : vector<16xi32>
      %select_n3A = arith.select %and3A, %sub3A_727, %div3A_705 : vector<16xi1>, vector<16xi32>
      %jit3A_728 = arith.constant 50 : i32
      %eq3A = arith.constant 0 : i32
      %eq3A_729 = arith.cmpi eq, %jit3A_728, %eq3A : i32
      %jit3A_730 = arith.constant 1 : i32
      %select_n3A_731 = arith.select %eq3A_729, %jit3A_730, %jit3A_728 : i32
      %rem3A_732 = vector.broadcast %select_n3A_731 : i32 to vector<16xi32>
      %rem3A_733 = arith.remsi %add3A_699, %rem3A_732 : vector<16xi32>
      %ne3A_734 = arith.constant 0 : i32
      %ne3A_735 = vector.broadcast %ne3A_734 : i32 to vector<16xi32>
      %ne3A_736 = arith.cmpi ne, %rem3A_733, %ne3A_735 : vector<16xi32>
      %lt3A = arith.constant 0 : i32
      %lt3A_737 = vector.broadcast %lt3A : i32 to vector<16xi32>
      %lt3A_738 = arith.cmpi slt, %rem3A_733, %lt3A_737 : vector<16xi32>
      %lt3A_739 = arith.constant 0 : i32
      %lt3A_740 = arith.cmpi slt, %select_n3A_731, %lt3A_739 : i32
      %ne3A_741 = vector.broadcast %lt3A_740 : i1 to vector<16xi1>
      %ne3A_742 = vector.broadcast %ne3A_741 : vector<16xi1> to vector<16xi1>
      %ne3A_743 = arith.xori %lt3A_738, %ne3A_742 : vector<16xi1>
      %and3A_744 = arith.andi %ne3A_743, %ne3A_736 : vector<16xi1>
      %add3A_745 = vector.broadcast %select_n3A_731 : i32 to vector<16xi32>
      %add3A_746 = arith.addi %rem3A_733, %add3A_745 : vector<16xi32>
      %select_n3A_747 = arith.select %and3A_744, %add3A_746, %rem3A_733 : vector<16xi1>, vector<16xi32>
      tpu.vector_store_idx %arg6[%select_n3A, %select_n3A_747, %get3A_704], %broadcast_in_dim3A_5 : memref<8x56x128xf32, #tpu.memory_space<vmem>>[vector<16xi32>, vector<16xi32>, vector<16xi32>], vector<16xf32>,
    }
    %scan3A_70 = arith.constant 25 : i32
    %scan3A_71 = arith.constant 0 : i32
    %scan3A_72 = arith.constant 0 : i32
    %scan3A_73 = arith.constant 25 : i32
    %scan3A_74 = arith.addi %scan3A_72, %scan3A_73 : i32
    %scan3A_75 = arith.constant 1 : i32
    scf.for %scan3A_695 = %scan3A_72 to %scan3A_74 step %scan3A_75  : i32 {
      %mul3A_696 = arith.constant 16 : i32
      %mul3A_697 = arith.muli %scan3A_695, %mul3A_696 : i32
      %add3A_698 = vector.broadcast %mul3A_697 : i32 to vector<16xi32>
      %add3A_699 = arith.addi %add3A_698, %iota3A : vector<16xi32>
      %mul3A_700 = arith.constant 16 : i32
      %mul3A_701 = arith.muli %scan3A_695, %mul3A_700 : i32
      %add3A_702 = arith.constant 800 : i32
      %add3A_703 = arith.addi %add3A_702, %mul3A_701 : i32
      %get3A = arith.index_cast %add3A_703 : i32 to index
      %get3A_704 = tpu.vector_load %arg5[%get3A] {strides = array<i32>} : memref<6400xi32, #tpu.memory_space<vmem>>, vector<16xi32>,
      %jit3A = arith.constant 50 : i32
      %div3A = vector.broadcast %jit3A : i32 to vector<16xi32>
      %div3A_705 = arith.divsi %add3A_699, %div3A : vector<16xi32>
      %sign3A = arith.constant 0 : i32
      %sign3A_706 = vector.broadcast %sign3A : i32 to vector<16xi32>
      %sign3A_707 = arith.cmpi sgt, %add3A_699, %sign3A_706 : vector<16xi32>
      %sign3A_708 = arith.extui %sign3A_707 : vector<16xi1> to vector<16xi32>
      %sign3A_709 = arith.constant 0 : i32
      %sign3A_710 = vector.broadcast %sign3A_709 : i32 to vector<16xi32>
      %sign3A_711 = arith.cmpi slt, %add3A_699, %sign3A_710 : vector<16xi32>
      %sign3A_712 = arith.extui %sign3A_711 : vector<16xi1> to vector<16xi32>
      %sign3A_713 = arith.subi %sign3A_708, %sign3A_712 : vector<16xi32>
      %sign3A_714 = arith.constant 0 : i32
      %sign3A_715 = arith.cmpi sgt, %jit3A, %sign3A_714 : i32
      %sign3A_716 = arith.extui %sign3A_715 : i1 to i32
      %sign3A_717 = arith.constant 0 : i32
      %sign3A_718 = arith.cmpi slt, %jit3A, %sign3A_717 : i32
      %sign3A_719 = arith.extui %sign3A_718 : i1 to i32
      %sign3A_720 = arith.subi %sign3A_716, %sign3A_719 : i32
      %ne3A = vector.broadcast %sign3A_720 : i32 to vector<16xi32>
      %ne3A_721 = arith.cmpi ne, %sign3A_713, %ne3A : vector<16xi32>
      %rem3A = vector.broadcast %jit3A : i32 to vector<16xi32>
      %rem3A_722 = arith.remsi %add3A_699, %rem3A : vector<16xi32>
      %ne3A_723 = arith.constant 0 : i32
      %ne3A_724 = vector.broadcast %ne3A_723 : i32 to vector<16xi32>
      %ne3A_725 = arith.cmpi ne, %rem3A_722, %ne3A_724 : vector<16xi32>
      %and3A = arith.andi %ne3A_721, %ne3A_725 : vector<16xi1>
      %sub3A = arith.constant 1 : i32
      %sub3A_726 = vector.broadcast %sub3A : i32 to vector<16xi32>
      %sub3A_727 = arith.subi %div3A_705, %sub3A_726 : vector<16xi32>
      %select_n3A = arith.select %and3A, %sub3A_727, %div3A_705 : vector<16xi1>, vector<16xi32>
      %jit3A_728 = arith.constant 50 : i32
      %eq3A = arith.constant 0 : i32
      %eq3A_729 = arith.cmpi eq, %jit3A_728, %eq3A : i32
      %jit3A_730 = arith.constant 1 : i32
      %select_n3A_731 = arith.select %eq3A_729, %jit3A_730, %jit3A_728 : i32
      %rem3A_732 = vector.broadcast %select_n3A_731 : i32 to vector<16xi32>
      %rem3A_733 = arith.remsi %add3A_699, %rem3A_732 : vector<16xi32>
      %ne3A_734 = arith.constant 0 : i32
      %ne3A_735 = vector.broadcast %ne3A_734 : i32 to vector<16xi32>
      %ne3A_736 = arith.cmpi ne, %rem3A_733, %ne3A_735 : vector<16xi32>
      %lt3A = arith.constant 0 : i32
      %lt3A_737 = vector.broadcast %lt3A : i32 to vector<16xi32>
      %lt3A_738 = arith.cmpi slt, %rem3A_733, %lt3A_737 : vector<16xi32>
      %lt3A_739 = arith.constant 0 : i32
      %lt3A_740 = arith.cmpi slt, %select_n3A_731, %lt3A_739 : i32
      %ne3A_741 = vector.broadcast %lt3A_740 : i1 to vector<16xi1>
      %ne3A_742 = vector.broadcast %ne3A_741 : vector<16xi1> to vector<16xi1>
      %ne3A_743 = arith.xori %lt3A_738, %ne3A_742 : vector<16xi1>
      %and3A_744 = arith.andi %ne3A_743, %ne3A_736 : vector<16xi1>
      %add3A_745 = vector.broadcast %select_n3A_731 : i32 to vector<16xi32>
      %add3A_746 = arith.addi %rem3A_733, %add3A_745 : vector<16xi32>
      %select_n3A_747 = arith.select %and3A_744, %add3A_746, %rem3A_733 : vector<16xi1>, vector<16xi32>
      tpu.vector_store_idx %arg6[%select_n3A, %select_n3A_747, %get3A_704], %broadcast_in_dim3A_3 : memref<8x56x128xf32, #tpu.memory_space<vmem>>[vector<16xi32>, vector<16xi32>, vector<16xi32>], vector<16xf32>,
    }
    %scan3A_76 = arith.constant 25 : i32
    %mul3A_77 = arith.constant 128 : i32
    %mul3A_78 = arith.muli %add3A, %mul3A_77 : i32
    %add3A_79 = arith.constant 16 : i32
    %add3A_80 = arith.addi %mul3A_78, %add3A_79 : i32
    %dma_start3A_81 = arith.constant 0 : i32
    %dma_start3A_82 = arith.constant 0 : i32
    %dma_start3A_83 = arith.constant 0 : i32
    %dma_start3A_84 = tpu.memref_slice %arg6[%dma_start3A_81, %dma_start3A_82, %dma_start3A_83] : memref<8x56x128xf32, #tpu.memory_space<vmem>> -> memref<8x50x128xf32, #tpu.memory_space<vmem>>
    %dma_start3A_85 = arith.constant 0 : i32
    %dma_start3A_86 = arith.constant 0 : i32
    %dma_start3A_87 = tpu.memref_slice %arg4[%add3A_80, %dma_start3A_85, %dma_start3A_86] : memref<4096x50x128xf32, #tpu.memory_space<hbm>> -> memref<8x50x128xf32, #tpu.memory_space<hbm>>
    %dma_start3A_88 = arith.constant 0 : i32
    %dma_start3A_89 = arith.constant 0 : i32
    %dma_start3A_90 = tpu.memref_slice %arg4[%add3A_80, %dma_start3A_88, %dma_start3A_89] : memref<4096x50x128xf32, #tpu.memory_space<hbm>> -> memref<8x50x128xf32, #tpu.memory_space<hbm>>
    %dma_start3A_91 = arith.constant 0 : i32
    %dma_start3A_92 = arith.constant 0 : i32
    %dma_start3A_93 = arith.constant 0 : i32
    %dma_start3A_94 = tpu.memref_slice %arg6[%dma_start3A_91, %dma_start3A_92, %dma_start3A_93] : memref<8x56x128xf32, #tpu.memory_space<vmem>> -> memref<8x50x128xf32, #tpu.memory_space<vmem>>
    tpu.enqueue_dma source(%dma_start3A_94 : memref<8x50x128xf32, #tpu.memory_space<vmem>>) target(%dma_start3A_90 : memref<8x50x128xf32, #tpu.memory_space<hbm>>) target_semaphore(%arg8 : memref<!tpu.dma_semaphore, #tpu.memory_space<semaphore_mem>>)
    %dma_wait3A_95 = arith.constant 0 : i32
    %dma_wait3A_96 = arith.constant 0 : i32
    %dma_wait3A_97 = arith.constant 0 : i32
    %dma_wait3A_98 = tpu.memref_slice %arg7[%dma_wait3A_95, %dma_wait3A_96, %dma_wait3A_97] : memref<8x56x128xf32, #tpu.memory_space<vmem>> -> memref<8x50x128xf32, #tpu.memory_space<vmem>>
    %dma_wait3A_99 = arith.constant 0 : i32
    %dma_wait3A_100 = arith.constant 0 : i32
    %dma_wait3A_101 = tpu.memref_slice %arg4[%add3A_37, %dma_wait3A_99, %dma_wait3A_100] : memref<4096x50x128xf32, #tpu.memory_space<hbm>> -> memref<8x50x128xf32, #tpu.memory_space<hbm>>
    %dma_wait3A_102 = arith.constant 0 : i32
    %dma_wait3A_103 = arith.constant 0 : i32
    %dma_wait3A_104 = tpu.memref_slice %arg4[%add3A_37, %dma_wait3A_102, %dma_wait3A_103] : memref<4096x50x128xf32, #tpu.memory_space<hbm>> -> memref<8x50x128xf32, #tpu.memory_space<hbm>>
    %dma_wait3A_105 = arith.constant 0 : i32
    %dma_wait3A_106 = arith.constant 0 : i32
    %dma_wait3A_107 = arith.constant 0 : i32
    %dma_wait3A_108 = tpu.memref_slice %arg7[%dma_wait3A_105, %dma_wait3A_106, %dma_wait3A_107] : memref<8x56x128xf32, #tpu.memory_space<vmem>> -> memref<8x50x128xf32, #tpu.memory_space<vmem>>
    tpu.wait_dma2 semaphore(%arg9 : memref<!tpu.dma_semaphore, #tpu.memory_space<semaphore_mem>>) src(%dma_wait3A_108 : memref<8x50x128xf32, #tpu.memory_space<vmem>>) dst(%dma_wait3A_104 : memref<8x50x128xf32, #tpu.memory_space<hbm>>)
    %scan3A_109 = arith.constant 0 : i32
    %scan3A_110 = arith.constant 0 : i32
    %scan3A_111 = arith.constant 25 : i32
    %scan3A_112 = arith.addi %scan3A_110, %scan3A_111 : i32
    %scan3A_113 = arith.constant 1 : i32
    scf.for %scan3A_695 = %scan3A_110 to %scan3A_112 step %scan3A_113  : i32 {
      %mul3A_696 = arith.constant 16 : i32
      %mul3A_697 = arith.muli %scan3A_695, %mul3A_696 : i32
      %add3A_698 = vector.broadcast %mul3A_697 : i32 to vector<16xi32>
      %add3A_699 = arith.addi %add3A_698, %iota3A : vector<16xi32>
      %mul3A_700 = arith.constant 16 : i32
      %mul3A_701 = arith.muli %scan3A_695, %mul3A_700 : i32
      %add3A_702 = arith.constant 400 : i32
      %add3A_703 = arith.addi %add3A_702, %mul3A_701 : i32
      %get3A = arith.index_cast %add3A_703 : i32 to index
      %get3A_704 = tpu.vector_load %arg5[%get3A] {strides = array<i32>} : memref<6400xi32, #tpu.memory_space<vmem>>, vector<16xi32>,
      %jit3A = arith.constant 50 : i32
      %div3A = vector.broadcast %jit3A : i32 to vector<16xi32>
      %div3A_705 = arith.divsi %add3A_699, %div3A : vector<16xi32>
      %sign3A = arith.constant 0 : i32
      %sign3A_706 = vector.broadcast %sign3A : i32 to vector<16xi32>
      %sign3A_707 = arith.cmpi sgt, %add3A_699, %sign3A_706 : vector<16xi32>
      %sign3A_708 = arith.extui %sign3A_707 : vector<16xi1> to vector<16xi32>
      %sign3A_709 = arith.constant 0 : i32
      %sign3A_710 = vector.broadcast %sign3A_709 : i32 to vector<16xi32>
      %sign3A_711 = arith.cmpi slt, %add3A_699, %sign3A_710 : vector<16xi32>
      %sign3A_712 = arith.extui %sign3A_711 : vector<16xi1> to vector<16xi32>
      %sign3A_713 = arith.subi %sign3A_708, %sign3A_712 : vector<16xi32>
      %sign3A_714 = arith.constant 0 : i32
      %sign3A_715 = arith.cmpi sgt, %jit3A, %sign3A_714 : i32
      %sign3A_716 = arith.extui %sign3A_715 : i1 to i32
      %sign3A_717 = arith.constant 0 : i32
      %sign3A_718 = arith.cmpi slt, %jit3A, %sign3A_717 : i32
      %sign3A_719 = arith.extui %sign3A_718 : i1 to i32
      %sign3A_720 = arith.subi %sign3A_716, %sign3A_719 : i32
      %ne3A = vector.broadcast %sign3A_720 : i32 to vector<16xi32>
      %ne3A_721 = arith.cmpi ne, %sign3A_713, %ne3A : vector<16xi32>
      %rem3A = vector.broadcast %jit3A : i32 to vector<16xi32>
      %rem3A_722 = arith.remsi %add3A_699, %rem3A : vector<16xi32>
      %ne3A_723 = arith.constant 0 : i32
      %ne3A_724 = vector.broadcast %ne3A_723 : i32 to vector<16xi32>
      %ne3A_725 = arith.cmpi ne, %rem3A_722, %ne3A_724 : vector<16xi32>
      %and3A = arith.andi %ne3A_721, %ne3A_725 : vector<16xi1>
      %sub3A = arith.constant 1 : i32
      %sub3A_726 = vector.broadcast %sub3A : i32 to vector<16xi32>
      %sub3A_727 = arith.subi %div3A_705, %sub3A_726 : vector<16xi32>
      %select_n3A = arith.select %and3A, %sub3A_727, %div3A_705 : vector<16xi1>, vector<16xi32>
      %jit3A_728 = arith.constant 50 : i32
      %eq3A = arith.constant 0 : i32
      %eq3A_729 = arith.cmpi eq, %jit3A_728, %eq3A : i32
      %jit3A_730 = arith.constant 1 : i32
      %select_n3A_731 = arith.select %eq3A_729, %jit3A_730, %jit3A_728 : i32
      %rem3A_732 = vector.broadcast %select_n3A_731 : i32 to vector<16xi32>
      %rem3A_733 = arith.remsi %add3A_699, %rem3A_732 : vector<16xi32>
      %ne3A_734 = arith.constant 0 : i32
      %ne3A_735 = vector.broadcast %ne3A_734 : i32 to vector<16xi32>
      %ne3A_736 = arith.cmpi ne, %rem3A_733, %ne3A_735 : vector<16xi32>
      %lt3A = arith.constant 0 : i32
      %lt3A_737 = vector.broadcast %lt3A : i32 to vector<16xi32>
      %lt3A_738 = arith.cmpi slt, %rem3A_733, %lt3A_737 : vector<16xi32>
      %lt3A_739 = arith.constant 0 : i32
      %lt3A_740 = arith.cmpi slt, %select_n3A_731, %lt3A_739 : i32
      %ne3A_741 = vector.broadcast %lt3A_740 : i1 to vector<16xi1>
      %ne3A_742 = vector.broadcast %ne3A_741 : vector<16xi1> to vector<16xi1>
      %ne3A_743 = arith.xori %lt3A_738, %ne3A_742 : vector<16xi1>
      %and3A_744 = arith.andi %ne3A_743, %ne3A_736 : vector<16xi1>
      %add3A_745 = vector.broadcast %select_n3A_731 : i32 to vector<16xi32>
      %add3A_746 = arith.addi %rem3A_733, %add3A_745 : vector<16xi32>
      %select_n3A_747 = arith.select %and3A_744, %add3A_746, %rem3A_733 : vector<16xi1>, vector<16xi32>
      tpu.vector_store_idx %arg7[%select_n3A, %select_n3A_747, %get3A_704], %broadcast_in_dim3A_5 : memref<8x56x128xf32, #tpu.memory_space<vmem>>[vector<16xi32>, vector<16xi32>, vector<16xi32>], vector<16xf32>,
    }
    %scan3A_114 = arith.constant 25 : i32
    %scan3A_115 = arith.constant 0 : i32
    %scan3A_116 = arith.constant 0 : i32
    %scan3A_117 = arith.constant 25 : i32
    %scan3A_118 = arith.addi %scan3A_116, %scan3A_117 : i32
    %scan3A_119 = arith.constant 1 : i32
    scf.for %scan3A_695 = %scan3A_116 to %scan3A_118 step %scan3A_119  : i32 {
      %mul3A_696 = arith.constant 16 : i32
      %mul3A_697 = arith.muli %scan3A_695, %mul3A_696 : i32
      %add3A_698 = vector.broadcast %mul3A_697 : i32 to vector<16xi32>
      %add3A_699 = arith.addi %add3A_698, %iota3A : vector<16xi32>
      %mul3A_700 = arith.constant 16 : i32
      %mul3A_701 = arith.muli %scan3A_695, %mul3A_700 : i32
      %add3A_702 = arith.constant 1200 : i32
      %add3A_703 = arith.addi %add3A_702, %mul3A_701 : i32
      %get3A = arith.index_cast %add3A_703 : i32 to index
      %get3A_704 = tpu.vector_load %arg5[%get3A] {strides = array<i32>} : memref<6400xi32, #tpu.memory_space<vmem>>, vector<16xi32>,
      %jit3A = arith.constant 50 : i32
      %div3A = vector.broadcast %jit3A : i32 to vector<16xi32>
      %div3A_705 = arith.divsi %add3A_699, %div3A : vector<16xi32>
      %sign3A = arith.constant 0 : i32
      %sign3A_706 = vector.broadcast %sign3A : i32 to vector<16xi32>
      %sign3A_707 = arith.cmpi sgt, %add3A_699, %sign3A_706 : vector<16xi32>
      %sign3A_708 = arith.extui %sign3A_707 : vector<16xi1> to vector<16xi32>
      %sign3A_709 = arith.constant 0 : i32
      %sign3A_710 = vector.broadcast %sign3A_709 : i32 to vector<16xi32>
      %sign3A_711 = arith.cmpi slt, %add3A_699, %sign3A_710 : vector<16xi32>
      %sign3A_712 = arith.extui %sign3A_711 : vector<16xi1> to vector<16xi32>
      %sign3A_713 = arith.subi %sign3A_708, %sign3A_712 : vector<16xi32>
      %sign3A_714 = arith.constant 0 : i32
      %sign3A_715 = arith.cmpi sgt, %jit3A, %sign3A_714 : i32
      %sign3A_716 = arith.extui %sign3A_715 : i1 to i32
      %sign3A_717 = arith.constant 0 : i32
      %sign3A_718 = arith.cmpi slt, %jit3A, %sign3A_717 : i32
      %sign3A_719 = arith.extui %sign3A_718 : i1 to i32
      %sign3A_720 = arith.subi %sign3A_716, %sign3A_719 : i32
      %ne3A = vector.broadcast %sign3A_720 : i32 to vector<16xi32>
      %ne3A_721 = arith.cmpi ne, %sign3A_713, %ne3A : vector<16xi32>
      %rem3A = vector.broadcast %jit3A : i32 to vector<16xi32>
      %rem3A_722 = arith.remsi %add3A_699, %rem3A : vector<16xi32>
      %ne3A_723 = arith.constant 0 : i32
      %ne3A_724 = vector.broadcast %ne3A_723 : i32 to vector<16xi32>
      %ne3A_725 = arith.cmpi ne, %rem3A_722, %ne3A_724 : vector<16xi32>
      %and3A = arith.andi %ne3A_721, %ne3A_725 : vector<16xi1>
      %sub3A = arith.constant 1 : i32
      %sub3A_726 = vector.broadcast %sub3A : i32 to vector<16xi32>
      %sub3A_727 = arith.subi %div3A_705, %sub3A_726 : vector<16xi32>
      %select_n3A = arith.select %and3A, %sub3A_727, %div3A_705 : vector<16xi1>, vector<16xi32>
      %jit3A_728 = arith.constant 50 : i32
      %eq3A = arith.constant 0 : i32
      %eq3A_729 = arith.cmpi eq, %jit3A_728, %eq3A : i32
      %jit3A_730 = arith.constant 1 : i32
      %select_n3A_731 = arith.select %eq3A_729, %jit3A_730, %jit3A_728 : i32
      %rem3A_732 = vector.broadcast %select_n3A_731 : i32 to vector<16xi32>
      %rem3A_733 = arith.remsi %add3A_699, %rem3A_732 : vector<16xi32>
      %ne3A_734 = arith.constant 0 : i32
      %ne3A_735 = vector.broadcast %ne3A_734 : i32 to vector<16xi32>
      %ne3A_736 = arith.cmpi ne, %rem3A_733, %ne3A_735 : vector<16xi32>
      %lt3A = arith.constant 0 : i32
      %lt3A_737 = vector.broadcast %lt3A : i32 to vector<16xi32>
      %lt3A_738 = arith.cmpi slt, %rem3A_733, %lt3A_737 : vector<16xi32>
      %lt3A_739 = arith.constant 0 : i32
      %lt3A_740 = arith.cmpi slt, %select_n3A_731, %lt3A_739 : i32
      %ne3A_741 = vector.broadcast %lt3A_740 : i1 to vector<16xi1>
      %ne3A_742 = vector.broadcast %ne3A_741 : vector<16xi1> to vector<16xi1>
      %ne3A_743 = arith.xori %lt3A_738, %ne3A_742 : vector<16xi1>
      %and3A_744 = arith.andi %ne3A_743, %ne3A_736 : vector<16xi1>
      %add3A_745 = vector.broadcast %select_n3A_731 : i32 to vector<16xi32>
      %add3A_746 = arith.addi %rem3A_733, %add3A_745 : vector<16xi32>
      %select_n3A_747 = arith.select %and3A_744, %add3A_746, %rem3A_733 : vector<16xi1>, vector<16xi32>
      tpu.vector_store_idx %arg7[%select_n3A, %select_n3A_747, %get3A_704], %broadcast_in_dim3A_3 : memref<8x56x128xf32, #tpu.memory_space<vmem>>[vector<16xi32>, vector<16xi32>, vector<16xi32>], vector<16xf32>,
    }
    %scan3A_120 = arith.constant 25 : i32
    %mul3A_121 = arith.constant 128 : i32
    %mul3A_122 = arith.muli %add3A, %mul3A_121 : i32
    %add3A_123 = arith.constant 24 : i32
    %add3A_124 = arith.addi %mul3A_122, %add3A_123 : i32
    %dma_start3A_125 = arith.constant 0 : i32
    %dma_start3A_126 = arith.constant 0 : i32
    %dma_start3A_127 = arith.constant 0 : i32
    %dma_start3A_128 = tpu.memref_slice %arg7[%dma_start3A_125, %dma_start3A_126, %dma_start3A_127] : memref<8x56x128xf32, #tpu.memory_space<vmem>> -> memref<8x50x128xf32, #tpu.memory_space<vmem>>
    %dma_start3A_129 = arith.constant 0 : i32
    %dma_start3A_130 = arith.constant 0 : i32
    %dma_start3A_131 = tpu.memref_slice %arg4[%add3A_124, %dma_start3A_129, %dma_start3A_130] : memref<4096x50x128xf32, #tpu.memory_space<hbm>> -> memref<8x50x128xf32, #tpu.memory_space<hbm>>
    %dma_start3A_132 = arith.constant 0 : i32
    %dma_start3A_133 = arith.constant 0 : i32
    %dma_start3A_134 = tpu.memref_slice %arg4[%add3A_124, %dma_start3A_132, %dma_start3A_133] : memref<4096x50x128xf32, #tpu.memory_space<hbm>> -> memref<8x50x128xf32, #tpu.memory_space<hbm>>
    %dma_start3A_135 = arith.constant 0 : i32
    %dma_start3A_136 = arith.constant 0 : i32
    %dma_start3A_137 = arith.constant 0 : i32
    %dma_start3A_138 = tpu.memref_slice %arg7[%dma_start3A_135, %dma_start3A_136, %dma_start3A_137] : memref<8x56x128xf32, #tpu.memory_space<vmem>> -> memref<8x50x128xf32, #tpu.memory_space<vmem>>
    tpu.enqueue_dma source(%dma_start3A_138 : memref<8x50x128xf32, #tpu.memory_space<vmem>>) target(%dma_start3A_134 : memref<8x50x128xf32, #tpu.memory_space<hbm>>) target_semaphore(%arg9 : memref<!tpu.dma_semaphore, #tpu.memory_space<semaphore_mem>>)
    %dma_wait3A_139 = arith.constant 0 : i32
    %dma_wait3A_140 = arith.constant 0 : i32
    %dma_wait3A_141 = arith.constant 0 : i32
    %dma_wait3A_142 = tpu.memref_slice %arg6[%dma_wait3A_139, %dma_wait3A_140, %dma_wait3A_141] : memref<8x56x128xf32, #tpu.memory_space<vmem>> -> memref<8x50x128xf32, #tpu.memory_space<vmem>>
    %dma_wait3A_143 = arith.constant 0 : i32
    %dma_wait3A_144 = arith.constant 0 : i32
    %dma_wait3A_145 = tpu.memref_slice %arg4[%add3A_80, %dma_wait3A_143, %dma_wait3A_144] : memref<4096x50x128xf32, #tpu.memory_space<hbm>> -> memref<8x50x128xf32, #tpu.memory_space<hbm>>
    %dma_wait3A_146 = arith.constant 0 : i32
    %dma_wait3A_147 = arith.constant 0 : i32
    %dma_wait3A_148 = tpu.memref_slice %arg4[%add3A_80, %dma_wait3A_146, %dma_wait3A_147] : memref<4096x50x128xf32, #tpu.memory_space<hbm>> -> memref<8x50x128xf32, #tpu.memory_space<hbm>>
    %dma_wait3A_149 = arith.constant 0 : i32
    %dma_wait3A_150 = arith.constant 0 : i32
    %dma_wait3A_151 = arith.constant 0 : i32
    %dma_wait3A_152 = tpu.memref_slice %arg6[%dma_wait3A_149, %dma_wait3A_150, %dma_wait3A_151] : memref<8x56x128xf32, #tpu.memory_space<vmem>> -> memref<8x50x128xf32, #tpu.memory_space<vmem>>
    tpu.wait_dma2 semaphore(%arg8 : memref<!tpu.dma_semaphore, #tpu.memory_space<semaphore_mem>>) src(%dma_wait3A_152 : memref<8x50x128xf32, #tpu.memory_space<vmem>>) dst(%dma_wait3A_148 : memref<8x50x128xf32, #tpu.memory_space<hbm>>)
    %scan3A_153 = arith.constant 0 : i32
    %scan3A_154 = arith.constant 0 : i32
    %scan3A_155 = arith.constant 25 : i32
    %scan3A_156 = arith.addi %scan3A_154, %scan3A_155 : i32
    %scan3A_157 = arith.constant 1 : i32
    scf.for %scan3A_695 = %scan3A_154 to %scan3A_156 step %scan3A_157  : i32 {
      %mul3A_696 = arith.constant 16 : i32
      %mul3A_697 = arith.muli %scan3A_695, %mul3A_696 : i32
      %add3A_698 = vector.broadcast %mul3A_697 : i32 to vector<16xi32>
      %add3A_699 = arith.addi %add3A_698, %iota3A : vector<16xi32>
      %mul3A_700 = arith.constant 16 : i32
      %mul3A_701 = arith.muli %scan3A_695, %mul3A_700 : i32
      %add3A_702 = arith.constant 800 : i32
      %add3A_703 = arith.addi %add3A_702, %mul3A_701 : i32
      %get3A = arith.index_cast %add3A_703 : i32 to index
      %get3A_704 = tpu.vector_load %arg5[%get3A] {strides = array<i32>} : memref<6400xi32, #tpu.memory_space<vmem>>, vector<16xi32>,
      %jit3A = arith.constant 50 : i32
      %div3A = vector.broadcast %jit3A : i32 to vector<16xi32>
      %div3A_705 = arith.divsi %add3A_699, %div3A : vector<16xi32>
      %sign3A = arith.constant 0 : i32
      %sign3A_706 = vector.broadcast %sign3A : i32 to vector<16xi32>
      %sign3A_707 = arith.cmpi sgt, %add3A_699, %sign3A_706 : vector<16xi32>
      %sign3A_708 = arith.extui %sign3A_707 : vector<16xi1> to vector<16xi32>
      %sign3A_709 = arith.constant 0 : i32
      %sign3A_710 = vector.broadcast %sign3A_709 : i32 to vector<16xi32>
      %sign3A_711 = arith.cmpi slt, %add3A_699, %sign3A_710 : vector<16xi32>
      %sign3A_712 = arith.extui %sign3A_711 : vector<16xi1> to vector<16xi32>
      %sign3A_713 = arith.subi %sign3A_708, %sign3A_712 : vector<16xi32>
      %sign3A_714 = arith.constant 0 : i32
      %sign3A_715 = arith.cmpi sgt, %jit3A, %sign3A_714 : i32
      %sign3A_716 = arith.extui %sign3A_715 : i1 to i32
      %sign3A_717 = arith.constant 0 : i32
      %sign3A_718 = arith.cmpi slt, %jit3A, %sign3A_717 : i32
      %sign3A_719 = arith.extui %sign3A_718 : i1 to i32
      %sign3A_720 = arith.subi %sign3A_716, %sign3A_719 : i32
      %ne3A = vector.broadcast %sign3A_720 : i32 to vector<16xi32>
      %ne3A_721 = arith.cmpi ne, %sign3A_713, %ne3A : vector<16xi32>
      %rem3A = vector.broadcast %jit3A : i32 to vector<16xi32>
      %rem3A_722 = arith.remsi %add3A_699, %rem3A : vector<16xi32>
      %ne3A_723 = arith.constant 0 : i32
      %ne3A_724 = vector.broadcast %ne3A_723 : i32 to vector<16xi32>
      %ne3A_725 = arith.cmpi ne, %rem3A_722, %ne3A_724 : vector<16xi32>
      %and3A = arith.andi %ne3A_721, %ne3A_725 : vector<16xi1>
      %sub3A = arith.constant 1 : i32
      %sub3A_726 = vector.broadcast %sub3A : i32 to vector<16xi32>
      %sub3A_727 = arith.subi %div3A_705, %sub3A_726 : vector<16xi32>
      %select_n3A = arith.select %and3A, %sub3A_727, %div3A_705 : vector<16xi1>, vector<16xi32>
      %jit3A_728 = arith.constant 50 : i32
      %eq3A = arith.constant 0 : i32
      %eq3A_729 = arith.cmpi eq, %jit3A_728, %eq3A : i32
      %jit3A_730 = arith.constant 1 : i32
      %select_n3A_731 = arith.select %eq3A_729, %jit3A_730, %jit3A_728 : i32
      %rem3A_732 = vector.broadcast %select_n3A_731 : i32 to vector<16xi32>
      %rem3A_733 = arith.remsi %add3A_699, %rem3A_732 : vector<16xi32>
      %ne3A_734 = arith.constant 0 : i32
      %ne3A_735 = vector.broadcast %ne3A_734 : i32 to vector<16xi32>
      %ne3A_736 = arith.cmpi ne, %rem3A_733, %ne3A_735 : vector<16xi32>
      %lt3A = arith.constant 0 : i32
      %lt3A_737 = vector.broadcast %lt3A : i32 to vector<16xi32>
      %lt3A_738 = arith.cmpi slt, %rem3A_733, %lt3A_737 : vector<16xi32>
      %lt3A_739 = arith.constant 0 : i32
      %lt3A_740 = arith.cmpi slt, %select_n3A_731, %lt3A_739 : i32
      %ne3A_741 = vector.broadcast %lt3A_740 : i1 to vector<16xi1>
      %ne3A_742 = vector.broadcast %ne3A_741 : vector<16xi1> to vector<16xi1>
      %ne3A_743 = arith.xori %lt3A_738, %ne3A_742 : vector<16xi1>
      %and3A_744 = arith.andi %ne3A_743, %ne3A_736 : vector<16xi1>
      %add3A_745 = vector.broadcast %select_n3A_731 : i32 to vector<16xi32>
      %add3A_746 = arith.addi %rem3A_733, %add3A_745 : vector<16xi32>
      %select_n3A_747 = arith.select %and3A_744, %add3A_746, %rem3A_733 : vector<16xi1>, vector<16xi32>
      tpu.vector_store_idx %arg6[%select_n3A, %select_n3A_747, %get3A_704], %broadcast_in_dim3A_5 : memref<8x56x128xf32, #tpu.memory_space<vmem>>[vector<16xi32>, vector<16xi32>, vector<16xi32>], vector<16xf32>,
    }
    %scan3A_158 = arith.constant 25 : i32
    %scan3A_159 = arith.constant 0 : i32
    %scan3A_160 = arith.constant 0 : i32
    %scan3A_161 = arith.constant 25 : i32
    %scan3A_162 = arith.addi %scan3A_160, %scan3A_161 : i32
    %scan3A_163 = arith.constant 1 : i32
    scf.for %scan3A_695 = %scan3A_160 to %scan3A_162 step %scan3A_163  : i32 {
      %mul3A_696 = arith.constant 16 : i32
      %mul3A_697 = arith.muli %scan3A_695, %mul3A_696 : i32
      %add3A_698 = vector.broadcast %mul3A_697 : i32 to vector<16xi32>
      %add3A_699 = arith.addi %add3A_698, %iota3A : vector<16xi32>
      %mul3A_700 = arith.constant 16 : i32
      %mul3A_701 = arith.muli %scan3A_695, %mul3A_700 : i32
      %add3A_702 = arith.constant 1600 : i32
      %add3A_703 = arith.addi %add3A_702, %mul3A_701 : i32
      %get3A = arith.index_cast %add3A_703 : i32 to index
      %get3A_704 = tpu.vector_load %arg5[%get3A] {strides = array<i32>} : memref<6400xi32, #tpu.memory_space<vmem>>, vector<16xi32>,
      %jit3A = arith.constant 50 : i32
      %div3A = vector.broadcast %jit3A : i32 to vector<16xi32>
      %div3A_705 = arith.divsi %add3A_699, %div3A : vector<16xi32>
      %sign3A = arith.constant 0 : i32
      %sign3A_706 = vector.broadcast %sign3A : i32 to vector<16xi32>
      %sign3A_707 = arith.cmpi sgt, %add3A_699, %sign3A_706 : vector<16xi32>
      %sign3A_708 = arith.extui %sign3A_707 : vector<16xi1> to vector<16xi32>
      %sign3A_709 = arith.constant 0 : i32
      %sign3A_710 = vector.broadcast %sign3A_709 : i32 to vector<16xi32>
      %sign3A_711 = arith.cmpi slt, %add3A_699, %sign3A_710 : vector<16xi32>
      %sign3A_712 = arith.extui %sign3A_711 : vector<16xi1> to vector<16xi32>
      %sign3A_713 = arith.subi %sign3A_708, %sign3A_712 : vector<16xi32>
      %sign3A_714 = arith.constant 0 : i32
      %sign3A_715 = arith.cmpi sgt, %jit3A, %sign3A_714 : i32
      %sign3A_716 = arith.extui %sign3A_715 : i1 to i32
      %sign3A_717 = arith.constant 0 : i32
      %sign3A_718 = arith.cmpi slt, %jit3A, %sign3A_717 : i32
      %sign3A_719 = arith.extui %sign3A_718 : i1 to i32
      %sign3A_720 = arith.subi %sign3A_716, %sign3A_719 : i32
      %ne3A = vector.broadcast %sign3A_720 : i32 to vector<16xi32>
      %ne3A_721 = arith.cmpi ne, %sign3A_713, %ne3A : vector<16xi32>
      %rem3A = vector.broadcast %jit3A : i32 to vector<16xi32>
      %rem3A_722 = arith.remsi %add3A_699, %rem3A : vector<16xi32>
      %ne3A_723 = arith.constant 0 : i32
      %ne3A_724 = vector.broadcast %ne3A_723 : i32 to vector<16xi32>
      %ne3A_725 = arith.cmpi ne, %rem3A_722, %ne3A_724 : vector<16xi32>
      %and3A = arith.andi %ne3A_721, %ne3A_725 : vector<16xi1>
      %sub3A = arith.constant 1 : i32
      %sub3A_726 = vector.broadcast %sub3A : i32 to vector<16xi32>
      %sub3A_727 = arith.subi %div3A_705, %sub3A_726 : vector<16xi32>
      %select_n3A = arith.select %and3A, %sub3A_727, %div3A_705 : vector<16xi1>, vector<16xi32>
      %jit3A_728 = arith.constant 50 : i32
      %eq3A = arith.constant 0 : i32
      %eq3A_729 = arith.cmpi eq, %jit3A_728, %eq3A : i32
      %jit3A_730 = arith.constant 1 : i32
      %select_n3A_731 = arith.select %eq3A_729, %jit3A_730, %jit3A_728 : i32
      %rem3A_732 = vector.broadcast %select_n3A_731 : i32 to vector<16xi32>
      %rem3A_733 = arith.remsi %add3A_699, %rem3A_732 : vector<16xi32>
      %ne3A_734 = arith.constant 0 : i32
      %ne3A_735 = vector.broadcast %ne3A_734 : i32 to vector<16xi32>
      %ne3A_736 = arith.cmpi ne, %rem3A_733, %ne3A_735 : vector<16xi32>
      %lt3A = arith.constant 0 : i32
      %lt3A_737 = vector.broadcast %lt3A : i32 to vector<16xi32>
      %lt3A_738 = arith.cmpi slt, %rem3A_733, %lt3A_737 : vector<16xi32>
      %lt3A_739 = arith.constant 0 : i32
      %lt3A_740 = arith.cmpi slt, %select_n3A_731, %lt3A_739 : i32
      %ne3A_741 = vector.broadcast %lt3A_740 : i1 to vector<16xi1>
      %ne3A_742 = vector.broadcast %ne3A_741 : vector<16xi1> to vector<16xi1>
      %ne3A_743 = arith.xori %lt3A_738, %ne3A_742 : vector<16xi1>
      %and3A_744 = arith.andi %ne3A_743, %ne3A_736 : vector<16xi1>
      %add3A_745 = vector.broadcast %select_n3A_731 : i32 to vector<16xi32>
      %add3A_746 = arith.addi %rem3A_733, %add3A_745 : vector<16xi32>
      %select_n3A_747 = arith.select %and3A_744, %add3A_746, %rem3A_733 : vector<16xi1>, vector<16xi32>
      tpu.vector_store_idx %arg6[%select_n3A, %select_n3A_747, %get3A_704], %broadcast_in_dim3A_3 : memref<8x56x128xf32, #tpu.memory_space<vmem>>[vector<16xi32>, vector<16xi32>, vector<16xi32>], vector<16xf32>,
    }
    %scan3A_164 = arith.constant 25 : i32
    %mul3A_165 = arith.constant 128 : i32
    %mul3A_166 = arith.muli %add3A, %mul3A_165 : i32
    %add3A_167 = arith.constant 32 : i32
    %add3A_168 = arith.addi %mul3A_166, %add3A_167 : i32
    %dma_start3A_169 = arith.constant 0 : i32
    %dma_start3A_170 = arith.constant 0 : i32
    %dma_start3A_171 = arith.constant 0 : i32
    %dma_start3A_172 = tpu.memref_slice %arg6[%dma_start3A_169, %dma_start3A_170, %dma_start3A_171] : memref<8x56x128xf32, #tpu.memory_space<vmem>> -> memref<8x50x128xf32, #tpu.memory_space<vmem>>
    %dma_start3A_173 = arith.constant 0 : i32
    %dma_start3A_174 = arith.constant 0 : i32
    %dma_start3A_175 = tpu.memref_slice %arg4[%add3A_168, %dma_start3A_173, %dma_start3A_174] : memref<4096x50x128xf32, #tpu.memory_space<hbm>> -> memref<8x50x128xf32, #tpu.memory_space<hbm>>
    %dma_start3A_176 = arith.constant 0 : i32
    %dma_start3A_177 = arith.constant 0 : i32
    %dma_start3A_178 = tpu.memref_slice %arg4[%add3A_168, %dma_start3A_176, %dma_start3A_177] : memref<4096x50x128xf32, #tpu.memory_space<hbm>> -> memref<8x50x128xf32, #tpu.memory_space<hbm>>
    %dma_start3A_179 = arith.constant 0 : i32
    %dma_start3A_180 = arith.constant 0 : i32
    %dma_start3A_181 = arith.constant 0 : i32
    %dma_start3A_182 = tpu.memref_slice %arg6[%dma_start3A_179, %dma_start3A_180, %dma_start3A_181] : memref<8x56x128xf32, #tpu.memory_space<vmem>> -> memref<8x50x128xf32, #tpu.memory_space<vmem>>
    tpu.enqueue_dma source(%dma_start3A_182 : memref<8x50x128xf32, #tpu.memory_space<vmem>>) target(%dma_start3A_178 : memref<8x50x128xf32, #tpu.memory_space<hbm>>) target_semaphore(%arg8 : memref<!tpu.dma_semaphore, #tpu.memory_space<semaphore_mem>>)
    %dma_wait3A_183 = arith.constant 0 : i32
    %dma_wait3A_184 = arith.constant 0 : i32
    %dma_wait3A_185 = arith.constant 0 : i32
    %dma_wait3A_186 = tpu.memref_slice %arg7[%dma_wait3A_183, %dma_wait3A_184, %dma_wait3A_185] : memref<8x56x128xf32, #tpu.memory_space<vmem>> -> memref<8x50x128xf32, #tpu.memory_space<vmem>>
    %dma_wait3A_187 = arith.constant 0 : i32
    %dma_wait3A_188 = arith.constant 0 : i32
    %dma_wait3A_189 = tpu.memref_slice %arg4[%add3A_124, %dma_wait3A_187, %dma_wait3A_188] : memref<4096x50x128xf32, #tpu.memory_space<hbm>> -> memref<8x50x128xf32, #tpu.memory_space<hbm>>
    %dma_wait3A_190 = arith.constant 0 : i32
    %dma_wait3A_191 = arith.constant 0 : i32
    %dma_wait3A_192 = tpu.memref_slice %arg4[%add3A_124, %dma_wait3A_190, %dma_wait3A_191] : memref<4096x50x128xf32, #tpu.memory_space<hbm>> -> memref<8x50x128xf32, #tpu.memory_space<hbm>>
    %dma_wait3A_193 = arith.constant 0 : i32
    %dma_wait3A_194 = arith.constant 0 : i32
    %dma_wait3A_195 = arith.constant 0 : i32
    %dma_wait3A_196 = tpu.memref_slice %arg7[%dma_wait3A_193, %dma_wait3A_194, %dma_wait3A_195] : memref<8x56x128xf32, #tpu.memory_space<vmem>> -> memref<8x50x128xf32, #tpu.memory_space<vmem>>
    tpu.wait_dma2 semaphore(%arg9 : memref<!tpu.dma_semaphore, #tpu.memory_space<semaphore_mem>>) src(%dma_wait3A_196 : memref<8x50x128xf32, #tpu.memory_space<vmem>>) dst(%dma_wait3A_192 : memref<8x50x128xf32, #tpu.memory_space<hbm>>)
    %scan3A_197 = arith.constant 0 : i32
    %scan3A_198 = arith.constant 0 : i32
    %scan3A_199 = arith.constant 25 : i32
    %scan3A_200 = arith.addi %scan3A_198, %scan3A_199 : i32
    %scan3A_201 = arith.constant 1 : i32
    scf.for %scan3A_695 = %scan3A_198 to %scan3A_200 step %scan3A_201  : i32 {
      %mul3A_696 = arith.constant 16 : i32
      %mul3A_697 = arith.muli %scan3A_695, %mul3A_696 : i32
      %add3A_698 = vector.broadcast %mul3A_697 : i32 to vector<16xi32>
      %add3A_699 = arith.addi %add3A_698, %iota3A : vector<16xi32>
      %mul3A_700 = arith.constant 16 : i32
      %mul3A_701 = arith.muli %scan3A_695, %mul3A_700 : i32
      %add3A_702 = arith.constant 1200 : i32
      %add3A_703 = arith.addi %add3A_702, %mul3A_701 : i32
      %get3A = arith.index_cast %add3A_703 : i32 to index
      %get3A_704 = tpu.vector_load %arg5[%get3A] {strides = array<i32>} : memref<6400xi32, #tpu.memory_space<vmem>>, vector<16xi32>,
      %jit3A = arith.constant 50 : i32
      %div3A = vector.broadcast %jit3A : i32 to vector<16xi32>
      %div3A_705 = arith.divsi %add3A_699, %div3A : vector<16xi32>
      %sign3A = arith.constant 0 : i32
      %sign3A_706 = vector.broadcast %sign3A : i32 to vector<16xi32>
      %sign3A_707 = arith.cmpi sgt, %add3A_699, %sign3A_706 : vector<16xi32>
      %sign3A_708 = arith.extui %sign3A_707 : vector<16xi1> to vector<16xi32>
      %sign3A_709 = arith.constant 0 : i32
      %sign3A_710 = vector.broadcast %sign3A_709 : i32 to vector<16xi32>
      %sign3A_711 = arith.cmpi slt, %add3A_699, %sign3A_710 : vector<16xi32>
      %sign3A_712 = arith.extui %sign3A_711 : vector<16xi1> to vector<16xi32>
      %sign3A_713 = arith.subi %sign3A_708, %sign3A_712 : vector<16xi32>
      %sign3A_714 = arith.constant 0 : i32
      %sign3A_715 = arith.cmpi sgt, %jit3A, %sign3A_714 : i32
      %sign3A_716 = arith.extui %sign3A_715 : i1 to i32
      %sign3A_717 = arith.constant 0 : i32
      %sign3A_718 = arith.cmpi slt, %jit3A, %sign3A_717 : i32
      %sign3A_719 = arith.extui %sign3A_718 : i1 to i32
      %sign3A_720 = arith.subi %sign3A_716, %sign3A_719 : i32
      %ne3A = vector.broadcast %sign3A_720 : i32 to vector<16xi32>
      %ne3A_721 = arith.cmpi ne, %sign3A_713, %ne3A : vector<16xi32>
      %rem3A = vector.broadcast %jit3A : i32 to vector<16xi32>
      %rem3A_722 = arith.remsi %add3A_699, %rem3A : vector<16xi32>
      %ne3A_723 = arith.constant 0 : i32
      %ne3A_724 = vector.broadcast %ne3A_723 : i32 to vector<16xi32>
      %ne3A_725 = arith.cmpi ne, %rem3A_722, %ne3A_724 : vector<16xi32>
      %and3A = arith.andi %ne3A_721, %ne3A_725 : vector<16xi1>
      %sub3A = arith.constant 1 : i32
      %sub3A_726 = vector.broadcast %sub3A : i32 to vector<16xi32>
      %sub3A_727 = arith.subi %div3A_705, %sub3A_726 : vector<16xi32>
      %select_n3A = arith.select %and3A, %sub3A_727, %div3A_705 : vector<16xi1>, vector<16xi32>
      %jit3A_728 = arith.constant 50 : i32
      %eq3A = arith.constant 0 : i32
      %eq3A_729 = arith.cmpi eq, %jit3A_728, %eq3A : i32
      %jit3A_730 = arith.constant 1 : i32
      %select_n3A_731 = arith.select %eq3A_729, %jit3A_730, %jit3A_728 : i32
      %rem3A_732 = vector.broadcast %select_n3A_731 : i32 to vector<16xi32>
      %rem3A_733 = arith.remsi %add3A_699, %rem3A_732 : vector<16xi32>
      %ne3A_734 = arith.constant 0 : i32
      %ne3A_735 = vector.broadcast %ne3A_734 : i32 to vector<16xi32>
      %ne3A_736 = arith.cmpi ne, %rem3A_733, %ne3A_735 : vector<16xi32>
      %lt3A = arith.constant 0 : i32
      %lt3A_737 = vector.broadcast %lt3A : i32 to vector<16xi32>
      %lt3A_738 = arith.cmpi slt, %rem3A_733, %lt3A_737 : vector<16xi32>
      %lt3A_739 = arith.constant 0 : i32
      %lt3A_740 = arith.cmpi slt, %select_n3A_731, %lt3A_739 : i32
      %ne3A_741 = vector.broadcast %lt3A_740 : i1 to vector<16xi1>
      %ne3A_742 = vector.broadcast %ne3A_741 : vector<16xi1> to vector<16xi1>
      %ne3A_743 = arith.xori %lt3A_738, %ne3A_742 : vector<16xi1>
      %and3A_744 = arith.andi %ne3A_743, %ne3A_736 : vector<16xi1>
      %add3A_745 = vector.broadcast %select_n3A_731 : i32 to vector<16xi32>
      %add3A_746 = arith.addi %rem3A_733, %add3A_745 : vector<16xi32>
      %select_n3A_747 = arith.select %and3A_744, %add3A_746, %rem3A_733 : vector<16xi1>, vector<16xi32>
      tpu.vector_store_idx %arg7[%select_n3A, %select_n3A_747, %get3A_704], %broadcast_in_dim3A_5 : memref<8x56x128xf32, #tpu.memory_space<vmem>>[vector<16xi32>, vector<16xi32>, vector<16xi32>], vector<16xf32>,
    }
    %scan3A_202 = arith.constant 25 : i32
    %scan3A_203 = arith.constant 0 : i32
    %scan3A_204 = arith.constant 0 : i32
    %scan3A_205 = arith.constant 25 : i32
    %scan3A_206 = arith.addi %scan3A_204, %scan3A_205 : i32
    %scan3A_207 = arith.constant 1 : i32
    scf.for %scan3A_695 = %scan3A_204 to %scan3A_206 step %scan3A_207  : i32 {
      %mul3A_696 = arith.constant 16 : i32
      %mul3A_697 = arith.muli %scan3A_695, %mul3A_696 : i32
      %add3A_698 = vector.broadcast %mul3A_697 : i32 to vector<16xi32>
      %add3A_699 = arith.addi %add3A_698, %iota3A : vector<16xi32>
      %mul3A_700 = arith.constant 16 : i32
      %mul3A_701 = arith.muli %scan3A_695, %mul3A_700 : i32
      %add3A_702 = arith.constant 2000 : i32
      %add3A_703 = arith.addi %add3A_702, %mul3A_701 : i32
      %get3A = arith.index_cast %add3A_703 : i32 to index
      %get3A_704 = tpu.vector_load %arg5[%get3A] {strides = array<i32>} : memref<6400xi32, #tpu.memory_space<vmem>>, vector<16xi32>,
      %jit3A = arith.constant 50 : i32
      %div3A = vector.broadcast %jit3A : i32 to vector<16xi32>
      %div3A_705 = arith.divsi %add3A_699, %div3A : vector<16xi32>
      %sign3A = arith.constant 0 : i32
      %sign3A_706 = vector.broadcast %sign3A : i32 to vector<16xi32>
      %sign3A_707 = arith.cmpi sgt, %add3A_699, %sign3A_706 : vector<16xi32>
      %sign3A_708 = arith.extui %sign3A_707 : vector<16xi1> to vector<16xi32>
      %sign3A_709 = arith.constant 0 : i32
      %sign3A_710 = vector.broadcast %sign3A_709 : i32 to vector<16xi32>
      %sign3A_711 = arith.cmpi slt, %add3A_699, %sign3A_710 : vector<16xi32>
      %sign3A_712 = arith.extui %sign3A_711 : vector<16xi1> to vector<16xi32>
      %sign3A_713 = arith.subi %sign3A_708, %sign3A_712 : vector<16xi32>
      %sign3A_714 = arith.constant 0 : i32
      %sign3A_715 = arith.cmpi sgt, %jit3A, %sign3A_714 : i32
      %sign3A_716 = arith.extui %sign3A_715 : i1 to i32
      %sign3A_717 = arith.constant 0 : i32
      %sign3A_718 = arith.cmpi slt, %jit3A, %sign3A_717 : i32
      %sign3A_719 = arith.extui %sign3A_718 : i1 to i32
      %sign3A_720 = arith.subi %sign3A_716, %sign3A_719 : i32
      %ne3A = vector.broadcast %sign3A_720 : i32 to vector<16xi32>
      %ne3A_721 = arith.cmpi ne, %sign3A_713, %ne3A : vector<16xi32>
      %rem3A = vector.broadcast %jit3A : i32 to vector<16xi32>
      %rem3A_722 = arith.remsi %add3A_699, %rem3A : vector<16xi32>
      %ne3A_723 = arith.constant 0 : i32
      %ne3A_724 = vector.broadcast %ne3A_723 : i32 to vector<16xi32>
      %ne3A_725 = arith.cmpi ne, %rem3A_722, %ne3A_724 : vector<16xi32>
      %and3A = arith.andi %ne3A_721, %ne3A_725 : vector<16xi1>
      %sub3A = arith.constant 1 : i32
      %sub3A_726 = vector.broadcast %sub3A : i32 to vector<16xi32>
      %sub3A_727 = arith.subi %div3A_705, %sub3A_726 : vector<16xi32>
      %select_n3A = arith.select %and3A, %sub3A_727, %div3A_705 : vector<16xi1>, vector<16xi32>
      %jit3A_728 = arith.constant 50 : i32
      %eq3A = arith.constant 0 : i32
      %eq3A_729 = arith.cmpi eq, %jit3A_728, %eq3A : i32
      %jit3A_730 = arith.constant 1 : i32
      %select_n3A_731 = arith.select %eq3A_729, %jit3A_730, %jit3A_728 : i32
      %rem3A_732 = vector.broadcast %select_n3A_731 : i32 to vector<16xi32>
      %rem3A_733 = arith.remsi %add3A_699, %rem3A_732 : vector<16xi32>
      %ne3A_734 = arith.constant 0 : i32
      %ne3A_735 = vector.broadcast %ne3A_734 : i32 to vector<16xi32>
      %ne3A_736 = arith.cmpi ne, %rem3A_733, %ne3A_735 : vector<16xi32>
      %lt3A = arith.constant 0 : i32
      %lt3A_737 = vector.broadcast %lt3A : i32 to vector<16xi32>
      %lt3A_738 = arith.cmpi slt, %rem3A_733, %lt3A_737 : vector<16xi32>
      %lt3A_739 = arith.constant 0 : i32
      %lt3A_740 = arith.cmpi slt, %select_n3A_731, %lt3A_739 : i32
      %ne3A_741 = vector.broadcast %lt3A_740 : i1 to vector<16xi1>
      %ne3A_742 = vector.broadcast %ne3A_741 : vector<16xi1> to vector<16xi1>
      %ne3A_743 = arith.xori %lt3A_738, %ne3A_742 : vector<16xi1>
      %and3A_744 = arith.andi %ne3A_743, %ne3A_736 : vector<16xi1>
      %add3A_745 = vector.broadcast %select_n3A_731 : i32 to vector<16xi32>
      %add3A_746 = arith.addi %rem3A_733, %add3A_745 : vector<16xi32>
      %select_n3A_747 = arith.select %and3A_744, %add3A_746, %rem3A_733 : vector<16xi1>, vector<16xi32>
      tpu.vector_store_idx %arg7[%select_n3A, %select_n3A_747, %get3A_704], %broadcast_in_dim3A_3 : memref<8x56x128xf32, #tpu.memory_space<vmem>>[vector<16xi32>, vector<16xi32>, vector<16xi32>], vector<16xf32>,
    }
    %scan3A_208 = arith.constant 25 : i32
    %mul3A_209 = arith.constant 128 : i32
    %mul3A_210 = arith.muli %add3A, %mul3A_209 : i32
    %add3A_211 = arith.constant 40 : i32
    %add3A_212 = arith.addi %mul3A_210, %add3A_211 : i32
    %dma_start3A_213 = arith.constant 0 : i32
    %dma_start3A_214 = arith.constant 0 : i32
    %dma_start3A_215 = arith.constant 0 : i32
    %dma_start3A_216 = tpu.memref_slice %arg7[%dma_start3A_213, %dma_start3A_214, %dma_start3A_215] : memref<8x56x128xf32, #tpu.memory_space<vmem>> -> memref<8x50x128xf32, #tpu.memory_space<vmem>>
    %dma_start3A_217 = arith.constant 0 : i32
    %dma_start3A_218 = arith.constant 0 : i32
    %dma_start3A_219 = tpu.memref_slice %arg4[%add3A_212, %dma_start3A_217, %dma_start3A_218] : memref<4096x50x128xf32, #tpu.memory_space<hbm>> -> memref<8x50x128xf32, #tpu.memory_space<hbm>>
    %dma_start3A_220 = arith.constant 0 : i32
    %dma_start3A_221 = arith.constant 0 : i32
    %dma_start3A_222 = tpu.memref_slice %arg4[%add3A_212, %dma_start3A_220, %dma_start3A_221] : memref<4096x50x128xf32, #tpu.memory_space<hbm>> -> memref<8x50x128xf32, #tpu.memory_space<hbm>>
    %dma_start3A_223 = arith.constant 0 : i32
    %dma_start3A_224 = arith.constant 0 : i32
    %dma_start3A_225 = arith.constant 0 : i32
    %dma_start3A_226 = tpu.memref_slice %arg7[%dma_start3A_223, %dma_start3A_224, %dma_start3A_225] : memref<8x56x128xf32, #tpu.memory_space<vmem>> -> memref<8x50x128xf32, #tpu.memory_space<vmem>>
    tpu.enqueue_dma source(%dma_start3A_226 : memref<8x50x128xf32, #tpu.memory_space<vmem>>) target(%dma_start3A_222 : memref<8x50x128xf32, #tpu.memory_space<hbm>>) target_semaphore(%arg9 : memref<!tpu.dma_semaphore, #tpu.memory_space<semaphore_mem>>)
    %dma_wait3A_227 = arith.constant 0 : i32
    %dma_wait3A_228 = arith.constant 0 : i32
    %dma_wait3A_229 = arith.constant 0 : i32
    %dma_wait3A_230 = tpu.memref_slice %arg6[%dma_wait3A_227, %dma_wait3A_228, %dma_wait3A_229] : memref<8x56x128xf32, #tpu.memory_space<vmem>> -> memref<8x50x128xf32, #tpu.memory_space<vmem>>
    %dma_wait3A_231 = arith.constant 0 : i32
    %dma_wait3A_232 = arith.constant 0 : i32
    %dma_wait3A_233 = tpu.memref_slice %arg4[%add3A_168, %dma_wait3A_231, %dma_wait3A_232] : memref<4096x50x128xf32, #tpu.memory_space<hbm>> -> memref<8x50x128xf32, #tpu.memory_space<hbm>>
    %dma_wait3A_234 = arith.constant 0 : i32
    %dma_wait3A_235 = arith.constant 0 : i32
    %dma_wait3A_236 = tpu.memref_slice %arg4[%add3A_168, %dma_wait3A_234, %dma_wait3A_235] : memref<4096x50x128xf32, #tpu.memory_space<hbm>> -> memref<8x50x128xf32, #tpu.memory_space<hbm>>
    %dma_wait3A_237 = arith.constant 0 : i32
    %dma_wait3A_238 = arith.constant 0 : i32
    %dma_wait3A_239 = arith.constant 0 : i32
    %dma_wait3A_240 = tpu.memref_slice %arg6[%dma_wait3A_237, %dma_wait3A_238, %dma_wait3A_239] : memref<8x56x128xf32, #tpu.memory_space<vmem>> -> memref<8x50x128xf32, #tpu.memory_space<vmem>>
    tpu.wait_dma2 semaphore(%arg8 : memref<!tpu.dma_semaphore, #tpu.memory_space<semaphore_mem>>) src(%dma_wait3A_240 : memref<8x50x128xf32, #tpu.memory_space<vmem>>) dst(%dma_wait3A_236 : memref<8x50x128xf32, #tpu.memory_space<hbm>>)
    %scan3A_241 = arith.constant 0 : i32
    %scan3A_242 = arith.constant 0 : i32
    %scan3A_243 = arith.constant 25 : i32
    %scan3A_244 = arith.addi %scan3A_242, %scan3A_243 : i32
    %scan3A_245 = arith.constant 1 : i32
    scf.for %scan3A_695 = %scan3A_242 to %scan3A_244 step %scan3A_245  : i32 {
      %mul3A_696 = arith.constant 16 : i32
      %mul3A_697 = arith.muli %scan3A_695, %mul3A_696 : i32
      %add3A_698 = vector.broadcast %mul3A_697 : i32 to vector<16xi32>
      %add3A_699 = arith.addi %add3A_698, %iota3A : vector<16xi32>
      %mul3A_700 = arith.constant 16 : i32
      %mul3A_701 = arith.muli %scan3A_695, %mul3A_700 : i32
      %add3A_702 = arith.constant 1600 : i32
      %add3A_703 = arith.addi %add3A_702, %mul3A_701 : i32
      %get3A = arith.index_cast %add3A_703 : i32 to index
      %get3A_704 = tpu.vector_load %arg5[%get3A] {strides = array<i32>} : memref<6400xi32, #tpu.memory_space<vmem>>, vector<16xi32>,
      %jit3A = arith.constant 50 : i32
      %div3A = vector.broadcast %jit3A : i32 to vector<16xi32>
      %div3A_705 = arith.divsi %add3A_699, %div3A : vector<16xi32>
      %sign3A = arith.constant 0 : i32
      %sign3A_706 = vector.broadcast %sign3A : i32 to vector<16xi32>
      %sign3A_707 = arith.cmpi sgt, %add3A_699, %sign3A_706 : vector<16xi32>
      %sign3A_708 = arith.extui %sign3A_707 : vector<16xi1> to vector<16xi32>
      %sign3A_709 = arith.constant 0 : i32
      %sign3A_710 = vector.broadcast %sign3A_709 : i32 to vector<16xi32>
      %sign3A_711 = arith.cmpi slt, %add3A_699, %sign3A_710 : vector<16xi32>
      %sign3A_712 = arith.extui %sign3A_711 : vector<16xi1> to vector<16xi32>
      %sign3A_713 = arith.subi %sign3A_708, %sign3A_712 : vector<16xi32>
      %sign3A_714 = arith.constant 0 : i32
      %sign3A_715 = arith.cmpi sgt, %jit3A, %sign3A_714 : i32
      %sign3A_716 = arith.extui %sign3A_715 : i1 to i32
      %sign3A_717 = arith.constant 0 : i32
      %sign3A_718 = arith.cmpi slt, %jit3A, %sign3A_717 : i32
      %sign3A_719 = arith.extui %sign3A_718 : i1 to i32
      %sign3A_720 = arith.subi %sign3A_716, %sign3A_719 : i32
      %ne3A = vector.broadcast %sign3A_720 : i32 to vector<16xi32>
      %ne3A_721 = arith.cmpi ne, %sign3A_713, %ne3A : vector<16xi32>
      %rem3A = vector.broadcast %jit3A : i32 to vector<16xi32>
      %rem3A_722 = arith.remsi %add3A_699, %rem3A : vector<16xi32>
      %ne3A_723 = arith.constant 0 : i32
      %ne3A_724 = vector.broadcast %ne3A_723 : i32 to vector<16xi32>
      %ne3A_725 = arith.cmpi ne, %rem3A_722, %ne3A_724 : vector<16xi32>
      %and3A = arith.andi %ne3A_721, %ne3A_725 : vector<16xi1>
      %sub3A = arith.constant 1 : i32
      %sub3A_726 = vector.broadcast %sub3A : i32 to vector<16xi32>
      %sub3A_727 = arith.subi %div3A_705, %sub3A_726 : vector<16xi32>
      %select_n3A = arith.select %and3A, %sub3A_727, %div3A_705 : vector<16xi1>, vector<16xi32>
      %jit3A_728 = arith.constant 50 : i32
      %eq3A = arith.constant 0 : i32
      %eq3A_729 = arith.cmpi eq, %jit3A_728, %eq3A : i32
      %jit3A_730 = arith.constant 1 : i32
      %select_n3A_731 = arith.select %eq3A_729, %jit3A_730, %jit3A_728 : i32
      %rem3A_732 = vector.broadcast %select_n3A_731 : i32 to vector<16xi32>
      %rem3A_733 = arith.remsi %add3A_699, %rem3A_732 : vector<16xi32>
      %ne3A_734 = arith.constant 0 : i32
      %ne3A_735 = vector.broadcast %ne3A_734 : i32 to vector<16xi32>
      %ne3A_736 = arith.cmpi ne, %rem3A_733, %ne3A_735 : vector<16xi32>
      %lt3A = arith.constant 0 : i32
      %lt3A_737 = vector.broadcast %lt3A : i32 to vector<16xi32>
      %lt3A_738 = arith.cmpi slt, %rem3A_733, %lt3A_737 : vector<16xi32>
      %lt3A_739 = arith.constant 0 : i32
      %lt3A_740 = arith.cmpi slt, %select_n3A_731, %lt3A_739 : i32
      %ne3A_741 = vector.broadcast %lt3A_740 : i1 to vector<16xi1>
      %ne3A_742 = vector.broadcast %ne3A_741 : vector<16xi1> to vector<16xi1>
      %ne3A_743 = arith.xori %lt3A_738, %ne3A_742 : vector<16xi1>
      %and3A_744 = arith.andi %ne3A_743, %ne3A_736 : vector<16xi1>
      %add3A_745 = vector.broadcast %select_n3A_731 : i32 to vector<16xi32>
      %add3A_746 = arith.addi %rem3A_733, %add3A_745 : vector<16xi32>
      %select_n3A_747 = arith.select %and3A_744, %add3A_746, %rem3A_733 : vector<16xi1>, vector<16xi32>
      tpu.vector_store_idx %arg6[%select_n3A, %select_n3A_747, %get3A_704], %broadcast_in_dim3A_5 : memref<8x56x128xf32, #tpu.memory_space<vmem>>[vector<16xi32>, vector<16xi32>, vector<16xi32>], vector<16xf32>,
    }
    %scan3A_246 = arith.constant 25 : i32
    %scan3A_247 = arith.constant 0 : i32
    %scan3A_248 = arith.constant 0 : i32
    %scan3A_249 = arith.constant 25 : i32
    %scan3A_250 = arith.addi %scan3A_248, %scan3A_249 : i32
    %scan3A_251 = arith.constant 1 : i32
    scf.for %scan3A_695 = %scan3A_248 to %scan3A_250 step %scan3A_251  : i32 {
      %mul3A_696 = arith.constant 16 : i32
      %mul3A_697 = arith.muli %scan3A_695, %mul3A_696 : i32
      %add3A_698 = vector.broadcast %mul3A_697 : i32 to vector<16xi32>
      %add3A_699 = arith.addi %add3A_698, %iota3A : vector<16xi32>
      %mul3A_700 = arith.constant 16 : i32
      %mul3A_701 = arith.muli %scan3A_695, %mul3A_700 : i32
      %add3A_702 = arith.constant 2400 : i32
      %add3A_703 = arith.addi %add3A_702, %mul3A_701 : i32
      %get3A = arith.index_cast %add3A_703 : i32 to index
      %get3A_704 = tpu.vector_load %arg5[%get3A] {strides = array<i32>} : memref<6400xi32, #tpu.memory_space<vmem>>, vector<16xi32>,
      %jit3A = arith.constant 50 : i32
      %div3A = vector.broadcast %jit3A : i32 to vector<16xi32>
      %div3A_705 = arith.divsi %add3A_699, %div3A : vector<16xi32>
      %sign3A = arith.constant 0 : i32
      %sign3A_706 = vector.broadcast %sign3A : i32 to vector<16xi32>
      %sign3A_707 = arith.cmpi sgt, %add3A_699, %sign3A_706 : vector<16xi32>
      %sign3A_708 = arith.extui %sign3A_707 : vector<16xi1> to vector<16xi32>
      %sign3A_709 = arith.constant 0 : i32
      %sign3A_710 = vector.broadcast %sign3A_709 : i32 to vector<16xi32>
      %sign3A_711 = arith.cmpi slt, %add3A_699, %sign3A_710 : vector<16xi32>
      %sign3A_712 = arith.extui %sign3A_711 : vector<16xi1> to vector<16xi32>
      %sign3A_713 = arith.subi %sign3A_708, %sign3A_712 : vector<16xi32>
      %sign3A_714 = arith.constant 0 : i32
      %sign3A_715 = arith.cmpi sgt, %jit3A, %sign3A_714 : i32
      %sign3A_716 = arith.extui %sign3A_715 : i1 to i32
      %sign3A_717 = arith.constant 0 : i32
      %sign3A_718 = arith.cmpi slt, %jit3A, %sign3A_717 : i32
      %sign3A_719 = arith.extui %sign3A_718 : i1 to i32
      %sign3A_720 = arith.subi %sign3A_716, %sign3A_719 : i32
      %ne3A = vector.broadcast %sign3A_720 : i32 to vector<16xi32>
      %ne3A_721 = arith.cmpi ne, %sign3A_713, %ne3A : vector<16xi32>
      %rem3A = vector.broadcast %jit3A : i32 to vector<16xi32>
      %rem3A_722 = arith.remsi %add3A_699, %rem3A : vector<16xi32>
      %ne3A_723 = arith.constant 0 : i32
      %ne3A_724 = vector.broadcast %ne3A_723 : i32 to vector<16xi32>
      %ne3A_725 = arith.cmpi ne, %rem3A_722, %ne3A_724 : vector<16xi32>
      %and3A = arith.andi %ne3A_721, %ne3A_725 : vector<16xi1>
      %sub3A = arith.constant 1 : i32
      %sub3A_726 = vector.broadcast %sub3A : i32 to vector<16xi32>
      %sub3A_727 = arith.subi %div3A_705, %sub3A_726 : vector<16xi32>
      %select_n3A = arith.select %and3A, %sub3A_727, %div3A_705 : vector<16xi1>, vector<16xi32>
      %jit3A_728 = arith.constant 50 : i32
      %eq3A = arith.constant 0 : i32
      %eq3A_729 = arith.cmpi eq, %jit3A_728, %eq3A : i32
      %jit3A_730 = arith.constant 1 : i32
      %select_n3A_731 = arith.select %eq3A_729, %jit3A_730, %jit3A_728 : i32
      %rem3A_732 = vector.broadcast %select_n3A_731 : i32 to vector<16xi32>
      %rem3A_733 = arith.remsi %add3A_699, %rem3A_732 : vector<16xi32>
      %ne3A_734 = arith.constant 0 : i32
      %ne3A_735 = vector.broadcast %ne3A_734 : i32 to vector<16xi32>
      %ne3A_736 = arith.cmpi ne, %rem3A_733, %ne3A_735 : vector<16xi32>
      %lt3A = arith.constant 0 : i32
      %lt3A_737 = vector.broadcast %lt3A : i32 to vector<16xi32>
      %lt3A_738 = arith.cmpi slt, %rem3A_733, %lt3A_737 : vector<16xi32>
      %lt3A_739 = arith.constant 0 : i32
      %lt3A_740 = arith.cmpi slt, %select_n3A_731, %lt3A_739 : i32
      %ne3A_741 = vector.broadcast %lt3A_740 : i1 to vector<16xi1>
      %ne3A_742 = vector.broadcast %ne3A_741 : vector<16xi1> to vector<16xi1>
      %ne3A_743 = arith.xori %lt3A_738, %ne3A_742 : vector<16xi1>
      %and3A_744 = arith.andi %ne3A_743, %ne3A_736 : vector<16xi1>
      %add3A_745 = vector.broadcast %select_n3A_731 : i32 to vector<16xi32>
      %add3A_746 = arith.addi %rem3A_733, %add3A_745 : vector<16xi32>
      %select_n3A_747 = arith.select %and3A_744, %add3A_746, %rem3A_733 : vector<16xi1>, vector<16xi32>
      tpu.vector_store_idx %arg6[%select_n3A, %select_n3A_747, %get3A_704], %broadcast_in_dim3A_3 : memref<8x56x128xf32, #tpu.memory_space<vmem>>[vector<16xi32>, vector<16xi32>, vector<16xi32>], vector<16xf32>,
    }
    %scan3A_252 = arith.constant 25 : i32
    %mul3A_253 = arith.constant 128 : i32
    %mul3A_254 = arith.muli %add3A, %mul3A_253 : i32
    %add3A_255 = arith.constant 48 : i32
    %add3A_256 = arith.addi %mul3A_254, %add3A_255 : i32
    %dma_start3A_257 = arith.constant 0 : i32
    %dma_start3A_258 = arith.constant 0 : i32
    %dma_start3A_259 = arith.constant 0 : i32
    %dma_start3A_260 = tpu.memref_slice %arg6[%dma_start3A_257, %dma_start3A_258, %dma_start3A_259] : memref<8x56x128xf32, #tpu.memory_space<vmem>> -> memref<8x50x128xf32, #tpu.memory_space<vmem>>
    %dma_start3A_261 = arith.constant 0 : i32
    %dma_start3A_262 = arith.constant 0 : i32
    %dma_start3A_263 = tpu.memref_slice %arg4[%add3A_256, %dma_start3A_261, %dma_start3A_262] : memref<4096x50x128xf32, #tpu.memory_space<hbm>> -> memref<8x50x128xf32, #tpu.memory_space<hbm>>
    %dma_start3A_264 = arith.constant 0 : i32
    %dma_start3A_265 = arith.constant 0 : i32
    %dma_start3A_266 = tpu.memref_slice %arg4[%add3A_256, %dma_start3A_264, %dma_start3A_265] : memref<4096x50x128xf32, #tpu.memory_space<hbm>> -> memref<8x50x128xf32, #tpu.memory_space<hbm>>
    %dma_start3A_267 = arith.constant 0 : i32
    %dma_start3A_268 = arith.constant 0 : i32
    %dma_start3A_269 = arith.constant 0 : i32
    %dma_start3A_270 = tpu.memref_slice %arg6[%dma_start3A_267, %dma_start3A_268, %dma_start3A_269] : memref<8x56x128xf32, #tpu.memory_space<vmem>> -> memref<8x50x128xf32, #tpu.memory_space<vmem>>
    tpu.enqueue_dma source(%dma_start3A_270 : memref<8x50x128xf32, #tpu.memory_space<vmem>>) target(%dma_start3A_266 : memref<8x50x128xf32, #tpu.memory_space<hbm>>) target_semaphore(%arg8 : memref<!tpu.dma_semaphore, #tpu.memory_space<semaphore_mem>>)
    %dma_wait3A_271 = arith.constant 0 : i32
    %dma_wait3A_272 = arith.constant 0 : i32
    %dma_wait3A_273 = arith.constant 0 : i32
    %dma_wait3A_274 = tpu.memref_slice %arg7[%dma_wait3A_271, %dma_wait3A_272, %dma_wait3A_273] : memref<8x56x128xf32, #tpu.memory_space<vmem>> -> memref<8x50x128xf32, #tpu.memory_space<vmem>>
    %dma_wait3A_275 = arith.constant 0 : i32
    %dma_wait3A_276 = arith.constant 0 : i32
    %dma_wait3A_277 = tpu.memref_slice %arg4[%add3A_212, %dma_wait3A_275, %dma_wait3A_276] : memref<4096x50x128xf32, #tpu.memory_space<hbm>> -> memref<8x50x128xf32, #tpu.memory_space<hbm>>
    %dma_wait3A_278 = arith.constant 0 : i32
    %dma_wait3A_279 = arith.constant 0 : i32
    %dma_wait3A_280 = tpu.memref_slice %arg4[%add3A_212, %dma_wait3A_278, %dma_wait3A_279] : memref<4096x50x128xf32, #tpu.memory_space<hbm>> -> memref<8x50x128xf32, #tpu.memory_space<hbm>>
    %dma_wait3A_281 = arith.constant 0 : i32
    %dma_wait3A_282 = arith.constant 0 : i32
    %dma_wait3A_283 = arith.constant 0 : i32
    %dma_wait3A_284 = tpu.memref_slice %arg7[%dma_wait3A_281, %dma_wait3A_282, %dma_wait3A_283] : memref<8x56x128xf32, #tpu.memory_space<vmem>> -> memref<8x50x128xf32, #tpu.memory_space<vmem>>
    tpu.wait_dma2 semaphore(%arg9 : memref<!tpu.dma_semaphore, #tpu.memory_space<semaphore_mem>>) src(%dma_wait3A_284 : memref<8x50x128xf32, #tpu.memory_space<vmem>>) dst(%dma_wait3A_280 : memref<8x50x128xf32, #tpu.memory_space<hbm>>)
    %scan3A_285 = arith.constant 0 : i32
    %scan3A_286 = arith.constant 0 : i32
    %scan3A_287 = arith.constant 25 : i32
    %scan3A_288 = arith.addi %scan3A_286, %scan3A_287 : i32
    %scan3A_289 = arith.constant 1 : i32
    scf.for %scan3A_695 = %scan3A_286 to %scan3A_288 step %scan3A_289  : i32 {
      %mul3A_696 = arith.constant 16 : i32
      %mul3A_697 = arith.muli %scan3A_695, %mul3A_696 : i32
      %add3A_698 = vector.broadcast %mul3A_697 : i32 to vector<16xi32>
      %add3A_699 = arith.addi %add3A_698, %iota3A : vector<16xi32>
      %mul3A_700 = arith.constant 16 : i32
      %mul3A_701 = arith.muli %scan3A_695, %mul3A_700 : i32
      %add3A_702 = arith.constant 2000 : i32
      %add3A_703 = arith.addi %add3A_702, %mul3A_701 : i32
      %get3A = arith.index_cast %add3A_703 : i32 to index
      %get3A_704 = tpu.vector_load %arg5[%get3A] {strides = array<i32>} : memref<6400xi32, #tpu.memory_space<vmem>>, vector<16xi32>,
      %jit3A = arith.constant 50 : i32
      %div3A = vector.broadcast %jit3A : i32 to vector<16xi32>
      %div3A_705 = arith.divsi %add3A_699, %div3A : vector<16xi32>
      %sign3A = arith.constant 0 : i32
      %sign3A_706 = vector.broadcast %sign3A : i32 to vector<16xi32>
      %sign3A_707 = arith.cmpi sgt, %add3A_699, %sign3A_706 : vector<16xi32>
      %sign3A_708 = arith.extui %sign3A_707 : vector<16xi1> to vector<16xi32>
      %sign3A_709 = arith.constant 0 : i32
      %sign3A_710 = vector.broadcast %sign3A_709 : i32 to vector<16xi32>
      %sign3A_711 = arith.cmpi slt, %add3A_699, %sign3A_710 : vector<16xi32>
      %sign3A_712 = arith.extui %sign3A_711 : vector<16xi1> to vector<16xi32>
      %sign3A_713 = arith.subi %sign3A_708, %sign3A_712 : vector<16xi32>
      %sign3A_714 = arith.constant 0 : i32
      %sign3A_715 = arith.cmpi sgt, %jit3A, %sign3A_714 : i32
      %sign3A_716 = arith.extui %sign3A_715 : i1 to i32
      %sign3A_717 = arith.constant 0 : i32
      %sign3A_718 = arith.cmpi slt, %jit3A, %sign3A_717 : i32
      %sign3A_719 = arith.extui %sign3A_718 : i1 to i32
      %sign3A_720 = arith.subi %sign3A_716, %sign3A_719 : i32
      %ne3A = vector.broadcast %sign3A_720 : i32 to vector<16xi32>
      %ne3A_721 = arith.cmpi ne, %sign3A_713, %ne3A : vector<16xi32>
      %rem3A = vector.broadcast %jit3A : i32 to vector<16xi32>
      %rem3A_722 = arith.remsi %add3A_699, %rem3A : vector<16xi32>
      %ne3A_723 = arith.constant 0 : i32
      %ne3A_724 = vector.broadcast %ne3A_723 : i32 to vector<16xi32>
      %ne3A_725 = arith.cmpi ne, %rem3A_722, %ne3A_724 : vector<16xi32>
      %and3A = arith.andi %ne3A_721, %ne3A_725 : vector<16xi1>
      %sub3A = arith.constant 1 : i32
      %sub3A_726 = vector.broadcast %sub3A : i32 to vector<16xi32>
      %sub3A_727 = arith.subi %div3A_705, %sub3A_726 : vector<16xi32>
      %select_n3A = arith.select %and3A, %sub3A_727, %div3A_705 : vector<16xi1>, vector<16xi32>
      %jit3A_728 = arith.constant 50 : i32
      %eq3A = arith.constant 0 : i32
      %eq3A_729 = arith.cmpi eq, %jit3A_728, %eq3A : i32
      %jit3A_730 = arith.constant 1 : i32
      %select_n3A_731 = arith.select %eq3A_729, %jit3A_730, %jit3A_728 : i32
      %rem3A_732 = vector.broadcast %select_n3A_731 : i32 to vector<16xi32>
      %rem3A_733 = arith.remsi %add3A_699, %rem3A_732 : vector<16xi32>
      %ne3A_734 = arith.constant 0 : i32
      %ne3A_735 = vector.broadcast %ne3A_734 : i32 to vector<16xi32>
      %ne3A_736 = arith.cmpi ne, %rem3A_733, %ne3A_735 : vector<16xi32>
      %lt3A = arith.constant 0 : i32
      %lt3A_737 = vector.broadcast %lt3A : i32 to vector<16xi32>
      %lt3A_738 = arith.cmpi slt, %rem3A_733, %lt3A_737 : vector<16xi32>
      %lt3A_739 = arith.constant 0 : i32
      %lt3A_740 = arith.cmpi slt, %select_n3A_731, %lt3A_739 : i32
      %ne3A_741 = vector.broadcast %lt3A_740 : i1 to vector<16xi1>
      %ne3A_742 = vector.broadcast %ne3A_741 : vector<16xi1> to vector<16xi1>
      %ne3A_743 = arith.xori %lt3A_738, %ne3A_742 : vector<16xi1>
      %and3A_744 = arith.andi %ne3A_743, %ne3A_736 : vector<16xi1>
      %add3A_745 = vector.broadcast %select_n3A_731 : i32 to vector<16xi32>
      %add3A_746 = arith.addi %rem3A_733, %add3A_745 : vector<16xi32>
      %select_n3A_747 = arith.select %and3A_744, %add3A_746, %rem3A_733 : vector<16xi1>, vector<16xi32>
      tpu.vector_store_idx %arg7[%select_n3A, %select_n3A_747, %get3A_704], %broadcast_in_dim3A_5 : memref<8x56x128xf32, #tpu.memory_space<vmem>>[vector<16xi32>, vector<16xi32>, vector<16xi32>], vector<16xf32>,
    }
    %scan3A_290 = arith.constant 25 : i32
    %scan3A_291 = arith.constant 0 : i32
    %scan3A_292 = arith.constant 0 : i32
    %scan3A_293 = arith.constant 25 : i32
    %scan3A_294 = arith.addi %scan3A_292, %scan3A_293 : i32
    %scan3A_295 = arith.constant 1 : i32
    scf.for %scan3A_695 = %scan3A_292 to %scan3A_294 step %scan3A_295  : i32 {
      %mul3A_696 = arith.constant 16 : i32
      %mul3A_697 = arith.muli %scan3A_695, %mul3A_696 : i32
      %add3A_698 = vector.broadcast %mul3A_697 : i32 to vector<16xi32>
      %add3A_699 = arith.addi %add3A_698, %iota3A : vector<16xi32>
      %mul3A_700 = arith.constant 16 : i32
      %mul3A_701 = arith.muli %scan3A_695, %mul3A_700 : i32
      %add3A_702 = arith.constant 2800 : i32
      %add3A_703 = arith.addi %add3A_702, %mul3A_701 : i32
      %get3A = arith.index_cast %add3A_703 : i32 to index
      %get3A_704 = tpu.vector_load %arg5[%get3A] {strides = array<i32>} : memref<6400xi32, #tpu.memory_space<vmem>>, vector<16xi32>,
      %jit3A = arith.constant 50 : i32
      %div3A = vector.broadcast %jit3A : i32 to vector<16xi32>
      %div3A_705 = arith.divsi %add3A_699, %div3A : vector<16xi32>
      %sign3A = arith.constant 0 : i32
      %sign3A_706 = vector.broadcast %sign3A : i32 to vector<16xi32>
      %sign3A_707 = arith.cmpi sgt, %add3A_699, %sign3A_706 : vector<16xi32>
      %sign3A_708 = arith.extui %sign3A_707 : vector<16xi1> to vector<16xi32>
      %sign3A_709 = arith.constant 0 : i32
      %sign3A_710 = vector.broadcast %sign3A_709 : i32 to vector<16xi32>
      %sign3A_711 = arith.cmpi slt, %add3A_699, %sign3A_710 : vector<16xi32>
      %sign3A_712 = arith.extui %sign3A_711 : vector<16xi1> to vector<16xi32>
      %sign3A_713 = arith.subi %sign3A_708, %sign3A_712 : vector<16xi32>
      %sign3A_714 = arith.constant 0 : i32
      %sign3A_715 = arith.cmpi sgt, %jit3A, %sign3A_714 : i32
      %sign3A_716 = arith.extui %sign3A_715 : i1 to i32
      %sign3A_717 = arith.constant 0 : i32
      %sign3A_718 = arith.cmpi slt, %jit3A, %sign3A_717 : i32
      %sign3A_719 = arith.extui %sign3A_718 : i1 to i32
      %sign3A_720 = arith.subi %sign3A_716, %sign3A_719 : i32
      %ne3A = vector.broadcast %sign3A_720 : i32 to vector<16xi32>
      %ne3A_721 = arith.cmpi ne, %sign3A_713, %ne3A : vector<16xi32>
      %rem3A = vector.broadcast %jit3A : i32 to vector<16xi32>
      %rem3A_722 = arith.remsi %add3A_699, %rem3A : vector<16xi32>
      %ne3A_723 = arith.constant 0 : i32
      %ne3A_724 = vector.broadcast %ne3A_723 : i32 to vector<16xi32>
      %ne3A_725 = arith.cmpi ne, %rem3A_722, %ne3A_724 : vector<16xi32>
      %and3A = arith.andi %ne3A_721, %ne3A_725 : vector<16xi1>
      %sub3A = arith.constant 1 : i32
      %sub3A_726 = vector.broadcast %sub3A : i32 to vector<16xi32>
      %sub3A_727 = arith.subi %div3A_705, %sub3A_726 : vector<16xi32>
      %select_n3A = arith.select %and3A, %sub3A_727, %div3A_705 : vector<16xi1>, vector<16xi32>
      %jit3A_728 = arith.constant 50 : i32
      %eq3A = arith.constant 0 : i32
      %eq3A_729 = arith.cmpi eq, %jit3A_728, %eq3A : i32
      %jit3A_730 = arith.constant 1 : i32
      %select_n3A_731 = arith.select %eq3A_729, %jit3A_730, %jit3A_728 : i32
      %rem3A_732 = vector.broadcast %select_n3A_731 : i32 to vector<16xi32>
      %rem3A_733 = arith.remsi %add3A_699, %rem3A_732 : vector<16xi32>
      %ne3A_734 = arith.constant 0 : i32
      %ne3A_735 = vector.broadcast %ne3A_734 : i32 to vector<16xi32>
      %ne3A_736 = arith.cmpi ne, %rem3A_733, %ne3A_735 : vector<16xi32>
      %lt3A = arith.constant 0 : i32
      %lt3A_737 = vector.broadcast %lt3A : i32 to vector<16xi32>
      %lt3A_738 = arith.cmpi slt, %rem3A_733, %lt3A_737 : vector<16xi32>
      %lt3A_739 = arith.constant 0 : i32
      %lt3A_740 = arith.cmpi slt, %select_n3A_731, %lt3A_739 : i32
      %ne3A_741 = vector.broadcast %lt3A_740 : i1 to vector<16xi1>
      %ne3A_742 = vector.broadcast %ne3A_741 : vector<16xi1> to vector<16xi1>
      %ne3A_743 = arith.xori %lt3A_738, %ne3A_742 : vector<16xi1>
      %and3A_744 = arith.andi %ne3A_743, %ne3A_736 : vector<16xi1>
      %add3A_745 = vector.broadcast %select_n3A_731 : i32 to vector<16xi32>
      %add3A_746 = arith.addi %rem3A_733, %add3A_745 : vector<16xi32>
      %select_n3A_747 = arith.select %and3A_744, %add3A_746, %rem3A_733 : vector<16xi1>, vector<16xi32>
      tpu.vector_store_idx %arg7[%select_n3A, %select_n3A_747, %get3A_704], %broadcast_in_dim3A_3 : memref<8x56x128xf32, #tpu.memory_space<vmem>>[vector<16xi32>, vector<16xi32>, vector<16xi32>], vector<16xf32>,
    }
    %scan3A_296 = arith.constant 25 : i32
    %mul3A_297 = arith.constant 128 : i32
    %mul3A_298 = arith.muli %add3A, %mul3A_297 : i32
    %add3A_299 = arith.constant 56 : i32
    %add3A_300 = arith.addi %mul3A_298, %add3A_299 : i32
    %dma_start3A_301 = arith.constant 0 : i32
    %dma_start3A_302 = arith.constant 0 : i32
    %dma_start3A_303 = arith.constant 0 : i32
    %dma_start3A_304 = tpu.memref_slice %arg7[%dma_start3A_301, %dma_start3A_302, %dma_start3A_303] : memref<8x56x128xf32, #tpu.memory_space<vmem>> -> memref<8x50x128xf32, #tpu.memory_space<vmem>>
    %dma_start3A_305 = arith.constant 0 : i32
    %dma_start3A_306 = arith.constant 0 : i32
    %dma_start3A_307 = tpu.memref_slice %arg4[%add3A_300, %dma_start3A_305, %dma_start3A_306] : memref<4096x50x128xf32, #tpu.memory_space<hbm>> -> memref<8x50x128xf32, #tpu.memory_space<hbm>>
    %dma_start3A_308 = arith.constant 0 : i32
    %dma_start3A_309 = arith.constant 0 : i32
    %dma_start3A_310 = tpu.memref_slice %arg4[%add3A_300, %dma_start3A_308, %dma_start3A_309] : memref<4096x50x128xf32, #tpu.memory_space<hbm>> -> memref<8x50x128xf32, #tpu.memory_space<hbm>>
    %dma_start3A_311 = arith.constant 0 : i32
    %dma_start3A_312 = arith.constant 0 : i32
    %dma_start3A_313 = arith.constant 0 : i32
    %dma_start3A_314 = tpu.memref_slice %arg7[%dma_start3A_311, %dma_start3A_312, %dma_start3A_313] : memref<8x56x128xf32, #tpu.memory_space<vmem>> -> memref<8x50x128xf32, #tpu.memory_space<vmem>>
    tpu.enqueue_dma source(%dma_start3A_314 : memref<8x50x128xf32, #tpu.memory_space<vmem>>) target(%dma_start3A_310 : memref<8x50x128xf32, #tpu.memory_space<hbm>>) target_semaphore(%arg9 : memref<!tpu.dma_semaphore, #tpu.memory_space<semaphore_mem>>)
    %dma_wait3A_315 = arith.constant 0 : i32
    %dma_wait3A_316 = arith.constant 0 : i32
    %dma_wait3A_317 = arith.constant 0 : i32
    %dma_wait3A_318 = tpu.memref_slice %arg6[%dma_wait3A_315, %dma_wait3A_316, %dma_wait3A_317] : memref<8x56x128xf32, #tpu.memory_space<vmem>> -> memref<8x50x128xf32, #tpu.memory_space<vmem>>
    %dma_wait3A_319 = arith.constant 0 : i32
    %dma_wait3A_320 = arith.constant 0 : i32
    %dma_wait3A_321 = tpu.memref_slice %arg4[%add3A_256, %dma_wait3A_319, %dma_wait3A_320] : memref<4096x50x128xf32, #tpu.memory_space<hbm>> -> memref<8x50x128xf32, #tpu.memory_space<hbm>>
    %dma_wait3A_322 = arith.constant 0 : i32
    %dma_wait3A_323 = arith.constant 0 : i32
    %dma_wait3A_324 = tpu.memref_slice %arg4[%add3A_256, %dma_wait3A_322, %dma_wait3A_323] : memref<4096x50x128xf32, #tpu.memory_space<hbm>> -> memref<8x50x128xf32, #tpu.memory_space<hbm>>
    %dma_wait3A_325 = arith.constant 0 : i32
    %dma_wait3A_326 = arith.constant 0 : i32
    %dma_wait3A_327 = arith.constant 0 : i32
    %dma_wait3A_328 = tpu.memref_slice %arg6[%dma_wait3A_325, %dma_wait3A_326, %dma_wait3A_327] : memref<8x56x128xf32, #tpu.memory_space<vmem>> -> memref<8x50x128xf32, #tpu.memory_space<vmem>>
    tpu.wait_dma2 semaphore(%arg8 : memref<!tpu.dma_semaphore, #tpu.memory_space<semaphore_mem>>) src(%dma_wait3A_328 : memref<8x50x128xf32, #tpu.memory_space<vmem>>) dst(%dma_wait3A_324 : memref<8x50x128xf32, #tpu.memory_space<hbm>>)
    %scan3A_329 = arith.constant 0 : i32
    %scan3A_330 = arith.constant 0 : i32
    %scan3A_331 = arith.constant 25 : i32
    %scan3A_332 = arith.addi %scan3A_330, %scan3A_331 : i32
    %scan3A_333 = arith.constant 1 : i32
    scf.for %scan3A_695 = %scan3A_330 to %scan3A_332 step %scan3A_333  : i32 {
      %mul3A_696 = arith.constant 16 : i32
      %mul3A_697 = arith.muli %scan3A_695, %mul3A_696 : i32
      %add3A_698 = vector.broadcast %mul3A_697 : i32 to vector<16xi32>
      %add3A_699 = arith.addi %add3A_698, %iota3A : vector<16xi32>
      %mul3A_700 = arith.constant 16 : i32
      %mul3A_701 = arith.muli %scan3A_695, %mul3A_700 : i32
      %add3A_702 = arith.constant 2400 : i32
      %add3A_703 = arith.addi %add3A_702, %mul3A_701 : i32
      %get3A = arith.index_cast %add3A_703 : i32 to index
      %get3A_704 = tpu.vector_load %arg5[%get3A] {strides = array<i32>} : memref<6400xi32, #tpu.memory_space<vmem>>, vector<16xi32>,
      %jit3A = arith.constant 50 : i32
      %div3A = vector.broadcast %jit3A : i32 to vector<16xi32>
      %div3A_705 = arith.divsi %add3A_699, %div3A : vector<16xi32>
      %sign3A = arith.constant 0 : i32
      %sign3A_706 = vector.broadcast %sign3A : i32 to vector<16xi32>
      %sign3A_707 = arith.cmpi sgt, %add3A_699, %sign3A_706 : vector<16xi32>
      %sign3A_708 = arith.extui %sign3A_707 : vector<16xi1> to vector<16xi32>
      %sign3A_709 = arith.constant 0 : i32
      %sign3A_710 = vector.broadcast %sign3A_709 : i32 to vector<16xi32>
      %sign3A_711 = arith.cmpi slt, %add3A_699, %sign3A_710 : vector<16xi32>
      %sign3A_712 = arith.extui %sign3A_711 : vector<16xi1> to vector<16xi32>
      %sign3A_713 = arith.subi %sign3A_708, %sign3A_712 : vector<16xi32>
      %sign3A_714 = arith.constant 0 : i32
      %sign3A_715 = arith.cmpi sgt, %jit3A, %sign3A_714 : i32
      %sign3A_716 = arith.extui %sign3A_715 : i1 to i32
      %sign3A_717 = arith.constant 0 : i32
      %sign3A_718 = arith.cmpi slt, %jit3A, %sign3A_717 : i32
      %sign3A_719 = arith.extui %sign3A_718 : i1 to i32
      %sign3A_720 = arith.subi %sign3A_716, %sign3A_719 : i32
      %ne3A = vector.broadcast %sign3A_720 : i32 to vector<16xi32>
      %ne3A_721 = arith.cmpi ne, %sign3A_713, %ne3A : vector<16xi32>
      %rem3A = vector.broadcast %jit3A : i32 to vector<16xi32>
      %rem3A_722 = arith.remsi %add3A_699, %rem3A : vector<16xi32>
      %ne3A_723 = arith.constant 0 : i32
      %ne3A_724 = vector.broadcast %ne3A_723 : i32 to vector<16xi32>
      %ne3A_725 = arith.cmpi ne, %rem3A_722, %ne3A_724 : vector<16xi32>
      %and3A = arith.andi %ne3A_721, %ne3A_725 : vector<16xi1>
      %sub3A = arith.constant 1 : i32
      %sub3A_726 = vector.broadcast %sub3A : i32 to vector<16xi32>
      %sub3A_727 = arith.subi %div3A_705, %sub3A_726 : vector<16xi32>
      %select_n3A = arith.select %and3A, %sub3A_727, %div3A_705 : vector<16xi1>, vector<16xi32>
      %jit3A_728 = arith.constant 50 : i32
      %eq3A = arith.constant 0 : i32
      %eq3A_729 = arith.cmpi eq, %jit3A_728, %eq3A : i32
      %jit3A_730 = arith.constant 1 : i32
      %select_n3A_731 = arith.select %eq3A_729, %jit3A_730, %jit3A_728 : i32
      %rem3A_732 = vector.broadcast %select_n3A_731 : i32 to vector<16xi32>
      %rem3A_733 = arith.remsi %add3A_699, %rem3A_732 : vector<16xi32>
      %ne3A_734 = arith.constant 0 : i32
      %ne3A_735 = vector.broadcast %ne3A_734 : i32 to vector<16xi32>
      %ne3A_736 = arith.cmpi ne, %rem3A_733, %ne3A_735 : vector<16xi32>
      %lt3A = arith.constant 0 : i32
      %lt3A_737 = vector.broadcast %lt3A : i32 to vector<16xi32>
      %lt3A_738 = arith.cmpi slt, %rem3A_733, %lt3A_737 : vector<16xi32>
      %lt3A_739 = arith.constant 0 : i32
      %lt3A_740 = arith.cmpi slt, %select_n3A_731, %lt3A_739 : i32
      %ne3A_741 = vector.broadcast %lt3A_740 : i1 to vector<16xi1>
      %ne3A_742 = vector.broadcast %ne3A_741 : vector<16xi1> to vector<16xi1>
      %ne3A_743 = arith.xori %lt3A_738, %ne3A_742 : vector<16xi1>
      %and3A_744 = arith.andi %ne3A_743, %ne3A_736 : vector<16xi1>
      %add3A_745 = vector.broadcast %select_n3A_731 : i32 to vector<16xi32>
      %add3A_746 = arith.addi %rem3A_733, %add3A_745 : vector<16xi32>
      %select_n3A_747 = arith.select %and3A_744, %add3A_746, %rem3A_733 : vector<16xi1>, vector<16xi32>
      tpu.vector_store_idx %arg6[%select_n3A, %select_n3A_747, %get3A_704], %broadcast_in_dim3A_5 : memref<8x56x128xf32, #tpu.memory_space<vmem>>[vector<16xi32>, vector<16xi32>, vector<16xi32>], vector<16xf32>,
    }
    %scan3A_334 = arith.constant 25 : i32
    %scan3A_335 = arith.constant 0 : i32
    %scan3A_336 = arith.constant 0 : i32
    %scan3A_337 = arith.constant 25 : i32
    %scan3A_338 = arith.addi %scan3A_336, %scan3A_337 : i32
    %scan3A_339 = arith.constant 1 : i32
    scf.for %scan3A_695 = %scan3A_336 to %scan3A_338 step %scan3A_339  : i32 {
      %mul3A_696 = arith.constant 16 : i32
      %mul3A_697 = arith.muli %scan3A_695, %mul3A_696 : i32
      %add3A_698 = vector.broadcast %mul3A_697 : i32 to vector<16xi32>
      %add3A_699 = arith.addi %add3A_698, %iota3A : vector<16xi32>
      %mul3A_700 = arith.constant 16 : i32
      %mul3A_701 = arith.muli %scan3A_695, %mul3A_700 : i32
      %add3A_702 = arith.constant 3200 : i32
      %add3A_703 = arith.addi %add3A_702, %mul3A_701 : i32
      %get3A = arith.index_cast %add3A_703 : i32 to index
      %get3A_704 = tpu.vector_load %arg5[%get3A] {strides = array<i32>} : memref<6400xi32, #tpu.memory_space<vmem>>, vector<16xi32>,
      %jit3A = arith.constant 50 : i32
      %div3A = vector.broadcast %jit3A : i32 to vector<16xi32>
      %div3A_705 = arith.divsi %add3A_699, %div3A : vector<16xi32>
      %sign3A = arith.constant 0 : i32
      %sign3A_706 = vector.broadcast %sign3A : i32 to vector<16xi32>
      %sign3A_707 = arith.cmpi sgt, %add3A_699, %sign3A_706 : vector<16xi32>
      %sign3A_708 = arith.extui %sign3A_707 : vector<16xi1> to vector<16xi32>
      %sign3A_709 = arith.constant 0 : i32
      %sign3A_710 = vector.broadcast %sign3A_709 : i32 to vector<16xi32>
      %sign3A_711 = arith.cmpi slt, %add3A_699, %sign3A_710 : vector<16xi32>
      %sign3A_712 = arith.extui %sign3A_711 : vector<16xi1> to vector<16xi32>
      %sign3A_713 = arith.subi %sign3A_708, %sign3A_712 : vector<16xi32>
      %sign3A_714 = arith.constant 0 : i32
      %sign3A_715 = arith.cmpi sgt, %jit3A, %sign3A_714 : i32
      %sign3A_716 = arith.extui %sign3A_715 : i1 to i32
      %sign3A_717 = arith.constant 0 : i32
      %sign3A_718 = arith.cmpi slt, %jit3A, %sign3A_717 : i32
      %sign3A_719 = arith.extui %sign3A_718 : i1 to i32
      %sign3A_720 = arith.subi %sign3A_716, %sign3A_719 : i32
      %ne3A = vector.broadcast %sign3A_720 : i32 to vector<16xi32>
      %ne3A_721 = arith.cmpi ne, %sign3A_713, %ne3A : vector<16xi32>
      %rem3A = vector.broadcast %jit3A : i32 to vector<16xi32>
      %rem3A_722 = arith.remsi %add3A_699, %rem3A : vector<16xi32>
      %ne3A_723 = arith.constant 0 : i32
      %ne3A_724 = vector.broadcast %ne3A_723 : i32 to vector<16xi32>
      %ne3A_725 = arith.cmpi ne, %rem3A_722, %ne3A_724 : vector<16xi32>
      %and3A = arith.andi %ne3A_721, %ne3A_725 : vector<16xi1>
      %sub3A = arith.constant 1 : i32
      %sub3A_726 = vector.broadcast %sub3A : i32 to vector<16xi32>
      %sub3A_727 = arith.subi %div3A_705, %sub3A_726 : vector<16xi32>
      %select_n3A = arith.select %and3A, %sub3A_727, %div3A_705 : vector<16xi1>, vector<16xi32>
      %jit3A_728 = arith.constant 50 : i32
      %eq3A = arith.constant 0 : i32
      %eq3A_729 = arith.cmpi eq, %jit3A_728, %eq3A : i32
      %jit3A_730 = arith.constant 1 : i32
      %select_n3A_731 = arith.select %eq3A_729, %jit3A_730, %jit3A_728 : i32
      %rem3A_732 = vector.broadcast %select_n3A_731 : i32 to vector<16xi32>
      %rem3A_733 = arith.remsi %add3A_699, %rem3A_732 : vector<16xi32>
      %ne3A_734 = arith.constant 0 : i32
      %ne3A_735 = vector.broadcast %ne3A_734 : i32 to vector<16xi32>
      %ne3A_736 = arith.cmpi ne, %rem3A_733, %ne3A_735 : vector<16xi32>
      %lt3A = arith.constant 0 : i32
      %lt3A_737 = vector.broadcast %lt3A : i32 to vector<16xi32>
      %lt3A_738 = arith.cmpi slt, %rem3A_733, %lt3A_737 : vector<16xi32>
      %lt3A_739 = arith.constant 0 : i32
      %lt3A_740 = arith.cmpi slt, %select_n3A_731, %lt3A_739 : i32
      %ne3A_741 = vector.broadcast %lt3A_740 : i1 to vector<16xi1>
      %ne3A_742 = vector.broadcast %ne3A_741 : vector<16xi1> to vector<16xi1>
      %ne3A_743 = arith.xori %lt3A_738, %ne3A_742 : vector<16xi1>
      %and3A_744 = arith.andi %ne3A_743, %ne3A_736 : vector<16xi1>
      %add3A_745 = vector.broadcast %select_n3A_731 : i32 to vector<16xi32>
      %add3A_746 = arith.addi %rem3A_733, %add3A_745 : vector<16xi32>
      %select_n3A_747 = arith.select %and3A_744, %add3A_746, %rem3A_733 : vector<16xi1>, vector<16xi32>
      tpu.vector_store_idx %arg6[%select_n3A, %select_n3A_747, %get3A_704], %broadcast_in_dim3A_3 : memref<8x56x128xf32, #tpu.memory_space<vmem>>[vector<16xi32>, vector<16xi32>, vector<16xi32>], vector<16xf32>,
    }
    %scan3A_340 = arith.constant 25 : i32
    %mul3A_341 = arith.constant 128 : i32
    %mul3A_342 = arith.muli %add3A, %mul3A_341 : i32
    %add3A_343 = arith.constant 64 : i32
    %add3A_344 = arith.addi %mul3A_342, %add3A_343 : i32
    %dma_start3A_345 = arith.constant 0 : i32
    %dma_start3A_346 = arith.constant 0 : i32
    %dma_start3A_347 = arith.constant 0 : i32
    %dma_start3A_348 = tpu.memref_slice %arg6[%dma_start3A_345, %dma_start3A_346, %dma_start3A_347] : memref<8x56x128xf32, #tpu.memory_space<vmem>> -> memref<8x50x128xf32, #tpu.memory_space<vmem>>
    %dma_start3A_349 = arith.constant 0 : i32
    %dma_start3A_350 = arith.constant 0 : i32
    %dma_start3A_351 = tpu.memref_slice %arg4[%add3A_344, %dma_start3A_349, %dma_start3A_350] : memref<4096x50x128xf32, #tpu.memory_space<hbm>> -> memref<8x50x128xf32, #tpu.memory_space<hbm>>
    %dma_start3A_352 = arith.constant 0 : i32
    %dma_start3A_353 = arith.constant 0 : i32
    %dma_start3A_354 = tpu.memref_slice %arg4[%add3A_344, %dma_start3A_352, %dma_start3A_353] : memref<4096x50x128xf32, #tpu.memory_space<hbm>> -> memref<8x50x128xf32, #tpu.memory_space<hbm>>
    %dma_start3A_355 = arith.constant 0 : i32
    %dma_start3A_356 = arith.constant 0 : i32
    %dma_start3A_357 = arith.constant 0 : i32
    %dma_start3A_358 = tpu.memref_slice %arg6[%dma_start3A_355, %dma_start3A_356, %dma_start3A_357] : memref<8x56x128xf32, #tpu.memory_space<vmem>> -> memref<8x50x128xf32, #tpu.memory_space<vmem>>
    tpu.enqueue_dma source(%dma_start3A_358 : memref<8x50x128xf32, #tpu.memory_space<vmem>>) target(%dma_start3A_354 : memref<8x50x128xf32, #tpu.memory_space<hbm>>) target_semaphore(%arg8 : memref<!tpu.dma_semaphore, #tpu.memory_space<semaphore_mem>>)
    %dma_wait3A_359 = arith.constant 0 : i32
    %dma_wait3A_360 = arith.constant 0 : i32
    %dma_wait3A_361 = arith.constant 0 : i32
    %dma_wait3A_362 = tpu.memref_slice %arg7[%dma_wait3A_359, %dma_wait3A_360, %dma_wait3A_361] : memref<8x56x128xf32, #tpu.memory_space<vmem>> -> memref<8x50x128xf32, #tpu.memory_space<vmem>>
    %dma_wait3A_363 = arith.constant 0 : i32
    %dma_wait3A_364 = arith.constant 0 : i32
    %dma_wait3A_365 = tpu.memref_slice %arg4[%add3A_300, %dma_wait3A_363, %dma_wait3A_364] : memref<4096x50x128xf32, #tpu.memory_space<hbm>> -> memref<8x50x128xf32, #tpu.memory_space<hbm>>
    %dma_wait3A_366 = arith.constant 0 : i32
    %dma_wait3A_367 = arith.constant 0 : i32
    %dma_wait3A_368 = tpu.memref_slice %arg4[%add3A_300, %dma_wait3A_366, %dma_wait3A_367] : memref<4096x50x128xf32, #tpu.memory_space<hbm>> -> memref<8x50x128xf32, #tpu.memory_space<hbm>>
    %dma_wait3A_369 = arith.constant 0 : i32
    %dma_wait3A_370 = arith.constant 0 : i32
    %dma_wait3A_371 = arith.constant 0 : i32
    %dma_wait3A_372 = tpu.memref_slice %arg7[%dma_wait3A_369, %dma_wait3A_370, %dma_wait3A_371] : memref<8x56x128xf32, #tpu.memory_space<vmem>> -> memref<8x50x128xf32, #tpu.memory_space<vmem>>
    tpu.wait_dma2 semaphore(%arg9 : memref<!tpu.dma_semaphore, #tpu.memory_space<semaphore_mem>>) src(%dma_wait3A_372 : memref<8x50x128xf32, #tpu.memory_space<vmem>>) dst(%dma_wait3A_368 : memref<8x50x128xf32, #tpu.memory_space<hbm>>)
    %scan3A_373 = arith.constant 0 : i32
    %scan3A_374 = arith.constant 0 : i32
    %scan3A_375 = arith.constant 25 : i32
    %scan3A_376 = arith.addi %scan3A_374, %scan3A_375 : i32
    %scan3A_377 = arith.constant 1 : i32
    scf.for %scan3A_695 = %scan3A_374 to %scan3A_376 step %scan3A_377  : i32 {
      %mul3A_696 = arith.constant 16 : i32
      %mul3A_697 = arith.muli %scan3A_695, %mul3A_696 : i32
      %add3A_698 = vector.broadcast %mul3A_697 : i32 to vector<16xi32>
      %add3A_699 = arith.addi %add3A_698, %iota3A : vector<16xi32>
      %mul3A_700 = arith.constant 16 : i32
      %mul3A_701 = arith.muli %scan3A_695, %mul3A_700 : i32
      %add3A_702 = arith.constant 2800 : i32
      %add3A_703 = arith.addi %add3A_702, %mul3A_701 : i32
      %get3A = arith.index_cast %add3A_703 : i32 to index
      %get3A_704 = tpu.vector_load %arg5[%get3A] {strides = array<i32>} : memref<6400xi32, #tpu.memory_space<vmem>>, vector<16xi32>,
      %jit3A = arith.constant 50 : i32
      %div3A = vector.broadcast %jit3A : i32 to vector<16xi32>
      %div3A_705 = arith.divsi %add3A_699, %div3A : vector<16xi32>
      %sign3A = arith.constant 0 : i32
      %sign3A_706 = vector.broadcast %sign3A : i32 to vector<16xi32>
      %sign3A_707 = arith.cmpi sgt, %add3A_699, %sign3A_706 : vector<16xi32>
      %sign3A_708 = arith.extui %sign3A_707 : vector<16xi1> to vector<16xi32>
      %sign3A_709 = arith.constant 0 : i32
      %sign3A_710 = vector.broadcast %sign3A_709 : i32 to vector<16xi32>
      %sign3A_711 = arith.cmpi slt, %add3A_699, %sign3A_710 : vector<16xi32>
      %sign3A_712 = arith.extui %sign3A_711 : vector<16xi1> to vector<16xi32>
      %sign3A_713 = arith.subi %sign3A_708, %sign3A_712 : vector<16xi32>
      %sign3A_714 = arith.constant 0 : i32
      %sign3A_715 = arith.cmpi sgt, %jit3A, %sign3A_714 : i32
      %sign3A_716 = arith.extui %sign3A_715 : i1 to i32
      %sign3A_717 = arith.constant 0 : i32
      %sign3A_718 = arith.cmpi slt, %jit3A, %sign3A_717 : i32
      %sign3A_719 = arith.extui %sign3A_718 : i1 to i32
      %sign3A_720 = arith.subi %sign3A_716, %sign3A_719 : i32
      %ne3A = vector.broadcast %sign3A_720 : i32 to vector<16xi32>
      %ne3A_721 = arith.cmpi ne, %sign3A_713, %ne3A : vector<16xi32>
      %rem3A = vector.broadcast %jit3A : i32 to vector<16xi32>
      %rem3A_722 = arith.remsi %add3A_699, %rem3A : vector<16xi32>
      %ne3A_723 = arith.constant 0 : i32
      %ne3A_724 = vector.broadcast %ne3A_723 : i32 to vector<16xi32>
      %ne3A_725 = arith.cmpi ne, %rem3A_722, %ne3A_724 : vector<16xi32>
      %and3A = arith.andi %ne3A_721, %ne3A_725 : vector<16xi1>
      %sub3A = arith.constant 1 : i32
      %sub3A_726 = vector.broadcast %sub3A : i32 to vector<16xi32>
      %sub3A_727 = arith.subi %div3A_705, %sub3A_726 : vector<16xi32>
      %select_n3A = arith.select %and3A, %sub3A_727, %div3A_705 : vector<16xi1>, vector<16xi32>
      %jit3A_728 = arith.constant 50 : i32
      %eq3A = arith.constant 0 : i32
      %eq3A_729 = arith.cmpi eq, %jit3A_728, %eq3A : i32
      %jit3A_730 = arith.constant 1 : i32
      %select_n3A_731 = arith.select %eq3A_729, %jit3A_730, %jit3A_728 : i32
      %rem3A_732 = vector.broadcast %select_n3A_731 : i32 to vector<16xi32>
      %rem3A_733 = arith.remsi %add3A_699, %rem3A_732 : vector<16xi32>
      %ne3A_734 = arith.constant 0 : i32
      %ne3A_735 = vector.broadcast %ne3A_734 : i32 to vector<16xi32>
      %ne3A_736 = arith.cmpi ne, %rem3A_733, %ne3A_735 : vector<16xi32>
      %lt3A = arith.constant 0 : i32
      %lt3A_737 = vector.broadcast %lt3A : i32 to vector<16xi32>
      %lt3A_738 = arith.cmpi slt, %rem3A_733, %lt3A_737 : vector<16xi32>
      %lt3A_739 = arith.constant 0 : i32
      %lt3A_740 = arith.cmpi slt, %select_n3A_731, %lt3A_739 : i32
      %ne3A_741 = vector.broadcast %lt3A_740 : i1 to vector<16xi1>
      %ne3A_742 = vector.broadcast %ne3A_741 : vector<16xi1> to vector<16xi1>
      %ne3A_743 = arith.xori %lt3A_738, %ne3A_742 : vector<16xi1>
      %and3A_744 = arith.andi %ne3A_743, %ne3A_736 : vector<16xi1>
      %add3A_745 = vector.broadcast %select_n3A_731 : i32 to vector<16xi32>
      %add3A_746 = arith.addi %rem3A_733, %add3A_745 : vector<16xi32>
      %select_n3A_747 = arith.select %and3A_744, %add3A_746, %rem3A_733 : vector<16xi1>, vector<16xi32>
      tpu.vector_store_idx %arg7[%select_n3A, %select_n3A_747, %get3A_704], %broadcast_in_dim3A_5 : memref<8x56x128xf32, #tpu.memory_space<vmem>>[vector<16xi32>, vector<16xi32>, vector<16xi32>], vector<16xf32>,
    }
    %scan3A_378 = arith.constant 25 : i32
    %scan3A_379 = arith.constant 0 : i32
    %scan3A_380 = arith.constant 0 : i32
    %scan3A_381 = arith.constant 25 : i32
    %scan3A_382 = arith.addi %scan3A_380, %scan3A_381 : i32
    %scan3A_383 = arith.constant 1 : i32
    scf.for %scan3A_695 = %scan3A_380 to %scan3A_382 step %scan3A_383  : i32 {
      %mul3A_696 = arith.constant 16 : i32
      %mul3A_697 = arith.muli %scan3A_695, %mul3A_696 : i32
      %add3A_698 = vector.broadcast %mul3A_697 : i32 to vector<16xi32>
      %add3A_699 = arith.addi %add3A_698, %iota3A : vector<16xi32>
      %mul3A_700 = arith.constant 16 : i32
      %mul3A_701 = arith.muli %scan3A_695, %mul3A_700 : i32
      %add3A_702 = arith.constant 3600 : i32
      %add3A_703 = arith.addi %add3A_702, %mul3A_701 : i32
      %get3A = arith.index_cast %add3A_703 : i32 to index
      %get3A_704 = tpu.vector_load %arg5[%get3A] {strides = array<i32>} : memref<6400xi32, #tpu.memory_space<vmem>>, vector<16xi32>,
      %jit3A = arith.constant 50 : i32
      %div3A = vector.broadcast %jit3A : i32 to vector<16xi32>
      %div3A_705 = arith.divsi %add3A_699, %div3A : vector<16xi32>
      %sign3A = arith.constant 0 : i32
      %sign3A_706 = vector.broadcast %sign3A : i32 to vector<16xi32>
      %sign3A_707 = arith.cmpi sgt, %add3A_699, %sign3A_706 : vector<16xi32>
      %sign3A_708 = arith.extui %sign3A_707 : vector<16xi1> to vector<16xi32>
      %sign3A_709 = arith.constant 0 : i32
      %sign3A_710 = vector.broadcast %sign3A_709 : i32 to vector<16xi32>
      %sign3A_711 = arith.cmpi slt, %add3A_699, %sign3A_710 : vector<16xi32>
      %sign3A_712 = arith.extui %sign3A_711 : vector<16xi1> to vector<16xi32>
      %sign3A_713 = arith.subi %sign3A_708, %sign3A_712 : vector<16xi32>
      %sign3A_714 = arith.constant 0 : i32
      %sign3A_715 = arith.cmpi sgt, %jit3A, %sign3A_714 : i32
      %sign3A_716 = arith.extui %sign3A_715 : i1 to i32
      %sign3A_717 = arith.constant 0 : i32
      %sign3A_718 = arith.cmpi slt, %jit3A, %sign3A_717 : i32
      %sign3A_719 = arith.extui %sign3A_718 : i1 to i32
      %sign3A_720 = arith.subi %sign3A_716, %sign3A_719 : i32
      %ne3A = vector.broadcast %sign3A_720 : i32 to vector<16xi32>
      %ne3A_721 = arith.cmpi ne, %sign3A_713, %ne3A : vector<16xi32>
      %rem3A = vector.broadcast %jit3A : i32 to vector<16xi32>
      %rem3A_722 = arith.remsi %add3A_699, %rem3A : vector<16xi32>
      %ne3A_723 = arith.constant 0 : i32
      %ne3A_724 = vector.broadcast %ne3A_723 : i32 to vector<16xi32>
      %ne3A_725 = arith.cmpi ne, %rem3A_722, %ne3A_724 : vector<16xi32>
      %and3A = arith.andi %ne3A_721, %ne3A_725 : vector<16xi1>
      %sub3A = arith.constant 1 : i32
      %sub3A_726 = vector.broadcast %sub3A : i32 to vector<16xi32>
      %sub3A_727 = arith.subi %div3A_705, %sub3A_726 : vector<16xi32>
      %select_n3A = arith.select %and3A, %sub3A_727, %div3A_705 : vector<16xi1>, vector<16xi32>
      %jit3A_728 = arith.constant 50 : i32
      %eq3A = arith.constant 0 : i32
      %eq3A_729 = arith.cmpi eq, %jit3A_728, %eq3A : i32
      %jit3A_730 = arith.constant 1 : i32
      %select_n3A_731 = arith.select %eq3A_729, %jit3A_730, %jit3A_728 : i32
      %rem3A_732 = vector.broadcast %select_n3A_731 : i32 to vector<16xi32>
      %rem3A_733 = arith.remsi %add3A_699, %rem3A_732 : vector<16xi32>
      %ne3A_734 = arith.constant 0 : i32
      %ne3A_735 = vector.broadcast %ne3A_734 : i32 to vector<16xi32>
      %ne3A_736 = arith.cmpi ne, %rem3A_733, %ne3A_735 : vector<16xi32>
      %lt3A = arith.constant 0 : i32
      %lt3A_737 = vector.broadcast %lt3A : i32 to vector<16xi32>
      %lt3A_738 = arith.cmpi slt, %rem3A_733, %lt3A_737 : vector<16xi32>
      %lt3A_739 = arith.constant 0 : i32
      %lt3A_740 = arith.cmpi slt, %select_n3A_731, %lt3A_739 : i32
      %ne3A_741 = vector.broadcast %lt3A_740 : i1 to vector<16xi1>
      %ne3A_742 = vector.broadcast %ne3A_741 : vector<16xi1> to vector<16xi1>
      %ne3A_743 = arith.xori %lt3A_738, %ne3A_742 : vector<16xi1>
      %and3A_744 = arith.andi %ne3A_743, %ne3A_736 : vector<16xi1>
      %add3A_745 = vector.broadcast %select_n3A_731 : i32 to vector<16xi32>
      %add3A_746 = arith.addi %rem3A_733, %add3A_745 : vector<16xi32>
      %select_n3A_747 = arith.select %and3A_744, %add3A_746, %rem3A_733 : vector<16xi1>, vector<16xi32>
      tpu.vector_store_idx %arg7[%select_n3A, %select_n3A_747, %get3A_704], %broadcast_in_dim3A_3 : memref<8x56x128xf32, #tpu.memory_space<vmem>>[vector<16xi32>, vector<16xi32>, vector<16xi32>], vector<16xf32>,
    }
    %scan3A_384 = arith.constant 25 : i32
    %mul3A_385 = arith.constant 128 : i32
    %mul3A_386 = arith.muli %add3A, %mul3A_385 : i32
    %add3A_387 = arith.constant 72 : i32
    %add3A_388 = arith.addi %mul3A_386, %add3A_387 : i32
    %dma_start3A_389 = arith.constant 0 : i32
    %dma_start3A_390 = arith.constant 0 : i32
    %dma_start3A_391 = arith.constant 0 : i32
    %dma_start3A_392 = tpu.memref_slice %arg7[%dma_start3A_389, %dma_start3A_390, %dma_start3A_391] : memref<8x56x128xf32, #tpu.memory_space<vmem>> -> memref<8x50x128xf32, #tpu.memory_space<vmem>>
    %dma_start3A_393 = arith.constant 0 : i32
    %dma_start3A_394 = arith.constant 0 : i32
    %dma_start3A_395 = tpu.memref_slice %arg4[%add3A_388, %dma_start3A_393, %dma_start3A_394] : memref<4096x50x128xf32, #tpu.memory_space<hbm>> -> memref<8x50x128xf32, #tpu.memory_space<hbm>>
    %dma_start3A_396 = arith.constant 0 : i32
    %dma_start3A_397 = arith.constant 0 : i32
    %dma_start3A_398 = tpu.memref_slice %arg4[%add3A_388, %dma_start3A_396, %dma_start3A_397] : memref<4096x50x128xf32, #tpu.memory_space<hbm>> -> memref<8x50x128xf32, #tpu.memory_space<hbm>>
    %dma_start3A_399 = arith.constant 0 : i32
    %dma_start3A_400 = arith.constant 0 : i32
    %dma_start3A_401 = arith.constant 0 : i32
    %dma_start3A_402 = tpu.memref_slice %arg7[%dma_start3A_399, %dma_start3A_400, %dma_start3A_401] : memref<8x56x128xf32, #tpu.memory_space<vmem>> -> memref<8x50x128xf32, #tpu.memory_space<vmem>>
    tpu.enqueue_dma source(%dma_start3A_402 : memref<8x50x128xf32, #tpu.memory_space<vmem>>) target(%dma_start3A_398 : memref<8x50x128xf32, #tpu.memory_space<hbm>>) target_semaphore(%arg9 : memref<!tpu.dma_semaphore, #tpu.memory_space<semaphore_mem>>)
    %dma_wait3A_403 = arith.constant 0 : i32
    %dma_wait3A_404 = arith.constant 0 : i32
    %dma_wait3A_405 = arith.constant 0 : i32
    %dma_wait3A_406 = tpu.memref_slice %arg6[%dma_wait3A_403, %dma_wait3A_404, %dma_wait3A_405] : memref<8x56x128xf32, #tpu.memory_space<vmem>> -> memref<8x50x128xf32, #tpu.memory_space<vmem>>
    %dma_wait3A_407 = arith.constant 0 : i32
    %dma_wait3A_408 = arith.constant 0 : i32
    %dma_wait3A_409 = tpu.memref_slice %arg4[%add3A_344, %dma_wait3A_407, %dma_wait3A_408] : memref<4096x50x128xf32, #tpu.memory_space<hbm>> -> memref<8x50x128xf32, #tpu.memory_space<hbm>>
    %dma_wait3A_410 = arith.constant 0 : i32
    %dma_wait3A_411 = arith.constant 0 : i32
    %dma_wait3A_412 = tpu.memref_slice %arg4[%add3A_344, %dma_wait3A_410, %dma_wait3A_411] : memref<4096x50x128xf32, #tpu.memory_space<hbm>> -> memref<8x50x128xf32, #tpu.memory_space<hbm>>
    %dma_wait3A_413 = arith.constant 0 : i32
    %dma_wait3A_414 = arith.constant 0 : i32
    %dma_wait3A_415 = arith.constant 0 : i32
    %dma_wait3A_416 = tpu.memref_slice %arg6[%dma_wait3A_413, %dma_wait3A_414, %dma_wait3A_415] : memref<8x56x128xf32, #tpu.memory_space<vmem>> -> memref<8x50x128xf32, #tpu.memory_space<vmem>>
    tpu.wait_dma2 semaphore(%arg8 : memref<!tpu.dma_semaphore, #tpu.memory_space<semaphore_mem>>) src(%dma_wait3A_416 : memref<8x50x128xf32, #tpu.memory_space<vmem>>) dst(%dma_wait3A_412 : memref<8x50x128xf32, #tpu.memory_space<hbm>>)
    %scan3A_417 = arith.constant 0 : i32
    %scan3A_418 = arith.constant 0 : i32
    %scan3A_419 = arith.constant 25 : i32
    %scan3A_420 = arith.addi %scan3A_418, %scan3A_419 : i32
    %scan3A_421 = arith.constant 1 : i32
    scf.for %scan3A_695 = %scan3A_418 to %scan3A_420 step %scan3A_421  : i32 {
      %mul3A_696 = arith.constant 16 : i32
      %mul3A_697 = arith.muli %scan3A_695, %mul3A_696 : i32
      %add3A_698 = vector.broadcast %mul3A_697 : i32 to vector<16xi32>
      %add3A_699 = arith.addi %add3A_698, %iota3A : vector<16xi32>
      %mul3A_700 = arith.constant 16 : i32
      %mul3A_701 = arith.muli %scan3A_695, %mul3A_700 : i32
      %add3A_702 = arith.constant 3200 : i32
      %add3A_703 = arith.addi %add3A_702, %mul3A_701 : i32
      %get3A = arith.index_cast %add3A_703 : i32 to index
      %get3A_704 = tpu.vector_load %arg5[%get3A] {strides = array<i32>} : memref<6400xi32, #tpu.memory_space<vmem>>, vector<16xi32>,
      %jit3A = arith.constant 50 : i32
      %div3A = vector.broadcast %jit3A : i32 to vector<16xi32>
      %div3A_705 = arith.divsi %add3A_699, %div3A : vector<16xi32>
      %sign3A = arith.constant 0 : i32
      %sign3A_706 = vector.broadcast %sign3A : i32 to vector<16xi32>
      %sign3A_707 = arith.cmpi sgt, %add3A_699, %sign3A_706 : vector<16xi32>
      %sign3A_708 = arith.extui %sign3A_707 : vector<16xi1> to vector<16xi32>
      %sign3A_709 = arith.constant 0 : i32
      %sign3A_710 = vector.broadcast %sign3A_709 : i32 to vector<16xi32>
      %sign3A_711 = arith.cmpi slt, %add3A_699, %sign3A_710 : vector<16xi32>
      %sign3A_712 = arith.extui %sign3A_711 : vector<16xi1> to vector<16xi32>
      %sign3A_713 = arith.subi %sign3A_708, %sign3A_712 : vector<16xi32>
      %sign3A_714 = arith.constant 0 : i32
      %sign3A_715 = arith.cmpi sgt, %jit3A, %sign3A_714 : i32
      %sign3A_716 = arith.extui %sign3A_715 : i1 to i32
      %sign3A_717 = arith.constant 0 : i32
      %sign3A_718 = arith.cmpi slt, %jit3A, %sign3A_717 : i32
      %sign3A_719 = arith.extui %sign3A_718 : i1 to i32
      %sign3A_720 = arith.subi %sign3A_716, %sign3A_719 : i32
      %ne3A = vector.broadcast %sign3A_720 : i32 to vector<16xi32>
      %ne3A_721 = arith.cmpi ne, %sign3A_713, %ne3A : vector<16xi32>
      %rem3A = vector.broadcast %jit3A : i32 to vector<16xi32>
      %rem3A_722 = arith.remsi %add3A_699, %rem3A : vector<16xi32>
      %ne3A_723 = arith.constant 0 : i32
      %ne3A_724 = vector.broadcast %ne3A_723 : i32 to vector<16xi32>
      %ne3A_725 = arith.cmpi ne, %rem3A_722, %ne3A_724 : vector<16xi32>
      %and3A = arith.andi %ne3A_721, %ne3A_725 : vector<16xi1>
      %sub3A = arith.constant 1 : i32
      %sub3A_726 = vector.broadcast %sub3A : i32 to vector<16xi32>
      %sub3A_727 = arith.subi %div3A_705, %sub3A_726 : vector<16xi32>
      %select_n3A = arith.select %and3A, %sub3A_727, %div3A_705 : vector<16xi1>, vector<16xi32>
      %jit3A_728 = arith.constant 50 : i32
      %eq3A = arith.constant 0 : i32
      %eq3A_729 = arith.cmpi eq, %jit3A_728, %eq3A : i32
      %jit3A_730 = arith.constant 1 : i32
      %select_n3A_731 = arith.select %eq3A_729, %jit3A_730, %jit3A_728 : i32
      %rem3A_732 = vector.broadcast %select_n3A_731 : i32 to vector<16xi32>
      %rem3A_733 = arith.remsi %add3A_699, %rem3A_732 : vector<16xi32>
      %ne3A_734 = arith.constant 0 : i32
      %ne3A_735 = vector.broadcast %ne3A_734 : i32 to vector<16xi32>
      %ne3A_736 = arith.cmpi ne, %rem3A_733, %ne3A_735 : vector<16xi32>
      %lt3A = arith.constant 0 : i32
      %lt3A_737 = vector.broadcast %lt3A : i32 to vector<16xi32>
      %lt3A_738 = arith.cmpi slt, %rem3A_733, %lt3A_737 : vector<16xi32>
      %lt3A_739 = arith.constant 0 : i32
      %lt3A_740 = arith.cmpi slt, %select_n3A_731, %lt3A_739 : i32
      %ne3A_741 = vector.broadcast %lt3A_740 : i1 to vector<16xi1>
      %ne3A_742 = vector.broadcast %ne3A_741 : vector<16xi1> to vector<16xi1>
      %ne3A_743 = arith.xori %lt3A_738, %ne3A_742 : vector<16xi1>
      %and3A_744 = arith.andi %ne3A_743, %ne3A_736 : vector<16xi1>
      %add3A_745 = vector.broadcast %select_n3A_731 : i32 to vector<16xi32>
      %add3A_746 = arith.addi %rem3A_733, %add3A_745 : vector<16xi32>
      %select_n3A_747 = arith.select %and3A_744, %add3A_746, %rem3A_733 : vector<16xi1>, vector<16xi32>
      tpu.vector_store_idx %arg6[%select_n3A, %select_n3A_747, %get3A_704], %broadcast_in_dim3A_5 : memref<8x56x128xf32, #tpu.memory_space<vmem>>[vector<16xi32>, vector<16xi32>, vector<16xi32>], vector<16xf32>,
    }
    %scan3A_422 = arith.constant 25 : i32
    %scan3A_423 = arith.constant 0 : i32
    %scan3A_424 = arith.constant 0 : i32
    %scan3A_425 = arith.constant 25 : i32
    %scan3A_426 = arith.addi %scan3A_424, %scan3A_425 : i32
    %scan3A_427 = arith.constant 1 : i32
    scf.for %scan3A_695 = %scan3A_424 to %scan3A_426 step %scan3A_427  : i32 {
      %mul3A_696 = arith.constant 16 : i32
      %mul3A_697 = arith.muli %scan3A_695, %mul3A_696 : i32
      %add3A_698 = vector.broadcast %mul3A_697 : i32 to vector<16xi32>
      %add3A_699 = arith.addi %add3A_698, %iota3A : vector<16xi32>
      %mul3A_700 = arith.constant 16 : i32
      %mul3A_701 = arith.muli %scan3A_695, %mul3A_700 : i32
      %add3A_702 = arith.constant 4000 : i32
      %add3A_703 = arith.addi %add3A_702, %mul3A_701 : i32
      %get3A = arith.index_cast %add3A_703 : i32 to index
      %get3A_704 = tpu.vector_load %arg5[%get3A] {strides = array<i32>} : memref<6400xi32, #tpu.memory_space<vmem>>, vector<16xi32>,
      %jit3A = arith.constant 50 : i32
      %div3A = vector.broadcast %jit3A : i32 to vector<16xi32>
      %div3A_705 = arith.divsi %add3A_699, %div3A : vector<16xi32>
      %sign3A = arith.constant 0 : i32
      %sign3A_706 = vector.broadcast %sign3A : i32 to vector<16xi32>
      %sign3A_707 = arith.cmpi sgt, %add3A_699, %sign3A_706 : vector<16xi32>
      %sign3A_708 = arith.extui %sign3A_707 : vector<16xi1> to vector<16xi32>
      %sign3A_709 = arith.constant 0 : i32
      %sign3A_710 = vector.broadcast %sign3A_709 : i32 to vector<16xi32>
      %sign3A_711 = arith.cmpi slt, %add3A_699, %sign3A_710 : vector<16xi32>
      %sign3A_712 = arith.extui %sign3A_711 : vector<16xi1> to vector<16xi32>
      %sign3A_713 = arith.subi %sign3A_708, %sign3A_712 : vector<16xi32>
      %sign3A_714 = arith.constant 0 : i32
      %sign3A_715 = arith.cmpi sgt, %jit3A, %sign3A_714 : i32
      %sign3A_716 = arith.extui %sign3A_715 : i1 to i32
      %sign3A_717 = arith.constant 0 : i32
      %sign3A_718 = arith.cmpi slt, %jit3A, %sign3A_717 : i32
      %sign3A_719 = arith.extui %sign3A_718 : i1 to i32
      %sign3A_720 = arith.subi %sign3A_716, %sign3A_719 : i32
      %ne3A = vector.broadcast %sign3A_720 : i32 to vector<16xi32>
      %ne3A_721 = arith.cmpi ne, %sign3A_713, %ne3A : vector<16xi32>
      %rem3A = vector.broadcast %jit3A : i32 to vector<16xi32>
      %rem3A_722 = arith.remsi %add3A_699, %rem3A : vector<16xi32>
      %ne3A_723 = arith.constant 0 : i32
      %ne3A_724 = vector.broadcast %ne3A_723 : i32 to vector<16xi32>
      %ne3A_725 = arith.cmpi ne, %rem3A_722, %ne3A_724 : vector<16xi32>
      %and3A = arith.andi %ne3A_721, %ne3A_725 : vector<16xi1>
      %sub3A = arith.constant 1 : i32
      %sub3A_726 = vector.broadcast %sub3A : i32 to vector<16xi32>
      %sub3A_727 = arith.subi %div3A_705, %sub3A_726 : vector<16xi32>
      %select_n3A = arith.select %and3A, %sub3A_727, %div3A_705 : vector<16xi1>, vector<16xi32>
      %jit3A_728 = arith.constant 50 : i32
      %eq3A = arith.constant 0 : i32
      %eq3A_729 = arith.cmpi eq, %jit3A_728, %eq3A : i32
      %jit3A_730 = arith.constant 1 : i32
      %select_n3A_731 = arith.select %eq3A_729, %jit3A_730, %jit3A_728 : i32
      %rem3A_732 = vector.broadcast %select_n3A_731 : i32 to vector<16xi32>
      %rem3A_733 = arith.remsi %add3A_699, %rem3A_732 : vector<16xi32>
      %ne3A_734 = arith.constant 0 : i32
      %ne3A_735 = vector.broadcast %ne3A_734 : i32 to vector<16xi32>
      %ne3A_736 = arith.cmpi ne, %rem3A_733, %ne3A_735 : vector<16xi32>
      %lt3A = arith.constant 0 : i32
      %lt3A_737 = vector.broadcast %lt3A : i32 to vector<16xi32>
      %lt3A_738 = arith.cmpi slt, %rem3A_733, %lt3A_737 : vector<16xi32>
      %lt3A_739 = arith.constant 0 : i32
      %lt3A_740 = arith.cmpi slt, %select_n3A_731, %lt3A_739 : i32
      %ne3A_741 = vector.broadcast %lt3A_740 : i1 to vector<16xi1>
      %ne3A_742 = vector.broadcast %ne3A_741 : vector<16xi1> to vector<16xi1>
      %ne3A_743 = arith.xori %lt3A_738, %ne3A_742 : vector<16xi1>
      %and3A_744 = arith.andi %ne3A_743, %ne3A_736 : vector<16xi1>
      %add3A_745 = vector.broadcast %select_n3A_731 : i32 to vector<16xi32>
      %add3A_746 = arith.addi %rem3A_733, %add3A_745 : vector<16xi32>
      %select_n3A_747 = arith.select %and3A_744, %add3A_746, %rem3A_733 : vector<16xi1>, vector<16xi32>
      tpu.vector_store_idx %arg6[%select_n3A, %select_n3A_747, %get3A_704], %broadcast_in_dim3A_3 : memref<8x56x128xf32, #tpu.memory_space<vmem>>[vector<16xi32>, vector<16xi32>, vector<16xi32>], vector<16xf32>,
    }
    %scan3A_428 = arith.constant 25 : i32
    %mul3A_429 = arith.constant 128 : i32
    %mul3A_430 = arith.muli %add3A, %mul3A_429 : i32
    %add3A_431 = arith.constant 80 : i32
    %add3A_432 = arith.addi %mul3A_430, %add3A_431 : i32
    %dma_start3A_433 = arith.constant 0 : i32
    %dma_start3A_434 = arith.constant 0 : i32
    %dma_start3A_435 = arith.constant 0 : i32
    %dma_start3A_436 = tpu.memref_slice %arg6[%dma_start3A_433, %dma_start3A_434, %dma_start3A_435] : memref<8x56x128xf32, #tpu.memory_space<vmem>> -> memref<8x50x128xf32, #tpu.memory_space<vmem>>
    %dma_start3A_437 = arith.constant 0 : i32
    %dma_start3A_438 = arith.constant 0 : i32
    %dma_start3A_439 = tpu.memref_slice %arg4[%add3A_432, %dma_start3A_437, %dma_start3A_438] : memref<4096x50x128xf32, #tpu.memory_space<hbm>> -> memref<8x50x128xf32, #tpu.memory_space<hbm>>
    %dma_start3A_440 = arith.constant 0 : i32
    %dma_start3A_441 = arith.constant 0 : i32
    %dma_start3A_442 = tpu.memref_slice %arg4[%add3A_432, %dma_start3A_440, %dma_start3A_441] : memref<4096x50x128xf32, #tpu.memory_space<hbm>> -> memref<8x50x128xf32, #tpu.memory_space<hbm>>
    %dma_start3A_443 = arith.constant 0 : i32
    %dma_start3A_444 = arith.constant 0 : i32
    %dma_start3A_445 = arith.constant 0 : i32
    %dma_start3A_446 = tpu.memref_slice %arg6[%dma_start3A_443, %dma_start3A_444, %dma_start3A_445] : memref<8x56x128xf32, #tpu.memory_space<vmem>> -> memref<8x50x128xf32, #tpu.memory_space<vmem>>
    tpu.enqueue_dma source(%dma_start3A_446 : memref<8x50x128xf32, #tpu.memory_space<vmem>>) target(%dma_start3A_442 : memref<8x50x128xf32, #tpu.memory_space<hbm>>) target_semaphore(%arg8 : memref<!tpu.dma_semaphore, #tpu.memory_space<semaphore_mem>>)
    %dma_wait3A_447 = arith.constant 0 : i32
    %dma_wait3A_448 = arith.constant 0 : i32
    %dma_wait3A_449 = arith.constant 0 : i32
    %dma_wait3A_450 = tpu.memref_slice %arg7[%dma_wait3A_447, %dma_wait3A_448, %dma_wait3A_449] : memref<8x56x128xf32, #tpu.memory_space<vmem>> -> memref<8x50x128xf32, #tpu.memory_space<vmem>>
    %dma_wait3A_451 = arith.constant 0 : i32
    %dma_wait3A_452 = arith.constant 0 : i32
    %dma_wait3A_453 = tpu.memref_slice %arg4[%add3A_388, %dma_wait3A_451, %dma_wait3A_452] : memref<4096x50x128xf32, #tpu.memory_space<hbm>> -> memref<8x50x128xf32, #tpu.memory_space<hbm>>
    %dma_wait3A_454 = arith.constant 0 : i32
    %dma_wait3A_455 = arith.constant 0 : i32
    %dma_wait3A_456 = tpu.memref_slice %arg4[%add3A_388, %dma_wait3A_454, %dma_wait3A_455] : memref<4096x50x128xf32, #tpu.memory_space<hbm>> -> memref<8x50x128xf32, #tpu.memory_space<hbm>>
    %dma_wait3A_457 = arith.constant 0 : i32
    %dma_wait3A_458 = arith.constant 0 : i32
    %dma_wait3A_459 = arith.constant 0 : i32
    %dma_wait3A_460 = tpu.memref_slice %arg7[%dma_wait3A_457, %dma_wait3A_458, %dma_wait3A_459] : memref<8x56x128xf32, #tpu.memory_space<vmem>> -> memref<8x50x128xf32, #tpu.memory_space<vmem>>
    tpu.wait_dma2 semaphore(%arg9 : memref<!tpu.dma_semaphore, #tpu.memory_space<semaphore_mem>>) src(%dma_wait3A_460 : memref<8x50x128xf32, #tpu.memory_space<vmem>>) dst(%dma_wait3A_456 : memref<8x50x128xf32, #tpu.memory_space<hbm>>)
    %scan3A_461 = arith.constant 0 : i32
    %scan3A_462 = arith.constant 0 : i32
    %scan3A_463 = arith.constant 25 : i32
    %scan3A_464 = arith.addi %scan3A_462, %scan3A_463 : i32
    %scan3A_465 = arith.constant 1 : i32
    scf.for %scan3A_695 = %scan3A_462 to %scan3A_464 step %scan3A_465  : i32 {
      %mul3A_696 = arith.constant 16 : i32
      %mul3A_697 = arith.muli %scan3A_695, %mul3A_696 : i32
      %add3A_698 = vector.broadcast %mul3A_697 : i32 to vector<16xi32>
      %add3A_699 = arith.addi %add3A_698, %iota3A : vector<16xi32>
      %mul3A_700 = arith.constant 16 : i32
      %mul3A_701 = arith.muli %scan3A_695, %mul3A_700 : i32
      %add3A_702 = arith.constant 3600 : i32
      %add3A_703 = arith.addi %add3A_702, %mul3A_701 : i32
      %get3A = arith.index_cast %add3A_703 : i32 to index
      %get3A_704 = tpu.vector_load %arg5[%get3A] {strides = array<i32>} : memref<6400xi32, #tpu.memory_space<vmem>>, vector<16xi32>,
      %jit3A = arith.constant 50 : i32
      %div3A = vector.broadcast %jit3A : i32 to vector<16xi32>
      %div3A_705 = arith.divsi %add3A_699, %div3A : vector<16xi32>
      %sign3A = arith.constant 0 : i32
      %sign3A_706 = vector.broadcast %sign3A : i32 to vector<16xi32>
      %sign3A_707 = arith.cmpi sgt, %add3A_699, %sign3A_706 : vector<16xi32>
      %sign3A_708 = arith.extui %sign3A_707 : vector<16xi1> to vector<16xi32>
      %sign3A_709 = arith.constant 0 : i32
      %sign3A_710 = vector.broadcast %sign3A_709 : i32 to vector<16xi32>
      %sign3A_711 = arith.cmpi slt, %add3A_699, %sign3A_710 : vector<16xi32>
      %sign3A_712 = arith.extui %sign3A_711 : vector<16xi1> to vector<16xi32>
      %sign3A_713 = arith.subi %sign3A_708, %sign3A_712 : vector<16xi32>
      %sign3A_714 = arith.constant 0 : i32
      %sign3A_715 = arith.cmpi sgt, %jit3A, %sign3A_714 : i32
      %sign3A_716 = arith.extui %sign3A_715 : i1 to i32
      %sign3A_717 = arith.constant 0 : i32
      %sign3A_718 = arith.cmpi slt, %jit3A, %sign3A_717 : i32
      %sign3A_719 = arith.extui %sign3A_718 : i1 to i32
      %sign3A_720 = arith.subi %sign3A_716, %sign3A_719 : i32
      %ne3A = vector.broadcast %sign3A_720 : i32 to vector<16xi32>
      %ne3A_721 = arith.cmpi ne, %sign3A_713, %ne3A : vector<16xi32>
      %rem3A = vector.broadcast %jit3A : i32 to vector<16xi32>
      %rem3A_722 = arith.remsi %add3A_699, %rem3A : vector<16xi32>
      %ne3A_723 = arith.constant 0 : i32
      %ne3A_724 = vector.broadcast %ne3A_723 : i32 to vector<16xi32>
      %ne3A_725 = arith.cmpi ne, %rem3A_722, %ne3A_724 : vector<16xi32>
      %and3A = arith.andi %ne3A_721, %ne3A_725 : vector<16xi1>
      %sub3A = arith.constant 1 : i32
      %sub3A_726 = vector.broadcast %sub3A : i32 to vector<16xi32>
      %sub3A_727 = arith.subi %div3A_705, %sub3A_726 : vector<16xi32>
      %select_n3A = arith.select %and3A, %sub3A_727, %div3A_705 : vector<16xi1>, vector<16xi32>
      %jit3A_728 = arith.constant 50 : i32
      %eq3A = arith.constant 0 : i32
      %eq3A_729 = arith.cmpi eq, %jit3A_728, %eq3A : i32
      %jit3A_730 = arith.constant 1 : i32
      %select_n3A_731 = arith.select %eq3A_729, %jit3A_730, %jit3A_728 : i32
      %rem3A_732 = vector.broadcast %select_n3A_731 : i32 to vector<16xi32>
      %rem3A_733 = arith.remsi %add3A_699, %rem3A_732 : vector<16xi32>
      %ne3A_734 = arith.constant 0 : i32
      %ne3A_735 = vector.broadcast %ne3A_734 : i32 to vector<16xi32>
      %ne3A_736 = arith.cmpi ne, %rem3A_733, %ne3A_735 : vector<16xi32>
      %lt3A = arith.constant 0 : i32
      %lt3A_737 = vector.broadcast %lt3A : i32 to vector<16xi32>
      %lt3A_738 = arith.cmpi slt, %rem3A_733, %lt3A_737 : vector<16xi32>
      %lt3A_739 = arith.constant 0 : i32
      %lt3A_740 = arith.cmpi slt, %select_n3A_731, %lt3A_739 : i32
      %ne3A_741 = vector.broadcast %lt3A_740 : i1 to vector<16xi1>
      %ne3A_742 = vector.broadcast %ne3A_741 : vector<16xi1> to vector<16xi1>
      %ne3A_743 = arith.xori %lt3A_738, %ne3A_742 : vector<16xi1>
      %and3A_744 = arith.andi %ne3A_743, %ne3A_736 : vector<16xi1>
      %add3A_745 = vector.broadcast %select_n3A_731 : i32 to vector<16xi32>
      %add3A_746 = arith.addi %rem3A_733, %add3A_745 : vector<16xi32>
      %select_n3A_747 = arith.select %and3A_744, %add3A_746, %rem3A_733 : vector<16xi1>, vector<16xi32>
      tpu.vector_store_idx %arg7[%select_n3A, %select_n3A_747, %get3A_704], %broadcast_in_dim3A_5 : memref<8x56x128xf32, #tpu.memory_space<vmem>>[vector<16xi32>, vector<16xi32>, vector<16xi32>], vector<16xf32>,
    }
    %scan3A_466 = arith.constant 25 : i32
    %scan3A_467 = arith.constant 0 : i32
    %scan3A_468 = arith.constant 0 : i32
    %scan3A_469 = arith.constant 25 : i32
    %scan3A_470 = arith.addi %scan3A_468, %scan3A_469 : i32
    %scan3A_471 = arith.constant 1 : i32
    scf.for %scan3A_695 = %scan3A_468 to %scan3A_470 step %scan3A_471  : i32 {
      %mul3A_696 = arith.constant 16 : i32
      %mul3A_697 = arith.muli %scan3A_695, %mul3A_696 : i32
      %add3A_698 = vector.broadcast %mul3A_697 : i32 to vector<16xi32>
      %add3A_699 = arith.addi %add3A_698, %iota3A : vector<16xi32>
      %mul3A_700 = arith.constant 16 : i32
      %mul3A_701 = arith.muli %scan3A_695, %mul3A_700 : i32
      %add3A_702 = arith.constant 4400 : i32
      %add3A_703 = arith.addi %add3A_702, %mul3A_701 : i32
      %get3A = arith.index_cast %add3A_703 : i32 to index
      %get3A_704 = tpu.vector_load %arg5[%get3A] {strides = array<i32>} : memref<6400xi32, #tpu.memory_space<vmem>>, vector<16xi32>,
      %jit3A = arith.constant 50 : i32
      %div3A = vector.broadcast %jit3A : i32 to vector<16xi32>
      %div3A_705 = arith.divsi %add3A_699, %div3A : vector<16xi32>
      %sign3A = arith.constant 0 : i32
      %sign3A_706 = vector.broadcast %sign3A : i32 to vector<16xi32>
      %sign3A_707 = arith.cmpi sgt, %add3A_699, %sign3A_706 : vector<16xi32>
      %sign3A_708 = arith.extui %sign3A_707 : vector<16xi1> to vector<16xi32>
      %sign3A_709 = arith.constant 0 : i32
      %sign3A_710 = vector.broadcast %sign3A_709 : i32 to vector<16xi32>
      %sign3A_711 = arith.cmpi slt, %add3A_699, %sign3A_710 : vector<16xi32>
      %sign3A_712 = arith.extui %sign3A_711 : vector<16xi1> to vector<16xi32>
      %sign3A_713 = arith.subi %sign3A_708, %sign3A_712 : vector<16xi32>
      %sign3A_714 = arith.constant 0 : i32
      %sign3A_715 = arith.cmpi sgt, %jit3A, %sign3A_714 : i32
      %sign3A_716 = arith.extui %sign3A_715 : i1 to i32
      %sign3A_717 = arith.constant 0 : i32
      %sign3A_718 = arith.cmpi slt, %jit3A, %sign3A_717 : i32
      %sign3A_719 = arith.extui %sign3A_718 : i1 to i32
      %sign3A_720 = arith.subi %sign3A_716, %sign3A_719 : i32
      %ne3A = vector.broadcast %sign3A_720 : i32 to vector<16xi32>
      %ne3A_721 = arith.cmpi ne, %sign3A_713, %ne3A : vector<16xi32>
      %rem3A = vector.broadcast %jit3A : i32 to vector<16xi32>
      %rem3A_722 = arith.remsi %add3A_699, %rem3A : vector<16xi32>
      %ne3A_723 = arith.constant 0 : i32
      %ne3A_724 = vector.broadcast %ne3A_723 : i32 to vector<16xi32>
      %ne3A_725 = arith.cmpi ne, %rem3A_722, %ne3A_724 : vector<16xi32>
      %and3A = arith.andi %ne3A_721, %ne3A_725 : vector<16xi1>
      %sub3A = arith.constant 1 : i32
      %sub3A_726 = vector.broadcast %sub3A : i32 to vector<16xi32>
      %sub3A_727 = arith.subi %div3A_705, %sub3A_726 : vector<16xi32>
      %select_n3A = arith.select %and3A, %sub3A_727, %div3A_705 : vector<16xi1>, vector<16xi32>
      %jit3A_728 = arith.constant 50 : i32
      %eq3A = arith.constant 0 : i32
      %eq3A_729 = arith.cmpi eq, %jit3A_728, %eq3A : i32
      %jit3A_730 = arith.constant 1 : i32
      %select_n3A_731 = arith.select %eq3A_729, %jit3A_730, %jit3A_728 : i32
      %rem3A_732 = vector.broadcast %select_n3A_731 : i32 to vector<16xi32>
      %rem3A_733 = arith.remsi %add3A_699, %rem3A_732 : vector<16xi32>
      %ne3A_734 = arith.constant 0 : i32
      %ne3A_735 = vector.broadcast %ne3A_734 : i32 to vector<16xi32>
      %ne3A_736 = arith.cmpi ne, %rem3A_733, %ne3A_735 : vector<16xi32>
      %lt3A = arith.constant 0 : i32
      %lt3A_737 = vector.broadcast %lt3A : i32 to vector<16xi32>
      %lt3A_738 = arith.cmpi slt, %rem3A_733, %lt3A_737 : vector<16xi32>
      %lt3A_739 = arith.constant 0 : i32
      %lt3A_740 = arith.cmpi slt, %select_n3A_731, %lt3A_739 : i32
      %ne3A_741 = vector.broadcast %lt3A_740 : i1 to vector<16xi1>
      %ne3A_742 = vector.broadcast %ne3A_741 : vector<16xi1> to vector<16xi1>
      %ne3A_743 = arith.xori %lt3A_738, %ne3A_742 : vector<16xi1>
      %and3A_744 = arith.andi %ne3A_743, %ne3A_736 : vector<16xi1>
      %add3A_745 = vector.broadcast %select_n3A_731 : i32 to vector<16xi32>
      %add3A_746 = arith.addi %rem3A_733, %add3A_745 : vector<16xi32>
      %select_n3A_747 = arith.select %and3A_744, %add3A_746, %rem3A_733 : vector<16xi1>, vector<16xi32>
      tpu.vector_store_idx %arg7[%select_n3A, %select_n3A_747, %get3A_704], %broadcast_in_dim3A_3 : memref<8x56x128xf32, #tpu.memory_space<vmem>>[vector<16xi32>, vector<16xi32>, vector<16xi32>], vector<16xf32>,
    }
    %scan3A_472 = arith.constant 25 : i32
    %mul3A_473 = arith.constant 128 : i32
    %mul3A_474 = arith.muli %add3A, %mul3A_473 : i32
    %add3A_475 = arith.constant 88 : i32
    %add3A_476 = arith.addi %mul3A_474, %add3A_475 : i32
    %dma_start3A_477 = arith.constant 0 : i32
    %dma_start3A_478 = arith.constant 0 : i32
    %dma_start3A_479 = arith.constant 0 : i32
    %dma_start3A_480 = tpu.memref_slice %arg7[%dma_start3A_477, %dma_start3A_478, %dma_start3A_479] : memref<8x56x128xf32, #tpu.memory_space<vmem>> -> memref<8x50x128xf32, #tpu.memory_space<vmem>>
    %dma_start3A_481 = arith.constant 0 : i32
    %dma_start3A_482 = arith.constant 0 : i32
    %dma_start3A_483 = tpu.memref_slice %arg4[%add3A_476, %dma_start3A_481, %dma_start3A_482] : memref<4096x50x128xf32, #tpu.memory_space<hbm>> -> memref<8x50x128xf32, #tpu.memory_space<hbm>>
    %dma_start3A_484 = arith.constant 0 : i32
    %dma_start3A_485 = arith.constant 0 : i32
    %dma_start3A_486 = tpu.memref_slice %arg4[%add3A_476, %dma_start3A_484, %dma_start3A_485] : memref<4096x50x128xf32, #tpu.memory_space<hbm>> -> memref<8x50x128xf32, #tpu.memory_space<hbm>>
    %dma_start3A_487 = arith.constant 0 : i32
    %dma_start3A_488 = arith.constant 0 : i32
    %dma_start3A_489 = arith.constant 0 : i32
    %dma_start3A_490 = tpu.memref_slice %arg7[%dma_start3A_487, %dma_start3A_488, %dma_start3A_489] : memref<8x56x128xf32, #tpu.memory_space<vmem>> -> memref<8x50x128xf32, #tpu.memory_space<vmem>>
    tpu.enqueue_dma source(%dma_start3A_490 : memref<8x50x128xf32, #tpu.memory_space<vmem>>) target(%dma_start3A_486 : memref<8x50x128xf32, #tpu.memory_space<hbm>>) target_semaphore(%arg9 : memref<!tpu.dma_semaphore, #tpu.memory_space<semaphore_mem>>)
    %dma_wait3A_491 = arith.constant 0 : i32
    %dma_wait3A_492 = arith.constant 0 : i32
    %dma_wait3A_493 = arith.constant 0 : i32
    %dma_wait3A_494 = tpu.memref_slice %arg6[%dma_wait3A_491, %dma_wait3A_492, %dma_wait3A_493] : memref<8x56x128xf32, #tpu.memory_space<vmem>> -> memref<8x50x128xf32, #tpu.memory_space<vmem>>
    %dma_wait3A_495 = arith.constant 0 : i32
    %dma_wait3A_496 = arith.constant 0 : i32
    %dma_wait3A_497 = tpu.memref_slice %arg4[%add3A_432, %dma_wait3A_495, %dma_wait3A_496] : memref<4096x50x128xf32, #tpu.memory_space<hbm>> -> memref<8x50x128xf32, #tpu.memory_space<hbm>>
    %dma_wait3A_498 = arith.constant 0 : i32
    %dma_wait3A_499 = arith.constant 0 : i32
    %dma_wait3A_500 = tpu.memref_slice %arg4[%add3A_432, %dma_wait3A_498, %dma_wait3A_499] : memref<4096x50x128xf32, #tpu.memory_space<hbm>> -> memref<8x50x128xf32, #tpu.memory_space<hbm>>
    %dma_wait3A_501 = arith.constant 0 : i32
    %dma_wait3A_502 = arith.constant 0 : i32
    %dma_wait3A_503 = arith.constant 0 : i32
    %dma_wait3A_504 = tpu.memref_slice %arg6[%dma_wait3A_501, %dma_wait3A_502, %dma_wait3A_503] : memref<8x56x128xf32, #tpu.memory_space<vmem>> -> memref<8x50x128xf32, #tpu.memory_space<vmem>>
    tpu.wait_dma2 semaphore(%arg8 : memref<!tpu.dma_semaphore, #tpu.memory_space<semaphore_mem>>) src(%dma_wait3A_504 : memref<8x50x128xf32, #tpu.memory_space<vmem>>) dst(%dma_wait3A_500 : memref<8x50x128xf32, #tpu.memory_space<hbm>>)
    %scan3A_505 = arith.constant 0 : i32
    %scan3A_506 = arith.constant 0 : i32
    %scan3A_507 = arith.constant 25 : i32
    %scan3A_508 = arith.addi %scan3A_506, %scan3A_507 : i32
    %scan3A_509 = arith.constant 1 : i32
    scf.for %scan3A_695 = %scan3A_506 to %scan3A_508 step %scan3A_509  : i32 {
      %mul3A_696 = arith.constant 16 : i32
      %mul3A_697 = arith.muli %scan3A_695, %mul3A_696 : i32
      %add3A_698 = vector.broadcast %mul3A_697 : i32 to vector<16xi32>
      %add3A_699 = arith.addi %add3A_698, %iota3A : vector<16xi32>
      %mul3A_700 = arith.constant 16 : i32
      %mul3A_701 = arith.muli %scan3A_695, %mul3A_700 : i32
      %add3A_702 = arith.constant 4000 : i32
      %add3A_703 = arith.addi %add3A_702, %mul3A_701 : i32
      %get3A = arith.index_cast %add3A_703 : i32 to index
      %get3A_704 = tpu.vector_load %arg5[%get3A] {strides = array<i32>} : memref<6400xi32, #tpu.memory_space<vmem>>, vector<16xi32>,
      %jit3A = arith.constant 50 : i32
      %div3A = vector.broadcast %jit3A : i32 to vector<16xi32>
      %div3A_705 = arith.divsi %add3A_699, %div3A : vector<16xi32>
      %sign3A = arith.constant 0 : i32
      %sign3A_706 = vector.broadcast %sign3A : i32 to vector<16xi32>
      %sign3A_707 = arith.cmpi sgt, %add3A_699, %sign3A_706 : vector<16xi32>
      %sign3A_708 = arith.extui %sign3A_707 : vector<16xi1> to vector<16xi32>
      %sign3A_709 = arith.constant 0 : i32
      %sign3A_710 = vector.broadcast %sign3A_709 : i32 to vector<16xi32>
      %sign3A_711 = arith.cmpi slt, %add3A_699, %sign3A_710 : vector<16xi32>
      %sign3A_712 = arith.extui %sign3A_711 : vector<16xi1> to vector<16xi32>
      %sign3A_713 = arith.subi %sign3A_708, %sign3A_712 : vector<16xi32>
      %sign3A_714 = arith.constant 0 : i32
      %sign3A_715 = arith.cmpi sgt, %jit3A, %sign3A_714 : i32
      %sign3A_716 = arith.extui %sign3A_715 : i1 to i32
      %sign3A_717 = arith.constant 0 : i32
      %sign3A_718 = arith.cmpi slt, %jit3A, %sign3A_717 : i32
      %sign3A_719 = arith.extui %sign3A_718 : i1 to i32
      %sign3A_720 = arith.subi %sign3A_716, %sign3A_719 : i32
      %ne3A = vector.broadcast %sign3A_720 : i32 to vector<16xi32>
      %ne3A_721 = arith.cmpi ne, %sign3A_713, %ne3A : vector<16xi32>
      %rem3A = vector.broadcast %jit3A : i32 to vector<16xi32>
      %rem3A_722 = arith.remsi %add3A_699, %rem3A : vector<16xi32>
      %ne3A_723 = arith.constant 0 : i32
      %ne3A_724 = vector.broadcast %ne3A_723 : i32 to vector<16xi32>
      %ne3A_725 = arith.cmpi ne, %rem3A_722, %ne3A_724 : vector<16xi32>
      %and3A = arith.andi %ne3A_721, %ne3A_725 : vector<16xi1>
      %sub3A = arith.constant 1 : i32
      %sub3A_726 = vector.broadcast %sub3A : i32 to vector<16xi32>
      %sub3A_727 = arith.subi %div3A_705, %sub3A_726 : vector<16xi32>
      %select_n3A = arith.select %and3A, %sub3A_727, %div3A_705 : vector<16xi1>, vector<16xi32>
      %jit3A_728 = arith.constant 50 : i32
      %eq3A = arith.constant 0 : i32
      %eq3A_729 = arith.cmpi eq, %jit3A_728, %eq3A : i32
      %jit3A_730 = arith.constant 1 : i32
      %select_n3A_731 = arith.select %eq3A_729, %jit3A_730, %jit3A_728 : i32
      %rem3A_732 = vector.broadcast %select_n3A_731 : i32 to vector<16xi32>
      %rem3A_733 = arith.remsi %add3A_699, %rem3A_732 : vector<16xi32>
      %ne3A_734 = arith.constant 0 : i32
      %ne3A_735 = vector.broadcast %ne3A_734 : i32 to vector<16xi32>
      %ne3A_736 = arith.cmpi ne, %rem3A_733, %ne3A_735 : vector<16xi32>
      %lt3A = arith.constant 0 : i32
      %lt3A_737 = vector.broadcast %lt3A : i32 to vector<16xi32>
      %lt3A_738 = arith.cmpi slt, %rem3A_733, %lt3A_737 : vector<16xi32>
      %lt3A_739 = arith.constant 0 : i32
      %lt3A_740 = arith.cmpi slt, %select_n3A_731, %lt3A_739 : i32
      %ne3A_741 = vector.broadcast %lt3A_740 : i1 to vector<16xi1>
      %ne3A_742 = vector.broadcast %ne3A_741 : vector<16xi1> to vector<16xi1>
      %ne3A_743 = arith.xori %lt3A_738, %ne3A_742 : vector<16xi1>
      %and3A_744 = arith.andi %ne3A_743, %ne3A_736 : vector<16xi1>
      %add3A_745 = vector.broadcast %select_n3A_731 : i32 to vector<16xi32>
      %add3A_746 = arith.addi %rem3A_733, %add3A_745 : vector<16xi32>
      %select_n3A_747 = arith.select %and3A_744, %add3A_746, %rem3A_733 : vector<16xi1>, vector<16xi32>
      tpu.vector_store_idx %arg6[%select_n3A, %select_n3A_747, %get3A_704], %broadcast_in_dim3A_5 : memref<8x56x128xf32, #tpu.memory_space<vmem>>[vector<16xi32>, vector<16xi32>, vector<16xi32>], vector<16xf32>,
    }
    %scan3A_510 = arith.constant 25 : i32
    %scan3A_511 = arith.constant 0 : i32
    %scan3A_512 = arith.constant 0 : i32
    %scan3A_513 = arith.constant 25 : i32
    %scan3A_514 = arith.addi %scan3A_512, %scan3A_513 : i32
    %scan3A_515 = arith.constant 1 : i32
    scf.for %scan3A_695 = %scan3A_512 to %scan3A_514 step %scan3A_515  : i32 {
      %mul3A_696 = arith.constant 16 : i32
      %mul3A_697 = arith.muli %scan3A_695, %mul3A_696 : i32
      %add3A_698 = vector.broadcast %mul3A_697 : i32 to vector<16xi32>
      %add3A_699 = arith.addi %add3A_698, %iota3A : vector<16xi32>
      %mul3A_700 = arith.constant 16 : i32
      %mul3A_701 = arith.muli %scan3A_695, %mul3A_700 : i32
      %add3A_702 = arith.constant 4800 : i32
      %add3A_703 = arith.addi %add3A_702, %mul3A_701 : i32
      %get3A = arith.index_cast %add3A_703 : i32 to index
      %get3A_704 = tpu.vector_load %arg5[%get3A] {strides = array<i32>} : memref<6400xi32, #tpu.memory_space<vmem>>, vector<16xi32>,
      %jit3A = arith.constant 50 : i32
      %div3A = vector.broadcast %jit3A : i32 to vector<16xi32>
      %div3A_705 = arith.divsi %add3A_699, %div3A : vector<16xi32>
      %sign3A = arith.constant 0 : i32
      %sign3A_706 = vector.broadcast %sign3A : i32 to vector<16xi32>
      %sign3A_707 = arith.cmpi sgt, %add3A_699, %sign3A_706 : vector<16xi32>
      %sign3A_708 = arith.extui %sign3A_707 : vector<16xi1> to vector<16xi32>
      %sign3A_709 = arith.constant 0 : i32
      %sign3A_710 = vector.broadcast %sign3A_709 : i32 to vector<16xi32>
      %sign3A_711 = arith.cmpi slt, %add3A_699, %sign3A_710 : vector<16xi32>
      %sign3A_712 = arith.extui %sign3A_711 : vector<16xi1> to vector<16xi32>
      %sign3A_713 = arith.subi %sign3A_708, %sign3A_712 : vector<16xi32>
      %sign3A_714 = arith.constant 0 : i32
      %sign3A_715 = arith.cmpi sgt, %jit3A, %sign3A_714 : i32
      %sign3A_716 = arith.extui %sign3A_715 : i1 to i32
      %sign3A_717 = arith.constant 0 : i32
      %sign3A_718 = arith.cmpi slt, %jit3A, %sign3A_717 : i32
      %sign3A_719 = arith.extui %sign3A_718 : i1 to i32
      %sign3A_720 = arith.subi %sign3A_716, %sign3A_719 : i32
      %ne3A = vector.broadcast %sign3A_720 : i32 to vector<16xi32>
      %ne3A_721 = arith.cmpi ne, %sign3A_713, %ne3A : vector<16xi32>
      %rem3A = vector.broadcast %jit3A : i32 to vector<16xi32>
      %rem3A_722 = arith.remsi %add3A_699, %rem3A : vector<16xi32>
      %ne3A_723 = arith.constant 0 : i32
      %ne3A_724 = vector.broadcast %ne3A_723 : i32 to vector<16xi32>
      %ne3A_725 = arith.cmpi ne, %rem3A_722, %ne3A_724 : vector<16xi32>
      %and3A = arith.andi %ne3A_721, %ne3A_725 : vector<16xi1>
      %sub3A = arith.constant 1 : i32
      %sub3A_726 = vector.broadcast %sub3A : i32 to vector<16xi32>
      %sub3A_727 = arith.subi %div3A_705, %sub3A_726 : vector<16xi32>
      %select_n3A = arith.select %and3A, %sub3A_727, %div3A_705 : vector<16xi1>, vector<16xi32>
      %jit3A_728 = arith.constant 50 : i32
      %eq3A = arith.constant 0 : i32
      %eq3A_729 = arith.cmpi eq, %jit3A_728, %eq3A : i32
      %jit3A_730 = arith.constant 1 : i32
      %select_n3A_731 = arith.select %eq3A_729, %jit3A_730, %jit3A_728 : i32
      %rem3A_732 = vector.broadcast %select_n3A_731 : i32 to vector<16xi32>
      %rem3A_733 = arith.remsi %add3A_699, %rem3A_732 : vector<16xi32>
      %ne3A_734 = arith.constant 0 : i32
      %ne3A_735 = vector.broadcast %ne3A_734 : i32 to vector<16xi32>
      %ne3A_736 = arith.cmpi ne, %rem3A_733, %ne3A_735 : vector<16xi32>
      %lt3A = arith.constant 0 : i32
      %lt3A_737 = vector.broadcast %lt3A : i32 to vector<16xi32>
      %lt3A_738 = arith.cmpi slt, %rem3A_733, %lt3A_737 : vector<16xi32>
      %lt3A_739 = arith.constant 0 : i32
      %lt3A_740 = arith.cmpi slt, %select_n3A_731, %lt3A_739 : i32
      %ne3A_741 = vector.broadcast %lt3A_740 : i1 to vector<16xi1>
      %ne3A_742 = vector.broadcast %ne3A_741 : vector<16xi1> to vector<16xi1>
      %ne3A_743 = arith.xori %lt3A_738, %ne3A_742 : vector<16xi1>
      %and3A_744 = arith.andi %ne3A_743, %ne3A_736 : vector<16xi1>
      %add3A_745 = vector.broadcast %select_n3A_731 : i32 to vector<16xi32>
      %add3A_746 = arith.addi %rem3A_733, %add3A_745 : vector<16xi32>
      %select_n3A_747 = arith.select %and3A_744, %add3A_746, %rem3A_733 : vector<16xi1>, vector<16xi32>
      tpu.vector_store_idx %arg6[%select_n3A, %select_n3A_747, %get3A_704], %broadcast_in_dim3A_3 : memref<8x56x128xf32, #tpu.memory_space<vmem>>[vector<16xi32>, vector<16xi32>, vector<16xi32>], vector<16xf32>,
    }
    %scan3A_516 = arith.constant 25 : i32
    %mul3A_517 = arith.constant 128 : i32
    %mul3A_518 = arith.muli %add3A, %mul3A_517 : i32
    %add3A_519 = arith.constant 96 : i32
    %add3A_520 = arith.addi %mul3A_518, %add3A_519 : i32
    %dma_start3A_521 = arith.constant 0 : i32
    %dma_start3A_522 = arith.constant 0 : i32
    %dma_start3A_523 = arith.constant 0 : i32
    %dma_start3A_524 = tpu.memref_slice %arg6[%dma_start3A_521, %dma_start3A_522, %dma_start3A_523] : memref<8x56x128xf32, #tpu.memory_space<vmem>> -> memref<8x50x128xf32, #tpu.memory_space<vmem>>
    %dma_start3A_525 = arith.constant 0 : i32
    %dma_start3A_526 = arith.constant 0 : i32
    %dma_start3A_527 = tpu.memref_slice %arg4[%add3A_520, %dma_start3A_525, %dma_start3A_526] : memref<4096x50x128xf32, #tpu.memory_space<hbm>> -> memref<8x50x128xf32, #tpu.memory_space<hbm>>
    %dma_start3A_528 = arith.constant 0 : i32
    %dma_start3A_529 = arith.constant 0 : i32
    %dma_start3A_530 = tpu.memref_slice %arg4[%add3A_520, %dma_start3A_528, %dma_start3A_529] : memref<4096x50x128xf32, #tpu.memory_space<hbm>> -> memref<8x50x128xf32, #tpu.memory_space<hbm>>
    %dma_start3A_531 = arith.constant 0 : i32
    %dma_start3A_532 = arith.constant 0 : i32
    %dma_start3A_533 = arith.constant 0 : i32
    %dma_start3A_534 = tpu.memref_slice %arg6[%dma_start3A_531, %dma_start3A_532, %dma_start3A_533] : memref<8x56x128xf32, #tpu.memory_space<vmem>> -> memref<8x50x128xf32, #tpu.memory_space<vmem>>
    tpu.enqueue_dma source(%dma_start3A_534 : memref<8x50x128xf32, #tpu.memory_space<vmem>>) target(%dma_start3A_530 : memref<8x50x128xf32, #tpu.memory_space<hbm>>) target_semaphore(%arg8 : memref<!tpu.dma_semaphore, #tpu.memory_space<semaphore_mem>>)
    %dma_wait3A_535 = arith.constant 0 : i32
    %dma_wait3A_536 = arith.constant 0 : i32
    %dma_wait3A_537 = arith.constant 0 : i32
    %dma_wait3A_538 = tpu.memref_slice %arg7[%dma_wait3A_535, %dma_wait3A_536, %dma_wait3A_537] : memref<8x56x128xf32, #tpu.memory_space<vmem>> -> memref<8x50x128xf32, #tpu.memory_space<vmem>>
    %dma_wait3A_539 = arith.constant 0 : i32
    %dma_wait3A_540 = arith.constant 0 : i32
    %dma_wait3A_541 = tpu.memref_slice %arg4[%add3A_476, %dma_wait3A_539, %dma_wait3A_540] : memref<4096x50x128xf32, #tpu.memory_space<hbm>> -> memref<8x50x128xf32, #tpu.memory_space<hbm>>
    %dma_wait3A_542 = arith.constant 0 : i32
    %dma_wait3A_543 = arith.constant 0 : i32
    %dma_wait3A_544 = tpu.memref_slice %arg4[%add3A_476, %dma_wait3A_542, %dma_wait3A_543] : memref<4096x50x128xf32, #tpu.memory_space<hbm>> -> memref<8x50x128xf32, #tpu.memory_space<hbm>>
    %dma_wait3A_545 = arith.constant 0 : i32
    %dma_wait3A_546 = arith.constant 0 : i32
    %dma_wait3A_547 = arith.constant 0 : i32
    %dma_wait3A_548 = tpu.memref_slice %arg7[%dma_wait3A_545, %dma_wait3A_546, %dma_wait3A_547] : memref<8x56x128xf32, #tpu.memory_space<vmem>> -> memref<8x50x128xf32, #tpu.memory_space<vmem>>
    tpu.wait_dma2 semaphore(%arg9 : memref<!tpu.dma_semaphore, #tpu.memory_space<semaphore_mem>>) src(%dma_wait3A_548 : memref<8x50x128xf32, #tpu.memory_space<vmem>>) dst(%dma_wait3A_544 : memref<8x50x128xf32, #tpu.memory_space<hbm>>)
    %scan3A_549 = arith.constant 0 : i32
    %scan3A_550 = arith.constant 0 : i32
    %scan3A_551 = arith.constant 25 : i32
    %scan3A_552 = arith.addi %scan3A_550, %scan3A_551 : i32
    %scan3A_553 = arith.constant 1 : i32
    scf.for %scan3A_695 = %scan3A_550 to %scan3A_552 step %scan3A_553  : i32 {
      %mul3A_696 = arith.constant 16 : i32
      %mul3A_697 = arith.muli %scan3A_695, %mul3A_696 : i32
      %add3A_698 = vector.broadcast %mul3A_697 : i32 to vector<16xi32>
      %add3A_699 = arith.addi %add3A_698, %iota3A : vector<16xi32>
      %mul3A_700 = arith.constant 16 : i32
      %mul3A_701 = arith.muli %scan3A_695, %mul3A_700 : i32
      %add3A_702 = arith.constant 4400 : i32
      %add3A_703 = arith.addi %add3A_702, %mul3A_701 : i32
      %get3A = arith.index_cast %add3A_703 : i32 to index
      %get3A_704 = tpu.vector_load %arg5[%get3A] {strides = array<i32>} : memref<6400xi32, #tpu.memory_space<vmem>>, vector<16xi32>,
      %jit3A = arith.constant 50 : i32
      %div3A = vector.broadcast %jit3A : i32 to vector<16xi32>
      %div3A_705 = arith.divsi %add3A_699, %div3A : vector<16xi32>
      %sign3A = arith.constant 0 : i32
      %sign3A_706 = vector.broadcast %sign3A : i32 to vector<16xi32>
      %sign3A_707 = arith.cmpi sgt, %add3A_699, %sign3A_706 : vector<16xi32>
      %sign3A_708 = arith.extui %sign3A_707 : vector<16xi1> to vector<16xi32>
      %sign3A_709 = arith.constant 0 : i32
      %sign3A_710 = vector.broadcast %sign3A_709 : i32 to vector<16xi32>
      %sign3A_711 = arith.cmpi slt, %add3A_699, %sign3A_710 : vector<16xi32>
      %sign3A_712 = arith.extui %sign3A_711 : vector<16xi1> to vector<16xi32>
      %sign3A_713 = arith.subi %sign3A_708, %sign3A_712 : vector<16xi32>
      %sign3A_714 = arith.constant 0 : i32
      %sign3A_715 = arith.cmpi sgt, %jit3A, %sign3A_714 : i32
      %sign3A_716 = arith.extui %sign3A_715 : i1 to i32
      %sign3A_717 = arith.constant 0 : i32
      %sign3A_718 = arith.cmpi slt, %jit3A, %sign3A_717 : i32
      %sign3A_719 = arith.extui %sign3A_718 : i1 to i32
      %sign3A_720 = arith.subi %sign3A_716, %sign3A_719 : i32
      %ne3A = vector.broadcast %sign3A_720 : i32 to vector<16xi32>
      %ne3A_721 = arith.cmpi ne, %sign3A_713, %ne3A : vector<16xi32>
      %rem3A = vector.broadcast %jit3A : i32 to vector<16xi32>
      %rem3A_722 = arith.remsi %add3A_699, %rem3A : vector<16xi32>
      %ne3A_723 = arith.constant 0 : i32
      %ne3A_724 = vector.broadcast %ne3A_723 : i32 to vector<16xi32>
      %ne3A_725 = arith.cmpi ne, %rem3A_722, %ne3A_724 : vector<16xi32>
      %and3A = arith.andi %ne3A_721, %ne3A_725 : vector<16xi1>
      %sub3A = arith.constant 1 : i32
      %sub3A_726 = vector.broadcast %sub3A : i32 to vector<16xi32>
      %sub3A_727 = arith.subi %div3A_705, %sub3A_726 : vector<16xi32>
      %select_n3A = arith.select %and3A, %sub3A_727, %div3A_705 : vector<16xi1>, vector<16xi32>
      %jit3A_728 = arith.constant 50 : i32
      %eq3A = arith.constant 0 : i32
      %eq3A_729 = arith.cmpi eq, %jit3A_728, %eq3A : i32
      %jit3A_730 = arith.constant 1 : i32
      %select_n3A_731 = arith.select %eq3A_729, %jit3A_730, %jit3A_728 : i32
      %rem3A_732 = vector.broadcast %select_n3A_731 : i32 to vector<16xi32>
      %rem3A_733 = arith.remsi %add3A_699, %rem3A_732 : vector<16xi32>
      %ne3A_734 = arith.constant 0 : i32
      %ne3A_735 = vector.broadcast %ne3A_734 : i32 to vector<16xi32>
      %ne3A_736 = arith.cmpi ne, %rem3A_733, %ne3A_735 : vector<16xi32>
      %lt3A = arith.constant 0 : i32
      %lt3A_737 = vector.broadcast %lt3A : i32 to vector<16xi32>
      %lt3A_738 = arith.cmpi slt, %rem3A_733, %lt3A_737 : vector<16xi32>
      %lt3A_739 = arith.constant 0 : i32
      %lt3A_740 = arith.cmpi slt, %select_n3A_731, %lt3A_739 : i32
      %ne3A_741 = vector.broadcast %lt3A_740 : i1 to vector<16xi1>
      %ne3A_742 = vector.broadcast %ne3A_741 : vector<16xi1> to vector<16xi1>
      %ne3A_743 = arith.xori %lt3A_738, %ne3A_742 : vector<16xi1>
      %and3A_744 = arith.andi %ne3A_743, %ne3A_736 : vector<16xi1>
      %add3A_745 = vector.broadcast %select_n3A_731 : i32 to vector<16xi32>
      %add3A_746 = arith.addi %rem3A_733, %add3A_745 : vector<16xi32>
      %select_n3A_747 = arith.select %and3A_744, %add3A_746, %rem3A_733 : vector<16xi1>, vector<16xi32>
      tpu.vector_store_idx %arg7[%select_n3A, %select_n3A_747, %get3A_704], %broadcast_in_dim3A_5 : memref<8x56x128xf32, #tpu.memory_space<vmem>>[vector<16xi32>, vector<16xi32>, vector<16xi32>], vector<16xf32>,
    }
    %scan3A_554 = arith.constant 25 : i32
    %scan3A_555 = arith.constant 0 : i32
    %scan3A_556 = arith.constant 0 : i32
    %scan3A_557 = arith.constant 25 : i32
    %scan3A_558 = arith.addi %scan3A_556, %scan3A_557 : i32
    %scan3A_559 = arith.constant 1 : i32
    scf.for %scan3A_695 = %scan3A_556 to %scan3A_558 step %scan3A_559  : i32 {
      %mul3A_696 = arith.constant 16 : i32
      %mul3A_697 = arith.muli %scan3A_695, %mul3A_696 : i32
      %add3A_698 = vector.broadcast %mul3A_697 : i32 to vector<16xi32>
      %add3A_699 = arith.addi %add3A_698, %iota3A : vector<16xi32>
      %mul3A_700 = arith.constant 16 : i32
      %mul3A_701 = arith.muli %scan3A_695, %mul3A_700 : i32
      %add3A_702 = arith.constant 5200 : i32
      %add3A_703 = arith.addi %add3A_702, %mul3A_701 : i32
      %get3A = arith.index_cast %add3A_703 : i32 to index
      %get3A_704 = tpu.vector_load %arg5[%get3A] {strides = array<i32>} : memref<6400xi32, #tpu.memory_space<vmem>>, vector<16xi32>,
      %jit3A = arith.constant 50 : i32
      %div3A = vector.broadcast %jit3A : i32 to vector<16xi32>
      %div3A_705 = arith.divsi %add3A_699, %div3A : vector<16xi32>
      %sign3A = arith.constant 0 : i32
      %sign3A_706 = vector.broadcast %sign3A : i32 to vector<16xi32>
      %sign3A_707 = arith.cmpi sgt, %add3A_699, %sign3A_706 : vector<16xi32>
      %sign3A_708 = arith.extui %sign3A_707 : vector<16xi1> to vector<16xi32>
      %sign3A_709 = arith.constant 0 : i32
      %sign3A_710 = vector.broadcast %sign3A_709 : i32 to vector<16xi32>
      %sign3A_711 = arith.cmpi slt, %add3A_699, %sign3A_710 : vector<16xi32>
      %sign3A_712 = arith.extui %sign3A_711 : vector<16xi1> to vector<16xi32>
      %sign3A_713 = arith.subi %sign3A_708, %sign3A_712 : vector<16xi32>
      %sign3A_714 = arith.constant 0 : i32
      %sign3A_715 = arith.cmpi sgt, %jit3A, %sign3A_714 : i32
      %sign3A_716 = arith.extui %sign3A_715 : i1 to i32
      %sign3A_717 = arith.constant 0 : i32
      %sign3A_718 = arith.cmpi slt, %jit3A, %sign3A_717 : i32
      %sign3A_719 = arith.extui %sign3A_718 : i1 to i32
      %sign3A_720 = arith.subi %sign3A_716, %sign3A_719 : i32
      %ne3A = vector.broadcast %sign3A_720 : i32 to vector<16xi32>
      %ne3A_721 = arith.cmpi ne, %sign3A_713, %ne3A : vector<16xi32>
      %rem3A = vector.broadcast %jit3A : i32 to vector<16xi32>
      %rem3A_722 = arith.remsi %add3A_699, %rem3A : vector<16xi32>
      %ne3A_723 = arith.constant 0 : i32
      %ne3A_724 = vector.broadcast %ne3A_723 : i32 to vector<16xi32>
      %ne3A_725 = arith.cmpi ne, %rem3A_722, %ne3A_724 : vector<16xi32>
      %and3A = arith.andi %ne3A_721, %ne3A_725 : vector<16xi1>
      %sub3A = arith.constant 1 : i32
      %sub3A_726 = vector.broadcast %sub3A : i32 to vector<16xi32>
      %sub3A_727 = arith.subi %div3A_705, %sub3A_726 : vector<16xi32>
      %select_n3A = arith.select %and3A, %sub3A_727, %div3A_705 : vector<16xi1>, vector<16xi32>
      %jit3A_728 = arith.constant 50 : i32
      %eq3A = arith.constant 0 : i32
      %eq3A_729 = arith.cmpi eq, %jit3A_728, %eq3A : i32
      %jit3A_730 = arith.constant 1 : i32
      %select_n3A_731 = arith.select %eq3A_729, %jit3A_730, %jit3A_728 : i32
      %rem3A_732 = vector.broadcast %select_n3A_731 : i32 to vector<16xi32>
      %rem3A_733 = arith.remsi %add3A_699, %rem3A_732 : vector<16xi32>
      %ne3A_734 = arith.constant 0 : i32
      %ne3A_735 = vector.broadcast %ne3A_734 : i32 to vector<16xi32>
      %ne3A_736 = arith.cmpi ne, %rem3A_733, %ne3A_735 : vector<16xi32>
      %lt3A = arith.constant 0 : i32
      %lt3A_737 = vector.broadcast %lt3A : i32 to vector<16xi32>
      %lt3A_738 = arith.cmpi slt, %rem3A_733, %lt3A_737 : vector<16xi32>
      %lt3A_739 = arith.constant 0 : i32
      %lt3A_740 = arith.cmpi slt, %select_n3A_731, %lt3A_739 : i32
      %ne3A_741 = vector.broadcast %lt3A_740 : i1 to vector<16xi1>
      %ne3A_742 = vector.broadcast %ne3A_741 : vector<16xi1> to vector<16xi1>
      %ne3A_743 = arith.xori %lt3A_738, %ne3A_742 : vector<16xi1>
      %and3A_744 = arith.andi %ne3A_743, %ne3A_736 : vector<16xi1>
      %add3A_745 = vector.broadcast %select_n3A_731 : i32 to vector<16xi32>
      %add3A_746 = arith.addi %rem3A_733, %add3A_745 : vector<16xi32>
      %select_n3A_747 = arith.select %and3A_744, %add3A_746, %rem3A_733 : vector<16xi1>, vector<16xi32>
      tpu.vector_store_idx %arg7[%select_n3A, %select_n3A_747, %get3A_704], %broadcast_in_dim3A_3 : memref<8x56x128xf32, #tpu.memory_space<vmem>>[vector<16xi32>, vector<16xi32>, vector<16xi32>], vector<16xf32>,
    }
    %scan3A_560 = arith.constant 25 : i32
    %mul3A_561 = arith.constant 128 : i32
    %mul3A_562 = arith.muli %add3A, %mul3A_561 : i32
    %add3A_563 = arith.constant 104 : i32
    %add3A_564 = arith.addi %mul3A_562, %add3A_563 : i32
    %dma_start3A_565 = arith.constant 0 : i32
    %dma_start3A_566 = arith.constant 0 : i32
    %dma_start3A_567 = arith.constant 0 : i32
    %dma_start3A_568 = tpu.memref_slice %arg7[%dma_start3A_565, %dma_start3A_566, %dma_start3A_567] : memref<8x56x128xf32, #tpu.memory_space<vmem>> -> memref<8x50x128xf32, #tpu.memory_space<vmem>>
    %dma_start3A_569 = arith.constant 0 : i32
    %dma_start3A_570 = arith.constant 0 : i32
    %dma_start3A_571 = tpu.memref_slice %arg4[%add3A_564, %dma_start3A_569, %dma_start3A_570] : memref<4096x50x128xf32, #tpu.memory_space<hbm>> -> memref<8x50x128xf32, #tpu.memory_space<hbm>>
    %dma_start3A_572 = arith.constant 0 : i32
    %dma_start3A_573 = arith.constant 0 : i32
    %dma_start3A_574 = tpu.memref_slice %arg4[%add3A_564, %dma_start3A_572, %dma_start3A_573] : memref<4096x50x128xf32, #tpu.memory_space<hbm>> -> memref<8x50x128xf32, #tpu.memory_space<hbm>>
    %dma_start3A_575 = arith.constant 0 : i32
    %dma_start3A_576 = arith.constant 0 : i32
    %dma_start3A_577 = arith.constant 0 : i32
    %dma_start3A_578 = tpu.memref_slice %arg7[%dma_start3A_575, %dma_start3A_576, %dma_start3A_577] : memref<8x56x128xf32, #tpu.memory_space<vmem>> -> memref<8x50x128xf32, #tpu.memory_space<vmem>>
    tpu.enqueue_dma source(%dma_start3A_578 : memref<8x50x128xf32, #tpu.memory_space<vmem>>) target(%dma_start3A_574 : memref<8x50x128xf32, #tpu.memory_space<hbm>>) target_semaphore(%arg9 : memref<!tpu.dma_semaphore, #tpu.memory_space<semaphore_mem>>)
    %dma_wait3A_579 = arith.constant 0 : i32
    %dma_wait3A_580 = arith.constant 0 : i32
    %dma_wait3A_581 = arith.constant 0 : i32
    %dma_wait3A_582 = tpu.memref_slice %arg6[%dma_wait3A_579, %dma_wait3A_580, %dma_wait3A_581] : memref<8x56x128xf32, #tpu.memory_space<vmem>> -> memref<8x50x128xf32, #tpu.memory_space<vmem>>
    %dma_wait3A_583 = arith.constant 0 : i32
    %dma_wait3A_584 = arith.constant 0 : i32
    %dma_wait3A_585 = tpu.memref_slice %arg4[%add3A_520, %dma_wait3A_583, %dma_wait3A_584] : memref<4096x50x128xf32, #tpu.memory_space<hbm>> -> memref<8x50x128xf32, #tpu.memory_space<hbm>>
    %dma_wait3A_586 = arith.constant 0 : i32
    %dma_wait3A_587 = arith.constant 0 : i32
    %dma_wait3A_588 = tpu.memref_slice %arg4[%add3A_520, %dma_wait3A_586, %dma_wait3A_587] : memref<4096x50x128xf32, #tpu.memory_space<hbm>> -> memref<8x50x128xf32, #tpu.memory_space<hbm>>
    %dma_wait3A_589 = arith.constant 0 : i32
    %dma_wait3A_590 = arith.constant 0 : i32
    %dma_wait3A_591 = arith.constant 0 : i32
    %dma_wait3A_592 = tpu.memref_slice %arg6[%dma_wait3A_589, %dma_wait3A_590, %dma_wait3A_591] : memref<8x56x128xf32, #tpu.memory_space<vmem>> -> memref<8x50x128xf32, #tpu.memory_space<vmem>>
    tpu.wait_dma2 semaphore(%arg8 : memref<!tpu.dma_semaphore, #tpu.memory_space<semaphore_mem>>) src(%dma_wait3A_592 : memref<8x50x128xf32, #tpu.memory_space<vmem>>) dst(%dma_wait3A_588 : memref<8x50x128xf32, #tpu.memory_space<hbm>>)
    %scan3A_593 = arith.constant 0 : i32
    %scan3A_594 = arith.constant 0 : i32
    %scan3A_595 = arith.constant 25 : i32
    %scan3A_596 = arith.addi %scan3A_594, %scan3A_595 : i32
    %scan3A_597 = arith.constant 1 : i32
    scf.for %scan3A_695 = %scan3A_594 to %scan3A_596 step %scan3A_597  : i32 {
      %mul3A_696 = arith.constant 16 : i32
      %mul3A_697 = arith.muli %scan3A_695, %mul3A_696 : i32
      %add3A_698 = vector.broadcast %mul3A_697 : i32 to vector<16xi32>
      %add3A_699 = arith.addi %add3A_698, %iota3A : vector<16xi32>
      %mul3A_700 = arith.constant 16 : i32
      %mul3A_701 = arith.muli %scan3A_695, %mul3A_700 : i32
      %add3A_702 = arith.constant 4800 : i32
      %add3A_703 = arith.addi %add3A_702, %mul3A_701 : i32
      %get3A = arith.index_cast %add3A_703 : i32 to index
      %get3A_704 = tpu.vector_load %arg5[%get3A] {strides = array<i32>} : memref<6400xi32, #tpu.memory_space<vmem>>, vector<16xi32>,
      %jit3A = arith.constant 50 : i32
      %div3A = vector.broadcast %jit3A : i32 to vector<16xi32>
      %div3A_705 = arith.divsi %add3A_699, %div3A : vector<16xi32>
      %sign3A = arith.constant 0 : i32
      %sign3A_706 = vector.broadcast %sign3A : i32 to vector<16xi32>
      %sign3A_707 = arith.cmpi sgt, %add3A_699, %sign3A_706 : vector<16xi32>
      %sign3A_708 = arith.extui %sign3A_707 : vector<16xi1> to vector<16xi32>
      %sign3A_709 = arith.constant 0 : i32
      %sign3A_710 = vector.broadcast %sign3A_709 : i32 to vector<16xi32>
      %sign3A_711 = arith.cmpi slt, %add3A_699, %sign3A_710 : vector<16xi32>
      %sign3A_712 = arith.extui %sign3A_711 : vector<16xi1> to vector<16xi32>
      %sign3A_713 = arith.subi %sign3A_708, %sign3A_712 : vector<16xi32>
      %sign3A_714 = arith.constant 0 : i32
      %sign3A_715 = arith.cmpi sgt, %jit3A, %sign3A_714 : i32
      %sign3A_716 = arith.extui %sign3A_715 : i1 to i32
      %sign3A_717 = arith.constant 0 : i32
      %sign3A_718 = arith.cmpi slt, %jit3A, %sign3A_717 : i32
      %sign3A_719 = arith.extui %sign3A_718 : i1 to i32
      %sign3A_720 = arith.subi %sign3A_716, %sign3A_719 : i32
      %ne3A = vector.broadcast %sign3A_720 : i32 to vector<16xi32>
      %ne3A_721 = arith.cmpi ne, %sign3A_713, %ne3A : vector<16xi32>
      %rem3A = vector.broadcast %jit3A : i32 to vector<16xi32>
      %rem3A_722 = arith.remsi %add3A_699, %rem3A : vector<16xi32>
      %ne3A_723 = arith.constant 0 : i32
      %ne3A_724 = vector.broadcast %ne3A_723 : i32 to vector<16xi32>
      %ne3A_725 = arith.cmpi ne, %rem3A_722, %ne3A_724 : vector<16xi32>
      %and3A = arith.andi %ne3A_721, %ne3A_725 : vector<16xi1>
      %sub3A = arith.constant 1 : i32
      %sub3A_726 = vector.broadcast %sub3A : i32 to vector<16xi32>
      %sub3A_727 = arith.subi %div3A_705, %sub3A_726 : vector<16xi32>
      %select_n3A = arith.select %and3A, %sub3A_727, %div3A_705 : vector<16xi1>, vector<16xi32>
      %jit3A_728 = arith.constant 50 : i32
      %eq3A = arith.constant 0 : i32
      %eq3A_729 = arith.cmpi eq, %jit3A_728, %eq3A : i32
      %jit3A_730 = arith.constant 1 : i32
      %select_n3A_731 = arith.select %eq3A_729, %jit3A_730, %jit3A_728 : i32
      %rem3A_732 = vector.broadcast %select_n3A_731 : i32 to vector<16xi32>
      %rem3A_733 = arith.remsi %add3A_699, %rem3A_732 : vector<16xi32>
      %ne3A_734 = arith.constant 0 : i32
      %ne3A_735 = vector.broadcast %ne3A_734 : i32 to vector<16xi32>
      %ne3A_736 = arith.cmpi ne, %rem3A_733, %ne3A_735 : vector<16xi32>
      %lt3A = arith.constant 0 : i32
      %lt3A_737 = vector.broadcast %lt3A : i32 to vector<16xi32>
      %lt3A_738 = arith.cmpi slt, %rem3A_733, %lt3A_737 : vector<16xi32>
      %lt3A_739 = arith.constant 0 : i32
      %lt3A_740 = arith.cmpi slt, %select_n3A_731, %lt3A_739 : i32
      %ne3A_741 = vector.broadcast %lt3A_740 : i1 to vector<16xi1>
      %ne3A_742 = vector.broadcast %ne3A_741 : vector<16xi1> to vector<16xi1>
      %ne3A_743 = arith.xori %lt3A_738, %ne3A_742 : vector<16xi1>
      %and3A_744 = arith.andi %ne3A_743, %ne3A_736 : vector<16xi1>
      %add3A_745 = vector.broadcast %select_n3A_731 : i32 to vector<16xi32>
      %add3A_746 = arith.addi %rem3A_733, %add3A_745 : vector<16xi32>
      %select_n3A_747 = arith.select %and3A_744, %add3A_746, %rem3A_733 : vector<16xi1>, vector<16xi32>
      tpu.vector_store_idx %arg6[%select_n3A, %select_n3A_747, %get3A_704], %broadcast_in_dim3A_5 : memref<8x56x128xf32, #tpu.memory_space<vmem>>[vector<16xi32>, vector<16xi32>, vector<16xi32>], vector<16xf32>,
    }
    %scan3A_598 = arith.constant 25 : i32
    %scan3A_599 = arith.constant 0 : i32
    %scan3A_600 = arith.constant 0 : i32
    %scan3A_601 = arith.constant 25 : i32
    %scan3A_602 = arith.addi %scan3A_600, %scan3A_601 : i32
    %scan3A_603 = arith.constant 1 : i32
    scf.for %scan3A_695 = %scan3A_600 to %scan3A_602 step %scan3A_603  : i32 {
      %mul3A_696 = arith.constant 16 : i32
      %mul3A_697 = arith.muli %scan3A_695, %mul3A_696 : i32
      %add3A_698 = vector.broadcast %mul3A_697 : i32 to vector<16xi32>
      %add3A_699 = arith.addi %add3A_698, %iota3A : vector<16xi32>
      %mul3A_700 = arith.constant 16 : i32
      %mul3A_701 = arith.muli %scan3A_695, %mul3A_700 : i32
      %add3A_702 = arith.constant 5600 : i32
      %add3A_703 = arith.addi %add3A_702, %mul3A_701 : i32
      %get3A = arith.index_cast %add3A_703 : i32 to index
      %get3A_704 = tpu.vector_load %arg5[%get3A] {strides = array<i32>} : memref<6400xi32, #tpu.memory_space<vmem>>, vector<16xi32>,
      %jit3A = arith.constant 50 : i32
      %div3A = vector.broadcast %jit3A : i32 to vector<16xi32>
      %div3A_705 = arith.divsi %add3A_699, %div3A : vector<16xi32>
      %sign3A = arith.constant 0 : i32
      %sign3A_706 = vector.broadcast %sign3A : i32 to vector<16xi32>
      %sign3A_707 = arith.cmpi sgt, %add3A_699, %sign3A_706 : vector<16xi32>
      %sign3A_708 = arith.extui %sign3A_707 : vector<16xi1> to vector<16xi32>
      %sign3A_709 = arith.constant 0 : i32
      %sign3A_710 = vector.broadcast %sign3A_709 : i32 to vector<16xi32>
      %sign3A_711 = arith.cmpi slt, %add3A_699, %sign3A_710 : vector<16xi32>
      %sign3A_712 = arith.extui %sign3A_711 : vector<16xi1> to vector<16xi32>
      %sign3A_713 = arith.subi %sign3A_708, %sign3A_712 : vector<16xi32>
      %sign3A_714 = arith.constant 0 : i32
      %sign3A_715 = arith.cmpi sgt, %jit3A, %sign3A_714 : i32
      %sign3A_716 = arith.extui %sign3A_715 : i1 to i32
      %sign3A_717 = arith.constant 0 : i32
      %sign3A_718 = arith.cmpi slt, %jit3A, %sign3A_717 : i32
      %sign3A_719 = arith.extui %sign3A_718 : i1 to i32
      %sign3A_720 = arith.subi %sign3A_716, %sign3A_719 : i32
      %ne3A = vector.broadcast %sign3A_720 : i32 to vector<16xi32>
      %ne3A_721 = arith.cmpi ne, %sign3A_713, %ne3A : vector<16xi32>
      %rem3A = vector.broadcast %jit3A : i32 to vector<16xi32>
      %rem3A_722 = arith.remsi %add3A_699, %rem3A : vector<16xi32>
      %ne3A_723 = arith.constant 0 : i32
      %ne3A_724 = vector.broadcast %ne3A_723 : i32 to vector<16xi32>
      %ne3A_725 = arith.cmpi ne, %rem3A_722, %ne3A_724 : vector<16xi32>
      %and3A = arith.andi %ne3A_721, %ne3A_725 : vector<16xi1>
      %sub3A = arith.constant 1 : i32
      %sub3A_726 = vector.broadcast %sub3A : i32 to vector<16xi32>
      %sub3A_727 = arith.subi %div3A_705, %sub3A_726 : vector<16xi32>
      %select_n3A = arith.select %and3A, %sub3A_727, %div3A_705 : vector<16xi1>, vector<16xi32>
      %jit3A_728 = arith.constant 50 : i32
      %eq3A = arith.constant 0 : i32
      %eq3A_729 = arith.cmpi eq, %jit3A_728, %eq3A : i32
      %jit3A_730 = arith.constant 1 : i32
      %select_n3A_731 = arith.select %eq3A_729, %jit3A_730, %jit3A_728 : i32
      %rem3A_732 = vector.broadcast %select_n3A_731 : i32 to vector<16xi32>
      %rem3A_733 = arith.remsi %add3A_699, %rem3A_732 : vector<16xi32>
      %ne3A_734 = arith.constant 0 : i32
      %ne3A_735 = vector.broadcast %ne3A_734 : i32 to vector<16xi32>
      %ne3A_736 = arith.cmpi ne, %rem3A_733, %ne3A_735 : vector<16xi32>
      %lt3A = arith.constant 0 : i32
      %lt3A_737 = vector.broadcast %lt3A : i32 to vector<16xi32>
      %lt3A_738 = arith.cmpi slt, %rem3A_733, %lt3A_737 : vector<16xi32>
      %lt3A_739 = arith.constant 0 : i32
      %lt3A_740 = arith.cmpi slt, %select_n3A_731, %lt3A_739 : i32
      %ne3A_741 = vector.broadcast %lt3A_740 : i1 to vector<16xi1>
      %ne3A_742 = vector.broadcast %ne3A_741 : vector<16xi1> to vector<16xi1>
      %ne3A_743 = arith.xori %lt3A_738, %ne3A_742 : vector<16xi1>
      %and3A_744 = arith.andi %ne3A_743, %ne3A_736 : vector<16xi1>
      %add3A_745 = vector.broadcast %select_n3A_731 : i32 to vector<16xi32>
      %add3A_746 = arith.addi %rem3A_733, %add3A_745 : vector<16xi32>
      %select_n3A_747 = arith.select %and3A_744, %add3A_746, %rem3A_733 : vector<16xi1>, vector<16xi32>
      tpu.vector_store_idx %arg6[%select_n3A, %select_n3A_747, %get3A_704], %broadcast_in_dim3A_3 : memref<8x56x128xf32, #tpu.memory_space<vmem>>[vector<16xi32>, vector<16xi32>, vector<16xi32>], vector<16xf32>,
    }
    %scan3A_604 = arith.constant 25 : i32
    %mul3A_605 = arith.constant 128 : i32
    %mul3A_606 = arith.muli %add3A, %mul3A_605 : i32
    %add3A_607 = arith.constant 112 : i32
    %add3A_608 = arith.addi %mul3A_606, %add3A_607 : i32
    %dma_start3A_609 = arith.constant 0 : i32
    %dma_start3A_610 = arith.constant 0 : i32
    %dma_start3A_611 = arith.constant 0 : i32
    %dma_start3A_612 = tpu.memref_slice %arg6[%dma_start3A_609, %dma_start3A_610, %dma_start3A_611] : memref<8x56x128xf32, #tpu.memory_space<vmem>> -> memref<8x50x128xf32, #tpu.memory_space<vmem>>
    %dma_start3A_613 = arith.constant 0 : i32
    %dma_start3A_614 = arith.constant 0 : i32
    %dma_start3A_615 = tpu.memref_slice %arg4[%add3A_608, %dma_start3A_613, %dma_start3A_614] : memref<4096x50x128xf32, #tpu.memory_space<hbm>> -> memref<8x50x128xf32, #tpu.memory_space<hbm>>
    %dma_start3A_616 = arith.constant 0 : i32
    %dma_start3A_617 = arith.constant 0 : i32
    %dma_start3A_618 = tpu.memref_slice %arg4[%add3A_608, %dma_start3A_616, %dma_start3A_617] : memref<4096x50x128xf32, #tpu.memory_space<hbm>> -> memref<8x50x128xf32, #tpu.memory_space<hbm>>
    %dma_start3A_619 = arith.constant 0 : i32
    %dma_start3A_620 = arith.constant 0 : i32
    %dma_start3A_621 = arith.constant 0 : i32
    %dma_start3A_622 = tpu.memref_slice %arg6[%dma_start3A_619, %dma_start3A_620, %dma_start3A_621] : memref<8x56x128xf32, #tpu.memory_space<vmem>> -> memref<8x50x128xf32, #tpu.memory_space<vmem>>
    tpu.enqueue_dma source(%dma_start3A_622 : memref<8x50x128xf32, #tpu.memory_space<vmem>>) target(%dma_start3A_618 : memref<8x50x128xf32, #tpu.memory_space<hbm>>) target_semaphore(%arg8 : memref<!tpu.dma_semaphore, #tpu.memory_space<semaphore_mem>>)
    %dma_wait3A_623 = arith.constant 0 : i32
    %dma_wait3A_624 = arith.constant 0 : i32
    %dma_wait3A_625 = arith.constant 0 : i32
    %dma_wait3A_626 = tpu.memref_slice %arg7[%dma_wait3A_623, %dma_wait3A_624, %dma_wait3A_625] : memref<8x56x128xf32, #tpu.memory_space<vmem>> -> memref<8x50x128xf32, #tpu.memory_space<vmem>>
    %dma_wait3A_627 = arith.constant 0 : i32
    %dma_wait3A_628 = arith.constant 0 : i32
    %dma_wait3A_629 = tpu.memref_slice %arg4[%add3A_564, %dma_wait3A_627, %dma_wait3A_628] : memref<4096x50x128xf32, #tpu.memory_space<hbm>> -> memref<8x50x128xf32, #tpu.memory_space<hbm>>
    %dma_wait3A_630 = arith.constant 0 : i32
    %dma_wait3A_631 = arith.constant 0 : i32
    %dma_wait3A_632 = tpu.memref_slice %arg4[%add3A_564, %dma_wait3A_630, %dma_wait3A_631] : memref<4096x50x128xf32, #tpu.memory_space<hbm>> -> memref<8x50x128xf32, #tpu.memory_space<hbm>>
    %dma_wait3A_633 = arith.constant 0 : i32
    %dma_wait3A_634 = arith.constant 0 : i32
    %dma_wait3A_635 = arith.constant 0 : i32
    %dma_wait3A_636 = tpu.memref_slice %arg7[%dma_wait3A_633, %dma_wait3A_634, %dma_wait3A_635] : memref<8x56x128xf32, #tpu.memory_space<vmem>> -> memref<8x50x128xf32, #tpu.memory_space<vmem>>
    tpu.wait_dma2 semaphore(%arg9 : memref<!tpu.dma_semaphore, #tpu.memory_space<semaphore_mem>>) src(%dma_wait3A_636 : memref<8x50x128xf32, #tpu.memory_space<vmem>>) dst(%dma_wait3A_632 : memref<8x50x128xf32, #tpu.memory_space<hbm>>)
    %scan3A_637 = arith.constant 0 : i32
    %scan3A_638 = arith.constant 0 : i32
    %scan3A_639 = arith.constant 25 : i32
    %scan3A_640 = arith.addi %scan3A_638, %scan3A_639 : i32
    %scan3A_641 = arith.constant 1 : i32
    scf.for %scan3A_695 = %scan3A_638 to %scan3A_640 step %scan3A_641  : i32 {
      %mul3A_696 = arith.constant 16 : i32
      %mul3A_697 = arith.muli %scan3A_695, %mul3A_696 : i32
      %add3A_698 = vector.broadcast %mul3A_697 : i32 to vector<16xi32>
      %add3A_699 = arith.addi %add3A_698, %iota3A : vector<16xi32>
      %mul3A_700 = arith.constant 16 : i32
      %mul3A_701 = arith.muli %scan3A_695, %mul3A_700 : i32
      %add3A_702 = arith.constant 5200 : i32
      %add3A_703 = arith.addi %add3A_702, %mul3A_701 : i32
      %get3A = arith.index_cast %add3A_703 : i32 to index
      %get3A_704 = tpu.vector_load %arg5[%get3A] {strides = array<i32>} : memref<6400xi32, #tpu.memory_space<vmem>>, vector<16xi32>,
      %jit3A = arith.constant 50 : i32
      %div3A = vector.broadcast %jit3A : i32 to vector<16xi32>
      %div3A_705 = arith.divsi %add3A_699, %div3A : vector<16xi32>
      %sign3A = arith.constant 0 : i32
      %sign3A_706 = vector.broadcast %sign3A : i32 to vector<16xi32>
      %sign3A_707 = arith.cmpi sgt, %add3A_699, %sign3A_706 : vector<16xi32>
      %sign3A_708 = arith.extui %sign3A_707 : vector<16xi1> to vector<16xi32>
      %sign3A_709 = arith.constant 0 : i32
      %sign3A_710 = vector.broadcast %sign3A_709 : i32 to vector<16xi32>
      %sign3A_711 = arith.cmpi slt, %add3A_699, %sign3A_710 : vector<16xi32>
      %sign3A_712 = arith.extui %sign3A_711 : vector<16xi1> to vector<16xi32>
      %sign3A_713 = arith.subi %sign3A_708, %sign3A_712 : vector<16xi32>
      %sign3A_714 = arith.constant 0 : i32
      %sign3A_715 = arith.cmpi sgt, %jit3A, %sign3A_714 : i32
      %sign3A_716 = arith.extui %sign3A_715 : i1 to i32
      %sign3A_717 = arith.constant 0 : i32
      %sign3A_718 = arith.cmpi slt, %jit3A, %sign3A_717 : i32
      %sign3A_719 = arith.extui %sign3A_718 : i1 to i32
      %sign3A_720 = arith.subi %sign3A_716, %sign3A_719 : i32
      %ne3A = vector.broadcast %sign3A_720 : i32 to vector<16xi32>
      %ne3A_721 = arith.cmpi ne, %sign3A_713, %ne3A : vector<16xi32>
      %rem3A = vector.broadcast %jit3A : i32 to vector<16xi32>
      %rem3A_722 = arith.remsi %add3A_699, %rem3A : vector<16xi32>
      %ne3A_723 = arith.constant 0 : i32
      %ne3A_724 = vector.broadcast %ne3A_723 : i32 to vector<16xi32>
      %ne3A_725 = arith.cmpi ne, %rem3A_722, %ne3A_724 : vector<16xi32>
      %and3A = arith.andi %ne3A_721, %ne3A_725 : vector<16xi1>
      %sub3A = arith.constant 1 : i32
      %sub3A_726 = vector.broadcast %sub3A : i32 to vector<16xi32>
      %sub3A_727 = arith.subi %div3A_705, %sub3A_726 : vector<16xi32>
      %select_n3A = arith.select %and3A, %sub3A_727, %div3A_705 : vector<16xi1>, vector<16xi32>
      %jit3A_728 = arith.constant 50 : i32
      %eq3A = arith.constant 0 : i32
      %eq3A_729 = arith.cmpi eq, %jit3A_728, %eq3A : i32
      %jit3A_730 = arith.constant 1 : i32
      %select_n3A_731 = arith.select %eq3A_729, %jit3A_730, %jit3A_728 : i32
      %rem3A_732 = vector.broadcast %select_n3A_731 : i32 to vector<16xi32>
      %rem3A_733 = arith.remsi %add3A_699, %rem3A_732 : vector<16xi32>
      %ne3A_734 = arith.constant 0 : i32
      %ne3A_735 = vector.broadcast %ne3A_734 : i32 to vector<16xi32>
      %ne3A_736 = arith.cmpi ne, %rem3A_733, %ne3A_735 : vector<16xi32>
      %lt3A = arith.constant 0 : i32
      %lt3A_737 = vector.broadcast %lt3A : i32 to vector<16xi32>
      %lt3A_738 = arith.cmpi slt, %rem3A_733, %lt3A_737 : vector<16xi32>
      %lt3A_739 = arith.constant 0 : i32
      %lt3A_740 = arith.cmpi slt, %select_n3A_731, %lt3A_739 : i32
      %ne3A_741 = vector.broadcast %lt3A_740 : i1 to vector<16xi1>
      %ne3A_742 = vector.broadcast %ne3A_741 : vector<16xi1> to vector<16xi1>
      %ne3A_743 = arith.xori %lt3A_738, %ne3A_742 : vector<16xi1>
      %and3A_744 = arith.andi %ne3A_743, %ne3A_736 : vector<16xi1>
      %add3A_745 = vector.broadcast %select_n3A_731 : i32 to vector<16xi32>
      %add3A_746 = arith.addi %rem3A_733, %add3A_745 : vector<16xi32>
      %select_n3A_747 = arith.select %and3A_744, %add3A_746, %rem3A_733 : vector<16xi1>, vector<16xi32>
      tpu.vector_store_idx %arg7[%select_n3A, %select_n3A_747, %get3A_704], %broadcast_in_dim3A_5 : memref<8x56x128xf32, #tpu.memory_space<vmem>>[vector<16xi32>, vector<16xi32>, vector<16xi32>], vector<16xf32>,
    }
    %scan3A_642 = arith.constant 25 : i32
    %scan3A_643 = arith.constant 0 : i32
    %scan3A_644 = arith.constant 0 : i32
    %scan3A_645 = arith.constant 25 : i32
    %scan3A_646 = arith.addi %scan3A_644, %scan3A_645 : i32
    %scan3A_647 = arith.constant 1 : i32
    scf.for %scan3A_695 = %scan3A_644 to %scan3A_646 step %scan3A_647  : i32 {
      %mul3A_696 = arith.constant 16 : i32
      %mul3A_697 = arith.muli %scan3A_695, %mul3A_696 : i32
      %add3A_698 = vector.broadcast %mul3A_697 : i32 to vector<16xi32>
      %add3A_699 = arith.addi %add3A_698, %iota3A : vector<16xi32>
      %mul3A_700 = arith.constant 16 : i32
      %mul3A_701 = arith.muli %scan3A_695, %mul3A_700 : i32
      %add3A_702 = arith.constant 6000 : i32
      %add3A_703 = arith.addi %add3A_702, %mul3A_701 : i32
      %get3A = arith.index_cast %add3A_703 : i32 to index
      %get3A_704 = tpu.vector_load %arg5[%get3A] {strides = array<i32>} : memref<6400xi32, #tpu.memory_space<vmem>>, vector<16xi32>,
      %jit3A = arith.constant 50 : i32
      %div3A = vector.broadcast %jit3A : i32 to vector<16xi32>
      %div3A_705 = arith.divsi %add3A_699, %div3A : vector<16xi32>
      %sign3A = arith.constant 0 : i32
      %sign3A_706 = vector.broadcast %sign3A : i32 to vector<16xi32>
      %sign3A_707 = arith.cmpi sgt, %add3A_699, %sign3A_706 : vector<16xi32>
      %sign3A_708 = arith.extui %sign3A_707 : vector<16xi1> to vector<16xi32>
      %sign3A_709 = arith.constant 0 : i32
      %sign3A_710 = vector.broadcast %sign3A_709 : i32 to vector<16xi32>
      %sign3A_711 = arith.cmpi slt, %add3A_699, %sign3A_710 : vector<16xi32>
      %sign3A_712 = arith.extui %sign3A_711 : vector<16xi1> to vector<16xi32>
      %sign3A_713 = arith.subi %sign3A_708, %sign3A_712 : vector<16xi32>
      %sign3A_714 = arith.constant 0 : i32
      %sign3A_715 = arith.cmpi sgt, %jit3A, %sign3A_714 : i32
      %sign3A_716 = arith.extui %sign3A_715 : i1 to i32
      %sign3A_717 = arith.constant 0 : i32
      %sign3A_718 = arith.cmpi slt, %jit3A, %sign3A_717 : i32
      %sign3A_719 = arith.extui %sign3A_718 : i1 to i32
      %sign3A_720 = arith.subi %sign3A_716, %sign3A_719 : i32
      %ne3A = vector.broadcast %sign3A_720 : i32 to vector<16xi32>
      %ne3A_721 = arith.cmpi ne, %sign3A_713, %ne3A : vector<16xi32>
      %rem3A = vector.broadcast %jit3A : i32 to vector<16xi32>
      %rem3A_722 = arith.remsi %add3A_699, %rem3A : vector<16xi32>
      %ne3A_723 = arith.constant 0 : i32
      %ne3A_724 = vector.broadcast %ne3A_723 : i32 to vector<16xi32>
      %ne3A_725 = arith.cmpi ne, %rem3A_722, %ne3A_724 : vector<16xi32>
      %and3A = arith.andi %ne3A_721, %ne3A_725 : vector<16xi1>
      %sub3A = arith.constant 1 : i32
      %sub3A_726 = vector.broadcast %sub3A : i32 to vector<16xi32>
      %sub3A_727 = arith.subi %div3A_705, %sub3A_726 : vector<16xi32>
      %select_n3A = arith.select %and3A, %sub3A_727, %div3A_705 : vector<16xi1>, vector<16xi32>
      %jit3A_728 = arith.constant 50 : i32
      %eq3A = arith.constant 0 : i32
      %eq3A_729 = arith.cmpi eq, %jit3A_728, %eq3A : i32
      %jit3A_730 = arith.constant 1 : i32
      %select_n3A_731 = arith.select %eq3A_729, %jit3A_730, %jit3A_728 : i32
      %rem3A_732 = vector.broadcast %select_n3A_731 : i32 to vector<16xi32>
      %rem3A_733 = arith.remsi %add3A_699, %rem3A_732 : vector<16xi32>
      %ne3A_734 = arith.constant 0 : i32
      %ne3A_735 = vector.broadcast %ne3A_734 : i32 to vector<16xi32>
      %ne3A_736 = arith.cmpi ne, %rem3A_733, %ne3A_735 : vector<16xi32>
      %lt3A = arith.constant 0 : i32
      %lt3A_737 = vector.broadcast %lt3A : i32 to vector<16xi32>
      %lt3A_738 = arith.cmpi slt, %rem3A_733, %lt3A_737 : vector<16xi32>
      %lt3A_739 = arith.constant 0 : i32
      %lt3A_740 = arith.cmpi slt, %select_n3A_731, %lt3A_739 : i32
      %ne3A_741 = vector.broadcast %lt3A_740 : i1 to vector<16xi1>
      %ne3A_742 = vector.broadcast %ne3A_741 : vector<16xi1> to vector<16xi1>
      %ne3A_743 = arith.xori %lt3A_738, %ne3A_742 : vector<16xi1>
      %and3A_744 = arith.andi %ne3A_743, %ne3A_736 : vector<16xi1>
      %add3A_745 = vector.broadcast %select_n3A_731 : i32 to vector<16xi32>
      %add3A_746 = arith.addi %rem3A_733, %add3A_745 : vector<16xi32>
      %select_n3A_747 = arith.select %and3A_744, %add3A_746, %rem3A_733 : vector<16xi1>, vector<16xi32>
      tpu.vector_store_idx %arg7[%select_n3A, %select_n3A_747, %get3A_704], %broadcast_in_dim3A_3 : memref<8x56x128xf32, #tpu.memory_space<vmem>>[vector<16xi32>, vector<16xi32>, vector<16xi32>], vector<16xf32>,
    }
    %scan3A_648 = arith.constant 25 : i32
    %mul3A_649 = arith.constant 128 : i32
    %mul3A_650 = arith.muli %add3A, %mul3A_649 : i32
    %add3A_651 = arith.constant 120 : i32
    %add3A_652 = arith.addi %mul3A_650, %add3A_651 : i32
    %dma_start3A_653 = arith.constant 0 : i32
    %dma_start3A_654 = arith.constant 0 : i32
    %dma_start3A_655 = arith.constant 0 : i32
    %dma_start3A_656 = tpu.memref_slice %arg7[%dma_start3A_653, %dma_start3A_654, %dma_start3A_655] : memref<8x56x128xf32, #tpu.memory_space<vmem>> -> memref<8x50x128xf32, #tpu.memory_space<vmem>>
    %dma_start3A_657 = arith.constant 0 : i32
    %dma_start3A_658 = arith.constant 0 : i32
    %dma_start3A_659 = tpu.memref_slice %arg4[%add3A_652, %dma_start3A_657, %dma_start3A_658] : memref<4096x50x128xf32, #tpu.memory_space<hbm>> -> memref<8x50x128xf32, #tpu.memory_space<hbm>>
    %dma_start3A_660 = arith.constant 0 : i32
    %dma_start3A_661 = arith.constant 0 : i32
    %dma_start3A_662 = tpu.memref_slice %arg4[%add3A_652, %dma_start3A_660, %dma_start3A_661] : memref<4096x50x128xf32, #tpu.memory_space<hbm>> -> memref<8x50x128xf32, #tpu.memory_space<hbm>>
    %dma_start3A_663 = arith.constant 0 : i32
    %dma_start3A_664 = arith.constant 0 : i32
    %dma_start3A_665 = arith.constant 0 : i32
    %dma_start3A_666 = tpu.memref_slice %arg7[%dma_start3A_663, %dma_start3A_664, %dma_start3A_665] : memref<8x56x128xf32, #tpu.memory_space<vmem>> -> memref<8x50x128xf32, #tpu.memory_space<vmem>>
    tpu.enqueue_dma source(%dma_start3A_666 : memref<8x50x128xf32, #tpu.memory_space<vmem>>) target(%dma_start3A_662 : memref<8x50x128xf32, #tpu.memory_space<hbm>>) target_semaphore(%arg9 : memref<!tpu.dma_semaphore, #tpu.memory_space<semaphore_mem>>)
    %dma_wait3A_667 = arith.constant 0 : i32
    %dma_wait3A_668 = arith.constant 0 : i32
    %dma_wait3A_669 = arith.constant 0 : i32
    %dma_wait3A_670 = tpu.memref_slice %arg6[%dma_wait3A_667, %dma_wait3A_668, %dma_wait3A_669] : memref<8x56x128xf32, #tpu.memory_space<vmem>> -> memref<8x50x128xf32, #tpu.memory_space<vmem>>
    %dma_wait3A_671 = arith.constant 0 : i32
    %dma_wait3A_672 = arith.constant 0 : i32
    %dma_wait3A_673 = tpu.memref_slice %arg4[%add3A_608, %dma_wait3A_671, %dma_wait3A_672] : memref<4096x50x128xf32, #tpu.memory_space<hbm>> -> memref<8x50x128xf32, #tpu.memory_space<hbm>>
    %dma_wait3A_674 = arith.constant 0 : i32
    %dma_wait3A_675 = arith.constant 0 : i32
    %dma_wait3A_676 = tpu.memref_slice %arg4[%add3A_608, %dma_wait3A_674, %dma_wait3A_675] : memref<4096x50x128xf32, #tpu.memory_space<hbm>> -> memref<8x50x128xf32, #tpu.memory_space<hbm>>
    %dma_wait3A_677 = arith.constant 0 : i32
    %dma_wait3A_678 = arith.constant 0 : i32
    %dma_wait3A_679 = arith.constant 0 : i32
    %dma_wait3A_680 = tpu.memref_slice %arg6[%dma_wait3A_677, %dma_wait3A_678, %dma_wait3A_679] : memref<8x56x128xf32, #tpu.memory_space<vmem>> -> memref<8x50x128xf32, #tpu.memory_space<vmem>>
    tpu.wait_dma2 semaphore(%arg8 : memref<!tpu.dma_semaphore, #tpu.memory_space<semaphore_mem>>) src(%dma_wait3A_680 : memref<8x50x128xf32, #tpu.memory_space<vmem>>) dst(%dma_wait3A_676 : memref<8x50x128xf32, #tpu.memory_space<hbm>>)
    %dma_wait3A_681 = arith.constant 0 : i32
    %dma_wait3A_682 = arith.constant 0 : i32
    %dma_wait3A_683 = arith.constant 0 : i32
    %dma_wait3A_684 = tpu.memref_slice %arg7[%dma_wait3A_681, %dma_wait3A_682, %dma_wait3A_683] : memref<8x56x128xf32, #tpu.memory_space<vmem>> -> memref<8x50x128xf32, #tpu.memory_space<vmem>>
    %dma_wait3A_685 = arith.constant 0 : i32
    %dma_wait3A_686 = arith.constant 0 : i32
    %dma_wait3A_687 = tpu.memref_slice %arg4[%add3A_652, %dma_wait3A_685, %dma_wait3A_686] : memref<4096x50x128xf32, #tpu.memory_space<hbm>> -> memref<8x50x128xf32, #tpu.memory_space<hbm>>
    %dma_wait3A_688 = arith.constant 0 : i32
    %dma_wait3A_689 = arith.constant 0 : i32
    %dma_wait3A_690 = tpu.memref_slice %arg4[%add3A_652, %dma_wait3A_688, %dma_wait3A_689] : memref<4096x50x128xf32, #tpu.memory_space<hbm>> -> memref<8x50x128xf32, #tpu.memory_space<hbm>>
    %dma_wait3A_691 = arith.constant 0 : i32
    %dma_wait3A_692 = arith.constant 0 : i32
    %dma_wait3A_693 = arith.constant 0 : i32
    %dma_wait3A_694 = tpu.memref_slice %arg7[%dma_wait3A_691, %dma_wait3A_692, %dma_wait3A_693] : memref<8x56x128xf32, #tpu.memory_space<vmem>> -> memref<8x50x128xf32, #tpu.memory_space<vmem>>
    tpu.wait_dma2 semaphore(%arg9 : memref<!tpu.dma_semaphore, #tpu.memory_space<semaphore_mem>>) src(%dma_wait3A_694 : memref<8x50x128xf32, #tpu.memory_space<vmem>>) dst(%dma_wait3A_690 : memref<8x50x128xf32, #tpu.memory_space<hbm>>)
    return
  }
}

</mosaic_0001>

<sc_bundles>
// kernel: kernel.3.cloned.1.call-start
scs
__scs_entry_jumppad:
0x0: {  	(pc) =	sbr.rel $0x88, $3  }
0x1: {  	(tag) =	ssettag $0x0;
	lr =	simm.s32 $0x1  }
0x2: {  	[smem:$0x3FA0] =	sst lr;
	_ =	strace $0xD0000000  }
0x3: {  	_ = 	snop  }
0x4: {  	_ = 	snop  }
0x5: {  	_ = 	snop  }
0x6: {  	_ = 	snop  }
0x7: {  	_ = 	snop  }
__scs_overlays_trampoline_lowered:
0x8: {  	[smem:$0x3FAF] =	sst s0  }
0x9: {  	[smem:$0x3FB0] =	sst s1  }
0xa: {  	[smem:$0x3FB1] =	sst s2  }
0xb: {  	[smem:$0x3FB2] =	sst s3  }
0xc: {  	[smem:$0x3FB3] =	sst s4  }
0xd: {  	[smem:$0x3FB4] =	sst s5  }
0xe: {  	[smem:$0x3FB5] =	sst s6  }
0xf: {  	[smem:$0x3FB6] =	sst s7  }
0x10: {  	[smem:$0x3FB7] =	sst s8  }
0x11: {  	[smem:$0x3FB8] =	sst s9;
	s0 =	simm.s32 @!p0 $0x0  }
0x12: {  	s1 =	sld [smem:$0x3F9E];
	s0 =	simm.s32 @p0 $0x1  }
0x13: {  	[smem:$0x3FB9] =	sst s0;
	s0 =	simm.s32 @!p1 $0x0  }
0x14: {  	s2 =	sld [smem:$0x3F9D];
	s0 =	simm.s32 @p1 $0x1  }
0x15: {  	[smem:$0x3FBA] =	sst s0;
	s0 =	simm.s32 @!p2 $0x0  }
0x16: {  	s3 =	sld [smem:$0x3FDB];
	s0 =	simm.s32 @p2 $0x1  }
0x17: {  	s4 =	simm.s32 $0x1BF5;
	[smem:$0x3FBC] =	sst s0  }
0x18: {  	s0 =	sld [smem:$0x3F9F];
	_ =	swait.ge [sflag:s4], $0x0  }
0x19: {  	s7 =	sld [smem:$0x3FA0]  }
0x1a: {  	s8 =	sadd.s32 $0xFFFFE003, lr  }
0x1b: {  	s9 =	sadd.s32 $0xFFFFFEF7, lr;
	s5 =	simm.s32 $0xFFFFFFFF;
	p2 =	slt.u32 s8, $0xFFFFF086  }
0x1c: {  	p1 =	slt.u32 s9, $0xF7A;
	s5 =	simm.s32 @!p2 $0x0  }
0x1d: {  	s5 =	simm.s32 @p1 $0x1;
	p0 =	seq.s32 s7, s2  }
0x1e: {  	s7 =	smul.u32 @!p0 $0xF7A, s2;
	p2 =	seq.s32 @!p0 s5, $0x0  }
0x1f: {  	s9 =	smul.u32 $0xF7A, s1;
	s8 =	simm.s32 @!p0 $0x1BF5;
	p2 =	por !p2, p0  }
0x20: {  	[sflag:s8] =	ssyncset.s32 @!p0 $0xFFFFF086;
	s6 =	sadd.s32 @!p0 s3, s7;
	s7 =	simm.s32 @!p0 $0x108  }
0x21: {  	s3 =	sadd.s32 s3, s9;
	s6 =	sadd.s32 @!p0 $0x88, s6;
	s7 =	simm.s32 @p2 $0x1082  }
0x22: {  	[simem:s7], [sflag:s8] =	dma.local @!p0 [hbm:s6], $0xF7A  }
0x23: {  	s9 =	sor.u32 $0xD0000000, s2;
	s6 =	simm.s32 $0x108;
	_ =	swait.ge @!p0 [sflag:s8], $0x0  }
0x24: {  	s3 =	sadd.s32 $0x88, s3;
	s6 =	simm.s32 @!p1 $0x1082;
	[sflag:s4] =	ssyncset.s32 $0xFFFFF086  }
0x25: {  	[simem:s6], [sflag:s4] =	dma.local [hbm:s3], $0xF7A  }
0x26: {  	[smem:$0x3FA0] =	sst s1;
	(tag) =	ssettag s2;
	_ =	strace s9  }
0x27: {  	s1 =	sld [smem:$0x3FB0]  }
0x28: {  	s2 =	sld [smem:$0x3FB1]  }
0x29: {  	s4 =	sld [smem:$0x3FB3]  }
0x2a: {  	p0 =	seq.s32 s5, $0x0;
	s5 =	sld [smem:$0x3FB4]  }
0x2b: {  	s6 =	sld [smem:$0x3FB5]  }
0x2c: {  	s7 =	sld [smem:$0x3FB6]  }
0x2d: {  	s3 =	simm.s32 $0x108;
	s8 =	sld [smem:$0x3FB7]  }
0x2e: {  	s3 =	simm.s32 @!p0 $0x1082;
	s9 =	sld [smem:$0x3FB8]  }
0x2f: {  	lr =	sadd.s32 s0, s3;
	s0 =	sld [smem:$0x3FAF]  }
0x30: {  	s3 =	sld [smem:$0x3FB2]  }
0x31: {  	[smem:$0x3FBB] =	sst s10  }
0x32: {  	s10 =	sld [smem:$0x3FB9];
	_ =	sdelay $0x3  }
0x33: {  	p0 =	seq.s32 s10, $0x1;
	s10 =	sld [smem:$0x3FBB];
	_ =	sdelay $0x3  }
0x34: {  	[smem:$0x3FBB] =	sst s10  }
0x35: {  	s10 =	sld [smem:$0x3FBA];
	_ =	sdelay $0x3  }
0x36: {  	p1 =	seq.s32 s10, $0x1;
	s10 =	sld [smem:$0x3FBB];
	_ =	sdelay $0x3  }
0x37: {  	[smem:$0x3FBB] =	sst s10  }
0x38: {  	s10 =	sld [smem:$0x3FBC]  }
0x39: {  	_ = 	snop;
	(pc) =	sbr.ind lr, $3  }
0x3a: {  	_ = 	snop  }
0x3b: {  	_ = 	snop  }
0x3c: {  	p2 =	seq.s32 s10, $0x1;
	s10 =	sld [smem:$0x3FBB]  }
0x3d: {  	_ =	shalt  }
0x3e: {  	_ =	shalt  }
0x3f: {  	_ =	shalt  }
0x40: {  	_ =	shalt  }
0x41: {  	_ =	shalt  }
0x42: {  	_ =	shalt  }
0x43: {  	_ =	shalt  }
0x44: {  	_ =	shalt  }
0x45: {  	_ =	shalt  }
0x46: {  	_ =	shalt  }
0x47: {  	_ =	shalt  }
0x48: {  	_ =	shalt  }
0x49: {  	_ =	shalt  }
0x4a: {  	_ =	shalt  }
0x4b: {  	_ =	shalt  }
0x4c: {  	_ =	shalt  }
0x4d: {  	_ =	shalt  }
0x4e: {  	_ =	shalt  }
0x4f: {  	_ =	shalt  }
0x50: {  	_ =	shalt  }
0x51: {  	_ =	shalt  }
0x52: {  	_ =	shalt  }
0x53: {  	_ =	shalt  }
0x54: {  	_ =	shalt  }
0x55: {  	_ =	shalt  }
0x56: {  	_ =	shalt  }
0x57: {  	_ =	shalt  }
0x58: {  	_ =	shalt  }
0x59: {  	_ =	shalt  }
0x5a: {  	_ =	shalt  }
0x5b: {  	_ =	shalt  }
0x5c: {  	_ =	shalt  }
0x5d: {  	_ =	shalt  }
0x5e: {  	_ =	shalt  }
0x5f: {  	_ =	shalt  }
0x60: {  	_ =	shalt  }
0x61: {  	_ =	shalt  }
0x62: {  	_ =	shalt  }
0x63: {  	_ =	shalt  }
0x64: {  	_ =	shalt  }
0x65: {  	_ =	shalt  }
0x66: {  	_ =	shalt  }
0x67: {  	_ =	shalt  }
0x68: {  	_ =	shalt  }
0x69: {  	_ =	shalt  }
0x6a: {  	_ =	shalt  }
0x6b: {  	_ =	shalt  }
0x6c: {  	_ =	shalt  }
0x6d: {  	_ =	shalt  }
0x6e: {  	_ =	shalt  }
0x6f: {  	_ =	shalt  }
0x70: {  	_ =	shalt  }
0x71: {  	_ =	shalt  }
0x72: {  	_ =	shalt  }
0x73: {  	_ =	shalt  }
0x74: {  	_ =	shalt  }
0x75: {  	_ =	shalt  }
0x76: {  	_ =	shalt  }
0x77: {  	_ =	shalt  }
0x78: {  	_ =	shalt  }
0x79: {  	_ =	shalt  }
0x7a: {  	_ =	shalt  }
0x7b: {  	_ =	shalt  }
0x7c: {  	_ =	shalt  }
0x7d: {  	_ =	shalt  }
0x7e: {  	_ =	shalt  }
0x7f: {  	_ =	shalt  }
0x80: {  	_ =	shalt  }
0x81: {  	_ =	shalt  }
0x82: {  	_ =	shalt  }
0x83: {  	_ =	shalt  }
0x84: {  	_ =	shalt  }
0x85: {  	_ =	shalt  }
0x86: {  	_ =	shalt  }
0x87: {  	_ =	shalt  }
.Lfunc_end0:
.L_simem_size_0:
called_computation_lowered:
.L_overlay_start_0:
0x88: {  	s2 =	sld [smem:$0x3FD9]  }
0x89: {  	s3 =	sld [smem:$0x3FFE];
	_ =	sdelay $0x1  }
0x8a: {  	s1 =	srdreg.scid  }
0x8b: {  	s0 =	sand.u32 $0x1, s1  }
0x8c: {  	s17 =	sshll.u32 s0, $0xA;
	s2 =	sadd.s32 s3, s2  }
0x8d: {  	s2 =	sadd.s32 s2, s17  }
0x8e: {  	[smem:$0x3FC7] =	sst s2  }
0x8f: {  	_ = 	snop  }
0x90: {  	s2 =	sld [smem:$0x3FD0];
	(tm) =	ssettm $0x1  }
0x91: {  	s18 =	sld [smem:$0x3FFB];
	_ =	sdelay $0x3  }
0x92: {  	_ =	strace s18  }
0x93: {  	s3 =	sld [smem:$0x3FFC];
	_ =	sdelay $0x3  }
0x94: {  	_ =	strace s3  }
0x95: {  	s3 =	sld [smem:$0x3FFD];
	_ =	sdelay $0x3  }
0x96: {  	_ =	strace s3  }
0x97: {  	_ =	strace $0x8FFFFFFF  }
0x98: {  	s19 =	sld [smem:$0x3FDB];
	_ =	sdelay $0x1  }
0x99: {  	s4 =	simm.s32 $_scs_section_size  }
0x9a: {  	s5 =	simm.s32 $_size__tile_overlayer_lowered;
	s6 =	simm.s32 $_tile_overlayer_lowered  }
0x9b: {  	s22 =	simm.s32 $0x1BFF;
	s21 =	sshll.u32 s6, $0x1;
	s3 =	sadd.s32 s4, s19  }
0x9c: {  	s7 =	simm.s32 $0x0;
	s20 =	sshll.u32 s5, $0x1;
	s5 =	sadd.s32 s21, s3  }
0x9d: {  	[timem:s7], [sflag:s22] =	dma.local [hbm:s5], s20  }
0x9e: {  	_ =	swait.ge [sflag:s22], s20  }
0x9f: {  	s4 =	ssub.s32 $0x0, s20;
	[sflag:s22] =	ssyncset.done $0x0  }
0xa0: {  	[sflag:s22] =	ssyncadd.s32 s4;
	_ =	sdelay $0x1  }
0xa1: {  	s23 =	simm.s32 $0x1B8B  }
0xa2: {  	_ =	swait.ge [sflag:s23], $0x1  }
0xa3: {  	[sflag:s23] =	ssyncset.done $0x0  }
0xa4: {  	s25 =	simm.s32 $0x1B8E;
	s24 =	sld [smem:$0x3FFE];
	[sflag:s23] =	ssyncadd.s32 $0xFFFFFFFF  }
0xa5: {  	s26 =	simm.s32 $execute0_lowered;
	[smem:$0x3FD2] =	sst s25  }
0xa6: {  	s5 =	sshll.u32 s26, $0x1;
	_ =	strace $0x80000046;
	[dreg:$0x1] =	wrdreg $0xFFFFFFFF  }
0xa7: {  	s28 =	simm.s32 $_size_execute0_lowered;
	s3 =	sadd.s32 s3, s5;
	[dreg:$0x0] =	wrdreg $0x0  }
0xa8: {  	s5 =	sshll.u32 s28, $0x1;
	[dreg:$0x2] =	wrdreg s3  }
0xa9: {  	[dreg:$0x3] =	wrdreg s5  }
0xaa: {  	[dreg:$0x4] =	wrdreg $0xC0  }
0xab: {  	_ =	task [dreg:s7], $0x5FFFF  }
0xac: {  	[dreg:$0x1] =	wrdreg $0xFFFFFFFF  }
0xad: {  	[dreg:$0x0] =	wrdreg $0x60  }
0xae: {  	[dreg:$0x2] =	wrdreg s2  }
0xaf: {  	[dreg:$0x3] =	wrdreg s24  }
0xb0: {  	[dreg:$0x4] =	wrdreg $0x9  }
0xb1: {  	_ =	task.clear_ibuf [dreg:s7], $0x5FFFF;
	_ =	strace $0x90000046  }
0xb2: {  	s29 =	simm.s32 $0x9;
	_ =	strace $0x80000048  }
0xb3: {  	_ =	swait.ge [sflag:s29], $0x1  }
0xb4: {  	[sflag:s29] =	ssyncadd.s32 $0xFFFFFFFF  }
0xb5: {  	_ =	strace $0x90000048  }
0xb6: {  	_ =	sfence  }
0xb7: {  	s30 =	sld [smem:$0x0];
	_ =	sdelay $0x2  }
0xb8: {  	s31 =	sshll.u32 s1, $0xD;
	s1 =	sshrl.u32 s1, $0x2  }
0xb9: {  	s3 =	sand.u32 $0x4000, s31;
	s1 =	sadd.s32 s1, s30  }
0xba: {  	s0 =	sor.u32 s3, s0;
	s1 =	sshll.u32 s1, $0x11  }
0xbb: {  	s0 =	sor.u32 s1, s0  }
0xbc: {  	s0 =	sadd.s32 $0x8F2B, s0  }
0xbd: {  	[sflag:s0] =	ssyncadd.remote.s32 $0x1  }
0xbe: {  	_ =	sfence.sel $0xFFFF  }
0xbf: {  	[dreg:$0x0] =	wrdreg $0xFFFFFFFF;
	(pc) =	sbr.abs _section_cstart, $3  }
0xc0: {  	[dreg:$0x1] =	wrdreg $0xFFFFFFFF  }
0xc1: {  	_ =	task.clear_ibuf [dreg:s7], $0x2FFFF;
	_ =	strace $0x9FFFFFFF  }
0xc2: {  	(tm) =	ssettm $0x7FFFFFFF  }
0xc3: {  	_ =	shalt  }
tec
execute0_lowered:
.L_overlay_start_1:
0x0: {  	(tag) =	ssettag $0x1  }
0x1: {  	s0 =	rddreg [dreg:$0x0]  }
0x2: {  	s1 =	srdreg.scid;
	s2 =	stileid.u32  }
0x3: {  	s3 =	rddreg [dreg:$0x1];
	s22 =	simm.s32 $0x3;
	s23 =	simm.s32 $0x1900  }
0x4: {  	s21 =	simm.s32 $0x3500;
	s28 =	simm.s32 $0x1BD00;
	s29 =	simm.s32 $0x1  }
0x5: {  	s30 =	simm.s32 $0x2;
	s1 =	sand.u32 $0x1, s1;
	s4 =	sshll.u32 s2, $0x1  }
0x6: {  	s31 =	simm.s32 $0x0;
	s2 =	simm.s32 $0x0;
	s4 =	sor.u32 s1, s4  }
0x7: {  	s7 =	sadd.s32 $0x400, s3;
	s3 =	sadd.s32 $0x2000, s3;
	s5 =	smul.u32 $0x320, s4  }
0x8: {  	[smem:$0x7FF] =	sst s2;
	s1 =	ssub.s32 $0x2, s1;
	s6 =	smul.u32 $0xE0000, s4  }
0x9: {  	_ =	strace $0x80000047;
	s24 =	sshrl.u32 s1, $0x1;
	s4 =	smul.u32 $0x1C000, s4  }
0xa: {  	[dreg:$0x3] =	wrdreg s7;
	s1 =	ssub.s32 s1, s24;
	s24 =	simm.s32 $0xF900  }
0xb: {  	s6 =	sshrl.u32 s6, $0x3;
	s0 =	sadd.s32 s0, s5;
	s5 =	sadd.s32 s3, s4  }
0xc: {  	s26 =	smax.u32 s1, $0x1;
	[dreg:$0x4] =	wrdreg s0;
	s25 =	sadd.s32 s3, s6  }
0xd: {  	s6 =	sadd.s32 $0x1C00, s5;
	s7 =	sadd.s32 $0x3800, s5;
	[dreg:$0x5] =	wrdreg s26  }
0xe: {  	s26 =	simm.s32 $0x1A100;
	s8 =	sadd.s32 $0x5400, s25;
	s9 =	sadd.s32 $0x7000, s25  }
0xf: {  	s10 =	sadd.s32 $0x8C00, s25;
	s11 =	sadd.s32 $0xA800, s25;
	s12 =	sadd.s32 $0xC400, s25  }
0x10: {  	s13 =	sadd.s32 $0xE000, s25;
	s14 =	sadd.s32 $0xFC00, s25;
	s15 =	sadd.s32 $0x11800, s25  }
0x11: {  	v0 =	vlaneseq.u32;
	s16 =	sadd.s32 $0x13400, s25;
	s17 =	sadd.s32 $0x15000, s25;
	s18 =	sadd.s32 $0x16C00, s25  }
0x12: {  	v1 =	vimm.s32 $0x0;
	v2 =	vimm.f32 $1.000000000e+00;
	v3 =	vimm.f32 $0.0e+00;
	s19 =	sadd.s32 $0x18800, s25;
	s20 =	sadd.s32 $0x1A400, s25;
	s25 =	simm.s32 $0x18500  }
.LBB2_1:
0x13: {  	s0 =	rddreg [dreg:$0x4]  }
0x14: {  	[tilespmem:s2], [sflag:$0x3] =	stream.linear.gather [hbm4b:s0+s2], $0x1900, $0x38;
	[tilespmem:$0x1D900] =	vst v63  }
0x15: {  	_ =	swait.ge [sflag:s22], $0x1900  }
0x16: {  	[sflag:s22] =	ssyncset.done $0x0  }
0x17: {  	s4 =	rddreg [dreg:$0x3];
	[sflag:s22] =	ssyncadd.s32 $0xFFFFE700  }
0x18: {  	v4 =	vor.u32 s2, v0;
	[tilespmem:s23], [sflag:$0x3] =	stream.linear.gather [hbm4b:s4+s2], $0xE000, $0x38;
	[tilespmem:$0x1D900] =	vst v63  }
0x19: {  	v5 =	vmulhi.u32 $0x51EB851F, v4;
	_ =	swait.ge [sflag:s22], $0xE000  }
0x1a: {  	[sflag:s22] =	ssyncset.done $0x0  }
0x1b: {  	v5 =	vshrl.u32 v5, $0x4;
	[sflag:s22] =	ssyncadd.s32 $0xFFFF2000  }
0x1c: {  	v6 =	vmul.u32 $0xFFFFFFCE, v5;
	[tilespmem:s24], [sflag:$0x3] =	stream.linear.gather [hbm4b:s4+s2], $0xE000, $0x38;
	[tilespmem:$0x1D900] =	vst v63  }
0x1d: {  	_ =	swait.ge [sflag:s22], $0xE000  }
0x1e: {  	v7 =	vmov s2;
	v6 =	vadd.s32 v4, v6;
	[sflag:s22] =	ssyncset.done $0x0  }
0x1f: {  	vm0 =	veq.s32 v7, v0;
	vm1 =	vne.s32 v6, $0x0;
	[sflag:s22] =	ssyncadd.s32 $0xFFFF2000  }
0x20: {  	vm0 =	vmand vm0, vm1;
	v4 =	vld [tilespmem:s2+$0x0]  }
0x21: {  	v7 =	vsel vm0, $0xFFFFFFFF, v1  }
0x22: {  	v5 =	vadd.s32 v7, v5  }
0x23: {  	v7 =	vmul.u32 $0x1C00, v5  }
0x24: {  	s1 =	simm.s32 $0x10;
	v8 =	vshll.u32 v6, $0x7  }
0x25: {  	s0 =	simm.s32 $0x0;
	s4 =	simm.s32 $0x20;
	v5 =	vor.u32 s1, v0;
	v7 =	vadd.s32 v8, v7;
	v6 =	vand.u32 $0xFFFFFF80, v4  }
.LBB2_2:
0x26: {  	p0 =	sne.s32 s4, $0x180;
	v8 =	vmulhi.u32 $0x51EB851F, v5;
	v4 =	vand.u32 $0x7F, v4;
	v6 =	vadd.s32 v6, v7  }
0x27: {  	v4 =	vor.u32 v4, v6  }
0x28: {  	v6 =	vshrl.u32 v8, $0x4  }
0x29: {  	v7 =	vmul.u32 $0xFFFFFFCE, v6;
	_ =	sdelay $0x1  }
0x2a: {  	v8 =	vmov s1;
	s1 =	smov.u32 s4;
	v5 =	vadd.s32 v5, v7  }
0x2b: {  	s0 =	sadd.s32 $0x10, s0;
	vm0 =	veq.s32 v8, v0;
	vm1 =	vne.s32 v5, $0x0;
	[tilespmem:v4+s23+$0x0] =	vst.idx.msk $0xffff, v2  }
0x2c: {  	v4 =	vld [tilespmem:s0+$0x0];
	vm0 =	vmand vm0, vm1  }
.Ltmp0:
0x2d: {  	v7 =	vsel vm0, $0xFFFFFFFF, v1;
	(pc) =	sbr.rel @p0 .LBB2_2-.Ltmp0, $4  }
0x2e: {  	v6 =	vadd.s32 v7, v6  }
0x2f: {  	v7 =	vmul.u32 $0x1C00, v6  }
0x30: {  	v8 =	vshll.u32 v5, $0x7  }
0x31: {  	s4 =	sadd.s32 $0x10, s4;
	v5 =	vor.u32 s1, v0;
	v6 =	vand.u32 $0xFFFFFF80, v4;
	v7 =	vadd.s32 v8, v7  }
0x32: {  	v8 =	vmulhi.u32 $0x51EB851F, v5;
	v4 =	vand.u32 $0x7F, v4;
	v6 =	vadd.s32 v6, v7  }
0x33: {  	v4 =	vor.u32 v4, v6  }
0x34: {  	v6 =	vshrl.u32 v8, $0x4  }
0x35: {  	v7 =	vmul.u32 $0xFFFFFFCE, v6;
	_ =	sdelay $0x1  }
0x36: {  	v8 =	vmov s1;
	v5 =	vadd.s32 v5, v7  }
0x37: {  	s0 =	sadd.s32 $0x10, s0;
	vm0 =	veq.s32 v8, v0;
	vm1 =	vne.s32 v5, $0x0;
	[tilespmem:v4+s23+$0x0] =	vst.idx.msk $0xffff, v2  }
0x38: {  	v4 =	vld [tilespmem:s0+$0x0];
	vm0 =	vmand vm0, vm1  }
0x39: {  	v7 =	vsel vm0, $0xFFFFFFFF, v1  }
0x3a: {  	v6 =	vadd.s32 v7, v6  }
0x3b: {  	v6 =	vmul.u32 $0x1C00, v6  }
0x3c: {  	v5 =	vshll.u32 v5, $0x7  }
0x3d: {  	v7 =	vand.u32 $0xFFFFFF80, v4;
	v5 =	vadd.s32 v5, v6  }
0x3e: {  	v4 =	vand.u32 $0x7F, v4;
	v5 =	vadd.s32 v7, v5  }
0x3f: {  	v4 =	vor.u32 v4, v5;
	_ =	sdelay $0x4  }
0x40: {  	s0 =	simm.s32 $0x0;
	[tilespmem:v4+s23+$0x0] =	vst.idx.msk $0xffff, v2  }
0x41: {  	[hbm4b:s5+s0] =	stream.linear.scatter [tilespmem:s23], [sflag:$0x1], $0x1900, $0x38;
	[tilespmem:$0x1D900] =	vst v63  }
0x42: {  	s3 =	sadd.s32 $0x380, s5  }
0x43: {  	[hbm4b:s3+s0] =	stream.linear.scatter [tilespmem:s21], [sflag:$0x1], $0x1900, $0x38;
	[tilespmem:$0x1D900] =	vst v63  }
0x44: {  	s4 =	sadd.s32 $0x700, s5;
	s3 =	simm.s32 $0x5100  }
0x45: {  	[hbm4b:s4+s0] =	stream.linear.scatter [tilespmem:s3], [sflag:$0x1], $0x1900, $0x38;
	[tilespmem:$0x1D900] =	vst v63  }
0x46: {  	s3 =	sadd.s32 $0xA80, s5;
	s4 =	simm.s32 $0x6D00  }
0x47: {  	[hbm4b:s3+s0] =	stream.linear.scatter [tilespmem:s4], [sflag:$0x1], $0x1900, $0x38;
	[tilespmem:$0x1D900] =	vst v63  }
0x48: {  	s3 =	sadd.s32 $0xE00, s5;
	s4 =	simm.s32 $0x8900  }
0x49: {  	v4 =	vor.u32 s0, v0;
	[hbm4b:s3+s0] =	stream.linear.scatter [tilespmem:s4], [sflag:$0x1], $0x1900, $0x38;
	[tilespmem:$0x1D900] =	vst v63  }
0x4a: {  	v5 =	vmulhi.u32 $0x51EB851F, v4;
	s3 =	sadd.s32 $0x1180, s5;
	s4 =	simm.s32 $0xA500  }
0x4b: {  	[hbm4b:s3+s0] =	stream.linear.scatter [tilespmem:s4], [sflag:$0x1], $0x1900, $0x38;
	[tilespmem:$0x1D900] =	vst v63  }
0x4c: {  	v5 =	vshrl.u32 v5, $0x4;
	s3 =	sadd.s32 $0x1500, s5;
	s4 =	simm.s32 $0xC100  }
0x4d: {  	v6 =	vmul.u32 $0xFFFFFFCE, v5;
	[hbm4b:s3+s0] =	stream.linear.scatter [tilespmem:s4], [sflag:$0x1], $0x1900, $0x38;
	[tilespmem:$0x1D900] =	vst v63  }
0x4e: {  	s3 =	sadd.s32 $0x1880, s5;
	s4 =	simm.s32 $0xDD00  }
0x4f: {  	v7 =	vmov s0;
	v6 =	vadd.s32 v4, v6;
	[hbm4b:s3+s0] =	stream.linear.scatter [tilespmem:s4], [sflag:$0x1], $0x1900, $0x38;
	[tilespmem:$0x1D900] =	vst v63  }
0x50: {  	vm14 =	veq.s32 v7, v0;
	vm15 =	vne.s32 v6, $0x0;
	s0 =	simm.s32 $0x190  }
0x51: {  	vm0 =	vmand vm14, vm15;
	v4 =	vld [tilespmem:s0+$0x0]  }
0x52: {  	v7 =	vsel vm0, $0xFFFFFFFF, v1  }
0x53: {  	v5 =	vadd.s32 v7, v5  }
0x54: {  	v7 =	vmul.u32 $0x1C00, v5  }
0x55: {  	s1 =	simm.s32 $0x10;
	v8 =	vshll.u32 v6, $0x7  }
0x56: {  	v5 =	vor.u32 s1, v0;
	v7 =	vadd.s32 v8, v7;
	s3 =	simm.s32 $0x20;
	v6 =	vand.u32 $0xFFFFFF80, v4  }
.LBB2_4:
0x57: {  	p0 =	sne.s32 s3, $0x180;
	v8 =	vmulhi.u32 $0x51EB851F, v5;
	v4 =	vand.u32 $0x7F, v4;
	v6 =	vadd.s32 v6, v7  }
0x58: {  	v4 =	vor.u32 v4, v6  }
0x59: {  	v6 =	vshrl.u32 v8, $0x4  }
0x5a: {  	v7 =	vmul.u32 $0xFFFFFFCE, v6;
	_ =	sdelay $0x1  }
0x5b: {  	v8 =	vmov s1;
	s1 =	smov.u32 s3;
	v5 =	vadd.s32 v5, v7  }
0x5c: {  	s0 =	sadd.s32 $0x10, s0;
	vm0 =	veq.s32 v8, v0;
	vm1 =	vne.s32 v5, $0x0;
	[tilespmem:v4+s24+$0x0] =	vst.idx.msk $0xffff, v2  }
0x5d: {  	v4 =	vld [tilespmem:s0+$0x0];
	vm0 =	vmand vm0, vm1  }
.Ltmp1:
0x5e: {  	v7 =	vsel vm0, $0xFFFFFFFF, v1;
	(pc) =	sbr.rel @p0 .LBB2_4-.Ltmp1, $4  }
0x5f: {  	v6 =	vadd.s32 v7, v6  }
0x60: {  	v7 =	vmul.u32 $0x1C00, v6  }
0x61: {  	v8 =	vshll.u32 v5, $0x7  }
0x62: {  	s3 =	sadd.s32 $0x10, s3;
	v5 =	vor.u32 s1, v0;
	v6 =	vand.u32 $0xFFFFFF80, v4;
	v7 =	vadd.s32 v8, v7  }
0x63: {  	v8 =	vmulhi.u32 $0x51EB851F, v5;
	v4 =	vand.u32 $0x7F, v4;
	v6 =	vadd.s32 v6, v7  }
0x64: {  	v4 =	vor.u32 v4, v6  }
0x65: {  	v6 =	vshrl.u32 v8, $0x4  }
0x66: {  	v7 =	vmul.u32 $0xFFFFFFCE, v6;
	_ =	sdelay $0x1  }
0x67: {  	v8 =	vmov s1;
	v5 =	vadd.s32 v5, v7  }
0x68: {  	s0 =	sadd.s32 $0x10, s0;
	vm0 =	veq.s32 v8, v0;
	vm1 =	vne.s32 v5, $0x0;
	[tilespmem:v4+s24+$0x0] =	vst.idx.msk $0xffff, v2  }
0x69: {  	v4 =	vld [tilespmem:s0+$0x0];
	vm0 =	vmand vm0, vm1  }
0x6a: {  	v7 =	vsel vm0, $0xFFFFFFFF, v1  }
0x6b: {  	v6 =	vadd.s32 v7, v6  }
0x6c: {  	v6 =	vmul.u32 $0x1C00, v6  }
0x6d: {  	v5 =	vshll.u32 v5, $0x7  }
0x6e: {  	v7 =	vand.u32 $0xFFFFFF80, v4;
	v5 =	vadd.s32 v5, v6  }
0x6f: {  	v4 =	vand.u32 $0x7F, v4;
	v5 =	vadd.s32 v7, v5  }
0x70: {  	v4 =	vor.u32 v4, v5;
	_ =	sdelay $0x4  }
0x71: {  	s0 =	simm.s32 $0x0;
	[tilespmem:v4+s24+$0x0] =	vst.idx.msk $0xffff, v2  }
0x72: {  	[hbm4b:s6+s0] =	stream.linear.scatter [tilespmem:s24], [sflag:$0x2], $0x1900, $0x38;
	[tilespmem:$0x1D900] =	vst v63  }
0x73: {  	s4 =	sadd.s32 $0x380, s6;
	s3 =	simm.s32 $0x11500  }
0x74: {  	[hbm4b:s4+s0] =	stream.linear.scatter [tilespmem:s3], [sflag:$0x2], $0x1900, $0x38;
	[tilespmem:$0x1D900] =	vst v63  }
0x75: {  	s3 =	sadd.s32 $0x700, s6;
	s4 =	simm.s32 $0x13100  }
0x76: {  	[hbm4b:s3+s0] =	stream.linear.scatter [tilespmem:s4], [sflag:$0x2], $0x1900, $0x38;
	[tilespmem:$0x1D900] =	vst v63  }
0x77: {  	s3 =	sadd.s32 $0xA80, s6;
	s4 =	simm.s32 $0x14D00  }
0x78: {  	[hbm4b:s3+s0] =	stream.linear.scatter [tilespmem:s4], [sflag:$0x2], $0x1900, $0x38;
	[tilespmem:$0x1D900] =	vst v63  }
0x79: {  	s3 =	sadd.s32 $0xE00, s6;
	s4 =	simm.s32 $0x16900  }
0x7a: {  	[hbm4b:s3+s0] =	stream.linear.scatter [tilespmem:s4], [sflag:$0x2], $0x1900, $0x38;
	[tilespmem:$0x1D900] =	vst v63  }
0x7b: {  	s4 =	sadd.s32 $0x1180, s6  }
0x7c: {  	v4 =	vor.u32 s0, v0;
	[hbm4b:s4+s0] =	stream.linear.scatter [tilespmem:s25], [sflag:$0x2], $0x1900, $0x38;
	[tilespmem:$0x1D900] =	vst v63  }
0x7d: {  	v5 =	vmulhi.u32 $0x51EB851F, v4;
	s3 =	sadd.s32 $0x1500, s6  }
0x7e: {  	[hbm4b:s3+s0] =	stream.linear.scatter [tilespmem:s26], [sflag:$0x2], $0x1900, $0x38;
	[tilespmem:$0x1D900] =	vst v63  }
0x7f: {  	v5 =	vshrl.u32 v5, $0x4;
	s4 =	sadd.s32 $0x1880, s6  }
0x80: {  	v6 =	vmul.u32 $0xFFFFFFCE, v5;
	[hbm4b:s4+s0] =	stream.linear.scatter [tilespmem:s28], [sflag:$0x2], $0x1900, $0x38;
	[tilespmem:$0x1D900] =	vst v63  }
0x81: {  	_ =	swait.ge [sflag:s29], $0xC800  }
0x82: {  	v7 =	vmov s0;
	v8 =	vadd.s32 v4, v6;
	[sflag:s29] =	ssyncset.done $0x0  }
0x83: {  	vm14 =	veq.s32 v7, v0;
	vm15 =	vne.s32 v8, $0x0;
	[sflag:s29] =	ssyncadd.s32 $0xFFFF3800  }
0x84: {  	vm0 =	vmand vm14, vm15;
	v6 =	vld [tilespmem:s0+$0x0]  }
0x85: {  	v4 =	vsel vm0, $0xFFFFFFFF, v1  }
0x86: {  	v4 =	vadd.s32 v4, v5  }
0x87: {  	v4 =	vmul.u32 $0x1C00, v4  }
0x88: {  	s1 =	simm.s32 $0x10;
	v5 =	vshll.u32 v8, $0x7  }
0x89: {  	v7 =	vor.u32 s1, v0;
	s3 =	simm.s32 $0x20;
	v9 =	vadd.s32 v5, v4;
	s4 =	simm.s32 $0x10;
	v8 =	vand.u32 $0xFFFFFF80, v6  }
.LBB2_6:
0x8a: {  	p0 =	sne.s32 s3, $0x180;
	v10 =	vmulhi.u32 $0x51EB851F, v7;
	v6 =	vand.u32 $0x7F, v6;
	v8 =	vadd.s32 v8, v9  }
0x8b: {  	v6 =	vor.u32 v6, v8  }
0x8c: {  	v8 =	vshrl.u32 v10, $0x4  }
0x8d: {  	v9 =	vmul.u32 $0xFFFFFFCE, v8;
	_ =	sdelay $0x1  }
0x8e: {  	v10 =	vmov s4;
	s4 =	smov.u32 s3;
	v7 =	vadd.s32 v7, v9  }
0x8f: {  	s0 =	sadd.s32 $0x10, s0;
	vm0 =	veq.s32 v10, v0;
	vm1 =	vne.s32 v7, $0x0;
	[tilespmem:v6+s23+$0x0] =	vst.idx.msk $0xffff, v3  }
0x90: {  	v6 =	vld [tilespmem:s0+$0x0];
	vm0 =	vmand vm0, vm1  }
.Ltmp2:
0x91: {  	v9 =	vsel vm0, $0xFFFFFFFF, v1;
	(pc) =	sbr.rel @p0 .LBB2_6-.Ltmp2, $4  }
0x92: {  	v8 =	vadd.s32 v9, v8  }
0x93: {  	v9 =	vmul.u32 $0x1C00, v8  }
0x94: {  	v10 =	vshll.u32 v7, $0x7  }
0x95: {  	s3 =	sadd.s32 $0x10, s3;
	v7 =	vor.u32 s4, v0;
	v8 =	vand.u32 $0xFFFFFF80, v6;
	v9 =	vadd.s32 v10, v9  }
0x96: {  	v10 =	vmulhi.u32 $0x51EB851F, v7;
	v6 =	vand.u32 $0x7F, v6;
	v8 =	vadd.s32 v8, v9  }
0x97: {  	v6 =	vor.u32 v6, v8  }
0x98: {  	v8 =	vshrl.u32 v10, $0x4  }
0x99: {  	v9 =	vmul.u32 $0xFFFFFFCE, v8;
	_ =	sdelay $0x1  }
0x9a: {  	v10 =	vmov s4;
	v7 =	vadd.s32 v7, v9  }
0x9b: {  	s0 =	sadd.s32 $0x10, s0;
	vm0 =	veq.s32 v10, v0;
	vm1 =	vne.s32 v7, $0x0;
	[tilespmem:v6+s23+$0x0] =	vst.idx.msk $0xffff, v3  }
0x9c: {  	v6 =	vld [tilespmem:s0+$0x0];
	vm0 =	vmand vm0, vm1  }
0x9d: {  	v9 =	vsel vm0, $0xFFFFFFFF, v1  }
0x9e: {  	v8 =	vadd.s32 v9, v8  }
0x9f: {  	v8 =	vmul.u32 $0x1C00, v8  }
0xa0: {  	v7 =	vshll.u32 v7, $0x7  }
0xa1: {  	v9 =	vand.u32 $0xFFFFFF80, v6;
	v7 =	vadd.s32 v7, v8  }
0xa2: {  	v6 =	vand.u32 $0x7F, v6;
	v7 =	vadd.s32 v9, v7  }
0xa3: {  	v6 =	vor.u32 v6, v7;
	_ =	sdelay $0x4  }
0xa4: {  	s0 =	simm.s32 $0x320;
	[tilespmem:v6+s23+$0x0] =	vst.idx.msk $0xffff, v3  }
0xa5: {  	v7 =	vld [tilespmem:s0+$0x0];
	_ =	sdelay $0x4  }
0xa6: {  	s3 =	simm.s32 $0x20;
	v4 =	vadd.s32 v5, v4;
	v6 =	vor.u32 s1, v0;
	v8 =	vand.u32 $0xFFFFFF80, v7  }
.LBB2_8:
0xa7: {  	p0 =	sne.s32 s3, $0x180;
	v5 =	vmulhi.u32 $0x51EB851F, v6;
	v7 =	vand.u32 $0x7F, v7;
	v4 =	vadd.s32 v8, v4  }
0xa8: {  	v4 =	vor.u32 v7, v4  }
0xa9: {  	v5 =	vshrl.u32 v5, $0x4  }
0xaa: {  	v7 =	vmul.u32 $0xFFFFFFCE, v5;
	_ =	sdelay $0x1  }
0xab: {  	v8 =	vmov s1;
	s1 =	smov.u32 s3;
	v6 =	vadd.s32 v6, v7  }
0xac: {  	s0 =	sadd.s32 $0x10, s0;
	vm0 =	veq.s32 v8, v0;
	vm1 =	vne.s32 v6, $0x0;
	[tilespmem:v4+s23+$0x0] =	vst.idx.msk $0xffff, v2  }
0xad: {  	v7 =	vld [tilespmem:s0+$0x0];
	vm0 =	vmand vm0, vm1  }
.Ltmp3:
0xae: {  	v4 =	vsel vm0, $0xFFFFFFFF, v1;
	(pc) =	sbr.rel @p0 .LBB2_8-.Ltmp3, $4  }
0xaf: {  	v4 =	vadd.s32 v4, v5  }
0xb0: {  	v4 =	vmul.u32 $0x1C00, v4  }
0xb1: {  	v5 =	vshll.u32 v6, $0x7  }
0xb2: {  	s3 =	sadd.s32 $0x10, s3;
	v6 =	vor.u32 s1, v0;
	v8 =	vand.u32 $0xFFFFFF80, v7;
	v4 =	vadd.s32 v5, v4  }
0xb3: {  	v5 =	vmulhi.u32 $0x51EB851F, v6;
	v7 =	vand.u32 $0x7F, v7;
	v4 =	vadd.s32 v8, v4  }
0xb4: {  	v4 =	vor.u32 v7, v4  }
0xb5: {  	v5 =	vshrl.u32 v5, $0x4  }
0xb6: {  	v7 =	vmul.u32 $0xFFFFFFCE, v5;
	_ =	sdelay $0x1  }
0xb7: {  	v8 =	vmov s1;
	v6 =	vadd.s32 v6, v7  }
0xb8: {  	s0 =	sadd.s32 $0x10, s0;
	vm0 =	veq.s32 v8, v0;
	vm1 =	vne.s32 v6, $0x0;
	[tilespmem:v4+s23+$0x0] =	vst.idx.msk $0xffff, v2  }
0xb9: {  	v4 =	vld [tilespmem:s0+$0x0];
	vm0 =	vmand vm0, vm1  }
0xba: {  	v7 =	vsel vm0, $0xFFFFFFFF, v1  }
0xbb: {  	v5 =	vadd.s32 v7, v5  }
0xbc: {  	v5 =	vmul.u32 $0x1C00, v5  }
0xbd: {  	v6 =	vshll.u32 v6, $0x7  }
0xbe: {  	v7 =	vand.u32 $0xFFFFFF80, v4;
	v5 =	vadd.s32 v6, v5  }
0xbf: {  	v4 =	vand.u32 $0x7F, v4;
	v5 =	vadd.s32 v7, v5  }
0xc0: {  	v4 =	vor.u32 v4, v5;
	_ =	sdelay $0x4  }
0xc1: {  	s0 =	simm.s32 $0x0;
	[tilespmem:v4+s23+$0x0] =	vst.idx.msk $0xffff, v2  }
0xc2: {  	[hbm4b:s7+s0] =	stream.linear.scatter [tilespmem:s23], [sflag:$0x1], $0x1900, $0x38;
	[tilespmem:$0x1D900] =	vst v63  }
0xc3: {  	s3 =	sadd.s32 $0x380, s7  }
0xc4: {  	[hbm4b:s3+s0] =	stream.linear.scatter [tilespmem:s21], [sflag:$0x1], $0x1900, $0x38;
	[tilespmem:$0x1D900] =	vst v63  }
0xc5: {  	s4 =	sadd.s32 $0x700, s7;
	s3 =	simm.s32 $0x5100  }
0xc6: {  	[hbm4b:s4+s0] =	stream.linear.scatter [tilespmem:s3], [sflag:$0x1], $0x1900, $0x38;
	[tilespmem:$0x1D900] =	vst v63  }
0xc7: {  	s3 =	sadd.s32 $0xA80, s7;
	s4 =	simm.s32 $0x6D00  }
0xc8: {  	[hbm4b:s3+s0] =	stream.linear.scatter [tilespmem:s4], [sflag:$0x1], $0x1900, $0x38;
	[tilespmem:$0x1D900] =	vst v63  }
0xc9: {  	s3 =	sadd.s32 $0xE00, s7;
	s4 =	simm.s32 $0x8900  }
0xca: {  	[hbm4b:s3+s0] =	stream.linear.scatter [tilespmem:s4], [sflag:$0x1], $0x1900, $0x38;
	[tilespmem:$0x1D900] =	vst v63  }
0xcb: {  	s3 =	sadd.s32 $0x1180, s7;
	s4 =	simm.s32 $0xA500  }
0xcc: {  	v4 =	vor.u32 s0, v0;
	[hbm4b:s3+s0] =	stream.linear.scatter [tilespmem:s4], [sflag:$0x1], $0x1900, $0x38;
	[tilespmem:$0x1D900] =	vst v63  }
0xcd: {  	v5 =	vmulhi.u32 $0x51EB851F, v4;
	s3 =	sadd.s32 $0x1500, s7;
	s4 =	simm.s32 $0xC100  }
0xce: {  	[hbm4b:s3+s0] =	stream.linear.scatter [tilespmem:s4], [sflag:$0x1], $0x1900, $0x38;
	[tilespmem:$0x1D900] =	vst v63  }
0xcf: {  	v5 =	vshrl.u32 v5, $0x4;
	s3 =	sadd.s32 $0x1880, s7;
	s4 =	simm.s32 $0xDD00  }
0xd0: {  	v6 =	vmul.u32 $0xFFFFFFCE, v5;
	[hbm4b:s3+s0] =	stream.linear.scatter [tilespmem:s4], [sflag:$0x1], $0x1900, $0x38;
	[tilespmem:$0x1D900] =	vst v63  }
0xd1: {  	_ =	swait.ge [sflag:s30], $0xC800  }
0xd2: {  	v7 =	vmov s0;
	v8 =	vadd.s32 v4, v6;
	[sflag:s30] =	ssyncset.done $0x0  }
0xd3: {  	vm14 =	veq.s32 v7, v0;
	vm15 =	vne.s32 v8, $0x0;
	s0 =	simm.s32 $0x190;
	[sflag:s30] =	ssyncadd.s32 $0xFFFF3800  }
0xd4: {  	vm0 =	vmand vm14, vm15;
	v6 =	vld [tilespmem:s0+$0x0]  }
0xd5: {  	v4 =	vsel vm0, $0xFFFFFFFF, v1  }
0xd6: {  	v4 =	vadd.s32 v4, v5  }
0xd7: {  	v4 =	vmul.u32 $0x1C00, v4  }
0xd8: {  	s1 =	simm.s32 $0x10;
	v5 =	vshll.u32 v8, $0x7  }
0xd9: {  	v7 =	vor.u32 s1, v0;
	v9 =	vadd.s32 v5, v4;
	s3 =	simm.s32 $0x20;
	s4 =	simm.s32 $0x10;
	v8 =	vand.u32 $0xFFFFFF80, v6  }
.LBB2_10:
0xda: {  	p0 =	sne.s32 s3, $0x180;
	v10 =	vmulhi.u32 $0x51EB851F, v7;
	v6 =	vand.u32 $0x7F, v6;
	v8 =	vadd.s32 v8, v9  }
0xdb: {  	v6 =	vor.u32 v6, v8  }
0xdc: {  	v8 =	vshrl.u32 v10, $0x4  }
0xdd: {  	v9 =	vmul.u32 $0xFFFFFFCE, v8;
	_ =	sdelay $0x1  }
0xde: {  	v10 =	vmov s4;
	s4 =	smov.u32 s3;
	v7 =	vadd.s32 v7, v9  }
0xdf: {  	s0 =	sadd.s32 $0x10, s0;
	vm0 =	veq.s32 v10, v0;
	vm1 =	vne.s32 v7, $0x0;
	[tilespmem:v6+s24+$0x0] =	vst.idx.msk $0xffff, v3  }
0xe0: {  	v6 =	vld [tilespmem:s0+$0x0];
	vm0 =	vmand vm0, vm1  }
.Ltmp4:
0xe1: {  	v9 =	vsel vm0, $0xFFFFFFFF, v1;
	(pc) =	sbr.rel @p0 .LBB2_10-.Ltmp4, $4  }
0xe2: {  	v8 =	vadd.s32 v9, v8  }
0xe3: {  	v9 =	vmul.u32 $0x1C00, v8  }
0xe4: {  	v10 =	vshll.u32 v7, $0x7  }
0xe5: {  	s3 =	sadd.s32 $0x10, s3;
	v7 =	vor.u32 s4, v0;
	v8 =	vand.u32 $0xFFFFFF80, v6;
	v9 =	vadd.s32 v10, v9  }
0xe6: {  	v10 =	vmulhi.u32 $0x51EB851F, v7;
	v6 =	vand.u32 $0x7F, v6;
	v8 =	vadd.s32 v8, v9  }
0xe7: {  	v6 =	vor.u32 v6, v8  }
0xe8: {  	v8 =	vshrl.u32 v10, $0x4  }
0xe9: {  	v9 =	vmul.u32 $0xFFFFFFCE, v8;
	_ =	sdelay $0x1  }
0xea: {  	v10 =	vmov s4;
	v7 =	vadd.s32 v7, v9  }
0xeb: {  	s0 =	sadd.s32 $0x10, s0;
	vm0 =	veq.s32 v10, v0;
	vm1 =	vne.s32 v7, $0x0;
	[tilespmem:v6+s24+$0x0] =	vst.idx.msk $0xffff, v3  }
0xec: {  	v6 =	vld [tilespmem:s0+$0x0];
	vm0 =	vmand vm0, vm1  }
0xed: {  	v9 =	vsel vm0, $0xFFFFFFFF, v1  }
0xee: {  	v8 =	vadd.s32 v9, v8  }
0xef: {  	v8 =	vmul.u32 $0x1C00, v8  }
0xf0: {  	v7 =	vshll.u32 v7, $0x7  }
0xf1: {  	v9 =	vand.u32 $0xFFFFFF80, v6;
	v7 =	vadd.s32 v7, v8  }
0xf2: {  	v6 =	vand.u32 $0x7F, v6;
	v7 =	vadd.s32 v9, v7  }
0xf3: {  	v6 =	vor.u32 v6, v7;
	_ =	sdelay $0x4  }
0xf4: {  	s0 =	simm.s32 $0x4B0;
	[tilespmem:v6+s24+$0x0] =	vst.idx.msk $0xffff, v3  }
0xf5: {  	v7 =	vld [tilespmem:s0+$0x0];
	_ =	sdelay $0x4  }
0xf6: {  	s3 =	simm.s32 $0x20;
	v4 =	vadd.s32 v5, v4;
	v6 =	vor.u32 s1, v0;
	v8 =	vand.u32 $0xFFFFFF80, v7  }
.LBB2_12:
0xf7: {  	p0 =	sne.s32 s3, $0x180;
	v5 =	vmulhi.u32 $0x51EB851F, v6;
	v7 =	vand.u32 $0x7F, v7;
	v4 =	vadd.s32 v8, v4  }
0xf8: {  	v4 =	vor.u32 v7, v4  }
0xf9: {  	v5 =	vshrl.u32 v5, $0x4  }
0xfa: {  	v7 =	vmul.u32 $0xFFFFFFCE, v5;
	_ =	sdelay $0x1  }
0xfb: {  	v8 =	vmov s1;
	s1 =	smov.u32 s3;
	v6 =	vadd.s32 v6, v7  }
0xfc: {  	s0 =	sadd.s32 $0x10, s0;
	vm0 =	veq.s32 v8, v0;
	vm1 =	vne.s32 v6, $0x0;
	[tilespmem:v4+s24+$0x0] =	vst.idx.msk $0xffff, v2  }
0xfd: {  	v7 =	vld [tilespmem:s0+$0x0];
	vm0 =	vmand vm0, vm1  }
.Ltmp5:
0xfe: {  	v4 =	vsel vm0, $0xFFFFFFFF, v1;
	(pc) =	sbr.rel @p0 .LBB2_12-.Ltmp5, $4  }
0xff: {  	v4 =	vadd.s32 v4, v5  }
0x100: {  	v4 =	vmul.u32 $0x1C00, v4  }
0x101: {  	v5 =	vshll.u32 v6, $0x7  }
0x102: {  	s3 =	sadd.s32 $0x10, s3;
	v6 =	vor.u32 s1, v0;
	v8 =	vand.u32 $0xFFFFFF80, v7;
	v4 =	vadd.s32 v5, v4  }
0x103: {  	v5 =	vmulhi.u32 $0x51EB851F, v6;
	v7 =	vand.u32 $0x7F, v7;
	v4 =	vadd.s32 v8, v4  }
0x104: {  	v4 =	vor.u32 v7, v4  }
0x105: {  	v5 =	vshrl.u32 v5, $0x4  }
0x106: {  	v7 =	vmul.u32 $0xFFFFFFCE, v5;
	_ =	sdelay $0x1  }
0x107: {  	v8 =	vmov s1;
	v6 =	vadd.s32 v6, v7  }
0x108: {  	s0 =	sadd.s32 $0x10, s0;
	vm0 =	veq.s32 v8, v0;
	vm1 =	vne.s32 v6, $0x0;
	[tilespmem:v4+s24+$0x0] =	vst.idx.msk $0xffff, v2  }
0x109: {  	v4 =	vld [tilespmem:s0+$0x0];
	vm0 =	vmand vm0, vm1  }
0x10a: {  	v7 =	vsel vm0, $0xFFFFFFFF, v1  }
0x10b: {  	v5 =	vadd.s32 v7, v5  }
0x10c: {  	v5 =	vmul.u32 $0x1C00, v5  }
0x10d: {  	v6 =	vshll.u32 v6, $0x7  }
0x10e: {  	v7 =	vand.u32 $0xFFFFFF80, v4;
	v5 =	vadd.s32 v6, v5  }
0x10f: {  	v4 =	vand.u32 $0x7F, v4;
	v5 =	vadd.s32 v7, v5  }
0x110: {  	v4 =	vor.u32 v4, v5;
	_ =	sdelay $0x4  }
0x111: {  	s0 =	simm.s32 $0x0;
	[tilespmem:v4+s24+$0x0] =	vst.idx.msk $0xffff, v2  }
0x112: {  	[hbm4b:s8+s0] =	stream.linear.scatter [tilespmem:s24], [sflag:$0x2], $0x1900, $0x38;
	[tilespmem:$0x1D900] =	vst v63  }
0x113: {  	s4 =	sadd.s32 $0x380, s8;
	s3 =	simm.s32 $0x11500  }
0x114: {  	[hbm4b:s4+s0] =	stream.linear.scatter [tilespmem:s3], [sflag:$0x2], $0x1900, $0x38;
	[tilespmem:$0x1D900] =	vst v63  }
0x115: {  	s3 =	sadd.s32 $0x700, s8;
	s4 =	simm.s32 $0x13100  }
0x116: {  	[hbm4b:s3+s0] =	stream.linear.scatter [tilespmem:s4], [sflag:$0x2], $0x1900, $0x38;
	[tilespmem:$0x1D900] =	vst v63  }
0x117: {  	s3 =	sadd.s32 $0xA80, s8;
	s4 =	simm.s32 $0x14D00  }
0x118: {  	[hbm4b:s3+s0] =	stream.linear.scatter [tilespmem:s4], [sflag:$0x2], $0x1900, $0x38;
	[tilespmem:$0x1D900] =	vst v63  }
0x119: {  	s3 =	sadd.s32 $0xE00, s8;
	s4 =	simm.s32 $0x16900  }
0x11a: {  	[hbm4b:s3+s0] =	stream.linear.scatter [tilespmem:s4], [sflag:$0x2], $0x1900, $0x38;
	[tilespmem:$0x1D900] =	vst v63  }
0x11b: {  	s4 =	sadd.s32 $0x1180, s8  }
0x11c: {  	v4 =	vor.u32 s0, v0;
	[hbm4b:s4+s0] =	stream.linear.scatter [tilespmem:s25], [sflag:$0x2], $0x1900, $0x38;
	[tilespmem:$0x1D900] =	vst v63  }
0x11d: {  	v5 =	vmulhi.u32 $0x51EB851F, v4;
	s3 =	sadd.s32 $0x1500, s8  }
0x11e: {  	[hbm4b:s3+s0] =	stream.linear.scatter [tilespmem:s26], [sflag:$0x2], $0x1900, $0x38;
	[tilespmem:$0x1D900] =	vst v63  }
0x11f: {  	v5 =	vshrl.u32 v5, $0x4;
	s4 =	sadd.s32 $0x1880, s8  }
0x120: {  	v6 =	vmul.u32 $0xFFFFFFCE, v5;
	[hbm4b:s4+s0] =	stream.linear.scatter [tilespmem:s28], [sflag:$0x2], $0x1900, $0x38;
	[tilespmem:$0x1D900] =	vst v63  }
0x121: {  	_ =	swait.ge [sflag:s29], $0xC800  }
0x122: {  	v7 =	vmov s0;
	v8 =	vadd.s32 v4, v6;
	[sflag:s29] =	ssyncset.done $0x0  }
0x123: {  	vm14 =	veq.s32 v7, v0;
	vm15 =	vne.s32 v8, $0x0;
	s0 =	simm.s32 $0x320;
	[sflag:s29] =	ssyncadd.s32 $0xFFFF3800  }
0x124: {  	vm0 =	vmand vm14, vm15;
	v6 =	vld [tilespmem:s0+$0x0]  }
0x125: {  	v4 =	vsel vm0, $0xFFFFFFFF, v1  }
0x126: {  	v4 =	vadd.s32 v4, v5  }
0x127: {  	v4 =	vmul.u32 $0x1C00, v4  }
0x128: {  	s1 =	simm.s32 $0x10;
	v5 =	vshll.u32 v8, $0x7  }
0x129: {  	v7 =	vor.u32 s1, v0;
	s3 =	simm.s32 $0x20;
	v9 =	vadd.s32 v5, v4;
	s4 =	simm.s32 $0x10;
	v8 =	vand.u32 $0xFFFFFF80, v6  }
.LBB2_14:
0x12a: {  	p0 =	sne.s32 s3, $0x180;
	v10 =	vmulhi.u32 $0x51EB851F, v7;
	v6 =	vand.u32 $0x7F, v6;
	v8 =	vadd.s32 v8, v9  }
0x12b: {  	v6 =	vor.u32 v6, v8  }
0x12c: {  	v8 =	vshrl.u32 v10, $0x4  }
0x12d: {  	v9 =	vmul.u32 $0xFFFFFFCE, v8;
	_ =	sdelay $0x1  }
0x12e: {  	v10 =	vmov s4;
	s4 =	smov.u32 s3;
	v7 =	vadd.s32 v7, v9  }
0x12f: {  	s0 =	sadd.s32 $0x10, s0;
	vm0 =	veq.s32 v10, v0;
	vm1 =	vne.s32 v7, $0x0;
	[tilespmem:v6+s23+$0x0] =	vst.idx.msk $0xffff, v3  }
0x130: {  	v6 =	vld [tilespmem:s0+$0x0];
	vm0 =	vmand vm0, vm1  }
.Ltmp6:
0x131: {  	v9 =	vsel vm0, $0xFFFFFFFF, v1;
	(pc) =	sbr.rel @p0 .LBB2_14-.Ltmp6, $4  }
0x132: {  	v8 =	vadd.s32 v9, v8  }
0x133: {  	v9 =	vmul.u32 $0x1C00, v8  }
0x134: {  	v10 =	vshll.u32 v7, $0x7  }
0x135: {  	s3 =	sadd.s32 $0x10, s3;
	v7 =	vor.u32 s4, v0;
	v8 =	vand.u32 $0xFFFFFF80, v6;
	v9 =	vadd.s32 v10, v9  }
0x136: {  	v10 =	vmulhi.u32 $0x51EB851F, v7;
	v6 =	vand.u32 $0x7F, v6;
	v8 =	vadd.s32 v8, v9  }
0x137: {  	v6 =	vor.u32 v6, v8  }
0x138: {  	v8 =	vshrl.u32 v10, $0x4  }
0x139: {  	v9 =	vmul.u32 $0xFFFFFFCE, v8;
	_ =	sdelay $0x1  }
0x13a: {  	v10 =	vmov s4;
	v7 =	vadd.s32 v7, v9  }
0x13b: {  	s0 =	sadd.s32 $0x10, s0;
	vm0 =	veq.s32 v10, v0;
	vm1 =	vne.s32 v7, $0x0;
	[tilespmem:v6+s23+$0x0] =	vst.idx.msk $0xffff, v3  }
0x13c: {  	v6 =	vld [tilespmem:s0+$0x0];
	vm0 =	vmand vm0, vm1  }
0x13d: {  	v9 =	vsel vm0, $0xFFFFFFFF, v1  }
0x13e: {  	v8 =	vadd.s32 v9, v8  }
0x13f: {  	v8 =	vmul.u32 $0x1C00, v8  }
0x140: {  	v7 =	vshll.u32 v7, $0x7  }
0x141: {  	v9 =	vand.u32 $0xFFFFFF80, v6;
	v7 =	vadd.s32 v7, v8  }
0x142: {  	v6 =	vand.u32 $0x7F, v6;
	v7 =	vadd.s32 v9, v7  }
0x143: {  	v6 =	vor.u32 v6, v7;
	_ =	sdelay $0x4  }
0x144: {  	s0 =	simm.s32 $0x640;
	[tilespmem:v6+s23+$0x0] =	vst.idx.msk $0xffff, v3  }
0x145: {  	v7 =	vld [tilespmem:s0+$0x0];
	_ =	sdelay $0x4  }
0x146: {  	s3 =	simm.s32 $0x20;
	v4 =	vadd.s32 v5, v4;
	v6 =	vor.u32 s1, v0;
	v8 =	vand.u32 $0xFFFFFF80, v7  }
.LBB2_16:
0x147: {  	p0 =	sne.s32 s3, $0x180;
	v5 =	vmulhi.u32 $0x51EB851F, v6;
	v7 =	vand.u32 $0x7F, v7;
	v4 =	vadd.s32 v8, v4  }
0x148: {  	v4 =	vor.u32 v7, v4  }
0x149: {  	v5 =	vshrl.u32 v5, $0x4  }
0x14a: {  	v7 =	vmul.u32 $0xFFFFFFCE, v5;
	_ =	sdelay $0x1  }
0x14b: {  	v8 =	vmov s1;
	s1 =	smov.u32 s3;
	v6 =	vadd.s32 v6, v7  }
0x14c: {  	s0 =	sadd.s32 $0x10, s0;
	vm0 =	veq.s32 v8, v0;
	vm1 =	vne.s32 v6, $0x0;
	[tilespmem:v4+s23+$0x0] =	vst.idx.msk $0xffff, v2  }
0x14d: {  	v7 =	vld [tilespmem:s0+$0x0];
	vm0 =	vmand vm0, vm1  }
.Ltmp7:
0x14e: {  	v4 =	vsel vm0, $0xFFFFFFFF, v1;
	(pc) =	sbr.rel @p0 .LBB2_16-.Ltmp7, $4  }
0x14f: {  	v4 =	vadd.s32 v4, v5  }
0x150: {  	v4 =	vmul.u32 $0x1C00, v4  }
0x151: {  	v5 =	vshll.u32 v6, $0x7  }
0x152: {  	s3 =	sadd.s32 $0x10, s3;
	v6 =	vor.u32 s1, v0;
	v8 =	vand.u32 $0xFFFFFF80, v7;
	v4 =	vadd.s32 v5, v4  }
0x153: {  	v5 =	vmulhi.u32 $0x51EB851F, v6;
	v7 =	vand.u32 $0x7F, v7;
	v4 =	vadd.s32 v8, v4  }
0x154: {  	v4 =	vor.u32 v7, v4  }
0x155: {  	v5 =	vshrl.u32 v5, $0x4  }
0x156: {  	v7 =	vmul.u32 $0xFFFFFFCE, v5;
	_ =	sdelay $0x1  }
0x157: {  	v8 =	vmov s1;
	v6 =	vadd.s32 v6, v7  }
0x158: {  	s0 =	sadd.s32 $0x10, s0;
	vm0 =	veq.s32 v8, v0;
	vm1 =	vne.s32 v6, $0x0;
	[tilespmem:v4+s23+$0x0] =	vst.idx.msk $0xffff, v2  }
0x159: {  	v4 =	vld [tilespmem:s0+$0x0];
	vm0 =	vmand vm0, vm1  }
0x15a: {  	v7 =	vsel vm0, $0xFFFFFFFF, v1  }
0x15b: {  	v5 =	vadd.s32 v7, v5  }
0x15c: {  	v5 =	vmul.u32 $0x1C00, v5  }
0x15d: {  	v6 =	vshll.u32 v6, $0x7  }
0x15e: {  	v7 =	vand.u32 $0xFFFFFF80, v4;
	v5 =	vadd.s32 v6, v5  }
0x15f: {  	v4 =	vand.u32 $0x7F, v4;
	v5 =	vadd.s32 v7, v5  }
0x160: {  	v4 =	vor.u32 v4, v5;
	_ =	sdelay $0x4  }
0x161: {  	s0 =	simm.s32 $0x0;
	[tilespmem:v4+s23+$0x0] =	vst.idx.msk $0xffff, v2  }
0x162: {  	[hbm4b:s9+s0] =	stream.linear.scatter [tilespmem:s23], [sflag:$0x1], $0x1900, $0x38;
	[tilespmem:$0x1D900] =	vst v63  }
0x163: {  	s3 =	sadd.s32 $0x380, s9  }
0x164: {  	[hbm4b:s3+s0] =	stream.linear.scatter [tilespmem:s21], [sflag:$0x1], $0x1900, $0x38;
	[tilespmem:$0x1D900] =	vst v63  }
0x165: {  	s4 =	sadd.s32 $0x700, s9;
	s3 =	simm.s32 $0x5100  }
0x166: {  	[hbm4b:s4+s0] =	stream.linear.scatter [tilespmem:s3], [sflag:$0x1], $0x1900, $0x38;
	[tilespmem:$0x1D900] =	vst v63  }
0x167: {  	s3 =	sadd.s32 $0xA80, s9;
	s4 =	simm.s32 $0x6D00  }
0x168: {  	[hbm4b:s3+s0] =	stream.linear.scatter [tilespmem:s4], [sflag:$0x1], $0x1900, $0x38;
	[tilespmem:$0x1D900] =	vst v63  }
0x169: {  	s3 =	sadd.s32 $0xE00, s9;
	s4 =	simm.s32 $0x8900  }
0x16a: {  	[hbm4b:s3+s0] =	stream.linear.scatter [tilespmem:s4], [sflag:$0x1], $0x1900, $0x38;
	[tilespmem:$0x1D900] =	vst v63  }
0x16b: {  	s3 =	sadd.s32 $0x1180, s9;
	s4 =	simm.s32 $0xA500  }
0x16c: {  	v4 =	vor.u32 s0, v0;
	[hbm4b:s3+s0] =	stream.linear.scatter [tilespmem:s4], [sflag:$0x1], $0x1900, $0x38;
	[tilespmem:$0x1D900] =	vst v63  }
0x16d: {  	v5 =	vmulhi.u32 $0x51EB851F, v4;
	s3 =	sadd.s32 $0x1500, s9;
	s4 =	simm.s32 $0xC100  }
0x16e: {  	[hbm4b:s3+s0] =	stream.linear.scatter [tilespmem:s4], [sflag:$0x1], $0x1900, $0x38;
	[tilespmem:$0x1D900] =	vst v63  }
0x16f: {  	v5 =	vshrl.u32 v5, $0x4;
	s3 =	sadd.s32 $0x1880, s9;
	s4 =	simm.s32 $0xDD00  }
0x170: {  	v6 =	vmul.u32 $0xFFFFFFCE, v5;
	[hbm4b:s3+s0] =	stream.linear.scatter [tilespmem:s4], [sflag:$0x1], $0x1900, $0x38;
	[tilespmem:$0x1D900] =	vst v63  }
0x171: {  	_ =	swait.ge [sflag:s30], $0xC800  }
0x172: {  	v7 =	vmov s0;
	v8 =	vadd.s32 v4, v6;
	[sflag:s30] =	ssyncset.done $0x0  }
0x173: {  	vm14 =	veq.s32 v7, v0;
	vm15 =	vne.s32 v8, $0x0;
	s0 =	simm.s32 $0x4B0;
	[sflag:s30] =	ssyncadd.s32 $0xFFFF3800  }
0x174: {  	vm0 =	vmand vm14, vm15;
	v6 =	vld [tilespmem:s0+$0x0]  }
0x175: {  	v4 =	vsel vm0, $0xFFFFFFFF, v1  }
0x176: {  	v4 =	vadd.s32 v4, v5  }
0x177: {  	v4 =	vmul.u32 $0x1C00, v4  }
0x178: {  	s1 =	simm.s32 $0x10;
	v5 =	vshll.u32 v8, $0x7  }
0x179: {  	v7 =	vor.u32 s1, v0;
	v9 =	vadd.s32 v5, v4;
	s3 =	simm.s32 $0x20;
	s4 =	simm.s32 $0x10;
	v8 =	vand.u32 $0xFFFFFF80, v6  }
.LBB2_18:
0x17a: {  	p0 =	sne.s32 s3, $0x180;
	v10 =	vmulhi.u32 $0x51EB851F, v7;
	v6 =	vand.u32 $0x7F, v6;
	v8 =	vadd.s32 v8, v9  }
0x17b: {  	v6 =	vor.u32 v6, v8  }
0x17c: {  	v8 =	vshrl.u32 v10, $0x4  }
0x17d: {  	v9 =	vmul.u32 $0xFFFFFFCE, v8;
	_ =	sdelay $0x1  }
0x17e: {  	v10 =	vmov s4;
	s4 =	smov.u32 s3;
	v7 =	vadd.s32 v7, v9  }
0x17f: {  	s0 =	sadd.s32 $0x10, s0;
	vm0 =	veq.s32 v10, v0;
	vm1 =	vne.s32 v7, $0x0;
	[tilespmem:v6+s24+$0x0] =	vst.idx.msk $0xffff, v3  }
0x180: {  	v6 =	vld [tilespmem:s0+$0x0];
	vm0 =	vmand vm0, vm1  }
.Ltmp8:
0x181: {  	v9 =	vsel vm0, $0xFFFFFFFF, v1;
	(pc) =	sbr.rel @p0 .LBB2_18-.Ltmp8, $4  }
0x182: {  	v8 =	vadd.s32 v9, v8  }
0x183: {  	v9 =	vmul.u32 $0x1C00, v8  }
0x184: {  	v10 =	vshll.u32 v7, $0x7  }
0x185: {  	s3 =	sadd.s32 $0x10, s3;
	v7 =	vor.u32 s4, v0;
	v8 =	vand.u32 $0xFFFFFF80, v6;
	v9 =	vadd.s32 v10, v9  }
0x186: {  	v10 =	vmulhi.u32 $0x51EB851F, v7;
	v6 =	vand.u32 $0x7F, v6;
	v8 =	vadd.s32 v8, v9  }
0x187: {  	v6 =	vor.u32 v6, v8  }
0x188: {  	v8 =	vshrl.u32 v10, $0x4  }
0x189: {  	v9 =	vmul.u32 $0xFFFFFFCE, v8;
	_ =	sdelay $0x1  }
0x18a: {  	v10 =	vmov s4;
	v7 =	vadd.s32 v7, v9  }
0x18b: {  	s0 =	sadd.s32 $0x10, s0;
	vm0 =	veq.s32 v10, v0;
	vm1 =	vne.s32 v7, $0x0;
	[tilespmem:v6+s24+$0x0] =	vst.idx.msk $0xffff, v3  }
0x18c: {  	v6 =	vld [tilespmem:s0+$0x0];
	vm0 =	vmand vm0, vm1  }
0x18d: {  	v9 =	vsel vm0, $0xFFFFFFFF, v1  }
0x18e: {  	v8 =	vadd.s32 v9, v8  }
0x18f: {  	v8 =	vmul.u32 $0x1C00, v8  }
0x190: {  	v7 =	vshll.u32 v7, $0x7  }
0x191: {  	v9 =	vand.u32 $0xFFFFFF80, v6;
	v7 =	vadd.s32 v7, v8  }
0x192: {  	v6 =	vand.u32 $0x7F, v6;
	v7 =	vadd.s32 v9, v7  }
0x193: {  	v6 =	vor.u32 v6, v7;
	_ =	sdelay $0x4  }
0x194: {  	s0 =	simm.s32 $0x7D0;
	[tilespmem:v6+s24+$0x0] =	vst.idx.msk $0xffff, v3  }
0x195: {  	v7 =	vld [tilespmem:s0+$0x0];
	_ =	sdelay $0x4  }
0x196: {  	s3 =	simm.s32 $0x20;
	v4 =	vadd.s32 v5, v4;
	v6 =	vor.u32 s1, v0;
	v8 =	vand.u32 $0xFFFFFF80, v7  }
.LBB2_20:
0x197: {  	p0 =	sne.s32 s3, $0x180;
	v5 =	vmulhi.u32 $0x51EB851F, v6;
	v7 =	vand.u32 $0x7F, v7;
	v4 =	vadd.s32 v8, v4  }
0x198: {  	v4 =	vor.u32 v7, v4  }
0x199: {  	v5 =	vshrl.u32 v5, $0x4  }
0x19a: {  	v7 =	vmul.u32 $0xFFFFFFCE, v5;
	_ =	sdelay $0x1  }
0x19b: {  	v8 =	vmov s1;
	s1 =	smov.u32 s3;
	v6 =	vadd.s32 v6, v7  }
0x19c: {  	s0 =	sadd.s32 $0x10, s0;
	vm0 =	veq.s32 v8, v0;
	vm1 =	vne.s32 v6, $0x0;
	[tilespmem:v4+s24+$0x0] =	vst.idx.msk $0xffff, v2  }
0x19d: {  	v7 =	vld [tilespmem:s0+$0x0];
	vm0 =	vmand vm0, vm1  }
.Ltmp9:
0x19e: {  	v4 =	vsel vm0, $0xFFFFFFFF, v1;
	(pc) =	sbr.rel @p0 .LBB2_20-.Ltmp9, $4  }
0x19f: {  	v4 =	vadd.s32 v4, v5  }
0x1a0: {  	v4 =	vmul.u32 $0x1C00, v4  }
0x1a1: {  	v5 =	vshll.u32 v6, $0x7  }
0x1a2: {  	s3 =	sadd.s32 $0x10, s3;
	v6 =	vor.u32 s1, v0;
	v8 =	vand.u32 $0xFFFFFF80, v7;
	v4 =	vadd.s32 v5, v4  }
0x1a3: {  	v5 =	vmulhi.u32 $0x51EB851F, v6;
	v7 =	vand.u32 $0x7F, v7;
	v4 =	vadd.s32 v8, v4  }
0x1a4: {  	v4 =	vor.u32 v7, v4  }
0x1a5: {  	v5 =	vshrl.u32 v5, $0x4  }
0x1a6: {  	v7 =	vmul.u32 $0xFFFFFFCE, v5;
	_ =	sdelay $0x1  }
0x1a7: {  	v8 =	vmov s1;
	v6 =	vadd.s32 v6, v7  }
0x1a8: {  	s0 =	sadd.s32 $0x10, s0;
	vm0 =	veq.s32 v8, v0;
	vm1 =	vne.s32 v6, $0x0;
	[tilespmem:v4+s24+$0x0] =	vst.idx.msk $0xffff, v2  }
0x1a9: {  	v4 =	vld [tilespmem:s0+$0x0];
	vm0 =	vmand vm0, vm1  }
0x1aa: {  	v7 =	vsel vm0, $0xFFFFFFFF, v1  }
0x1ab: {  	v5 =	vadd.s32 v7, v5  }
0x1ac: {  	v5 =	vmul.u32 $0x1C00, v5  }
0x1ad: {  	v6 =	vshll.u32 v6, $0x7  }
0x1ae: {  	v7 =	vand.u32 $0xFFFFFF80, v4;
	v5 =	vadd.s32 v6, v5  }
0x1af: {  	v4 =	vand.u32 $0x7F, v4;
	v5 =	vadd.s32 v7, v5  }
0x1b0: {  	v4 =	vor.u32 v4, v5;
	_ =	sdelay $0x4  }
0x1b1: {  	s0 =	simm.s32 $0x0;
	[tilespmem:v4+s24+$0x0] =	vst.idx.msk $0xffff, v2  }
0x1b2: {  	[hbm4b:s10+s0] =	stream.linear.scatter [tilespmem:s24], [sflag:$0x2], $0x1900, $0x38;
	[tilespmem:$0x1D900] =	vst v63  }
0x1b3: {  	s4 =	sadd.s32 $0x380, s10;
	s3 =	simm.s32 $0x11500  }
0x1b4: {  	[hbm4b:s4+s0] =	stream.linear.scatter [tilespmem:s3], [sflag:$0x2], $0x1900, $0x38;
	[tilespmem:$0x1D900] =	vst v63  }
0x1b5: {  	s3 =	sadd.s32 $0x700, s10;
	s4 =	simm.s32 $0x13100  }
0x1b6: {  	[hbm4b:s3+s0] =	stream.linear.scatter [tilespmem:s4], [sflag:$0x2], $0x1900, $0x38;
	[tilespmem:$0x1D900] =	vst v63  }
0x1b7: {  	s3 =	sadd.s32 $0xA80, s10;
	s4 =	simm.s32 $0x14D00  }
0x1b8: {  	[hbm4b:s3+s0] =	stream.linear.scatter [tilespmem:s4], [sflag:$0x2], $0x1900, $0x38;
	[tilespmem:$0x1D900] =	vst v63  }
0x1b9: {  	s3 =	sadd.s32 $0xE00, s10;
	s4 =	simm.s32 $0x16900  }
0x1ba: {  	[hbm4b:s3+s0] =	stream.linear.scatter [tilespmem:s4], [sflag:$0x2], $0x1900, $0x38;
	[tilespmem:$0x1D900] =	vst v63  }
0x1bb: {  	s4 =	sadd.s32 $0x1180, s10  }
0x1bc: {  	v4 =	vor.u32 s0, v0;
	[hbm4b:s4+s0] =	stream.linear.scatter [tilespmem:s25], [sflag:$0x2], $0x1900, $0x38;
	[tilespmem:$0x1D900] =	vst v63  }
0x1bd: {  	v5 =	vmulhi.u32 $0x51EB851F, v4;
	s3 =	sadd.s32 $0x1500, s10  }
0x1be: {  	[hbm4b:s3+s0] =	stream.linear.scatter [tilespmem:s26], [sflag:$0x2], $0x1900, $0x38;
	[tilespmem:$0x1D900] =	vst v63  }
0x1bf: {  	v5 =	vshrl.u32 v5, $0x4;
	s4 =	sadd.s32 $0x1880, s10  }
0x1c0: {  	v6 =	vmul.u32 $0xFFFFFFCE, v5;
	[hbm4b:s4+s0] =	stream.linear.scatter [tilespmem:s28], [sflag:$0x2], $0x1900, $0x38;
	[tilespmem:$0x1D900] =	vst v63  }
0x1c1: {  	_ =	swait.ge [sflag:s29], $0xC800  }
0x1c2: {  	v7 =	vmov s0;
	v8 =	vadd.s32 v4, v6;
	[sflag:s29] =	ssyncset.done $0x0  }
0x1c3: {  	vm14 =	veq.s32 v7, v0;
	vm15 =	vne.s32 v8, $0x0;
	s0 =	simm.s32 $0x640;
	[sflag:s29] =	ssyncadd.s32 $0xFFFF3800  }
0x1c4: {  	vm0 =	vmand vm14, vm15;
	v6 =	vld [tilespmem:s0+$0x0]  }
0x1c5: {  	v4 =	vsel vm0, $0xFFFFFFFF, v1  }
0x1c6: {  	v4 =	vadd.s32 v4, v5  }
0x1c7: {  	v4 =	vmul.u32 $0x1C00, v4  }
0x1c8: {  	s1 =	simm.s32 $0x10;
	v5 =	vshll.u32 v8, $0x7  }
0x1c9: {  	v7 =	vor.u32 s1, v0;
	s3 =	simm.s32 $0x20;
	v9 =	vadd.s32 v5, v4;
	s4 =	simm.s32 $0x10;
	v8 =	vand.u32 $0xFFFFFF80, v6  }
.LBB2_22:
0x1ca: {  	p0 =	sne.s32 s3, $0x180;
	v10 =	vmulhi.u32 $0x51EB851F, v7;
	v6 =	vand.u32 $0x7F, v6;
	v8 =	vadd.s32 v8, v9  }
0x1cb: {  	v6 =	vor.u32 v6, v8  }
0x1cc: {  	v8 =	vshrl.u32 v10, $0x4  }
0x1cd: {  	v9 =	vmul.u32 $0xFFFFFFCE, v8;
	_ =	sdelay $0x1  }
0x1ce: {  	v10 =	vmov s4;
	s4 =	smov.u32 s3;
	v7 =	vadd.s32 v7, v9  }
0x1cf: {  	s0 =	sadd.s32 $0x10, s0;
	vm0 =	veq.s32 v10, v0;
	vm1 =	vne.s32 v7, $0x0;
	[tilespmem:v6+s23+$0x0] =	vst.idx.msk $0xffff, v3  }
0x1d0: {  	v6 =	vld [tilespmem:s0+$0x0];
	vm0 =	vmand vm0, vm1  }
.Ltmp10:
0x1d1: {  	v9 =	vsel vm0, $0xFFFFFFFF, v1;
	(pc) =	sbr.rel @p0 .LBB2_22-.Ltmp10, $4  }
0x1d2: {  	v8 =	vadd.s32 v9, v8  }
0x1d3: {  	v9 =	vmul.u32 $0x1C00, v8  }
0x1d4: {  	v10 =	vshll.u32 v7, $0x7  }
0x1d5: {  	s3 =	sadd.s32 $0x10, s3;
	v7 =	vor.u32 s4, v0;
	v8 =	vand.u32 $0xFFFFFF80, v6;
	v9 =	vadd.s32 v10, v9  }
0x1d6: {  	v10 =	vmulhi.u32 $0x51EB851F, v7;
	v6 =	vand.u32 $0x7F, v6;
	v8 =	vadd.s32 v8, v9  }
0x1d7: {  	v6 =	vor.u32 v6, v8  }
0x1d8: {  	v8 =	vshrl.u32 v10, $0x4  }
0x1d9: {  	v9 =	vmul.u32 $0xFFFFFFCE, v8;
	_ =	sdelay $0x1  }
0x1da: {  	v10 =	vmov s4;
	v7 =	vadd.s32 v7, v9  }
0x1db: {  	s0 =	sadd.s32 $0x10, s0;
	vm0 =	veq.s32 v10, v0;
	vm1 =	vne.s32 v7, $0x0;
	[tilespmem:v6+s23+$0x0] =	vst.idx.msk $0xffff, v3  }
0x1dc: {  	v6 =	vld [tilespmem:s0+$0x0];
	vm0 =	vmand vm0, vm1  }
0x1dd: {  	v9 =	vsel vm0, $0xFFFFFFFF, v1  }
0x1de: {  	v8 =	vadd.s32 v9, v8  }
0x1df: {  	v8 =	vmul.u32 $0x1C00, v8  }
0x1e0: {  	v7 =	vshll.u32 v7, $0x7  }
0x1e1: {  	v9 =	vand.u32 $0xFFFFFF80, v6;
	v7 =	vadd.s32 v7, v8  }
0x1e2: {  	v6 =	vand.u32 $0x7F, v6;
	v7 =	vadd.s32 v9, v7  }
0x1e3: {  	v6 =	vor.u32 v6, v7;
	_ =	sdelay $0x4  }
0x1e4: {  	s0 =	simm.s32 $0x960;
	[tilespmem:v6+s23+$0x0] =	vst.idx.msk $0xffff, v3  }
0x1e5: {  	v7 =	vld [tilespmem:s0+$0x0];
	_ =	sdelay $0x4  }
0x1e6: {  	s3 =	simm.s32 $0x20;
	v4 =	vadd.s32 v5, v4;
	v6 =	vor.u32 s1, v0;
	v8 =	vand.u32 $0xFFFFFF80, v7  }
.LBB2_24:
0x1e7: {  	p0 =	sne.s32 s3, $0x180;
	v5 =	vmulhi.u32 $0x51EB851F, v6;
	v7 =	vand.u32 $0x7F, v7;
	v4 =	vadd.s32 v8, v4  }
0x1e8: {  	v4 =	vor.u32 v7, v4  }
0x1e9: {  	v5 =	vshrl.u32 v5, $0x4  }
0x1ea: {  	v7 =	vmul.u32 $0xFFFFFFCE, v5;
	_ =	sdelay $0x1  }
0x1eb: {  	v8 =	vmov s1;
	s1 =	smov.u32 s3;
	v6 =	vadd.s32 v6, v7  }
0x1ec: {  	s0 =	sadd.s32 $0x10, s0;
	vm0 =	veq.s32 v8, v0;
	vm1 =	vne.s32 v6, $0x0;
	[tilespmem:v4+s23+$0x0] =	vst.idx.msk $0xffff, v2  }
0x1ed: {  	v7 =	vld [tilespmem:s0+$0x0];
	vm0 =	vmand vm0, vm1  }
.Ltmp11:
0x1ee: {  	v4 =	vsel vm0, $0xFFFFFFFF, v1;
	(pc) =	sbr.rel @p0 .LBB2_24-.Ltmp11, $4  }
0x1ef: {  	v4 =	vadd.s32 v4, v5  }
0x1f0: {  	v4 =	vmul.u32 $0x1C00, v4  }
0x1f1: {  	v5 =	vshll.u32 v6, $0x7  }
0x1f2: {  	s3 =	sadd.s32 $0x10, s3;
	v6 =	vor.u32 s1, v0;
	v8 =	vand.u32 $0xFFFFFF80, v7;
	v4 =	vadd.s32 v5, v4  }
0x1f3: {  	v5 =	vmulhi.u32 $0x51EB851F, v6;
	v7 =	vand.u32 $0x7F, v7;
	v4 =	vadd.s32 v8, v4  }
0x1f4: {  	v4 =	vor.u32 v7, v4  }
0x1f5: {  	v5 =	vshrl.u32 v5, $0x4  }
0x1f6: {  	v7 =	vmul.u32 $0xFFFFFFCE, v5;
	_ =	sdelay $0x1  }
0x1f7: {  	v8 =	vmov s1;
	v6 =	vadd.s32 v6, v7  }
0x1f8: {  	s0 =	sadd.s32 $0x10, s0;
	vm0 =	veq.s32 v8, v0;
	vm1 =	vne.s32 v6, $0x0;
	[tilespmem:v4+s23+$0x0] =	vst.idx.msk $0xffff, v2  }
0x1f9: {  	v4 =	vld [tilespmem:s0+$0x0];
	vm0 =	vmand vm0, vm1  }
0x1fa: {  	v7 =	vsel vm0, $0xFFFFFFFF, v1  }
0x1fb: {  	v5 =	vadd.s32 v7, v5  }
0x1fc: {  	v5 =	vmul.u32 $0x1C00, v5  }
0x1fd: {  	v6 =	vshll.u32 v6, $0x7  }
0x1fe: {  	v7 =	vand.u32 $0xFFFFFF80, v4;
	v5 =	vadd.s32 v6, v5  }
0x1ff: {  	v4 =	vand.u32 $0x7F, v4;
	v5 =	vadd.s32 v7, v5  }
0x200: {  	v4 =	vor.u32 v4, v5;
	_ =	sdelay $0x4  }
0x201: {  	s0 =	simm.s32 $0x0;
	[tilespmem:v4+s23+$0x0] =	vst.idx.msk $0xffff, v2  }
0x202: {  	[hbm4b:s11+s0] =	stream.linear.scatter [tilespmem:s23], [sflag:$0x1], $0x1900, $0x38;
	[tilespmem:$0x1D900] =	vst v63  }
0x203: {  	s4 =	sadd.s32 $0x380, s11  }
0x204: {  	[hbm4b:s4+s0] =	stream.linear.scatter [tilespmem:s21], [sflag:$0x1], $0x1900, $0x38;
	[tilespmem:$0x1D900] =	vst v63  }
0x205: {  	s3 =	simm.s32 $0x5100;
	s21 =	sadd.s32 $0x700, s11  }
0x206: {  	[hbm4b:s21+s0] =	stream.linear.scatter [tilespmem:s3], [sflag:$0x1], $0x1900, $0x38;
	[tilespmem:$0x1D900] =	vst v63  }
0x207: {  	s4 =	sadd.s32 $0xA80, s11;
	s21 =	simm.s32 $0x6D00  }
0x208: {  	[hbm4b:s4+s0] =	stream.linear.scatter [tilespmem:s21], [sflag:$0x1], $0x1900, $0x38;
	[tilespmem:$0x1D900] =	vst v63  }
0x209: {  	s4 =	sadd.s32 $0xE00, s11;
	s21 =	simm.s32 $0x8900  }
0x20a: {  	[hbm4b:s4+s0] =	stream.linear.scatter [tilespmem:s21], [sflag:$0x1], $0x1900, $0x38;
	[tilespmem:$0x1D900] =	vst v63  }
0x20b: {  	s4 =	sadd.s32 $0x1180, s11;
	s21 =	simm.s32 $0xA500  }
0x20c: {  	v4 =	vor.u32 s0, v0;
	[hbm4b:s4+s0] =	stream.linear.scatter [tilespmem:s21], [sflag:$0x1], $0x1900, $0x38;
	[tilespmem:$0x1D900] =	vst v63  }
0x20d: {  	v5 =	vmulhi.u32 $0x51EB851F, v4;
	s4 =	sadd.s32 $0x1500, s11;
	s21 =	simm.s32 $0xC100  }
0x20e: {  	[hbm4b:s4+s0] =	stream.linear.scatter [tilespmem:s21], [sflag:$0x1], $0x1900, $0x38;
	[tilespmem:$0x1D900] =	vst v63  }
0x20f: {  	v5 =	vshrl.u32 v5, $0x4;
	s4 =	sadd.s32 $0x1880, s11;
	s21 =	simm.s32 $0xDD00  }
0x210: {  	v6 =	vmul.u32 $0xFFFFFFCE, v5;
	[hbm4b:s4+s0] =	stream.linear.scatter [tilespmem:s21], [sflag:$0x1], $0x1900, $0x38;
	[tilespmem:$0x1D900] =	vst v63  }
0x211: {  	_ =	swait.ge [sflag:s30], $0xC800  }
0x212: {  	v7 =	vmov s0;
	v8 =	vadd.s32 v4, v6;
	[sflag:s30] =	ssyncset.done $0x0  }
0x213: {  	vm14 =	veq.s32 v7, v0;
	vm15 =	vne.s32 v8, $0x0;
	s0 =	simm.s32 $0x7D0;
	[sflag:s30] =	ssyncadd.s32 $0xFFFF3800  }
0x214: {  	vm0 =	vmand vm14, vm15;
	v6 =	vld [tilespmem:s0+$0x0]  }
0x215: {  	v4 =	vsel vm0, $0xFFFFFFFF, v1  }
0x216: {  	v4 =	vadd.s32 v4, v5  }
0x217: {  	v4 =	vmul.u32 $0x1C00, v4  }
0x218: {  	s1 =	simm.s32 $0x10;
	v5 =	vshll.u32 v8, $0x7  }
0x219: {  	v7 =	vor.u32 s1, v0;
	s3 =	simm.s32 $0x20;
	v9 =	vadd.s32 v5, v4;
	s4 =	simm.s32 $0x10;
	v8 =	vand.u32 $0xFFFFFF80, v6  }
.LBB2_26:
0x21a: {  	p0 =	sne.s32 s3, $0x180;
	v10 =	vmulhi.u32 $0x51EB851F, v7;
	v6 =	vand.u32 $0x7F, v6;
	v8 =	vadd.s32 v8, v9  }
0x21b: {  	v6 =	vor.u32 v6, v8  }
0x21c: {  	v8 =	vshrl.u32 v10, $0x4  }
0x21d: {  	v9 =	vmul.u32 $0xFFFFFFCE, v8;
	_ =	sdelay $0x1  }
0x21e: {  	v10 =	vmov s4;
	s4 =	smov.u32 s3;
	v7 =	vadd.s32 v7, v9  }
0x21f: {  	s0 =	sadd.s32 $0x10, s0;
	vm0 =	veq.s32 v10, v0;
	vm1 =	vne.s32 v7, $0x0;
	[tilespmem:v6+s24+$0x0] =	vst.idx.msk $0xffff, v3  }
0x220: {  	v6 =	vld [tilespmem:s0+$0x0];
	vm0 =	vmand vm0, vm1  }
.Ltmp12:
0x221: {  	v9 =	vsel vm0, $0xFFFFFFFF, v1;
	(pc) =	sbr.rel @p0 .LBB2_26-.Ltmp12, $4  }
0x222: {  	v8 =	vadd.s32 v9, v8  }
0x223: {  	v9 =	vmul.u32 $0x1C00, v8  }
0x224: {  	v10 =	vshll.u32 v7, $0x7  }
0x225: {  	s3 =	sadd.s32 $0x10, s3;
	v7 =	vor.u32 s4, v0;
	v8 =	vand.u32 $0xFFFFFF80, v6;
	v9 =	vadd.s32 v10, v9  }
0x226: {  	v10 =	vmulhi.u32 $0x51EB851F, v7;
	v6 =	vand.u32 $0x7F, v6;
	v8 =	vadd.s32 v8, v9  }
0x227: {  	v6 =	vor.u32 v6, v8  }
0x228: {  	v8 =	vshrl.u32 v10, $0x4  }
0x229: {  	v9 =	vmul.u32 $0xFFFFFFCE, v8;
	_ =	sdelay $0x1  }
0x22a: {  	v10 =	vmov s4;
	v7 =	vadd.s32 v7, v9  }
0x22b: {  	s0 =	sadd.s32 $0x10, s0;
	vm0 =	veq.s32 v10, v0;
	vm1 =	vne.s32 v7, $0x0;
	[tilespmem:v6+s24+$0x0] =	vst.idx.msk $0xffff, v3  }
0x22c: {  	v6 =	vld [tilespmem:s0+$0x0];
	vm0 =	vmand vm0, vm1  }
0x22d: {  	v9 =	vsel vm0, $0xFFFFFFFF, v1  }
0x22e: {  	v8 =	vadd.s32 v9, v8  }
0x22f: {  	v8 =	vmul.u32 $0x1C00, v8  }
0x230: {  	v7 =	vshll.u32 v7, $0x7  }
0x231: {  	v9 =	vand.u32 $0xFFFFFF80, v6;
	v7 =	vadd.s32 v7, v8  }
0x232: {  	v6 =	vand.u32 $0x7F, v6;
	v7 =	vadd.s32 v9, v7  }
0x233: {  	v6 =	vor.u32 v6, v7;
	_ =	sdelay $0x4  }
0x234: {  	s0 =	simm.s32 $0xAF0;
	[tilespmem:v6+s24+$0x0] =	vst.idx.msk $0xffff, v3  }
0x235: {  	v7 =	vld [tilespmem:s0+$0x0];
	_ =	sdelay $0x4  }
0x236: {  	s3 =	simm.s32 $0x20;
	v4 =	vadd.s32 v5, v4;
	v6 =	vor.u32 s1, v0;
	v8 =	vand.u32 $0xFFFFFF80, v7  }
.LBB2_28:
0x237: {  	p0 =	sne.s32 s3, $0x180;
	v5 =	vmulhi.u32 $0x51EB851F, v6;
	v7 =	vand.u32 $0x7F, v7;
	v4 =	vadd.s32 v8, v4  }
0x238: {  	v4 =	vor.u32 v7, v4  }
0x239: {  	v5 =	vshrl.u32 v5, $0x4  }
0x23a: {  	v7 =	vmul.u32 $0xFFFFFFCE, v5;
	_ =	sdelay $0x1  }
0x23b: {  	v8 =	vmov s1;
	s1 =	smov.u32 s3;
	v6 =	vadd.s32 v6, v7  }
0x23c: {  	s0 =	sadd.s32 $0x10, s0;
	vm0 =	veq.s32 v8, v0;
	vm1 =	vne.s32 v6, $0x0;
	[tilespmem:v4+s24+$0x0] =	vst.idx.msk $0xffff, v2  }
0x23d: {  	v7 =	vld [tilespmem:s0+$0x0];
	vm0 =	vmand vm0, vm1  }
.Ltmp13:
0x23e: {  	v4 =	vsel vm0, $0xFFFFFFFF, v1;
	(pc) =	sbr.rel @p0 .LBB2_28-.Ltmp13, $4  }
0x23f: {  	v4 =	vadd.s32 v4, v5  }
0x240: {  	v4 =	vmul.u32 $0x1C00, v4  }
0x241: {  	v5 =	vshll.u32 v6, $0x7  }
0x242: {  	s3 =	sadd.s32 $0x10, s3;
	v6 =	vor.u32 s1, v0;
	v8 =	vand.u32 $0xFFFFFF80, v7;
	v4 =	vadd.s32 v5, v4  }
0x243: {  	v5 =	vmulhi.u32 $0x51EB851F, v6;
	v7 =	vand.u32 $0x7F, v7;
	v4 =	vadd.s32 v8, v4  }
0x244: {  	v4 =	vor.u32 v7, v4  }
0x245: {  	v5 =	vshrl.u32 v5, $0x4  }
0x246: {  	v7 =	vmul.u32 $0xFFFFFFCE, v5;
	_ =	sdelay $0x1  }
0x247: {  	v8 =	vmov s1;
	v6 =	vadd.s32 v6, v7  }
0x248: {  	s0 =	sadd.s32 $0x10, s0;
	vm0 =	veq.s32 v8, v0;
	vm1 =	vne.s32 v6, $0x0;
	[tilespmem:v4+s24+$0x0] =	vst.idx.msk $0xffff, v2  }
0x249: {  	v4 =	vld [tilespmem:s0+$0x0];
	vm0 =	vmand vm0, vm1  }
0x24a: {  	v7 =	vsel vm0, $0xFFFFFFFF, v1  }
0x24b: {  	v5 =	vadd.s32 v7, v5  }
0x24c: {  	v5 =	vmul.u32 $0x1C00, v5  }
0x24d: {  	v6 =	vshll.u32 v6, $0x7  }
0x24e: {  	v7 =	vand.u32 $0xFFFFFF80, v4;
	v5 =	vadd.s32 v6, v5  }
0x24f: {  	v4 =	vand.u32 $0x7F, v4;
	v5 =	vadd.s32 v7, v5  }
0x250: {  	v4 =	vor.u32 v4, v5;
	_ =	sdelay $0x4  }
0x251: {  	s0 =	simm.s32 $0x0;
	[tilespmem:v4+s24+$0x0] =	vst.idx.msk $0xffff, v2  }
0x252: {  	[hbm4b:s12+s0] =	stream.linear.scatter [tilespmem:s24], [sflag:$0x2], $0x1900, $0x38;
	[tilespmem:$0x1D900] =	vst v63  }
0x253: {  	s21 =	sadd.s32 $0x380, s12;
	s3 =	simm.s32 $0x11500  }
0x254: {  	[hbm4b:s21+s0] =	stream.linear.scatter [tilespmem:s3], [sflag:$0x2], $0x1900, $0x38;
	[tilespmem:$0x1D900] =	vst v63  }
0x255: {  	s4 =	sadd.s32 $0x700, s12;
	s21 =	simm.s32 $0x13100  }
0x256: {  	[hbm4b:s4+s0] =	stream.linear.scatter [tilespmem:s21], [sflag:$0x2], $0x1900, $0x38;
	[tilespmem:$0x1D900] =	vst v63  }
0x257: {  	s4 =	sadd.s32 $0xA80, s12;
	s21 =	simm.s32 $0x14D00  }
0x258: {  	[hbm4b:s4+s0] =	stream.linear.scatter [tilespmem:s21], [sflag:$0x2], $0x1900, $0x38;
	[tilespmem:$0x1D900] =	vst v63  }
0x259: {  	s4 =	sadd.s32 $0xE00, s12;
	s21 =	simm.s32 $0x16900  }
0x25a: {  	[hbm4b:s4+s0] =	stream.linear.scatter [tilespmem:s21], [sflag:$0x2], $0x1900, $0x38;
	[tilespmem:$0x1D900] =	vst v63  }
0x25b: {  	s3 =	sadd.s32 $0x1180, s12  }
0x25c: {  	v4 =	vor.u32 s0, v0;
	[hbm4b:s3+s0] =	stream.linear.scatter [tilespmem:s25], [sflag:$0x2], $0x1900, $0x38;
	[tilespmem:$0x1D900] =	vst v63  }
0x25d: {  	v5 =	vmulhi.u32 $0x51EB851F, v4;
	s4 =	sadd.s32 $0x1500, s12  }
0x25e: {  	[hbm4b:s4+s0] =	stream.linear.scatter [tilespmem:s26], [sflag:$0x2], $0x1900, $0x38;
	[tilespmem:$0x1D900] =	vst v63  }
0x25f: {  	v5 =	vshrl.u32 v5, $0x4;
	s21 =	sadd.s32 $0x1880, s12  }
0x260: {  	v6 =	vmul.u32 $0xFFFFFFCE, v5;
	[hbm4b:s21+s0] =	stream.linear.scatter [tilespmem:s28], [sflag:$0x2], $0x1900, $0x38;
	[tilespmem:$0x1D900] =	vst v63  }
0x261: {  	_ =	swait.ge [sflag:s29], $0xC800  }
0x262: {  	v7 =	vmov s0;
	v8 =	vadd.s32 v4, v6;
	[sflag:s29] =	ssyncset.done $0x0  }
0x263: {  	vm14 =	veq.s32 v7, v0;
	vm15 =	vne.s32 v8, $0x0;
	s4 =	simm.s32 $0x960;
	[sflag:s29] =	ssyncadd.s32 $0xFFFF3800  }
0x264: {  	vm0 =	vmand vm14, vm15;
	v6 =	vld [tilespmem:s4+$0x0]  }
0x265: {  	v4 =	vsel vm0, $0xFFFFFFFF, v1  }
0x266: {  	v4 =	vadd.s32 v4, v5  }
0x267: {  	v4 =	vmul.u32 $0x1C00, v4  }
0x268: {  	s1 =	simm.s32 $0x10;
	v5 =	vshll.u32 v8, $0x7  }
0x269: {  	v7 =	vor.u32 s1, v0;
	s3 =	simm.s32 $0x20;
	v9 =	vadd.s32 v5, v4;
	s21 =	simm.s32 $0x10;
	v8 =	vand.u32 $0xFFFFFF80, v6  }
.LBB2_30:
0x26a: {  	p0 =	sne.s32 s3, $0x180;
	v10 =	vmulhi.u32 $0x51EB851F, v7;
	v6 =	vand.u32 $0x7F, v6;
	v8 =	vadd.s32 v8, v9  }
0x26b: {  	v6 =	vor.u32 v6, v8  }
0x26c: {  	v8 =	vshrl.u32 v10, $0x4  }
0x26d: {  	v9 =	vmul.u32 $0xFFFFFFCE, v8;
	_ =	sdelay $0x1  }
0x26e: {  	v10 =	vmov s21;
	s21 =	smov.u32 s3;
	v7 =	vadd.s32 v7, v9  }
0x26f: {  	s4 =	sadd.s32 $0x10, s4;
	vm0 =	veq.s32 v10, v0;
	vm1 =	vne.s32 v7, $0x0;
	[tilespmem:v6+s23+$0x0] =	vst.idx.msk $0xffff, v3  }
0x270: {  	v6 =	vld [tilespmem:s4+$0x0];
	vm0 =	vmand vm0, vm1  }
.Ltmp14:
0x271: {  	v9 =	vsel vm0, $0xFFFFFFFF, v1;
	(pc) =	sbr.rel @p0 .LBB2_30-.Ltmp14, $4  }
0x272: {  	v8 =	vadd.s32 v9, v8  }
0x273: {  	v9 =	vmul.u32 $0x1C00, v8  }
0x274: {  	v10 =	vshll.u32 v7, $0x7  }
0x275: {  	s3 =	sadd.s32 $0x10, s3;
	v7 =	vor.u32 s21, v0;
	v8 =	vand.u32 $0xFFFFFF80, v6;
	v9 =	vadd.s32 v10, v9  }
0x276: {  	v10 =	vmulhi.u32 $0x51EB851F, v7;
	v6 =	vand.u32 $0x7F, v6;
	v8 =	vadd.s32 v8, v9  }
0x277: {  	v6 =	vor.u32 v6, v8  }
0x278: {  	v8 =	vshrl.u32 v10, $0x4  }
0x279: {  	v9 =	vmul.u32 $0xFFFFFFCE, v8;
	_ =	sdelay $0x1  }
0x27a: {  	v10 =	vmov s21;
	v7 =	vadd.s32 v7, v9  }
0x27b: {  	s3 =	sadd.s32 $0x10, s4;
	vm0 =	veq.s32 v10, v0;
	vm1 =	vne.s32 v7, $0x0;
	[tilespmem:v6+s23+$0x0] =	vst.idx.msk $0xffff, v3  }
0x27c: {  	v6 =	vld [tilespmem:s3+$0x0];
	vm0 =	vmand vm0, vm1  }
0x27d: {  	v9 =	vsel vm0, $0xFFFFFFFF, v1  }
0x27e: {  	v8 =	vadd.s32 v9, v8  }
0x27f: {  	v8 =	vmul.u32 $0x1C00, v8  }
0x280: {  	v7 =	vshll.u32 v7, $0x7  }
0x281: {  	v9 =	vand.u32 $0xFFFFFF80, v6;
	v7 =	vadd.s32 v7, v8  }
0x282: {  	v6 =	vand.u32 $0x7F, v6;
	v7 =	vadd.s32 v9, v7  }
0x283: {  	v6 =	vor.u32 v6, v7;
	_ =	sdelay $0x4  }
0x284: {  	s0 =	sand.u32 $0x1F0, s0;
	[tilespmem:v6+s23+$0x0] =	vst.idx.msk $0xffff, v3  }
0x285: {  	v7 =	vld [tilespmem:s0+$0xC80];
	_ =	sdelay $0x4  }
0x286: {  	v4 =	vadd.s32 v5, v4;
	v6 =	vor.u32 s1, v0;
	s0 =	simm.s32 $0x20;
	v8 =	vand.u32 $0xFFFFFF80, v7  }
.LBB2_32:
0x287: {  	p0 =	sne.s32 s0, $0x180;
	v5 =	vmulhi.u32 $0x51EB851F, v6;
	v7 =	vand.u32 $0x7F, v7;
	v4 =	vadd.s32 v8, v4  }
0x288: {  	v4 =	vor.u32 v7, v4  }
0x289: {  	v5 =	vshrl.u32 v5, $0x4  }
0x28a: {  	v7 =	vmul.u32 $0xFFFFFFCE, v5;
	_ =	sdelay $0x1  }
0x28b: {  	v8 =	vmov s1;
	v6 =	vadd.s32 v6, v7  }
0x28c: {  	s3 =	sand.u32 $0x1F0, s1;
	s1 =	smov.u32 s0;
	vm0 =	veq.s32 v8, v0;
	vm1 =	vne.s32 v6, $0x0;
	[tilespmem:v4+s23+$0x0] =	vst.idx.msk $0xffff, v2  }
0x28d: {  	v7 =	vld [tilespmem:s3+$0xC80];
	vm0 =	vmand vm0, vm1  }
.Ltmp15:
0x28e: {  	v4 =	vsel vm0, $0xFFFFFFFF, v1;
	(pc) =	sbr.rel @p0 .LBB2_32-.Ltmp15, $4  }
0x28f: {  	v4 =	vadd.s32 v4, v5  }
0x290: {  	v4 =	vmul.u32 $0x1C00, v4  }
0x291: {  	v5 =	vshll.u32 v6, $0x7  }
0x292: {  	s0 =	sadd.s32 $0x10, s0;
	v6 =	vor.u32 s1, v0;
	v8 =	vand.u32 $0xFFFFFF80, v7;
	v4 =	vadd.s32 v5, v4  }
0x293: {  	v5 =	vmulhi.u32 $0x51EB851F, v6;
	v7 =	vand.u32 $0x7F, v7;
	v4 =	vadd.s32 v8, v4  }
0x294: {  	v4 =	vor.u32 v7, v4  }
0x295: {  	v5 =	vshrl.u32 v5, $0x4  }
0x296: {  	v7 =	vmul.u32 $0xFFFFFFCE, v5;
	_ =	sdelay $0x1  }
0x297: {  	v8 =	vmov s1;
	v6 =	vadd.s32 v6, v7  }
0x298: {  	s0 =	sand.u32 $0x1F0, s1;
	vm0 =	veq.s32 v8, v0;
	vm1 =	vne.s32 v6, $0x0;
	[tilespmem:v4+s23+$0x0] =	vst.idx.msk $0xffff, v2  }
0x299: {  	v4 =	vld [tilespmem:s0+$0xC80];
	vm0 =	vmand vm0, vm1  }
0x29a: {  	v7 =	vsel vm0, $0xFFFFFFFF, v1  }
0x29b: {  	v5 =	vadd.s32 v7, v5  }
0x29c: {  	v5 =	vmul.u32 $0x1C00, v5  }
0x29d: {  	v6 =	vshll.u32 v6, $0x7  }
0x29e: {  	v7 =	vand.u32 $0xFFFFFF80, v4;
	v5 =	vadd.s32 v6, v5  }
0x29f: {  	v4 =	vand.u32 $0x7F, v4;
	v5 =	vadd.s32 v7, v5  }
0x2a0: {  	v4 =	vor.u32 v4, v5;
	_ =	sdelay $0x4  }
0x2a1: {  	s0 =	simm.s32 $0x0;
	[tilespmem:v4+s23+$0x0] =	vst.idx.msk $0xffff, v2  }
0x2a2: {  	[hbm4b:s13+s0] =	stream.linear.scatter [tilespmem:s23], [sflag:$0x1], $0x1900, $0x38;
	[tilespmem:$0x1D900] =	vst v63  }
0x2a3: {  	s3 =	sadd.s32 $0x380, s13;
	s21 =	simm.s32 $0x3500  }
0x2a4: {  	[hbm4b:s3+s0] =	stream.linear.scatter [tilespmem:s21], [sflag:$0x1], $0x1900, $0x38;
	[tilespmem:$0x1D900] =	vst v63  }
0x2a5: {  	s4 =	sadd.s32 $0x700, s13;
	s3 =	simm.s32 $0x5100  }
0x2a6: {  	[hbm4b:s4+s0] =	stream.linear.scatter [tilespmem:s3], [sflag:$0x1], $0x1900, $0x38;
	[tilespmem:$0x1D900] =	vst v63  }
0x2a7: {  	s3 =	sadd.s32 $0xA80, s13;
	s4 =	simm.s32 $0x6D00  }
0x2a8: {  	[hbm4b:s3+s0] =	stream.linear.scatter [tilespmem:s4], [sflag:$0x1], $0x1900, $0x38;
	[tilespmem:$0x1D900] =	vst v63  }
0x2a9: {  	s3 =	sadd.s32 $0xE00, s13;
	s4 =	simm.s32 $0x8900  }
0x2aa: {  	[hbm4b:s3+s0] =	stream.linear.scatter [tilespmem:s4], [sflag:$0x1], $0x1900, $0x38;
	[tilespmem:$0x1D900] =	vst v63  }
0x2ab: {  	s3 =	sadd.s32 $0x1180, s13;
	s4 =	simm.s32 $0xA500  }
0x2ac: {  	v4 =	vor.u32 s0, v0;
	[hbm4b:s3+s0] =	stream.linear.scatter [tilespmem:s4], [sflag:$0x1], $0x1900, $0x38;
	[tilespmem:$0x1D900] =	vst v63  }
0x2ad: {  	v5 =	vmulhi.u32 $0x51EB851F, v4;
	s3 =	sadd.s32 $0x1500, s13;
	s4 =	simm.s32 $0xC100  }
0x2ae: {  	[hbm4b:s3+s0] =	stream.linear.scatter [tilespmem:s4], [sflag:$0x1], $0x1900, $0x38;
	[tilespmem:$0x1D900] =	vst v63  }
0x2af: {  	v5 =	vshrl.u32 v5, $0x4;
	s3 =	sadd.s32 $0x1880, s13;
	s4 =	simm.s32 $0xDD00  }
0x2b0: {  	v6 =	vmul.u32 $0xFFFFFFCE, v5;
	[hbm4b:s3+s0] =	stream.linear.scatter [tilespmem:s4], [sflag:$0x1], $0x1900, $0x38;
	[tilespmem:$0x1D900] =	vst v63  }
0x2b1: {  	_ =	swait.ge [sflag:s30], $0xC800  }
0x2b2: {  	v7 =	vmov s0;
	v8 =	vadd.s32 v4, v6;
	[sflag:s30] =	ssyncset.done $0x0  }
0x2b3: {  	vm14 =	veq.s32 v7, v0;
	vm15 =	vne.s32 v8, $0x0;
	s0 =	simm.s32 $0xAF0;
	[sflag:s30] =	ssyncadd.s32 $0xFFFF3800  }
0x2b4: {  	vm0 =	vmand vm14, vm15;
	v6 =	vld [tilespmem:s0+$0x0]  }
0x2b5: {  	v4 =	vsel vm0, $0xFFFFFFFF, v1  }
0x2b6: {  	v4 =	vadd.s32 v4, v5  }
0x2b7: {  	v4 =	vmul.u32 $0x1C00, v4  }
0x2b8: {  	s1 =	simm.s32 $0x10;
	v5 =	vshll.u32 v8, $0x7  }
0x2b9: {  	v7 =	vor.u32 s1, v0;
	v9 =	vadd.s32 v5, v4;
	s3 =	simm.s32 $0x20;
	s4 =	simm.s32 $0x10;
	v8 =	vand.u32 $0xFFFFFF80, v6  }
.LBB2_34:
0x2ba: {  	p0 =	sne.s32 s3, $0x180;
	v10 =	vmulhi.u32 $0x51EB851F, v7;
	v6 =	vand.u32 $0x7F, v6;
	v8 =	vadd.s32 v8, v9  }
0x2bb: {  	v6 =	vor.u32 v6, v8  }
0x2bc: {  	v8 =	vshrl.u32 v10, $0x4  }
0x2bd: {  	v9 =	vmul.u32 $0xFFFFFFCE, v8;
	_ =	sdelay $0x1  }
0x2be: {  	v10 =	vmov s4;
	s4 =	smov.u32 s3;
	v7 =	vadd.s32 v7, v9  }
0x2bf: {  	s0 =	sadd.s32 $0x10, s0;
	vm0 =	veq.s32 v10, v0;
	vm1 =	vne.s32 v7, $0x0;
	[tilespmem:v6+s24+$0x0] =	vst.idx.msk $0xffff, v3  }
0x2c0: {  	v6 =	vld [tilespmem:s0+$0x0];
	vm0 =	vmand vm0, vm1  }
.Ltmp16:
0x2c1: {  	v9 =	vsel vm0, $0xFFFFFFFF, v1;
	(pc) =	sbr.rel @p0 .LBB2_34-.Ltmp16, $4  }
0x2c2: {  	v8 =	vadd.s32 v9, v8  }
0x2c3: {  	v9 =	vmul.u32 $0x1C00, v8  }
0x2c4: {  	v10 =	vshll.u32 v7, $0x7  }
0x2c5: {  	s3 =	sadd.s32 $0x10, s3;
	v7 =	vor.u32 s4, v0;
	v8 =	vand.u32 $0xFFFFFF80, v6;
	v9 =	vadd.s32 v10, v9  }
0x2c6: {  	v10 =	vmulhi.u32 $0x51EB851F, v7;
	v6 =	vand.u32 $0x7F, v6;
	v8 =	vadd.s32 v8, v9  }
0x2c7: {  	v6 =	vor.u32 v6, v8  }
0x2c8: {  	v8 =	vshrl.u32 v10, $0x4  }
0x2c9: {  	v9 =	vmul.u32 $0xFFFFFFCE, v8;
	_ =	sdelay $0x1  }
0x2ca: {  	v10 =	vmov s4;
	v7 =	vadd.s32 v7, v9  }
0x2cb: {  	s0 =	sadd.s32 $0x10, s0;
	vm0 =	veq.s32 v10, v0;
	vm1 =	vne.s32 v7, $0x0;
	[tilespmem:v6+s24+$0x0] =	vst.idx.msk $0xffff, v3  }
0x2cc: {  	v6 =	vld [tilespmem:s0+$0x0];
	vm0 =	vmand vm0, vm1  }
0x2cd: {  	v9 =	vsel vm0, $0xFFFFFFFF, v1  }
0x2ce: {  	v8 =	vadd.s32 v9, v8  }
0x2cf: {  	v8 =	vmul.u32 $0x1C00, v8  }
0x2d0: {  	v7 =	vshll.u32 v7, $0x7  }
0x2d1: {  	v9 =	vand.u32 $0xFFFFFF80, v6;
	v7 =	vadd.s32 v7, v8  }
0x2d2: {  	v6 =	vand.u32 $0x7F, v6;
	v7 =	vadd.s32 v9, v7  }
0x2d3: {  	v6 =	vor.u32 v6, v7;
	_ =	sdelay $0x4  }
0x2d4: {  	s0 =	simm.s32 $0xE10;
	[tilespmem:v6+s24+$0x0] =	vst.idx.msk $0xffff, v3  }
0x2d5: {  	v7 =	vld [tilespmem:s0+$0x0];
	_ =	sdelay $0x4  }
0x2d6: {  	s3 =	simm.s32 $0x20;
	v4 =	vadd.s32 v5, v4;
	v6 =	vor.u32 s1, v0;
	v8 =	vand.u32 $0xFFFFFF80, v7  }
.LBB2_36:
0x2d7: {  	p0 =	sne.s32 s3, $0x180;
	v5 =	vmulhi.u32 $0x51EB851F, v6;
	v7 =	vand.u32 $0x7F, v7;
	v4 =	vadd.s32 v8, v4  }
0x2d8: {  	v4 =	vor.u32 v7, v4  }
0x2d9: {  	v5 =	vshrl.u32 v5, $0x4  }
0x2da: {  	v7 =	vmul.u32 $0xFFFFFFCE, v5;
	_ =	sdelay $0x1  }
0x2db: {  	v8 =	vmov s1;
	s1 =	smov.u32 s3;
	v6 =	vadd.s32 v6, v7  }
0x2dc: {  	s0 =	sadd.s32 $0x10, s0;
	vm0 =	veq.s32 v8, v0;
	vm1 =	vne.s32 v6, $0x0;
	[tilespmem:v4+s24+$0x0] =	vst.idx.msk $0xffff, v2  }
0x2dd: {  	v7 =	vld [tilespmem:s0+$0x0];
	vm0 =	vmand vm0, vm1  }
.Ltmp17:
0x2de: {  	v4 =	vsel vm0, $0xFFFFFFFF, v1;
	(pc) =	sbr.rel @p0 .LBB2_36-.Ltmp17, $4  }
0x2df: {  	v4 =	vadd.s32 v4, v5  }
0x2e0: {  	v4 =	vmul.u32 $0x1C00, v4  }
0x2e1: {  	v5 =	vshll.u32 v6, $0x7  }
0x2e2: {  	s3 =	sadd.s32 $0x10, s3;
	v6 =	vor.u32 s1, v0;
	v8 =	vand.u32 $0xFFFFFF80, v7;
	v4 =	vadd.s32 v5, v4  }
0x2e3: {  	v5 =	vmulhi.u32 $0x51EB851F, v6;
	v7 =	vand.u32 $0x7F, v7;
	v4 =	vadd.s32 v8, v4  }
0x2e4: {  	v4 =	vor.u32 v7, v4  }
0x2e5: {  	v5 =	vshrl.u32 v5, $0x4  }
0x2e6: {  	v7 =	vmul.u32 $0xFFFFFFCE, v5;
	_ =	sdelay $0x1  }
0x2e7: {  	v8 =	vmov s1;
	v6 =	vadd.s32 v6, v7  }
0x2e8: {  	s0 =	sadd.s32 $0x10, s0;
	vm0 =	veq.s32 v8, v0;
	vm1 =	vne.s32 v6, $0x0;
	[tilespmem:v4+s24+$0x0] =	vst.idx.msk $0xffff, v2  }
0x2e9: {  	v4 =	vld [tilespmem:s0+$0x0];
	vm0 =	vmand vm0, vm1  }
0x2ea: {  	v7 =	vsel vm0, $0xFFFFFFFF, v1  }
0x2eb: {  	v5 =	vadd.s32 v7, v5  }
0x2ec: {  	v5 =	vmul.u32 $0x1C00, v5  }
0x2ed: {  	v6 =	vshll.u32 v6, $0x7  }
0x2ee: {  	v7 =	vand.u32 $0xFFFFFF80, v4;
	v5 =	vadd.s32 v6, v5  }
0x2ef: {  	v4 =	vand.u32 $0x7F, v4;
	v5 =	vadd.s32 v7, v5  }
0x2f0: {  	v4 =	vor.u32 v4, v5;
	_ =	sdelay $0x4  }
0x2f1: {  	s0 =	simm.s32 $0x0;
	[tilespmem:v4+s24+$0x0] =	vst.idx.msk $0xffff, v2  }
0x2f2: {  	[hbm4b:s14+s0] =	stream.linear.scatter [tilespmem:s24], [sflag:$0x2], $0x1900, $0x38;
	[tilespmem:$0x1D900] =	vst v63  }
0x2f3: {  	s4 =	sadd.s32 $0x380, s14;
	s3 =	simm.s32 $0x11500  }
0x2f4: {  	[hbm4b:s4+s0] =	stream.linear.scatter [tilespmem:s3], [sflag:$0x2], $0x1900, $0x38;
	[tilespmem:$0x1D900] =	vst v63  }
0x2f5: {  	s3 =	sadd.s32 $0x700, s14;
	s4 =	simm.s32 $0x13100  }
0x2f6: {  	[hbm4b:s3+s0] =	stream.linear.scatter [tilespmem:s4], [sflag:$0x2], $0x1900, $0x38;
	[tilespmem:$0x1D900] =	vst v63  }
0x2f7: {  	s3 =	sadd.s32 $0xA80, s14;
	s4 =	simm.s32 $0x14D00  }
0x2f8: {  	[hbm4b:s3+s0] =	stream.linear.scatter [tilespmem:s4], [sflag:$0x2], $0x1900, $0x38;
	[tilespmem:$0x1D900] =	vst v63  }
0x2f9: {  	s3 =	sadd.s32 $0xE00, s14;
	s4 =	simm.s32 $0x16900  }
0x2fa: {  	[hbm4b:s3+s0] =	stream.linear.scatter [tilespmem:s4], [sflag:$0x2], $0x1900, $0x38;
	[tilespmem:$0x1D900] =	vst v63  }
0x2fb: {  	s4 =	sadd.s32 $0x1180, s14  }
0x2fc: {  	v4 =	vor.u32 s0, v0;
	[hbm4b:s4+s0] =	stream.linear.scatter [tilespmem:s25], [sflag:$0x2], $0x1900, $0x38;
	[tilespmem:$0x1D900] =	vst v63  }
0x2fd: {  	v5 =	vmulhi.u32 $0x51EB851F, v4;
	s3 =	sadd.s32 $0x1500, s14  }
0x2fe: {  	[hbm4b:s3+s0] =	stream.linear.scatter [tilespmem:s26], [sflag:$0x2], $0x1900, $0x38;
	[tilespmem:$0x1D900] =	vst v63  }
0x2ff: {  	v5 =	vshrl.u32 v5, $0x4;
	s4 =	sadd.s32 $0x1880, s14  }
0x300: {  	v6 =	vmul.u32 $0xFFFFFFCE, v5;
	[hbm4b:s4+s0] =	stream.linear.scatter [tilespmem:s28], [sflag:$0x2], $0x1900, $0x38;
	[tilespmem:$0x1D900] =	vst v63  }
0x301: {  	_ =	swait.ge [sflag:s29], $0xC800  }
0x302: {  	v7 =	vmov s0;
	v8 =	vadd.s32 v4, v6;
	[sflag:s29] =	ssyncset.done $0x0  }
0x303: {  	vm14 =	veq.s32 v7, v0;
	vm15 =	vne.s32 v8, $0x0;
	s0 =	sand.u32 $0x1F0, s0;
	[sflag:s29] =	ssyncadd.s32 $0xFFFF3800  }
0x304: {  	vm0 =	vmand vm14, vm15;
	v6 =	vld [tilespmem:s0+$0xC80]  }
0x305: {  	v4 =	vsel vm0, $0xFFFFFFFF, v1  }
0x306: {  	v4 =	vadd.s32 v4, v5  }
0x307: {  	v4 =	vmul.u32 $0x1C00, v4  }
0x308: {  	s1 =	simm.s32 $0x10;
	v5 =	vshll.u32 v8, $0x7  }
0x309: {  	v7 =	vor.u32 s1, v0;
	s3 =	simm.s32 $0x20;
	v9 =	vadd.s32 v5, v4;
	s0 =	simm.s32 $0x10;
	v8 =	vand.u32 $0xFFFFFF80, v6  }
.LBB2_38:
0x30a: {  	p0 =	sne.s32 s3, $0x180;
	v10 =	vmulhi.u32 $0x51EB851F, v7;
	v6 =	vand.u32 $0x7F, v6;
	v8 =	vadd.s32 v8, v9  }
0x30b: {  	v6 =	vor.u32 v6, v8  }
0x30c: {  	v8 =	vshrl.u32 v10, $0x4  }
0x30d: {  	v9 =	vmul.u32 $0xFFFFFFCE, v8;
	_ =	sdelay $0x1  }
0x30e: {  	v10 =	vmov s0;
	v7 =	vadd.s32 v7, v9  }
0x30f: {  	s4 =	sand.u32 $0x1F0, s0;
	s0 =	smov.u32 s3;
	vm0 =	veq.s32 v10, v0;
	vm1 =	vne.s32 v7, $0x0;
	[tilespmem:v6+s23+$0x0] =	vst.idx.msk $0xffff, v3  }
0x310: {  	v6 =	vld [tilespmem:s4+$0xC80];
	vm0 =	vmand vm0, vm1  }
.Ltmp18:
0x311: {  	v9 =	vsel vm0, $0xFFFFFFFF, v1;
	(pc) =	sbr.rel @p0 .LBB2_38-.Ltmp18, $4  }
0x312: {  	v8 =	vadd.s32 v9, v8  }
0x313: {  	v9 =	vmul.u32 $0x1C00, v8  }
0x314: {  	v10 =	vshll.u32 v7, $0x7  }
0x315: {  	s3 =	sadd.s32 $0x10, s3;
	v7 =	vor.u32 s0, v0;
	v8 =	vand.u32 $0xFFFFFF80, v6;
	v9 =	vadd.s32 v10, v9  }
0x316: {  	v10 =	vmulhi.u32 $0x51EB851F, v7;
	v6 =	vand.u32 $0x7F, v6;
	v8 =	vadd.s32 v8, v9  }
0x317: {  	v6 =	vor.u32 v6, v8  }
0x318: {  	v8 =	vshrl.u32 v10, $0x4  }
0x319: {  	v9 =	vmul.u32 $0xFFFFFFCE, v8;
	_ =	sdelay $0x1  }
0x31a: {  	v10 =	vmov s0;
	v7 =	vadd.s32 v7, v9  }
0x31b: {  	s4 =	sand.u32 $0x1F0, s0;
	vm0 =	veq.s32 v10, v0;
	vm1 =	vne.s32 v7, $0x0;
	[tilespmem:v6+s23+$0x0] =	vst.idx.msk $0xffff, v3  }
0x31c: {  	v6 =	vld [tilespmem:s4+$0xC80];
	vm0 =	vmand vm0, vm1  }
0x31d: {  	v9 =	vsel vm0, $0xFFFFFFFF, v1  }
0x31e: {  	v8 =	vadd.s32 v9, v8  }
0x31f: {  	v8 =	vmul.u32 $0x1C00, v8  }
0x320: {  	v7 =	vshll.u32 v7, $0x7  }
0x321: {  	v9 =	vand.u32 $0xFFFFFF80, v6;
	v7 =	vadd.s32 v7, v8  }
0x322: {  	v6 =	vand.u32 $0x7F, v6;
	v7 =	vadd.s32 v9, v7  }
0x323: {  	v6 =	vor.u32 v6, v7;
	_ =	sdelay $0x4  }
0x324: {  	s0 =	simm.s32 $0xFA0;
	[tilespmem:v6+s23+$0x0] =	vst.idx.msk $0xffff, v3  }
0x325: {  	v7 =	vld [tilespmem:s0+$0x0];
	_ =	sdelay $0x4  }
0x326: {  	s3 =	simm.s32 $0x20;
	v4 =	vadd.s32 v5, v4;
	v6 =	vor.u32 s1, v0;
	v8 =	vand.u32 $0xFFFFFF80, v7  }
.LBB2_40:
0x327: {  	p0 =	sne.s32 s3, $0x180;
	v5 =	vmulhi.u32 $0x51EB851F, v6;
	v7 =	vand.u32 $0x7F, v7;
	v4 =	vadd.s32 v8, v4  }
0x328: {  	v4 =	vor.u32 v7, v4  }
0x329: {  	v5 =	vshrl.u32 v5, $0x4  }
0x32a: {  	v7 =	vmul.u32 $0xFFFFFFCE, v5;
	_ =	sdelay $0x1  }
0x32b: {  	v8 =	vmov s1;
	s1 =	smov.u32 s3;
	v6 =	vadd.s32 v6, v7  }
0x32c: {  	s0 =	sadd.s32 $0x10, s0;
	vm0 =	veq.s32 v8, v0;
	vm1 =	vne.s32 v6, $0x0;
	[tilespmem:v4+s23+$0x0] =	vst.idx.msk $0xffff, v2  }
0x32d: {  	v7 =	vld [tilespmem:s0+$0x0];
	vm0 =	vmand vm0, vm1  }
.Ltmp19:
0x32e: {  	v4 =	vsel vm0, $0xFFFFFFFF, v1;
	(pc) =	sbr.rel @p0 .LBB2_40-.Ltmp19, $4  }
0x32f: {  	v4 =	vadd.s32 v4, v5  }
0x330: {  	v4 =	vmul.u32 $0x1C00, v4  }
0x331: {  	v5 =	vshll.u32 v6, $0x7  }
0x332: {  	s3 =	sadd.s32 $0x10, s3;
	v6 =	vor.u32 s1, v0;
	v8 =	vand.u32 $0xFFFFFF80, v7;
	v4 =	vadd.s32 v5, v4  }
0x333: {  	v5 =	vmulhi.u32 $0x51EB851F, v6;
	v7 =	vand.u32 $0x7F, v7;
	v4 =	vadd.s32 v8, v4  }
0x334: {  	v4 =	vor.u32 v7, v4  }
0x335: {  	v5 =	vshrl.u32 v5, $0x4  }
0x336: {  	v7 =	vmul.u32 $0xFFFFFFCE, v5;
	_ =	sdelay $0x1  }
0x337: {  	v8 =	vmov s1;
	v6 =	vadd.s32 v6, v7  }
0x338: {  	s0 =	sadd.s32 $0x10, s0;
	vm0 =	veq.s32 v8, v0;
	vm1 =	vne.s32 v6, $0x0;
	[tilespmem:v4+s23+$0x0] =	vst.idx.msk $0xffff, v2  }
0x339: {  	v4 =	vld [tilespmem:s0+$0x0];
	vm0 =	vmand vm0, vm1  }
0x33a: {  	v7 =	vsel vm0, $0xFFFFFFFF, v1  }
0x33b: {  	v5 =	vadd.s32 v7, v5  }
0x33c: {  	v5 =	vmul.u32 $0x1C00, v5  }
0x33d: {  	v6 =	vshll.u32 v6, $0x7  }
0x33e: {  	v7 =	vand.u32 $0xFFFFFF80, v4;
	v5 =	vadd.s32 v6, v5  }
0x33f: {  	v4 =	vand.u32 $0x7F, v4;
	v5 =	vadd.s32 v7, v5  }
0x340: {  	v4 =	vor.u32 v4, v5;
	_ =	sdelay $0x4  }
0x341: {  	s0 =	simm.s32 $0x0;
	[tilespmem:v4+s23+$0x0] =	vst.idx.msk $0xffff, v2  }
0x342: {  	[hbm4b:s15+s0] =	stream.linear.scatter [tilespmem:s23], [sflag:$0x1], $0x1900, $0x38;
	[tilespmem:$0x1D900] =	vst v63  }
0x343: {  	s3 =	sadd.s32 $0x380, s15  }
0x344: {  	[hbm4b:s3+s0] =	stream.linear.scatter [tilespmem:s21], [sflag:$0x1], $0x1900, $0x38;
	[tilespmem:$0x1D900] =	vst v63  }
0x345: {  	s4 =	sadd.s32 $0x700, s15;
	s3 =	simm.s32 $0x5100  }
0x346: {  	[hbm4b:s4+s0] =	stream.linear.scatter [tilespmem:s3], [sflag:$0x1], $0x1900, $0x38;
	[tilespmem:$0x1D900] =	vst v63  }
0x347: {  	s3 =	sadd.s32 $0xA80, s15;
	s4 =	simm.s32 $0x6D00  }
0x348: {  	[hbm4b:s3+s0] =	stream.linear.scatter [tilespmem:s4], [sflag:$0x1], $0x1900, $0x38;
	[tilespmem:$0x1D900] =	vst v63  }
0x349: {  	s3 =	sadd.s32 $0xE00, s15;
	s4 =	simm.s32 $0x8900  }
0x34a: {  	[hbm4b:s3+s0] =	stream.linear.scatter [tilespmem:s4], [sflag:$0x1], $0x1900, $0x38;
	[tilespmem:$0x1D900] =	vst v63  }
0x34b: {  	s3 =	sadd.s32 $0x1180, s15;
	s4 =	simm.s32 $0xA500  }
0x34c: {  	v4 =	vor.u32 s0, v0;
	[hbm4b:s3+s0] =	stream.linear.scatter [tilespmem:s4], [sflag:$0x1], $0x1900, $0x38;
	[tilespmem:$0x1D900] =	vst v63  }
0x34d: {  	v5 =	vmulhi.u32 $0x51EB851F, v4;
	s3 =	sadd.s32 $0x1500, s15;
	s4 =	simm.s32 $0xC100  }
0x34e: {  	[hbm4b:s3+s0] =	stream.linear.scatter [tilespmem:s4], [sflag:$0x1], $0x1900, $0x38;
	[tilespmem:$0x1D900] =	vst v63  }
0x34f: {  	v5 =	vshrl.u32 v5, $0x4;
	s3 =	sadd.s32 $0x1880, s15;
	s4 =	simm.s32 $0xDD00  }
0x350: {  	v6 =	vmul.u32 $0xFFFFFFCE, v5;
	[hbm4b:s3+s0] =	stream.linear.scatter [tilespmem:s4], [sflag:$0x1], $0x1900, $0x38;
	[tilespmem:$0x1D900] =	vst v63  }
0x351: {  	_ =	swait.ge [sflag:s30], $0xC800  }
0x352: {  	v7 =	vmov s0;
	v8 =	vadd.s32 v4, v6;
	[sflag:s30] =	ssyncset.done $0x0  }
0x353: {  	vm14 =	veq.s32 v7, v0;
	vm15 =	vne.s32 v8, $0x0;
	s0 =	simm.s32 $0xE10;
	[sflag:s30] =	ssyncadd.s32 $0xFFFF3800  }
0x354: {  	vm0 =	vmand vm14, vm15;
	v6 =	vld [tilespmem:s0+$0x0]  }
0x355: {  	v4 =	vsel vm0, $0xFFFFFFFF, v1  }
0x356: {  	v4 =	vadd.s32 v4, v5  }
0x357: {  	v4 =	vmul.u32 $0x1C00, v4  }
0x358: {  	s1 =	simm.s32 $0x10;
	v5 =	vshll.u32 v8, $0x7  }
0x359: {  	v7 =	vor.u32 s1, v0;
	v9 =	vadd.s32 v5, v4;
	s3 =	simm.s32 $0x20;
	s4 =	simm.s32 $0x10;
	v8 =	vand.u32 $0xFFFFFF80, v6  }
.LBB2_42:
0x35a: {  	p0 =	sne.s32 s3, $0x180;
	v10 =	vmulhi.u32 $0x51EB851F, v7;
	v6 =	vand.u32 $0x7F, v6;
	v8 =	vadd.s32 v8, v9  }
0x35b: {  	v6 =	vor.u32 v6, v8  }
0x35c: {  	v8 =	vshrl.u32 v10, $0x4  }
0x35d: {  	v9 =	vmul.u32 $0xFFFFFFCE, v8;
	_ =	sdelay $0x1  }
0x35e: {  	v10 =	vmov s4;
	s4 =	smov.u32 s3;
	v7 =	vadd.s32 v7, v9  }
0x35f: {  	s0 =	sadd.s32 $0x10, s0;
	vm0 =	veq.s32 v10, v0;
	vm1 =	vne.s32 v7, $0x0;
	[tilespmem:v6+s24+$0x0] =	vst.idx.msk $0xffff, v3  }
0x360: {  	v6 =	vld [tilespmem:s0+$0x0];
	vm0 =	vmand vm0, vm1  }
.Ltmp20:
0x361: {  	v9 =	vsel vm0, $0xFFFFFFFF, v1;
	(pc) =	sbr.rel @p0 .LBB2_42-.Ltmp20, $4  }
0x362: {  	v8 =	vadd.s32 v9, v8  }
0x363: {  	v9 =	vmul.u32 $0x1C00, v8  }
0x364: {  	v10 =	vshll.u32 v7, $0x7  }
0x365: {  	s3 =	sadd.s32 $0x10, s3;
	v7 =	vor.u32 s4, v0;
	v8 =	vand.u32 $0xFFFFFF80, v6;
	v9 =	vadd.s32 v10, v9  }
0x366: {  	v10 =	vmulhi.u32 $0x51EB851F, v7;
	v6 =	vand.u32 $0x7F, v6;
	v8 =	vadd.s32 v8, v9  }
0x367: {  	v6 =	vor.u32 v6, v8  }
0x368: {  	v8 =	vshrl.u32 v10, $0x4  }
0x369: {  	v9 =	vmul.u32 $0xFFFFFFCE, v8;
	_ =	sdelay $0x1  }
0x36a: {  	v10 =	vmov s4;
	v7 =	vadd.s32 v7, v9  }
0x36b: {  	s0 =	sadd.s32 $0x10, s0;
	vm0 =	veq.s32 v10, v0;
	vm1 =	vne.s32 v7, $0x0;
	[tilespmem:v6+s24+$0x0] =	vst.idx.msk $0xffff, v3  }
0x36c: {  	v6 =	vld [tilespmem:s0+$0x0];
	vm0 =	vmand vm0, vm1  }
0x36d: {  	v9 =	vsel vm0, $0xFFFFFFFF, v1  }
0x36e: {  	v8 =	vadd.s32 v9, v8  }
0x36f: {  	v8 =	vmul.u32 $0x1C00, v8  }
0x370: {  	v7 =	vshll.u32 v7, $0x7  }
0x371: {  	v9 =	vand.u32 $0xFFFFFF80, v6;
	v7 =	vadd.s32 v7, v8  }
0x372: {  	v6 =	vand.u32 $0x7F, v6;
	v7 =	vadd.s32 v9, v7  }
0x373: {  	v6 =	vor.u32 v6, v7;
	_ =	sdelay $0x4  }
0x374: {  	s0 =	simm.s32 $0x1130;
	[tilespmem:v6+s24+$0x0] =	vst.idx.msk $0xffff, v3  }
0x375: {  	v7 =	vld [tilespmem:s0+$0x0];
	_ =	sdelay $0x4  }
0x376: {  	s3 =	simm.s32 $0x20;
	v4 =	vadd.s32 v5, v4;
	v6 =	vor.u32 s1, v0;
	v8 =	vand.u32 $0xFFFFFF80, v7  }
.LBB2_44:
0x377: {  	p0 =	sne.s32 s3, $0x180;
	v5 =	vmulhi.u32 $0x51EB851F, v6;
	v7 =	vand.u32 $0x7F, v7;
	v4 =	vadd.s32 v8, v4  }
0x378: {  	v4 =	vor.u32 v7, v4  }
0x379: {  	v5 =	vshrl.u32 v5, $0x4  }
0x37a: {  	v7 =	vmul.u32 $0xFFFFFFCE, v5;
	_ =	sdelay $0x1  }
0x37b: {  	v8 =	vmov s1;
	s1 =	smov.u32 s3;
	v6 =	vadd.s32 v6, v7  }
0x37c: {  	s0 =	sadd.s32 $0x10, s0;
	vm0 =	veq.s32 v8, v0;
	vm1 =	vne.s32 v6, $0x0;
	[tilespmem:v4+s24+$0x0] =	vst.idx.msk $0xffff, v2  }
0x37d: {  	v7 =	vld [tilespmem:s0+$0x0];
	vm0 =	vmand vm0, vm1  }
.Ltmp21:
0x37e: {  	v4 =	vsel vm0, $0xFFFFFFFF, v1;
	(pc) =	sbr.rel @p0 .LBB2_44-.Ltmp21, $4  }
0x37f: {  	v4 =	vadd.s32 v4, v5  }
0x380: {  	v4 =	vmul.u32 $0x1C00, v4  }
0x381: {  	v5 =	vshll.u32 v6, $0x7  }
0x382: {  	s3 =	sadd.s32 $0x10, s3;
	v6 =	vor.u32 s1, v0;
	v8 =	vand.u32 $0xFFFFFF80, v7;
	v4 =	vadd.s32 v5, v4  }
0x383: {  	v5 =	vmulhi.u32 $0x51EB851F, v6;
	v7 =	vand.u32 $0x7F, v7;
	v4 =	vadd.s32 v8, v4  }
0x384: {  	v4 =	vor.u32 v7, v4  }
0x385: {  	v5 =	vshrl.u32 v5, $0x4  }
0x386: {  	v7 =	vmul.u32 $0xFFFFFFCE, v5;
	_ =	sdelay $0x1  }
0x387: {  	v8 =	vmov s1;
	v6 =	vadd.s32 v6, v7  }
0x388: {  	s0 =	sadd.s32 $0x10, s0;
	vm0 =	veq.s32 v8, v0;
	vm1 =	vne.s32 v6, $0x0;
	[tilespmem:v4+s24+$0x0] =	vst.idx.msk $0xffff, v2  }
0x389: {  	v4 =	vld [tilespmem:s0+$0x0];
	vm0 =	vmand vm0, vm1  }
0x38a: {  	v7 =	vsel vm0, $0xFFFFFFFF, v1  }
0x38b: {  	v5 =	vadd.s32 v7, v5  }
0x38c: {  	v5 =	vmul.u32 $0x1C00, v5  }
0x38d: {  	v6 =	vshll.u32 v6, $0x7  }
0x38e: {  	v7 =	vand.u32 $0xFFFFFF80, v4;
	v5 =	vadd.s32 v6, v5  }
0x38f: {  	v4 =	vand.u32 $0x7F, v4;
	v5 =	vadd.s32 v7, v5  }
0x390: {  	v4 =	vor.u32 v4, v5;
	_ =	sdelay $0x4  }
0x391: {  	s0 =	simm.s32 $0x0;
	[tilespmem:v4+s24+$0x0] =	vst.idx.msk $0xffff, v2  }
0x392: {  	[hbm4b:s16+s0] =	stream.linear.scatter [tilespmem:s24], [sflag:$0x2], $0x1900, $0x38;
	[tilespmem:$0x1D900] =	vst v63  }
0x393: {  	s4 =	sadd.s32 $0x380, s16;
	s3 =	simm.s32 $0x11500  }
0x394: {  	[hbm4b:s4+s0] =	stream.linear.scatter [tilespmem:s3], [sflag:$0x2], $0x1900, $0x38;
	[tilespmem:$0x1D900] =	vst v63  }
0x395: {  	s3 =	sadd.s32 $0x700, s16;
	s4 =	simm.s32 $0x13100  }
0x396: {  	[hbm4b:s3+s0] =	stream.linear.scatter [tilespmem:s4], [sflag:$0x2], $0x1900, $0x38;
	[tilespmem:$0x1D900] =	vst v63  }
0x397: {  	s3 =	sadd.s32 $0xA80, s16;
	s4 =	simm.s32 $0x14D00  }
0x398: {  	[hbm4b:s3+s0] =	stream.linear.scatter [tilespmem:s4], [sflag:$0x2], $0x1900, $0x38;
	[tilespmem:$0x1D900] =	vst v63  }
0x399: {  	s3 =	sadd.s32 $0xE00, s16;
	s4 =	simm.s32 $0x16900  }
0x39a: {  	[hbm4b:s3+s0] =	stream.linear.scatter [tilespmem:s4], [sflag:$0x2], $0x1900, $0x38;
	[tilespmem:$0x1D900] =	vst v63  }
0x39b: {  	s4 =	sadd.s32 $0x1180, s16  }
0x39c: {  	v4 =	vor.u32 s0, v0;
	[hbm4b:s4+s0] =	stream.linear.scatter [tilespmem:s25], [sflag:$0x2], $0x1900, $0x38;
	[tilespmem:$0x1D900] =	vst v63  }
0x39d: {  	v5 =	vmulhi.u32 $0x51EB851F, v4;
	s3 =	sadd.s32 $0x1500, s16  }
0x39e: {  	[hbm4b:s3+s0] =	stream.linear.scatter [tilespmem:s26], [sflag:$0x2], $0x1900, $0x38;
	[tilespmem:$0x1D900] =	vst v63  }
0x39f: {  	v5 =	vshrl.u32 v5, $0x4;
	s4 =	sadd.s32 $0x1880, s16  }
0x3a0: {  	v6 =	vmul.u32 $0xFFFFFFCE, v5;
	[hbm4b:s4+s0] =	stream.linear.scatter [tilespmem:s28], [sflag:$0x2], $0x1900, $0x38;
	[tilespmem:$0x1D900] =	vst v63  }
0x3a1: {  	_ =	swait.ge [sflag:s29], $0xC800  }
0x3a2: {  	v7 =	vmov s0;
	v8 =	vadd.s32 v4, v6;
	[sflag:s29] =	ssyncset.done $0x0  }
0x3a3: {  	vm14 =	veq.s32 v7, v0;
	vm15 =	vne.s32 v8, $0x0;
	s0 =	simm.s32 $0xFA0;
	[sflag:s29] =	ssyncadd.s32 $0xFFFF3800  }
0x3a4: {  	vm0 =	vmand vm14, vm15;
	v6 =	vld [tilespmem:s0+$0x0]  }
0x3a5: {  	v4 =	vsel vm0, $0xFFFFFFFF, v1  }
0x3a6: {  	v4 =	vadd.s32 v4, v5  }
0x3a7: {  	v4 =	vmul.u32 $0x1C00, v4  }
0x3a8: {  	s1 =	simm.s32 $0x10;
	v5 =	vshll.u32 v8, $0x7  }
0x3a9: {  	v7 =	vor.u32 s1, v0;
	s3 =	simm.s32 $0x20;
	v9 =	vadd.s32 v5, v4;
	s4 =	simm.s32 $0x10;
	v8 =	vand.u32 $0xFFFFFF80, v6  }
.LBB2_46:
0x3aa: {  	p0 =	sne.s32 s3, $0x180;
	v10 =	vmulhi.u32 $0x51EB851F, v7;
	v6 =	vand.u32 $0x7F, v6;
	v8 =	vadd.s32 v8, v9  }
0x3ab: {  	v6 =	vor.u32 v6, v8  }
0x3ac: {  	v8 =	vshrl.u32 v10, $0x4  }
0x3ad: {  	v9 =	vmul.u32 $0xFFFFFFCE, v8;
	_ =	sdelay $0x1  }
0x3ae: {  	v10 =	vmov s4;
	s4 =	smov.u32 s3;
	v7 =	vadd.s32 v7, v9  }
0x3af: {  	s0 =	sadd.s32 $0x10, s0;
	vm0 =	veq.s32 v10, v0;
	vm1 =	vne.s32 v7, $0x0;
	[tilespmem:v6+s23+$0x0] =	vst.idx.msk $0xffff, v3  }
0x3b0: {  	v6 =	vld [tilespmem:s0+$0x0];
	vm0 =	vmand vm0, vm1  }
.Ltmp22:
0x3b1: {  	v9 =	vsel vm0, $0xFFFFFFFF, v1;
	(pc) =	sbr.rel @p0 .LBB2_46-.Ltmp22, $4  }
0x3b2: {  	v8 =	vadd.s32 v9, v8  }
0x3b3: {  	v9 =	vmul.u32 $0x1C00, v8  }
0x3b4: {  	v10 =	vshll.u32 v7, $0x7  }
0x3b5: {  	s3 =	sadd.s32 $0x10, s3;
	v7 =	vor.u32 s4, v0;
	v8 =	vand.u32 $0xFFFFFF80, v6;
	v9 =	vadd.s32 v10, v9  }
0x3b6: {  	v10 =	vmulhi.u32 $0x51EB851F, v7;
	v6 =	vand.u32 $0x7F, v6;
	v8 =	vadd.s32 v8, v9  }
0x3b7: {  	v6 =	vor.u32 v6, v8  }
0x3b8: {  	v8 =	vshrl.u32 v10, $0x4  }
0x3b9: {  	v9 =	vmul.u32 $0xFFFFFFCE, v8;
	_ =	sdelay $0x1  }
0x3ba: {  	v10 =	vmov s4;
	v7 =	vadd.s32 v7, v9  }
0x3bb: {  	s0 =	sadd.s32 $0x10, s0;
	vm0 =	veq.s32 v10, v0;
	vm1 =	vne.s32 v7, $0x0;
	[tilespmem:v6+s23+$0x0] =	vst.idx.msk $0xffff, v3  }
0x3bc: {  	v6 =	vld [tilespmem:s0+$0x0];
	vm0 =	vmand vm0, vm1  }
0x3bd: {  	v9 =	vsel vm0, $0xFFFFFFFF, v1  }
0x3be: {  	v8 =	vadd.s32 v9, v8  }
0x3bf: {  	v8 =	vmul.u32 $0x1C00, v8  }
0x3c0: {  	v7 =	vshll.u32 v7, $0x7  }
0x3c1: {  	v9 =	vand.u32 $0xFFFFFF80, v6;
	v7 =	vadd.s32 v7, v8  }
0x3c2: {  	v6 =	vand.u32 $0x7F, v6;
	v7 =	vadd.s32 v9, v7  }
0x3c3: {  	v6 =	vor.u32 v6, v7;
	_ =	sdelay $0x4  }
0x3c4: {  	s0 =	simm.s32 $0x12C0;
	[tilespmem:v6+s23+$0x0] =	vst.idx.msk $0xffff, v3  }
0x3c5: {  	v7 =	vld [tilespmem:s0+$0x0];
	_ =	sdelay $0x4  }
0x3c6: {  	s3 =	simm.s32 $0x20;
	v4 =	vadd.s32 v5, v4;
	v6 =	vor.u32 s1, v0;
	v8 =	vand.u32 $0xFFFFFF80, v7  }
.LBB2_48:
0x3c7: {  	p0 =	sne.s32 s3, $0x180;
	v5 =	vmulhi.u32 $0x51EB851F, v6;
	v7 =	vand.u32 $0x7F, v7;
	v4 =	vadd.s32 v8, v4  }
0x3c8: {  	v4 =	vor.u32 v7, v4  }
0x3c9: {  	v5 =	vshrl.u32 v5, $0x4  }
0x3ca: {  	v7 =	vmul.u32 $0xFFFFFFCE, v5;
	_ =	sdelay $0x1  }
0x3cb: {  	v8 =	vmov s1;
	s1 =	smov.u32 s3;
	v6 =	vadd.s32 v6, v7  }
0x3cc: {  	s0 =	sadd.s32 $0x10, s0;
	vm0 =	veq.s32 v8, v0;
	vm1 =	vne.s32 v6, $0x0;
	[tilespmem:v4+s23+$0x0] =	vst.idx.msk $0xffff, v2  }
0x3cd: {  	v7 =	vld [tilespmem:s0+$0x0];
	vm0 =	vmand vm0, vm1  }
.Ltmp23:
0x3ce: {  	v4 =	vsel vm0, $0xFFFFFFFF, v1;
	(pc) =	sbr.rel @p0 .LBB2_48-.Ltmp23, $4  }
0x3cf: {  	v4 =	vadd.s32 v4, v5  }
0x3d0: {  	v4 =	vmul.u32 $0x1C00, v4  }
0x3d1: {  	v5 =	vshll.u32 v6, $0x7  }
0x3d2: {  	s3 =	sadd.s32 $0x10, s3;
	v6 =	vor.u32 s1, v0;
	v8 =	vand.u32 $0xFFFFFF80, v7;
	v4 =	vadd.s32 v5, v4  }
0x3d3: {  	v5 =	vmulhi.u32 $0x51EB851F, v6;
	v7 =	vand.u32 $0x7F, v7;
	v4 =	vadd.s32 v8, v4  }
0x3d4: {  	v4 =	vor.u32 v7, v4  }
0x3d5: {  	v5 =	vshrl.u32 v5, $0x4  }
0x3d6: {  	v7 =	vmul.u32 $0xFFFFFFCE, v5;
	_ =	sdelay $0x1  }
0x3d7: {  	v8 =	vmov s1;
	v6 =	vadd.s32 v6, v7  }
0x3d8: {  	s0 =	sadd.s32 $0x10, s0;
	vm0 =	veq.s32 v8, v0;
	vm1 =	vne.s32 v6, $0x0;
	[tilespmem:v4+s23+$0x0] =	vst.idx.msk $0xffff, v2  }
0x3d9: {  	v4 =	vld [tilespmem:s0+$0x0];
	vm0 =	vmand vm0, vm1  }
0x3da: {  	v7 =	vsel vm0, $0xFFFFFFFF, v1  }
0x3db: {  	v5 =	vadd.s32 v7, v5  }
0x3dc: {  	v5 =	vmul.u32 $0x1C00, v5  }
0x3dd: {  	v6 =	vshll.u32 v6, $0x7  }
0x3de: {  	v7 =	vand.u32 $0xFFFFFF80, v4;
	v5 =	vadd.s32 v6, v5  }
0x3df: {  	v4 =	vand.u32 $0x7F, v4;
	v5 =	vadd.s32 v7, v5  }
0x3e0: {  	v4 =	vor.u32 v4, v5;
	_ =	sdelay $0x4  }
0x3e1: {  	s0 =	simm.s32 $0x0;
	[tilespmem:v4+s23+$0x0] =	vst.idx.msk $0xffff, v2  }
0x3e2: {  	[hbm4b:s17+s0] =	stream.linear.scatter [tilespmem:s23], [sflag:$0x1], $0x1900, $0x38;
	[tilespmem:$0x1D900] =	vst v63  }
0x3e3: {  	s3 =	sadd.s32 $0x380, s17  }
0x3e4: {  	[hbm4b:s3+s0] =	stream.linear.scatter [tilespmem:s21], [sflag:$0x1], $0x1900, $0x38;
	[tilespmem:$0x1D900] =	vst v63  }
0x3e5: {  	s4 =	sadd.s32 $0x700, s17;
	s3 =	simm.s32 $0x5100  }
0x3e6: {  	[hbm4b:s4+s0] =	stream.linear.scatter [tilespmem:s3], [sflag:$0x1], $0x1900, $0x38;
	[tilespmem:$0x1D900] =	vst v63  }
0x3e7: {  	s3 =	sadd.s32 $0xA80, s17;
	s4 =	simm.s32 $0x6D00  }
0x3e8: {  	[hbm4b:s3+s0] =	stream.linear.scatter [tilespmem:s4], [sflag:$0x1], $0x1900, $0x38;
	[tilespmem:$0x1D900] =	vst v63  }
0x3e9: {  	s3 =	sadd.s32 $0xE00, s17;
	s4 =	simm.s32 $0x8900  }
0x3ea: {  	[hbm4b:s3+s0] =	stream.linear.scatter [tilespmem:s4], [sflag:$0x1], $0x1900, $0x38;
	[tilespmem:$0x1D900] =	vst v63  }
0x3eb: {  	s3 =	sadd.s32 $0x1180, s17;
	s4 =	simm.s32 $0xA500  }
0x3ec: {  	v4 =	vor.u32 s0, v0;
	[hbm4b:s3+s0] =	stream.linear.scatter [tilespmem:s4], [sflag:$0x1], $0x1900, $0x38;
	[tilespmem:$0x1D900] =	vst v63  }
0x3ed: {  	v5 =	vmulhi.u32 $0x51EB851F, v4;
	s3 =	sadd.s32 $0x1500, s17;
	s4 =	simm.s32 $0xC100  }
0x3ee: {  	[hbm4b:s3+s0] =	stream.linear.scatter [tilespmem:s4], [sflag:$0x1], $0x1900, $0x38;
	[tilespmem:$0x1D900] =	vst v63  }
0x3ef: {  	v5 =	vshrl.u32 v5, $0x4;
	s3 =	sadd.s32 $0x1880, s17;
	s4 =	simm.s32 $0xDD00  }
0x3f0: {  	v6 =	vmul.u32 $0xFFFFFFCE, v5;
	[hbm4b:s3+s0] =	stream.linear.scatter [tilespmem:s4], [sflag:$0x1], $0x1900, $0x38;
	[tilespmem:$0x1D900] =	vst v63  }
0x3f1: {  	_ =	swait.ge [sflag:s30], $0xC800  }
0x3f2: {  	v7 =	vmov s0;
	v8 =	vadd.s32 v4, v6;
	[sflag:s30] =	ssyncset.done $0x0  }
0x3f3: {  	vm14 =	veq.s32 v7, v0;
	vm15 =	vne.s32 v8, $0x0;
	s0 =	simm.s32 $0x1130;
	[sflag:s30] =	ssyncadd.s32 $0xFFFF3800  }
0x3f4: {  	vm0 =	vmand vm14, vm15;
	v6 =	vld [tilespmem:s0+$0x0]  }
0x3f5: {  	v4 =	vsel vm0, $0xFFFFFFFF, v1  }
0x3f6: {  	v4 =	vadd.s32 v4, v5  }
0x3f7: {  	v4 =	vmul.u32 $0x1C00, v4  }
0x3f8: {  	s1 =	simm.s32 $0x10;
	v5 =	vshll.u32 v8, $0x7  }
0x3f9: {  	v7 =	vor.u32 s1, v0;
	v9 =	vadd.s32 v5, v4;
	s3 =	simm.s32 $0x20;
	s4 =	simm.s32 $0x10;
	v8 =	vand.u32 $0xFFFFFF80, v6  }
.LBB2_50:
0x3fa: {  	p0 =	sne.s32 s3, $0x180;
	v10 =	vmulhi.u32 $0x51EB851F, v7;
	v6 =	vand.u32 $0x7F, v6;
	v8 =	vadd.s32 v8, v9  }
0x3fb: {  	v6 =	vor.u32 v6, v8  }
0x3fc: {  	v8 =	vshrl.u32 v10, $0x4  }
0x3fd: {  	v9 =	vmul.u32 $0xFFFFFFCE, v8;
	_ =	sdelay $0x1  }
0x3fe: {  	v10 =	vmov s4;
	s4 =	smov.u32 s3;
	v7 =	vadd.s32 v7, v9  }
0x3ff: {  	s0 =	sadd.s32 $0x10, s0;
	vm0 =	veq.s32 v10, v0;
	vm1 =	vne.s32 v7, $0x0;
	[tilespmem:v6+s24+$0x0] =	vst.idx.msk $0xffff, v3  }
0x400: {  	v6 =	vld [tilespmem:s0+$0x0];
	vm0 =	vmand vm0, vm1  }
.Ltmp24:
0x401: {  	v9 =	vsel vm0, $0xFFFFFFFF, v1;
	(pc) =	sbr.rel @p0 .LBB2_50-.Ltmp24, $4  }
0x402: {  	v8 =	vadd.s32 v9, v8  }
0x403: {  	v9 =	vmul.u32 $0x1C00, v8  }
0x404: {  	v10 =	vshll.u32 v7, $0x7  }
0x405: {  	s3 =	sadd.s32 $0x10, s3;
	v7 =	vor.u32 s4, v0;
	v8 =	vand.u32 $0xFFFFFF80, v6;
	v9 =	vadd.s32 v10, v9  }
0x406: {  	v10 =	vmulhi.u32 $0x51EB851F, v7;
	v6 =	vand.u32 $0x7F, v6;
	v8 =	vadd.s32 v8, v9  }
0x407: {  	v6 =	vor.u32 v6, v8  }
0x408: {  	v8 =	vshrl.u32 v10, $0x4  }
0x409: {  	v9 =	vmul.u32 $0xFFFFFFCE, v8;
	_ =	sdelay $0x1  }
0x40a: {  	v10 =	vmov s4;
	v7 =	vadd.s32 v7, v9  }
0x40b: {  	s0 =	sadd.s32 $0x10, s0;
	vm0 =	veq.s32 v10, v0;
	vm1 =	vne.s32 v7, $0x0;
	[tilespmem:v6+s24+$0x0] =	vst.idx.msk $0xffff, v3  }
0x40c: {  	v6 =	vld [tilespmem:s0+$0x0];
	vm0 =	vmand vm0, vm1  }
0x40d: {  	v9 =	vsel vm0, $0xFFFFFFFF, v1  }
0x40e: {  	v8 =	vadd.s32 v9, v8  }
0x40f: {  	v8 =	vmul.u32 $0x1C00, v8  }
0x410: {  	v7 =	vshll.u32 v7, $0x7  }
0x411: {  	v9 =	vand.u32 $0xFFFFFF80, v6;
	v7 =	vadd.s32 v7, v8  }
0x412: {  	v6 =	vand.u32 $0x7F, v6;
	v7 =	vadd.s32 v9, v7  }
0x413: {  	v6 =	vor.u32 v6, v7;
	_ =	sdelay $0x4  }
0x414: {  	s0 =	simm.s32 $0x1450;
	[tilespmem:v6+s24+$0x0] =	vst.idx.msk $0xffff, v3  }
0x415: {  	v7 =	vld [tilespmem:s0+$0x0];
	_ =	sdelay $0x4  }
0x416: {  	s3 =	simm.s32 $0x20;
	v4 =	vadd.s32 v5, v4;
	v6 =	vor.u32 s1, v0;
	v8 =	vand.u32 $0xFFFFFF80, v7  }
.LBB2_52:
0x417: {  	p0 =	sne.s32 s3, $0x180;
	v5 =	vmulhi.u32 $0x51EB851F, v6;
	v7 =	vand.u32 $0x7F, v7;
	v4 =	vadd.s32 v8, v4  }
0x418: {  	v4 =	vor.u32 v7, v4  }
0x419: {  	v5 =	vshrl.u32 v5, $0x4  }
0x41a: {  	v7 =	vmul.u32 $0xFFFFFFCE, v5;
	_ =	sdelay $0x1  }
0x41b: {  	v8 =	vmov s1;
	s1 =	smov.u32 s3;
	v6 =	vadd.s32 v6, v7  }
0x41c: {  	s0 =	sadd.s32 $0x10, s0;
	vm0 =	veq.s32 v8, v0;
	vm1 =	vne.s32 v6, $0x0;
	[tilespmem:v4+s24+$0x0] =	vst.idx.msk $0xffff, v2  }
0x41d: {  	v7 =	vld [tilespmem:s0+$0x0];
	vm0 =	vmand vm0, vm1  }
.Ltmp25:
0x41e: {  	v4 =	vsel vm0, $0xFFFFFFFF, v1;
	(pc) =	sbr.rel @p0 .LBB2_52-.Ltmp25, $4  }
0x41f: {  	v4 =	vadd.s32 v4, v5  }
0x420: {  	v4 =	vmul.u32 $0x1C00, v4  }
0x421: {  	v5 =	vshll.u32 v6, $0x7  }
0x422: {  	s3 =	sadd.s32 $0x10, s3;
	v6 =	vor.u32 s1, v0;
	v8 =	vand.u32 $0xFFFFFF80, v7;
	v4 =	vadd.s32 v5, v4  }
0x423: {  	v5 =	vmulhi.u32 $0x51EB851F, v6;
	v7 =	vand.u32 $0x7F, v7;
	v4 =	vadd.s32 v8, v4  }
0x424: {  	v4 =	vor.u32 v7, v4  }
0x425: {  	v5 =	vshrl.u32 v5, $0x4  }
0x426: {  	v7 =	vmul.u32 $0xFFFFFFCE, v5;
	_ =	sdelay $0x1  }
0x427: {  	v8 =	vmov s1;
	v6 =	vadd.s32 v6, v7  }
0x428: {  	s0 =	sadd.s32 $0x10, s0;
	vm0 =	veq.s32 v8, v0;
	vm1 =	vne.s32 v6, $0x0;
	[tilespmem:v4+s24+$0x0] =	vst.idx.msk $0xffff, v2  }
0x429: {  	v4 =	vld [tilespmem:s0+$0x0];
	vm0 =	vmand vm0, vm1  }
0x42a: {  	v7 =	vsel vm0, $0xFFFFFFFF, v1  }
0x42b: {  	v5 =	vadd.s32 v7, v5  }
0x42c: {  	v5 =	vmul.u32 $0x1C00, v5  }
0x42d: {  	v6 =	vshll.u32 v6, $0x7  }
0x42e: {  	v7 =	vand.u32 $0xFFFFFF80, v4;
	v5 =	vadd.s32 v6, v5  }
0x42f: {  	v4 =	vand.u32 $0x7F, v4;
	v5 =	vadd.s32 v7, v5  }
0x430: {  	v4 =	vor.u32 v4, v5;
	_ =	sdelay $0x4  }
0x431: {  	s0 =	simm.s32 $0x0;
	[tilespmem:v4+s24+$0x0] =	vst.idx.msk $0xffff, v2  }
0x432: {  	[hbm4b:s18+s0] =	stream.linear.scatter [tilespmem:s24], [sflag:$0x2], $0x1900, $0x38;
	[tilespmem:$0x1D900] =	vst v63  }
0x433: {  	s4 =	sadd.s32 $0x380, s18;
	s3 =	simm.s32 $0x11500  }
0x434: {  	[hbm4b:s4+s0] =	stream.linear.scatter [tilespmem:s3], [sflag:$0x2], $0x1900, $0x38;
	[tilespmem:$0x1D900] =	vst v63  }
0x435: {  	s3 =	sadd.s32 $0x700, s18;
	s4 =	simm.s32 $0x13100  }
0x436: {  	[hbm4b:s3+s0] =	stream.linear.scatter [tilespmem:s4], [sflag:$0x2], $0x1900, $0x38;
	[tilespmem:$0x1D900] =	vst v63  }
0x437: {  	s3 =	sadd.s32 $0xA80, s18;
	s4 =	simm.s32 $0x14D00  }
0x438: {  	[hbm4b:s3+s0] =	stream.linear.scatter [tilespmem:s4], [sflag:$0x2], $0x1900, $0x38;
	[tilespmem:$0x1D900] =	vst v63  }
0x439: {  	s3 =	sadd.s32 $0xE00, s18;
	s4 =	simm.s32 $0x16900  }
0x43a: {  	[hbm4b:s3+s0] =	stream.linear.scatter [tilespmem:s4], [sflag:$0x2], $0x1900, $0x38;
	[tilespmem:$0x1D900] =	vst v63  }
0x43b: {  	s4 =	sadd.s32 $0x1180, s18  }
0x43c: {  	v4 =	vor.u32 s0, v0;
	[hbm4b:s4+s0] =	stream.linear.scatter [tilespmem:s25], [sflag:$0x2], $0x1900, $0x38;
	[tilespmem:$0x1D900] =	vst v63  }
0x43d: {  	v5 =	vmulhi.u32 $0x51EB851F, v4;
	s3 =	sadd.s32 $0x1500, s18  }
0x43e: {  	[hbm4b:s3+s0] =	stream.linear.scatter [tilespmem:s26], [sflag:$0x2], $0x1900, $0x38;
	[tilespmem:$0x1D900] =	vst v63  }
0x43f: {  	v5 =	vshrl.u32 v5, $0x4;
	s4 =	sadd.s32 $0x1880, s18  }
0x440: {  	v6 =	vmul.u32 $0xFFFFFFCE, v5;
	[hbm4b:s4+s0] =	stream.linear.scatter [tilespmem:s28], [sflag:$0x2], $0x1900, $0x38;
	[tilespmem:$0x1D900] =	vst v63  }
0x441: {  	_ =	swait.ge [sflag:s29], $0xC800  }
0x442: {  	v7 =	vmov s0;
	v8 =	vadd.s32 v4, v6;
	[sflag:s29] =	ssyncset.done $0x0  }
0x443: {  	vm14 =	veq.s32 v7, v0;
	vm15 =	vne.s32 v8, $0x0;
	s0 =	simm.s32 $0x12C0;
	[sflag:s29] =	ssyncadd.s32 $0xFFFF3800  }
0x444: {  	vm0 =	vmand vm14, vm15;
	v6 =	vld [tilespmem:s0+$0x0]  }
0x445: {  	v4 =	vsel vm0, $0xFFFFFFFF, v1  }
0x446: {  	v4 =	vadd.s32 v4, v5  }
0x447: {  	v4 =	vmul.u32 $0x1C00, v4  }
0x448: {  	s1 =	simm.s32 $0x10;
	v5 =	vshll.u32 v8, $0x7  }
0x449: {  	v7 =	vor.u32 s1, v0;
	s3 =	simm.s32 $0x20;
	v9 =	vadd.s32 v5, v4;
	s4 =	simm.s32 $0x10;
	v8 =	vand.u32 $0xFFFFFF80, v6  }
.LBB2_54:
0x44a: {  	p0 =	sne.s32 s3, $0x180;
	v10 =	vmulhi.u32 $0x51EB851F, v7;
	v6 =	vand.u32 $0x7F, v6;
	v8 =	vadd.s32 v8, v9  }
0x44b: {  	v6 =	vor.u32 v6, v8  }
0x44c: {  	v8 =	vshrl.u32 v10, $0x4  }
0x44d: {  	v9 =	vmul.u32 $0xFFFFFFCE, v8;
	_ =	sdelay $0x1  }
0x44e: {  	v10 =	vmov s4;
	s4 =	smov.u32 s3;
	v7 =	vadd.s32 v7, v9  }
0x44f: {  	s0 =	sadd.s32 $0x10, s0;
	vm0 =	veq.s32 v10, v0;
	vm1 =	vne.s32 v7, $0x0;
	[tilespmem:v6+s23+$0x0] =	vst.idx.msk $0xffff, v3  }
0x450: {  	v6 =	vld [tilespmem:s0+$0x0];
	vm0 =	vmand vm0, vm1  }
.Ltmp26:
0x451: {  	v9 =	vsel vm0, $0xFFFFFFFF, v1;
	(pc) =	sbr.rel @p0 .LBB2_54-.Ltmp26, $4  }
0x452: {  	v8 =	vadd.s32 v9, v8  }
0x453: {  	v9 =	vmul.u32 $0x1C00, v8  }
0x454: {  	v10 =	vshll.u32 v7, $0x7  }
0x455: {  	s3 =	sadd.s32 $0x10, s3;
	v7 =	vor.u32 s4, v0;
	v8 =	vand.u32 $0xFFFFFF80, v6;
	v9 =	vadd.s32 v10, v9  }
0x456: {  	v10 =	vmulhi.u32 $0x51EB851F, v7;
	v6 =	vand.u32 $0x7F, v6;
	v8 =	vadd.s32 v8, v9  }
0x457: {  	v6 =	vor.u32 v6, v8  }
0x458: {  	v8 =	vshrl.u32 v10, $0x4  }
0x459: {  	v9 =	vmul.u32 $0xFFFFFFCE, v8;
	_ =	sdelay $0x1  }
0x45a: {  	v10 =	vmov s4;
	v7 =	vadd.s32 v7, v9  }
0x45b: {  	s0 =	sadd.s32 $0x10, s0;
	vm0 =	veq.s32 v10, v0;
	vm1 =	vne.s32 v7, $0x0;
	[tilespmem:v6+s23+$0x0] =	vst.idx.msk $0xffff, v3  }
0x45c: {  	v6 =	vld [tilespmem:s0+$0x0];
	vm0 =	vmand vm0, vm1  }
0x45d: {  	v9 =	vsel vm0, $0xFFFFFFFF, v1  }
0x45e: {  	v8 =	vadd.s32 v9, v8  }
0x45f: {  	v8 =	vmul.u32 $0x1C00, v8  }
0x460: {  	v7 =	vshll.u32 v7, $0x7  }
0x461: {  	v9 =	vand.u32 $0xFFFFFF80, v6;
	v7 =	vadd.s32 v7, v8  }
0x462: {  	v6 =	vand.u32 $0x7F, v6;
	v7 =	vadd.s32 v9, v7  }
0x463: {  	v6 =	vor.u32 v6, v7;
	_ =	sdelay $0x4  }
0x464: {  	s0 =	simm.s32 $0x15E0;
	[tilespmem:v6+s23+$0x0] =	vst.idx.msk $0xffff, v3  }
0x465: {  	v7 =	vld [tilespmem:s0+$0x0];
	_ =	sdelay $0x4  }
0x466: {  	s3 =	simm.s32 $0x20;
	v4 =	vadd.s32 v5, v4;
	v6 =	vor.u32 s1, v0;
	v8 =	vand.u32 $0xFFFFFF80, v7  }
.LBB2_56:
0x467: {  	p0 =	sne.s32 s3, $0x180;
	v5 =	vmulhi.u32 $0x51EB851F, v6;
	v7 =	vand.u32 $0x7F, v7;
	v4 =	vadd.s32 v8, v4  }
0x468: {  	v4 =	vor.u32 v7, v4  }
0x469: {  	v5 =	vshrl.u32 v5, $0x4  }
0x46a: {  	v7 =	vmul.u32 $0xFFFFFFCE, v5;
	_ =	sdelay $0x1  }
0x46b: {  	v8 =	vmov s1;
	s1 =	smov.u32 s3;
	v6 =	vadd.s32 v6, v7  }
0x46c: {  	s0 =	sadd.s32 $0x10, s0;
	vm0 =	veq.s32 v8, v0;
	vm1 =	vne.s32 v6, $0x0;
	[tilespmem:v4+s23+$0x0] =	vst.idx.msk $0xffff, v2  }
0x46d: {  	v7 =	vld [tilespmem:s0+$0x0];
	vm0 =	vmand vm0, vm1  }
.Ltmp27:
0x46e: {  	v4 =	vsel vm0, $0xFFFFFFFF, v1;
	(pc) =	sbr.rel @p0 .LBB2_56-.Ltmp27, $4  }
0x46f: {  	v4 =	vadd.s32 v4, v5  }
0x470: {  	v4 =	vmul.u32 $0x1C00, v4  }
0x471: {  	v5 =	vshll.u32 v6, $0x7  }
0x472: {  	s3 =	sadd.s32 $0x10, s3;
	v6 =	vor.u32 s1, v0;
	v8 =	vand.u32 $0xFFFFFF80, v7;
	v4 =	vadd.s32 v5, v4  }
0x473: {  	v5 =	vmulhi.u32 $0x51EB851F, v6;
	v7 =	vand.u32 $0x7F, v7;
	v4 =	vadd.s32 v8, v4  }
0x474: {  	v4 =	vor.u32 v7, v4  }
0x475: {  	v5 =	vshrl.u32 v5, $0x4  }
0x476: {  	v7 =	vmul.u32 $0xFFFFFFCE, v5;
	_ =	sdelay $0x1  }
0x477: {  	v8 =	vmov s1;
	v6 =	vadd.s32 v6, v7  }
0x478: {  	s0 =	sadd.s32 $0x10, s0;
	vm0 =	veq.s32 v8, v0;
	vm1 =	vne.s32 v6, $0x0;
	[tilespmem:v4+s23+$0x0] =	vst.idx.msk $0xffff, v2  }
0x479: {  	v4 =	vld [tilespmem:s0+$0x0];
	vm0 =	vmand vm0, vm1  }
0x47a: {  	v7 =	vsel vm0, $0xFFFFFFFF, v1  }
0x47b: {  	v5 =	vadd.s32 v7, v5  }
0x47c: {  	v5 =	vmul.u32 $0x1C00, v5  }
0x47d: {  	v6 =	vshll.u32 v6, $0x7  }
0x47e: {  	v7 =	vand.u32 $0xFFFFFF80, v4;
	v5 =	vadd.s32 v6, v5  }
0x47f: {  	v4 =	vand.u32 $0x7F, v4;
	v5 =	vadd.s32 v7, v5  }
0x480: {  	v4 =	vor.u32 v4, v5;
	_ =	sdelay $0x4  }
0x481: {  	s0 =	simm.s32 $0x0;
	[tilespmem:v4+s23+$0x0] =	vst.idx.msk $0xffff, v2  }
0x482: {  	[hbm4b:s19+s0] =	stream.linear.scatter [tilespmem:s23], [sflag:$0x1], $0x1900, $0x38;
	[tilespmem:$0x1D900] =	vst v63  }
0x483: {  	s3 =	sadd.s32 $0x380, s19  }
0x484: {  	[hbm4b:s3+s0] =	stream.linear.scatter [tilespmem:s21], [sflag:$0x1], $0x1900, $0x38;
	[tilespmem:$0x1D900] =	vst v63  }
0x485: {  	s4 =	sadd.s32 $0x700, s19;
	s3 =	simm.s32 $0x5100  }
0x486: {  	[hbm4b:s4+s0] =	stream.linear.scatter [tilespmem:s3], [sflag:$0x1], $0x1900, $0x38;
	[tilespmem:$0x1D900] =	vst v63  }
0x487: {  	s3 =	sadd.s32 $0xA80, s19;
	s4 =	simm.s32 $0x6D00  }
0x488: {  	[hbm4b:s3+s0] =	stream.linear.scatter [tilespmem:s4], [sflag:$0x1], $0x1900, $0x38;
	[tilespmem:$0x1D900] =	vst v63  }
0x489: {  	s3 =	sadd.s32 $0xE00, s19;
	s4 =	simm.s32 $0x8900  }
0x48a: {  	[hbm4b:s3+s0] =	stream.linear.scatter [tilespmem:s4], [sflag:$0x1], $0x1900, $0x38;
	[tilespmem:$0x1D900] =	vst v63  }
0x48b: {  	s3 =	sadd.s32 $0x1180, s19;
	s4 =	simm.s32 $0xA500  }
0x48c: {  	v4 =	vor.u32 s0, v0;
	[hbm4b:s3+s0] =	stream.linear.scatter [tilespmem:s4], [sflag:$0x1], $0x1900, $0x38;
	[tilespmem:$0x1D900] =	vst v63  }
0x48d: {  	v5 =	vmulhi.u32 $0x51EB851F, v4;
	s3 =	sadd.s32 $0x1500, s19;
	s4 =	simm.s32 $0xC100  }
0x48e: {  	[hbm4b:s3+s0] =	stream.linear.scatter [tilespmem:s4], [sflag:$0x1], $0x1900, $0x38;
	[tilespmem:$0x1D900] =	vst v63  }
0x48f: {  	v5 =	vshrl.u32 v5, $0x4;
	s3 =	sadd.s32 $0x1880, s19;
	s4 =	simm.s32 $0xDD00  }
0x490: {  	v6 =	vmul.u32 $0xFFFFFFCE, v5;
	[hbm4b:s3+s0] =	stream.linear.scatter [tilespmem:s4], [sflag:$0x1], $0x1900, $0x38;
	[tilespmem:$0x1D900] =	vst v63  }
0x491: {  	_ =	swait.ge [sflag:s30], $0xC800  }
0x492: {  	v7 =	vmov s0;
	v8 =	vadd.s32 v4, v6;
	[sflag:s30] =	ssyncset.done $0x0  }
0x493: {  	vm14 =	veq.s32 v7, v0;
	vm15 =	vne.s32 v8, $0x0;
	s0 =	simm.s32 $0x1450;
	[sflag:s30] =	ssyncadd.s32 $0xFFFF3800  }
0x494: {  	vm0 =	vmand vm14, vm15;
	v6 =	vld [tilespmem:s0+$0x0]  }
0x495: {  	v4 =	vsel vm0, $0xFFFFFFFF, v1  }
0x496: {  	v4 =	vadd.s32 v4, v5  }
0x497: {  	v4 =	vmul.u32 $0x1C00, v4  }
0x498: {  	s1 =	simm.s32 $0x10;
	v5 =	vshll.u32 v8, $0x7  }
0x499: {  	v7 =	vor.u32 s1, v0;
	v9 =	vadd.s32 v5, v4;
	s3 =	simm.s32 $0x20;
	s4 =	simm.s32 $0x10;
	v8 =	vand.u32 $0xFFFFFF80, v6  }
.LBB2_58:
0x49a: {  	p0 =	sne.s32 s3, $0x180;
	v10 =	vmulhi.u32 $0x51EB851F, v7;
	v6 =	vand.u32 $0x7F, v6;
	v8 =	vadd.s32 v8, v9  }
0x49b: {  	v6 =	vor.u32 v6, v8  }
0x49c: {  	v8 =	vshrl.u32 v10, $0x4  }
0x49d: {  	v9 =	vmul.u32 $0xFFFFFFCE, v8;
	_ =	sdelay $0x1  }
0x49e: {  	v10 =	vmov s4;
	s4 =	smov.u32 s3;
	v7 =	vadd.s32 v7, v9  }
0x49f: {  	s0 =	sadd.s32 $0x10, s0;
	vm0 =	veq.s32 v10, v0;
	vm1 =	vne.s32 v7, $0x0;
	[tilespmem:v6+s24+$0x0] =	vst.idx.msk $0xffff, v3  }
0x4a0: {  	v6 =	vld [tilespmem:s0+$0x0];
	vm0 =	vmand vm0, vm1  }
.Ltmp28:
0x4a1: {  	v9 =	vsel vm0, $0xFFFFFFFF, v1;
	(pc) =	sbr.rel @p0 .LBB2_58-.Ltmp28, $4  }
0x4a2: {  	v8 =	vadd.s32 v9, v8  }
0x4a3: {  	v9 =	vmul.u32 $0x1C00, v8  }
0x4a4: {  	v10 =	vshll.u32 v7, $0x7  }
0x4a5: {  	s3 =	sadd.s32 $0x10, s3;
	v7 =	vor.u32 s4, v0;
	v8 =	vand.u32 $0xFFFFFF80, v6;
	v9 =	vadd.s32 v10, v9  }
0x4a6: {  	v10 =	vmulhi.u32 $0x51EB851F, v7;
	v6 =	vand.u32 $0x7F, v6;
	v8 =	vadd.s32 v8, v9  }
0x4a7: {  	v6 =	vor.u32 v6, v8  }
0x4a8: {  	v8 =	vshrl.u32 v10, $0x4  }
0x4a9: {  	v9 =	vmul.u32 $0xFFFFFFCE, v8;
	_ =	sdelay $0x1  }
0x4aa: {  	v10 =	vmov s4;
	v7 =	vadd.s32 v7, v9  }
0x4ab: {  	s0 =	sadd.s32 $0x10, s0;
	vm0 =	veq.s32 v10, v0;
	vm1 =	vne.s32 v7, $0x0;
	[tilespmem:v6+s24+$0x0] =	vst.idx.msk $0xffff, v3  }
0x4ac: {  	v6 =	vld [tilespmem:s0+$0x0];
	vm0 =	vmand vm0, vm1  }
0x4ad: {  	v9 =	vsel vm0, $0xFFFFFFFF, v1  }
0x4ae: {  	v8 =	vadd.s32 v9, v8  }
0x4af: {  	v8 =	vmul.u32 $0x1C00, v8  }
0x4b0: {  	v7 =	vshll.u32 v7, $0x7  }
0x4b1: {  	v9 =	vand.u32 $0xFFFFFF80, v6;
	v7 =	vadd.s32 v7, v8  }
0x4b2: {  	v6 =	vand.u32 $0x7F, v6;
	v7 =	vadd.s32 v9, v7  }
0x4b3: {  	v6 =	vor.u32 v6, v7;
	_ =	sdelay $0x4  }
0x4b4: {  	s0 =	simm.s32 $0x1770;
	[tilespmem:v6+s24+$0x0] =	vst.idx.msk $0xffff, v3  }
0x4b5: {  	v7 =	vld [tilespmem:s0+$0x0];
	_ =	sdelay $0x4  }
0x4b6: {  	s3 =	simm.s32 $0x20;
	v4 =	vadd.s32 v5, v4;
	v6 =	vor.u32 s1, v0;
	v8 =	vand.u32 $0xFFFFFF80, v7  }
.LBB2_60:
0x4b7: {  	p0 =	sne.s32 s3, $0x180;
	v5 =	vmulhi.u32 $0x51EB851F, v6;
	v7 =	vand.u32 $0x7F, v7;
	v4 =	vadd.s32 v8, v4  }
0x4b8: {  	v4 =	vor.u32 v7, v4  }
0x4b9: {  	v5 =	vshrl.u32 v5, $0x4  }
0x4ba: {  	v7 =	vmul.u32 $0xFFFFFFCE, v5;
	_ =	sdelay $0x1  }
0x4bb: {  	v8 =	vmov s1;
	s1 =	smov.u32 s3;
	v6 =	vadd.s32 v6, v7  }
0x4bc: {  	s0 =	sadd.s32 $0x10, s0;
	vm0 =	veq.s32 v8, v0;
	vm1 =	vne.s32 v6, $0x0;
	[tilespmem:v4+s24+$0x0] =	vst.idx.msk $0xffff, v2  }
0x4bd: {  	v7 =	vld [tilespmem:s0+$0x0];
	vm0 =	vmand vm0, vm1  }
.Ltmp29:
0x4be: {  	v4 =	vsel vm0, $0xFFFFFFFF, v1;
	(pc) =	sbr.rel @p0 .LBB2_60-.Ltmp29, $4  }
0x4bf: {  	v4 =	vadd.s32 v4, v5  }
0x4c0: {  	v4 =	vmul.u32 $0x1C00, v4  }
0x4c1: {  	v5 =	vshll.u32 v6, $0x7  }
0x4c2: {  	s3 =	sadd.s32 $0x10, s3;
	v6 =	vor.u32 s1, v0;
	v8 =	vand.u32 $0xFFFFFF80, v7;
	v4 =	vadd.s32 v5, v4  }
0x4c3: {  	v5 =	vmulhi.u32 $0x51EB851F, v6;
	v7 =	vand.u32 $0x7F, v7;
	v4 =	vadd.s32 v8, v4  }
0x4c4: {  	v4 =	vor.u32 v7, v4  }
0x4c5: {  	v5 =	vshrl.u32 v5, $0x4  }
0x4c6: {  	v59 =	vmul.u32 $0xFFFFFFCE, v5;
	_ =	sdelay $0x1  }
0x4c7: {  	v60 =	vmov s1;
	v61 =	vadd.s32 v6, v59  }
0x4c8: {  	s0 =	sadd.s32 $0x10, s0;
	vm0 =	veq.s32 v60, v0;
	vm1 =	vne.s32 v61, $0x0;
	[tilespmem:v4+s24+$0x0] =	vst.idx.msk $0xffff, v2  }
0x4c9: {  	v4 =	vld [tilespmem:s0+$0x0];
	vm0 =	vmand vm0, vm1  }
0x4ca: {  	v62 =	vsel vm0, $0xFFFFFFFF, v1  }
0x4cb: {  	v5 =	vadd.s32 v62, v5  }
0x4cc: {  	v5 =	vmul.u32 $0x1C00, v5  }
0x4cd: {  	v6 =	vshll.u32 v61, $0x7  }
0x4ce: {  	v63 =	vand.u32 $0xFFFFFF80, v4;
	v5 =	vadd.s32 v6, v5  }
0x4cf: {  	v4 =	vand.u32 $0x7F, v4;
	v5 =	vadd.s32 v63, v5  }
0x4d0: {  	v4 =	vor.u32 v4, v5;
	_ =	sdelay $0x4  }
0x4d1: {  	[tilespmem:v4+s24+$0x0] =	vst.idx.msk $0xffff, v2  }
0x4d2: {  	[hbm4b:s20+s2] =	stream.linear.scatter [tilespmem:s24], [sflag:$0x2], $0x1900, $0x38;
	[tilespmem:$0x1D900] =	vst v63  }
0x4d3: {  	s3 =	sadd.s32 $0x380, s20;
	s4 =	simm.s32 $0x11500  }
0x4d4: {  	[hbm4b:s3+s2] =	stream.linear.scatter [tilespmem:s4], [sflag:$0x2], $0x1900, $0x38;
	[tilespmem:$0x1D900] =	vst v63  }
0x4d5: {  	s3 =	sadd.s32 $0x700, s20;
	s4 =	simm.s32 $0x13100  }
0x4d6: {  	[hbm4b:s3+s2] =	stream.linear.scatter [tilespmem:s4], [sflag:$0x2], $0x1900, $0x38;
	[tilespmem:$0x1D900] =	vst v63  }
0x4d7: {  	s3 =	sadd.s32 $0xA80, s20;
	s4 =	simm.s32 $0x14D00  }
0x4d8: {  	[hbm4b:s3+s2] =	stream.linear.scatter [tilespmem:s4], [sflag:$0x2], $0x1900, $0x38;
	[tilespmem:$0x1D900] =	vst v63  }
0x4d9: {  	s1 =	sadd.s32 $0xE00, s20;
	s3 =	simm.s32 $0x16900  }
0x4da: {  	[hbm4b:s1+s2] =	stream.linear.scatter [tilespmem:s3], [sflag:$0x2], $0x1900, $0x38;
	[tilespmem:$0x1D900] =	vst v63  }
0x4db: {  	s4 =	sadd.s32 $0x1180, s20  }
0x4dc: {  	[hbm4b:s4+s2] =	stream.linear.scatter [tilespmem:s25], [sflag:$0x2], $0x1900, $0x38;
	[tilespmem:$0x1D900] =	vst v63  }
0x4dd: {  	s1 =	sadd.s32 $0x1500, s20  }
0x4de: {  	[hbm4b:s1+s2] =	stream.linear.scatter [tilespmem:s26], [sflag:$0x2], $0x1900, $0x38;
	[tilespmem:$0x1D900] =	vst v63  }
0x4df: {  	s3 =	sadd.s32 $0x1880, s20  }
0x4e0: {  	[hbm4b:s3+s2] =	stream.linear.scatter [tilespmem:s28], [sflag:$0x2], $0x1900, $0x38;
	[tilespmem:$0x1D900] =	vst v63  }
0x4e1: {  	_ =	swait.ge [sflag:s29], $0xC800  }
0x4e2: {  	[sflag:s29] =	ssyncset.done $0x0  }
0x4e3: {  	[sflag:s29] =	ssyncadd.s32 $0xFFFF3800  }
0x4e4: {  	_ =	swait.ge [sflag:s30], $0xC800  }
0x4e5: {  	s31 =	sadd.s32 $0x1, s31;
	s4 =	rddreg [dreg:$0x5]  }
0x4e6: {  	p0 =	sne.s32 s31, s4  }
.Ltmp30:
0x4e7: {  	_ = 	snop;
	(pc) =	sbr.rel @p0 .LBB2_1-.Ltmp30, $3  }
0x4e8: {  	_ =	sdelay $0x1  }
0x4e9: {  	[sflag:s30] =	ssyncset.done $0x0  }
0x4ea: {  	[sflag:s30] =	ssyncadd.s32 $0xFFFF3800  }
0x4eb: {  	_ =	sfence.sel $0x180000  }
0x4ec: {  	[bflag:$0x0] =	sbarrier.arrive $0xFFFF  }
0x4ed: {  	_ =	strace $0x90000047  }
0x4ee: {  	s0 =	stileid.u32;
	[bflag:$0x2] =	sbarrier.arrive $0xFFFF  }
0x4ef: {  	p0 =	sne.s32 s0, $0x0;
	s0 =	rddreg [dreg:$0x2]  }
0x4f0: {  	s0 =	sadd.s32 @!p0 $0x100000, s0  }
0x4f1: {  	[sflag:s0] =	ssyncadd.tile.s32 @!p0 $0x1;
	_ =	shalt  }
.Lfunc_end2:
_tile_overlayer_lowered:
.L_overlay_start_2:
0x4f2: {  	(tag) =	ssettag $0x2  }
0x4f3: {  	s0 =	rddreg [dreg:$0x0];
	s2 =	stileid.u32  }
0x4f4: {  	s1 =	rddreg [dreg:$0x1];
	p0 =	sne.s32 s2, $0x0  }
0x4f5: {  	s3 =	rddreg [dreg:$0x2];
	[bflag:$0x3] =	sbarrier.arrive $0xFFFF;
	s2 =	simm.s32 @!p0 $0x1C03  }
0x4f6: {  	[timem:s3], [sflag:s2] =	dma.local @!p0 [hbm:s0], s1  }
0x4f7: {  	s0 =	simm.s32 @!p0 $0x3  }
0x4f8: {  	_ =	swait.ge @!p0 [sflag:s0], s1  }
0x4f9: {  	s1 =	ssub.s32 @!p0 $0x0, s1;
	[sflag:s0] =	ssyncset.done @!p0 $0x0  }
0x4fa: {  	[sflag:s0] =	ssyncadd.s32 @!p0 s1  }
0x4fb: {  	[bflag:$0x3] =	sbarrier.arrive $0xFFFF  }
0x4fc: {  	_ =	shalt  }

</sc_bundles>
